<compile_context>
chip_gen: v7x
topology: tpu7x:2x2x1
jax: 0.10.2.dev20260603
libtpu: 0.0.44.dev20260713+nightly
codegen_flags: <defaults>
</compile_context>

<pallas_src>
import functools
import numpy as np
import jax
import jax.numpy as jnp
from jax import lax
from jax.experimental import pallas as pl
from jax.experimental.pallas import tpu as pltpu
from jax.experimental.pallas import tpu_sc as plsc

N_ROW = 4
L_TOK = 8192
D_MODEL = 768
K_TOP = L_TOK // 2
SUB_PER_ROW = L_TOK // 128
TOT_SUB = N_ROW * SUB_PER_ROW

_B = int(np.float32(-1000.0).view(np.int32))
_MASK_KEY_BASE = _B ^ 0x7FFFFFFF


def _select_kernel(cls_ref, attn_ref, mask_ref, out_ref):
    sub = lax.broadcasted_iota(jnp.int32, (TOT_SUB, 128), 0)
    lane = lax.broadcasted_iota(jnp.int32, (TOT_SUB, 128), 1)
    pos = (sub & (SUB_PER_ROW - 1)) * 128 + lane
    row = sub >> 6

    cls_b = jnp.full((TOT_SUB, 128), cls_ref[0], jnp.int32)
    for r in range(1, N_ROW):
        cls_b = jnp.where(row == r, cls_ref[r], cls_b)

    sbits = lax.bitcast_convert_type(attn_ref[:], jnp.int32)
    key = sbits ^ ((sbits >> 31) & 0x7FFFFFFF)
    is_masked = mask_ref[:] | (pos == cls_b)
    key = jnp.where(is_masked, _MASK_KEY_BASE - pos, key)
    idx = pos

    def ce(key, idx, pos, jexp, flip):
        s = 1 << jexp
        if s < 128:
            axis, sh, size = 1, s, 128
        else:
            axis, sh, size = 0, s // 128, key.shape[0]
        is_high = (pos & s) != 0
        pk = jnp.where(is_high, pltpu.roll(key, sh, axis),
                       pltpu.roll(key, size - sh, axis))
        pi = jnp.where(is_high, pltpu.roll(idx, sh, axis),
                       pltpu.roll(idx, size - sh, axis))
        less = (key > pk) | ((key == pk) & (idx < pi))
        keep = less ^ is_high ^ flip
        return jnp.where(keep, key, pk), jnp.where(keep, idx, pi)

    for kexp in range(1, 13):
        dir_desc = ((pos >> kexp) & 1) != 0
        for jexp in range(kexp - 1, -1, -1):
            key, idx = ce(key, idx, pos, jexp, dir_desc)

    asc = jnp.zeros((TOT_SUB, 128), jnp.bool_)
    key, idx = ce(key, idx, pos, 12, asc)
    h = SUB_PER_ROW // 2
    key = key.reshape(N_ROW, SUB_PER_ROW, 128)[:, :h].reshape(TOT_SUB // 2, 128)
    idx = idx.reshape(N_ROW, SUB_PER_ROW, 128)[:, :h].reshape(TOT_SUB // 2, 128)
    pos = pos.reshape(N_ROW, SUB_PER_ROW, 128)[:, :h].reshape(TOT_SUB // 2, 128)
    asc = asc.reshape(N_ROW, SUB_PER_ROW, 128)[:, :h].reshape(TOT_SUB // 2, 128)
    for jexp in range(11, -1, -1):
        key, idx = ce(key, idx, pos, jexp, asc)

    row_h = lax.broadcasted_iota(jnp.int32, (TOT_SUB // 2, 128), 0) >> 5
    out_ref[:] = row_h * L_TOK + idx


def _select_topk(cls_i32, attn_rs, mask_rs):
    return pl.pallas_call(
        _select_kernel,
        out_shape=jax.ShapeDtypeStruct((TOT_SUB // 2, 128), jnp.int32),
        in_specs=[
            pl.BlockSpec(memory_space=pltpu.SMEM),
            pl.BlockSpec(memory_space=pltpu.VMEM),
            pl.BlockSpec(memory_space=pltpu.VMEM),
        ],
        out_specs=pl.BlockSpec(memory_space=pltpu.VMEM),
    )(cls_i32, attn_rs, mask_rs)


_NC = 2
_NS = 16
_NW = _NC * _NS
_B_TOT = N_ROW * K_TOP
_B_PER_W = _B_TOT // _NW
_CHUNK = 16
_NBUF = 8
_N_CHUNK = _B_PER_W // _CHUNK


@functools.cache
def _gather_rows():
    mesh = plsc.VectorSubcoreMesh(core_axis_name="c", subcore_axis_name="s")

    rows_per_w = _B_PER_W // 128

    def idx_slice(idx_v, c):
        return idx_v.at[(c * _CHUNK) // 128, pl.ds((c * _CHUNK) % 128, _CHUNK)]

    @functools.partial(
        pl.kernel,
        out_type=jax.ShapeDtypeStruct((_B_TOT, D_MODEL), jnp.float32),
        mesh=mesh,
        scratch_types=[
            pltpu.VMEM((_B_PER_W // 128, 128), jnp.int32),
        ]
        + [pltpu.VMEM((_CHUNK, D_MODEL), jnp.float32)] * _NBUF
        + [pltpu.SemaphoreType.DMA] * (2 * _NBUF),
    )
    def body(x_hbm, idx_hbm, out_hbm, idx_v, *bufs_sems):
        bufs = bufs_sems[:_NBUF]
        gsem = bufs_sems[_NBUF:2 * _NBUF]
        ssem = bufs_sems[2 * _NBUF:]
        wid = lax.axis_index("s") * _NC + lax.axis_index("c")
        base = wid * _B_PER_W
        pltpu.sync_copy(idx_hbm.at[pl.ds(wid * rows_per_w, rows_per_w)], idx_v)
        gather = [None] * _NBUF
        store = [None] * _NBUF
        for c in range(_NBUF - 1):
            gather[c] = pltpu.async_copy(
                x_hbm.at[idx_slice(idx_v, c)], bufs[c], gsem[c])
        for c in range(_N_CHUNK):
            b = c % _NBUF
            gather[b].wait()
            store[b] = pltpu.async_copy(
                bufs[b], out_hbm.at[pl.ds(base + c * _CHUNK, _CHUNK)],
                ssem[b])
            nxt = c + _NBUF - 1
            if nxt < _N_CHUNK:
                nb = nxt % _NBUF
                if store[nb] is not None:
                    store[nb].wait()
                    store[nb] = None
                gather[nb] = pltpu.async_copy(
                    x_hbm.at[idx_slice(idx_v, nxt)], bufs[nb], gsem[nb])
        for b in range(_NBUF):
            if store[b] is not None:
                store[b].wait()

    return body


def kernel(x, cls_attn, attn_mask, cls_indices):
    n, l, d = x.shape
    attn_rs = cls_attn.reshape(TOT_SUB, 128)
    mask_rs = attn_mask.reshape(TOT_SUB, 128)
    cls_i32 = cls_indices.astype(jnp.int32)
    topk_global = _select_topk(cls_i32, attn_rs, mask_rs)
    out = _gather_rows()(x.reshape(n * l, d), topk_global)
    return out.reshape(n, K_TOP, d)

# --- scband reference (transcript-rebuilt; emitter-appended) ---
"""Pipeline reference for scband-filter-layer-5360119186018 (READ-ONLY COPY).

The authoritative reference and input builder live on the scoring server;
editing this copy changes nothing except your own understanding.
"""

import jax, jax.numpy as jnp
import numpy as np
from math import ceil

RATIO = 0.5

def setup_inputs(seed: int = 0) -> dict:
    key = jax.random.key(seed)
    k1, k2, k3, k4 = jax.random.split(key, 4)
    x = jax.random.normal(k1, (4, 8192, 768), dtype=jnp.float32)
    cls_attn = jax.random.normal(k2, (4, 8192), dtype=jnp.float32)
    attn_mask = jax.random.randint(k3, (4, 8192), 0, 2).astype(bool)
    cls_indices = jax.random.randint(k4, (4,), 0, 8192)
    return {"x": x, "cls_attn": cls_attn, "attn_mask": attn_mask, "cls_indices": cls_indices}

def reference(x, cls_attn, attn_mask, cls_indices):
    N, L, D = x.shape
    n_tokens = ceil(L * RATIO)
    # mask out padded positions
    ca = jnp.where(attn_mask, jnp.float32(-1000.0), cls_attn)
    # mask out the cls token position per row
    ca = ca.at[jnp.arange(N), cls_indices].set(jnp.float32(-1000.0))
    _, topK_indices = jax.lax.top_k(ca, n_tokens)  # [N, n_tokens]
    idx = jnp.broadcast_to(topK_indices[:, :, None], (N, n_tokens, D))
    topK_tokens = jnp.take_along_axis(x, idx, axis=1)
    return topK_tokens

if __name__ == "__main__":
    import jax
    _d = setup_inputs()
    print(jax.jit(kernel)(*tuple(_d.values())))

</pallas_src>

<mosaic_0001>
#map = affine_map<(d0, d1) -> (0, 0)>
module attributes {stable_mosaic.version = 14 : i64} {
  func.func @body(%arg0: i32, %arg1: i32, %arg2: memref<32768x768xf32, #tpu.memory_space<hbm>>, %arg3: memref<128x128xi32, #tpu.memory_space<hbm>>, %arg4: memref<16384x768xf32, #tpu.memory_space<hbm>>, %arg5: memref<4x128xi32, #tpu.memory_space<vmem>>, %arg6: memref<16x768xf32, #tpu.memory_space<vmem>>, %arg7: memref<16x768xf32, #tpu.memory_space<vmem>>, %arg8: memref<16x768xf32, #tpu.memory_space<vmem>>, %arg9: memref<16x768xf32, #tpu.memory_space<vmem>>, %arg10: memref<16x768xf32, #tpu.memory_space<vmem>>, %arg11: memref<16x768xf32, #tpu.memory_space<vmem>>, %arg12: memref<16x768xf32, #tpu.memory_space<vmem>>, %arg13: memref<16x768xf32, #tpu.memory_space<vmem>>, %arg14: memref<!tpu.dma_semaphore, #tpu.memory_space<semaphore_mem>>, %arg15: memref<!tpu.dma_semaphore, #tpu.memory_space<semaphore_mem>>, %arg16: memref<!tpu.dma_semaphore, #tpu.memory_space<semaphore_mem>>, %arg17: memref<!tpu.dma_semaphore, #tpu.memory_space<semaphore_mem>>, %arg18: memref<!tpu.dma_semaphore, #tpu.memory_space<semaphore_mem>>, %arg19: memref<!tpu.dma_semaphore, #tpu.memory_space<semaphore_mem>>, %arg20: memref<!tpu.dma_semaphore, #tpu.memory_space<semaphore_mem>>, %arg21: memref<!tpu.dma_semaphore, #tpu.memory_space<semaphore_mem>>, %arg22: memref<!tpu.dma_semaphore, #tpu.memory_space<semaphore_mem>>, %arg23: memref<!tpu.dma_semaphore, #tpu.memory_space<semaphore_mem>>, %arg24: memref<!tpu.dma_semaphore, #tpu.memory_space<semaphore_mem>>, %arg25: memref<!tpu.dma_semaphore, #tpu.memory_space<semaphore_mem>>, %arg26: memref<!tpu.dma_semaphore, #tpu.memory_space<semaphore_mem>>, %arg27: memref<!tpu.dma_semaphore, #tpu.memory_space<semaphore_mem>>, %arg28: memref<!tpu.dma_semaphore, #tpu.memory_space<semaphore_mem>>, %arg29: memref<!tpu.dma_semaphore, #tpu.memory_space<semaphore_mem>>) attributes {dimension_semantics = [#tpu.dimension_semantics<core_parallel>, #tpu.dimension_semantics<subcore_parallel>], iteration_bounds = array<i64: 2, 16>, scalar_prefetch = 0 : i64, scratch_operands = 25 : i64, tpu.core_type = #tpu.core_type<sc_vector_subcore>, window_params = [{transform_indices = #map}, {transform_indices = #map}, {transform_indices = #map}]} {
    %mul3A = arith.constant 2 : i32
    %mul3A_0 = arith.muli %arg1, %mul3A : i32
    %add3A = arith.addi %mul3A_0, %arg0 : i32
    %mul3A_1 = arith.constant 512 : i32
    %mul3A_2 = arith.muli %add3A, %mul3A_1 : i32
    %mul3A_3 = arith.constant 4 : i32
    %mul3A_4 = arith.muli %add3A, %mul3A_3 : i32
    "tpu.region"() ({
      %run_scoped3A = tpu.sem_alloc : memref<!tpu.dma_semaphore, #tpu.memory_space<semaphore_mem>>
      %dma_start3A_771 = arith.constant 0 : i32
      %dma_start3A_772 = tpu.memref_slice %arg3[%mul3A_4, %dma_start3A_771] : memref<128x128xi32, #tpu.memory_space<hbm>> -> memref<4x128xi32, #tpu.memory_space<hbm>>
      %dma_start3A_773 = arith.constant 0 : i32
      %dma_start3A_774 = tpu.memref_slice %arg3[%mul3A_4, %dma_start3A_773] : memref<128x128xi32, #tpu.memory_space<hbm>> -> memref<4x128xi32, #tpu.memory_space<hbm>>
      tpu.enqueue_dma source(%dma_start3A_774 : memref<4x128xi32, #tpu.memory_space<hbm>>) target(%arg5 : memref<4x128xi32, #tpu.memory_space<vmem>>) target_semaphore(%run_scoped3A : memref<!tpu.dma_semaphore, #tpu.memory_space<semaphore_mem>>)
      %dma_wait3A_775 = arith.constant 0 : i32
      %dma_wait3A_776 = tpu.memref_slice %arg3[%mul3A_4, %dma_wait3A_775] : memref<128x128xi32, #tpu.memory_space<hbm>> -> memref<4x128xi32, #tpu.memory_space<hbm>>
      %dma_wait3A_777 = arith.constant 0 : i32
      %dma_wait3A_778 = tpu.memref_slice %arg3[%mul3A_4, %dma_wait3A_777] : memref<128x128xi32, #tpu.memory_space<hbm>> -> memref<4x128xi32, #tpu.memory_space<hbm>>
      tpu.wait_dma2 semaphore(%run_scoped3A : memref<!tpu.dma_semaphore, #tpu.memory_space<semaphore_mem>>) src(%dma_wait3A_778 : memref<4x128xi32, #tpu.memory_space<hbm>>) dst(%arg5 : memref<4x128xi32, #tpu.memory_space<vmem>>)
      tpu.yield
    }) : () -> ()
    %dma_start3A = arith.constant 0 : i32
    %dma_start3A_5 = arith.constant 0 : i32
    %dma_start3A_6 = tpu.memref_slice %arg5[%dma_start3A, %dma_start3A_5] : memref<4x128xi32, #tpu.memory_space<vmem>> -> memref<1x16xi32, #tpu.memory_space<vmem>>
    %dma_start3A_7 = tpu.memref_squeeze %dma_start3A_6 : memref<1x16xi32, #tpu.memory_space<vmem>> -> memref<16xi32, #tpu.memory_space<vmem>>
    %dma_start3A_8 = arith.constant 0 : i32
    %dma_start3A_9 = arith.constant 0 : i32
    %dma_start3A_10 = tpu.memref_slice %arg2[%dma_start3A_8, %dma_start3A_9] : memref<32768x768xf32, #tpu.memory_space<hbm>> -> memref<32768x768xf32, #tpu.memory_space<hbm>>
    tpu.enqueue_indirect_dma source(%dma_start3A_10 : memref<32768x768xf32, #tpu.memory_space<hbm>>) target(%arg6 : memref<16x768xf32, #tpu.memory_space<vmem>>) offsets(%dma_start3A_7 : memref<16xi32, #tpu.memory_space<vmem>>) semaphore(%arg14 : memref<!tpu.dma_semaphore, #tpu.memory_space<semaphore_mem>>)
    %dma_start3A_11 = arith.constant 0 : i32
    %dma_start3A_12 = arith.constant 16 : i32
    %dma_start3A_13 = tpu.memref_slice %arg5[%dma_start3A_11, %dma_start3A_12] : memref<4x128xi32, #tpu.memory_space<vmem>> -> memref<1x16xi32, #tpu.memory_space<vmem>>
    %dma_start3A_14 = tpu.memref_squeeze %dma_start3A_13 : memref<1x16xi32, #tpu.memory_space<vmem>> -> memref<16xi32, #tpu.memory_space<vmem>>
    %dma_start3A_15 = arith.constant 0 : i32
    %dma_start3A_16 = arith.constant 0 : i32
    %dma_start3A_17 = tpu.memref_slice %arg2[%dma_start3A_15, %dma_start3A_16] : memref<32768x768xf32, #tpu.memory_space<hbm>> -> memref<32768x768xf32, #tpu.memory_space<hbm>>
    tpu.enqueue_indirect_dma source(%dma_start3A_17 : memref<32768x768xf32, #tpu.memory_space<hbm>>) target(%arg7 : memref<16x768xf32, #tpu.memory_space<vmem>>) offsets(%dma_start3A_14 : memref<16xi32, #tpu.memory_space<vmem>>) semaphore(%arg15 : memref<!tpu.dma_semaphore, #tpu.memory_space<semaphore_mem>>)
    %dma_start3A_18 = arith.constant 0 : i32
    %dma_start3A_19 = arith.constant 32 : i32
    %dma_start3A_20 = tpu.memref_slice %arg5[%dma_start3A_18, %dma_start3A_19] : memref<4x128xi32, #tpu.memory_space<vmem>> -> memref<1x16xi32, #tpu.memory_space<vmem>>
    %dma_start3A_21 = tpu.memref_squeeze %dma_start3A_20 : memref<1x16xi32, #tpu.memory_space<vmem>> -> memref<16xi32, #tpu.memory_space<vmem>>
    %dma_start3A_22 = arith.constant 0 : i32
    %dma_start3A_23 = arith.constant 0 : i32
    %dma_start3A_24 = tpu.memref_slice %arg2[%dma_start3A_22, %dma_start3A_23] : memref<32768x768xf32, #tpu.memory_space<hbm>> -> memref<32768x768xf32, #tpu.memory_space<hbm>>
    tpu.enqueue_indirect_dma source(%dma_start3A_24 : memref<32768x768xf32, #tpu.memory_space<hbm>>) target(%arg8 : memref<16x768xf32, #tpu.memory_space<vmem>>) offsets(%dma_start3A_21 : memref<16xi32, #tpu.memory_space<vmem>>) semaphore(%arg16 : memref<!tpu.dma_semaphore, #tpu.memory_space<semaphore_mem>>)
    %dma_start3A_25 = arith.constant 0 : i32
    %dma_start3A_26 = arith.constant 48 : i32
    %dma_start3A_27 = tpu.memref_slice %arg5[%dma_start3A_25, %dma_start3A_26] : memref<4x128xi32, #tpu.memory_space<vmem>> -> memref<1x16xi32, #tpu.memory_space<vmem>>
    %dma_start3A_28 = tpu.memref_squeeze %dma_start3A_27 : memref<1x16xi32, #tpu.memory_space<vmem>> -> memref<16xi32, #tpu.memory_space<vmem>>
    %dma_start3A_29 = arith.constant 0 : i32
    %dma_start3A_30 = arith.constant 0 : i32
    %dma_start3A_31 = tpu.memref_slice %arg2[%dma_start3A_29, %dma_start3A_30] : memref<32768x768xf32, #tpu.memory_space<hbm>> -> memref<32768x768xf32, #tpu.memory_space<hbm>>
    tpu.enqueue_indirect_dma source(%dma_start3A_31 : memref<32768x768xf32, #tpu.memory_space<hbm>>) target(%arg9 : memref<16x768xf32, #tpu.memory_space<vmem>>) offsets(%dma_start3A_28 : memref<16xi32, #tpu.memory_space<vmem>>) semaphore(%arg17 : memref<!tpu.dma_semaphore, #tpu.memory_space<semaphore_mem>>)
    %dma_start3A_32 = arith.constant 0 : i32
    %dma_start3A_33 = arith.constant 64 : i32
    %dma_start3A_34 = tpu.memref_slice %arg5[%dma_start3A_32, %dma_start3A_33] : memref<4x128xi32, #tpu.memory_space<vmem>> -> memref<1x16xi32, #tpu.memory_space<vmem>>
    %dma_start3A_35 = tpu.memref_squeeze %dma_start3A_34 : memref<1x16xi32, #tpu.memory_space<vmem>> -> memref<16xi32, #tpu.memory_space<vmem>>
    %dma_start3A_36 = arith.constant 0 : i32
    %dma_start3A_37 = arith.constant 0 : i32
    %dma_start3A_38 = tpu.memref_slice %arg2[%dma_start3A_36, %dma_start3A_37] : memref<32768x768xf32, #tpu.memory_space<hbm>> -> memref<32768x768xf32, #tpu.memory_space<hbm>>
    tpu.enqueue_indirect_dma source(%dma_start3A_38 : memref<32768x768xf32, #tpu.memory_space<hbm>>) target(%arg10 : memref<16x768xf32, #tpu.memory_space<vmem>>) offsets(%dma_start3A_35 : memref<16xi32, #tpu.memory_space<vmem>>) semaphore(%arg18 : memref<!tpu.dma_semaphore, #tpu.memory_space<semaphore_mem>>)
    %dma_start3A_39 = arith.constant 0 : i32
    %dma_start3A_40 = arith.constant 80 : i32
    %dma_start3A_41 = tpu.memref_slice %arg5[%dma_start3A_39, %dma_start3A_40] : memref<4x128xi32, #tpu.memory_space<vmem>> -> memref<1x16xi32, #tpu.memory_space<vmem>>
    %dma_start3A_42 = tpu.memref_squeeze %dma_start3A_41 : memref<1x16xi32, #tpu.memory_space<vmem>> -> memref<16xi32, #tpu.memory_space<vmem>>
    %dma_start3A_43 = arith.constant 0 : i32
    %dma_start3A_44 = arith.constant 0 : i32
    %dma_start3A_45 = tpu.memref_slice %arg2[%dma_start3A_43, %dma_start3A_44] : memref<32768x768xf32, #tpu.memory_space<hbm>> -> memref<32768x768xf32, #tpu.memory_space<hbm>>
    tpu.enqueue_indirect_dma source(%dma_start3A_45 : memref<32768x768xf32, #tpu.memory_space<hbm>>) target(%arg11 : memref<16x768xf32, #tpu.memory_space<vmem>>) offsets(%dma_start3A_42 : memref<16xi32, #tpu.memory_space<vmem>>) semaphore(%arg19 : memref<!tpu.dma_semaphore, #tpu.memory_space<semaphore_mem>>)
    %dma_start3A_46 = arith.constant 0 : i32
    %dma_start3A_47 = arith.constant 96 : i32
    %dma_start3A_48 = tpu.memref_slice %arg5[%dma_start3A_46, %dma_start3A_47] : memref<4x128xi32, #tpu.memory_space<vmem>> -> memref<1x16xi32, #tpu.memory_space<vmem>>
    %dma_start3A_49 = tpu.memref_squeeze %dma_start3A_48 : memref<1x16xi32, #tpu.memory_space<vmem>> -> memref<16xi32, #tpu.memory_space<vmem>>
    %dma_start3A_50 = arith.constant 0 : i32
    %dma_start3A_51 = arith.constant 0 : i32
    %dma_start3A_52 = tpu.memref_slice %arg2[%dma_start3A_50, %dma_start3A_51] : memref<32768x768xf32, #tpu.memory_space<hbm>> -> memref<32768x768xf32, #tpu.memory_space<hbm>>
    tpu.enqueue_indirect_dma source(%dma_start3A_52 : memref<32768x768xf32, #tpu.memory_space<hbm>>) target(%arg12 : memref<16x768xf32, #tpu.memory_space<vmem>>) offsets(%dma_start3A_49 : memref<16xi32, #tpu.memory_space<vmem>>) semaphore(%arg20 : memref<!tpu.dma_semaphore, #tpu.memory_space<semaphore_mem>>)
    %dma_wait3A = arith.constant 0 : i32
    %dma_wait3A_53 = arith.constant 0 : i32
    %dma_wait3A_54 = tpu.memref_slice %arg5[%dma_wait3A, %dma_wait3A_53] : memref<4x128xi32, #tpu.memory_space<vmem>> -> memref<1x16xi32, #tpu.memory_space<vmem>>
    %dma_wait3A_55 = tpu.memref_squeeze %dma_wait3A_54 : memref<1x16xi32, #tpu.memory_space<vmem>> -> memref<16xi32, #tpu.memory_space<vmem>>
    %dma_wait3A_56 = arith.constant 0 : i32
    %dma_wait3A_57 = arith.constant 0 : i32
    %dma_wait3A_58 = tpu.memref_slice %arg2[%dma_wait3A_56, %dma_wait3A_57] : memref<32768x768xf32, #tpu.memory_space<hbm>> -> memref<32768x768xf32, #tpu.memory_space<hbm>>
    tpu.wait_indirect_dma semaphore(%arg14 : memref<!tpu.dma_semaphore, #tpu.memory_space<semaphore_mem>>) src(%dma_wait3A_58 : memref<32768x768xf32, #tpu.memory_space<hbm>>) dst(%arg6 : memref<16x768xf32, #tpu.memory_space<vmem>>)
    %add3A_59 = arith.constant 0 : i32
    %add3A_60 = arith.addi %mul3A_2, %add3A_59 : i32
    %dma_start3A_61 = arith.constant 0 : i32
    %dma_start3A_62 = tpu.memref_slice %arg4[%add3A_60, %dma_start3A_61] : memref<16384x768xf32, #tpu.memory_space<hbm>> -> memref<16x768xf32, #tpu.memory_space<hbm>>
    %dma_start3A_63 = arith.constant 0 : i32
    %dma_start3A_64 = tpu.memref_slice %arg4[%add3A_60, %dma_start3A_63] : memref<16384x768xf32, #tpu.memory_space<hbm>> -> memref<16x768xf32, #tpu.memory_space<hbm>>
    tpu.enqueue_dma source(%arg6 : memref<16x768xf32, #tpu.memory_space<vmem>>) target(%dma_start3A_64 : memref<16x768xf32, #tpu.memory_space<hbm>>) target_semaphore(%arg22 : memref<!tpu.dma_semaphore, #tpu.memory_space<semaphore_mem>>)
    %dma_start3A_65 = arith.constant 0 : i32
    %dma_start3A_66 = arith.constant 112 : i32
    %dma_start3A_67 = tpu.memref_slice %arg5[%dma_start3A_65, %dma_start3A_66] : memref<4x128xi32, #tpu.memory_space<vmem>> -> memref<1x16xi32, #tpu.memory_space<vmem>>
    %dma_start3A_68 = tpu.memref_squeeze %dma_start3A_67 : memref<1x16xi32, #tpu.memory_space<vmem>> -> memref<16xi32, #tpu.memory_space<vmem>>
    %dma_start3A_69 = arith.constant 0 : i32
    %dma_start3A_70 = arith.constant 0 : i32
    %dma_start3A_71 = tpu.memref_slice %arg2[%dma_start3A_69, %dma_start3A_70] : memref<32768x768xf32, #tpu.memory_space<hbm>> -> memref<32768x768xf32, #tpu.memory_space<hbm>>
    tpu.enqueue_indirect_dma source(%dma_start3A_71 : memref<32768x768xf32, #tpu.memory_space<hbm>>) target(%arg13 : memref<16x768xf32, #tpu.memory_space<vmem>>) offsets(%dma_start3A_68 : memref<16xi32, #tpu.memory_space<vmem>>) semaphore(%arg21 : memref<!tpu.dma_semaphore, #tpu.memory_space<semaphore_mem>>)
    %dma_wait3A_72 = arith.constant 0 : i32
    %dma_wait3A_73 = arith.constant 16 : i32
    %dma_wait3A_74 = tpu.memref_slice %arg5[%dma_wait3A_72, %dma_wait3A_73] : memref<4x128xi32, #tpu.memory_space<vmem>> -> memref<1x16xi32, #tpu.memory_space<vmem>>
    %dma_wait3A_75 = tpu.memref_squeeze %dma_wait3A_74 : memref<1x16xi32, #tpu.memory_space<vmem>> -> memref<16xi32, #tpu.memory_space<vmem>>
    %dma_wait3A_76 = arith.constant 0 : i32
    %dma_wait3A_77 = arith.constant 0 : i32
    %dma_wait3A_78 = tpu.memref_slice %arg2[%dma_wait3A_76, %dma_wait3A_77] : memref<32768x768xf32, #tpu.memory_space<hbm>> -> memref<32768x768xf32, #tpu.memory_space<hbm>>
    tpu.wait_indirect_dma semaphore(%arg15 : memref<!tpu.dma_semaphore, #tpu.memory_space<semaphore_mem>>) src(%dma_wait3A_78 : memref<32768x768xf32, #tpu.memory_space<hbm>>) dst(%arg7 : memref<16x768xf32, #tpu.memory_space<vmem>>)
    %add3A_79 = arith.constant 16 : i32
    %add3A_80 = arith.addi %mul3A_2, %add3A_79 : i32
    %dma_start3A_81 = arith.constant 0 : i32
    %dma_start3A_82 = tpu.memref_slice %arg4[%add3A_80, %dma_start3A_81] : memref<16384x768xf32, #tpu.memory_space<hbm>> -> memref<16x768xf32, #tpu.memory_space<hbm>>
    %dma_start3A_83 = arith.constant 0 : i32
    %dma_start3A_84 = tpu.memref_slice %arg4[%add3A_80, %dma_start3A_83] : memref<16384x768xf32, #tpu.memory_space<hbm>> -> memref<16x768xf32, #tpu.memory_space<hbm>>
    tpu.enqueue_dma source(%arg7 : memref<16x768xf32, #tpu.memory_space<vmem>>) target(%dma_start3A_84 : memref<16x768xf32, #tpu.memory_space<hbm>>) target_semaphore(%arg23 : memref<!tpu.dma_semaphore, #tpu.memory_space<semaphore_mem>>)
    %dma_wait3A_85 = arith.constant 0 : i32
    %dma_wait3A_86 = tpu.memref_slice %arg4[%add3A_60, %dma_wait3A_85] : memref<16384x768xf32, #tpu.memory_space<hbm>> -> memref<16x768xf32, #tpu.memory_space<hbm>>
    %dma_wait3A_87 = arith.constant 0 : i32
    %dma_wait3A_88 = tpu.memref_slice %arg4[%add3A_60, %dma_wait3A_87] : memref<16384x768xf32, #tpu.memory_space<hbm>> -> memref<16x768xf32, #tpu.memory_space<hbm>>
    tpu.wait_dma2 semaphore(%arg22 : memref<!tpu.dma_semaphore, #tpu.memory_space<semaphore_mem>>) src(%arg6 : memref<16x768xf32, #tpu.memory_space<vmem>>) dst(%dma_wait3A_88 : memref<16x768xf32, #tpu.memory_space<hbm>>)
    %dma_start3A_89 = arith.constant 1 : i32
    %dma_start3A_90 = arith.constant 0 : i32
    %dma_start3A_91 = tpu.memref_slice %arg5[%dma_start3A_89, %dma_start3A_90] : memref<4x128xi32, #tpu.memory_space<vmem>> -> memref<1x16xi32, #tpu.memory_space<vmem>>
    %dma_start3A_92 = tpu.memref_squeeze %dma_start3A_91 : memref<1x16xi32, #tpu.memory_space<vmem>> -> memref<16xi32, #tpu.memory_space<vmem>>
    %dma_start3A_93 = arith.constant 0 : i32
    %dma_start3A_94 = arith.constant 0 : i32
    %dma_start3A_95 = tpu.memref_slice %arg2[%dma_start3A_93, %dma_start3A_94] : memref<32768x768xf32, #tpu.memory_space<hbm>> -> memref<32768x768xf32, #tpu.memory_space<hbm>>
    tpu.enqueue_indirect_dma source(%dma_start3A_95 : memref<32768x768xf32, #tpu.memory_space<hbm>>) target(%arg6 : memref<16x768xf32, #tpu.memory_space<vmem>>) offsets(%dma_start3A_92 : memref<16xi32, #tpu.memory_space<vmem>>) semaphore(%arg14 : memref<!tpu.dma_semaphore, #tpu.memory_space<semaphore_mem>>)
    %dma_wait3A_96 = arith.constant 0 : i32
    %dma_wait3A_97 = arith.constant 32 : i32
    %dma_wait3A_98 = tpu.memref_slice %arg5[%dma_wait3A_96, %dma_wait3A_97] : memref<4x128xi32, #tpu.memory_space<vmem>> -> memref<1x16xi32, #tpu.memory_space<vmem>>
    %dma_wait3A_99 = tpu.memref_squeeze %dma_wait3A_98 : memref<1x16xi32, #tpu.memory_space<vmem>> -> memref<16xi32, #tpu.memory_space<vmem>>
    %dma_wait3A_100 = arith.constant 0 : i32
    %dma_wait3A_101 = arith.constant 0 : i32
    %dma_wait3A_102 = tpu.memref_slice %arg2[%dma_wait3A_100, %dma_wait3A_101] : memref<32768x768xf32, #tpu.memory_space<hbm>> -> memref<32768x768xf32, #tpu.memory_space<hbm>>
    tpu.wait_indirect_dma semaphore(%arg16 : memref<!tpu.dma_semaphore, #tpu.memory_space<semaphore_mem>>) src(%dma_wait3A_102 : memref<32768x768xf32, #tpu.memory_space<hbm>>) dst(%arg8 : memref<16x768xf32, #tpu.memory_space<vmem>>)
    %add3A_103 = arith.constant 32 : i32
    %add3A_104 = arith.addi %mul3A_2, %add3A_103 : i32
    %dma_start3A_105 = arith.constant 0 : i32
    %dma_start3A_106 = tpu.memref_slice %arg4[%add3A_104, %dma_start3A_105] : memref<16384x768xf32, #tpu.memory_space<hbm>> -> memref<16x768xf32, #tpu.memory_space<hbm>>
    %dma_start3A_107 = arith.constant 0 : i32
    %dma_start3A_108 = tpu.memref_slice %arg4[%add3A_104, %dma_start3A_107] : memref<16384x768xf32, #tpu.memory_space<hbm>> -> memref<16x768xf32, #tpu.memory_space<hbm>>
    tpu.enqueue_dma source(%arg8 : memref<16x768xf32, #tpu.memory_space<vmem>>) target(%dma_start3A_108 : memref<16x768xf32, #tpu.memory_space<hbm>>) target_semaphore(%arg24 : memref<!tpu.dma_semaphore, #tpu.memory_space<semaphore_mem>>)
    %dma_wait3A_109 = arith.constant 0 : i32
    %dma_wait3A_110 = tpu.memref_slice %arg4[%add3A_80, %dma_wait3A_109] : memref<16384x768xf32, #tpu.memory_space<hbm>> -> memref<16x768xf32, #tpu.memory_space<hbm>>
    %dma_wait3A_111 = arith.constant 0 : i32
    %dma_wait3A_112 = tpu.memref_slice %arg4[%add3A_80, %dma_wait3A_111] : memref<16384x768xf32, #tpu.memory_space<hbm>> -> memref<16x768xf32, #tpu.memory_space<hbm>>
    tpu.wait_dma2 semaphore(%arg23 : memref<!tpu.dma_semaphore, #tpu.memory_space<semaphore_mem>>) src(%arg7 : memref<16x768xf32, #tpu.memory_space<vmem>>) dst(%dma_wait3A_112 : memref<16x768xf32, #tpu.memory_space<hbm>>)
    %dma_start3A_113 = arith.constant 1 : i32
    %dma_start3A_114 = arith.constant 16 : i32
    %dma_start3A_115 = tpu.memref_slice %arg5[%dma_start3A_113, %dma_start3A_114] : memref<4x128xi32, #tpu.memory_space<vmem>> -> memref<1x16xi32, #tpu.memory_space<vmem>>
    %dma_start3A_116 = tpu.memref_squeeze %dma_start3A_115 : memref<1x16xi32, #tpu.memory_space<vmem>> -> memref<16xi32, #tpu.memory_space<vmem>>
    %dma_start3A_117 = arith.constant 0 : i32
    %dma_start3A_118 = arith.constant 0 : i32
    %dma_start3A_119 = tpu.memref_slice %arg2[%dma_start3A_117, %dma_start3A_118] : memref<32768x768xf32, #tpu.memory_space<hbm>> -> memref<32768x768xf32, #tpu.memory_space<hbm>>
    tpu.enqueue_indirect_dma source(%dma_start3A_119 : memref<32768x768xf32, #tpu.memory_space<hbm>>) target(%arg7 : memref<16x768xf32, #tpu.memory_space<vmem>>) offsets(%dma_start3A_116 : memref<16xi32, #tpu.memory_space<vmem>>) semaphore(%arg15 : memref<!tpu.dma_semaphore, #tpu.memory_space<semaphore_mem>>)
    %dma_wait3A_120 = arith.constant 0 : i32
    %dma_wait3A_121 = arith.constant 48 : i32
    %dma_wait3A_122 = tpu.memref_slice %arg5[%dma_wait3A_120, %dma_wait3A_121] : memref<4x128xi32, #tpu.memory_space<vmem>> -> memref<1x16xi32, #tpu.memory_space<vmem>>
    %dma_wait3A_123 = tpu.memref_squeeze %dma_wait3A_122 : memref<1x16xi32, #tpu.memory_space<vmem>> -> memref<16xi32, #tpu.memory_space<vmem>>
    %dma_wait3A_124 = arith.constant 0 : i32
    %dma_wait3A_125 = arith.constant 0 : i32
    %dma_wait3A_126 = tpu.memref_slice %arg2[%dma_wait3A_124, %dma_wait3A_125] : memref<32768x768xf32, #tpu.memory_space<hbm>> -> memref<32768x768xf32, #tpu.memory_space<hbm>>
    tpu.wait_indirect_dma semaphore(%arg17 : memref<!tpu.dma_semaphore, #tpu.memory_space<semaphore_mem>>) src(%dma_wait3A_126 : memref<32768x768xf32, #tpu.memory_space<hbm>>) dst(%arg9 : memref<16x768xf32, #tpu.memory_space<vmem>>)
    %add3A_127 = arith.constant 48 : i32
    %add3A_128 = arith.addi %mul3A_2, %add3A_127 : i32
    %dma_start3A_129 = arith.constant 0 : i32
    %dma_start3A_130 = tpu.memref_slice %arg4[%add3A_128, %dma_start3A_129] : memref<16384x768xf32, #tpu.memory_space<hbm>> -> memref<16x768xf32, #tpu.memory_space<hbm>>
    %dma_start3A_131 = arith.constant 0 : i32
    %dma_start3A_132 = tpu.memref_slice %arg4[%add3A_128, %dma_start3A_131] : memref<16384x768xf32, #tpu.memory_space<hbm>> -> memref<16x768xf32, #tpu.memory_space<hbm>>
    tpu.enqueue_dma source(%arg9 : memref<16x768xf32, #tpu.memory_space<vmem>>) target(%dma_start3A_132 : memref<16x768xf32, #tpu.memory_space<hbm>>) target_semaphore(%arg25 : memref<!tpu.dma_semaphore, #tpu.memory_space<semaphore_mem>>)
    %dma_wait3A_133 = arith.constant 0 : i32
    %dma_wait3A_134 = tpu.memref_slice %arg4[%add3A_104, %dma_wait3A_133] : memref<16384x768xf32, #tpu.memory_space<hbm>> -> memref<16x768xf32, #tpu.memory_space<hbm>>
    %dma_wait3A_135 = arith.constant 0 : i32
    %dma_wait3A_136 = tpu.memref_slice %arg4[%add3A_104, %dma_wait3A_135] : memref<16384x768xf32, #tpu.memory_space<hbm>> -> memref<16x768xf32, #tpu.memory_space<hbm>>
    tpu.wait_dma2 semaphore(%arg24 : memref<!tpu.dma_semaphore, #tpu.memory_space<semaphore_mem>>) src(%arg8 : memref<16x768xf32, #tpu.memory_space<vmem>>) dst(%dma_wait3A_136 : memref<16x768xf32, #tpu.memory_space<hbm>>)
    %dma_start3A_137 = arith.constant 1 : i32
    %dma_start3A_138 = arith.constant 32 : i32
    %dma_start3A_139 = tpu.memref_slice %arg5[%dma_start3A_137, %dma_start3A_138] : memref<4x128xi32, #tpu.memory_space<vmem>> -> memref<1x16xi32, #tpu.memory_space<vmem>>
    %dma_start3A_140 = tpu.memref_squeeze %dma_start3A_139 : memref<1x16xi32, #tpu.memory_space<vmem>> -> memref<16xi32, #tpu.memory_space<vmem>>
    %dma_start3A_141 = arith.constant 0 : i32
    %dma_start3A_142 = arith.constant 0 : i32
    %dma_start3A_143 = tpu.memref_slice %arg2[%dma_start3A_141, %dma_start3A_142] : memref<32768x768xf32, #tpu.memory_space<hbm>> -> memref<32768x768xf32, #tpu.memory_space<hbm>>
    tpu.enqueue_indirect_dma source(%dma_start3A_143 : memref<32768x768xf32, #tpu.memory_space<hbm>>) target(%arg8 : memref<16x768xf32, #tpu.memory_space<vmem>>) offsets(%dma_start3A_140 : memref<16xi32, #tpu.memory_space<vmem>>) semaphore(%arg16 : memref<!tpu.dma_semaphore, #tpu.memory_space<semaphore_mem>>)
    %dma_wait3A_144 = arith.constant 0 : i32
    %dma_wait3A_145 = arith.constant 64 : i32
    %dma_wait3A_146 = tpu.memref_slice %arg5[%dma_wait3A_144, %dma_wait3A_145] : memref<4x128xi32, #tpu.memory_space<vmem>> -> memref<1x16xi32, #tpu.memory_space<vmem>>
    %dma_wait3A_147 = tpu.memref_squeeze %dma_wait3A_146 : memref<1x16xi32, #tpu.memory_space<vmem>> -> memref<16xi32, #tpu.memory_space<vmem>>
    %dma_wait3A_148 = arith.constant 0 : i32
    %dma_wait3A_149 = arith.constant 0 : i32
    %dma_wait3A_150 = tpu.memref_slice %arg2[%dma_wait3A_148, %dma_wait3A_149] : memref<32768x768xf32, #tpu.memory_space<hbm>> -> memref<32768x768xf32, #tpu.memory_space<hbm>>
    tpu.wait_indirect_dma semaphore(%arg18 : memref<!tpu.dma_semaphore, #tpu.memory_space<semaphore_mem>>) src(%dma_wait3A_150 : memref<32768x768xf32, #tpu.memory_space<hbm>>) dst(%arg10 : memref<16x768xf32, #tpu.memory_space<vmem>>)
    %add3A_151 = arith.constant 64 : i32
    %add3A_152 = arith.addi %mul3A_2, %add3A_151 : i32
    %dma_start3A_153 = arith.constant 0 : i32
    %dma_start3A_154 = tpu.memref_slice %arg4[%add3A_152, %dma_start3A_153] : memref<16384x768xf32, #tpu.memory_space<hbm>> -> memref<16x768xf32, #tpu.memory_space<hbm>>
    %dma_start3A_155 = arith.constant 0 : i32
    %dma_start3A_156 = tpu.memref_slice %arg4[%add3A_152, %dma_start3A_155] : memref<16384x768xf32, #tpu.memory_space<hbm>> -> memref<16x768xf32, #tpu.memory_space<hbm>>
    tpu.enqueue_dma source(%arg10 : memref<16x768xf32, #tpu.memory_space<vmem>>) target(%dma_start3A_156 : memref<16x768xf32, #tpu.memory_space<hbm>>) target_semaphore(%arg26 : memref<!tpu.dma_semaphore, #tpu.memory_space<semaphore_mem>>)
    %dma_wait3A_157 = arith.constant 0 : i32
    %dma_wait3A_158 = tpu.memref_slice %arg4[%add3A_128, %dma_wait3A_157] : memref<16384x768xf32, #tpu.memory_space<hbm>> -> memref<16x768xf32, #tpu.memory_space<hbm>>
    %dma_wait3A_159 = arith.constant 0 : i32
    %dma_wait3A_160 = tpu.memref_slice %arg4[%add3A_128, %dma_wait3A_159] : memref<16384x768xf32, #tpu.memory_space<hbm>> -> memref<16x768xf32, #tpu.memory_space<hbm>>
    tpu.wait_dma2 semaphore(%arg25 : memref<!tpu.dma_semaphore, #tpu.memory_space<semaphore_mem>>) src(%arg9 : memref<16x768xf32, #tpu.memory_space<vmem>>) dst(%dma_wait3A_160 : memref<16x768xf32, #tpu.memory_space<hbm>>)
    %dma_start3A_161 = arith.constant 1 : i32
    %dma_start3A_162 = arith.constant 48 : i32
    %dma_start3A_163 = tpu.memref_slice %arg5[%dma_start3A_161, %dma_start3A_162] : memref<4x128xi32, #tpu.memory_space<vmem>> -> memref<1x16xi32, #tpu.memory_space<vmem>>
    %dma_start3A_164 = tpu.memref_squeeze %dma_start3A_163 : memref<1x16xi32, #tpu.memory_space<vmem>> -> memref<16xi32, #tpu.memory_space<vmem>>
    %dma_start3A_165 = arith.constant 0 : i32
    %dma_start3A_166 = arith.constant 0 : i32
    %dma_start3A_167 = tpu.memref_slice %arg2[%dma_start3A_165, %dma_start3A_166] : memref<32768x768xf32, #tpu.memory_space<hbm>> -> memref<32768x768xf32, #tpu.memory_space<hbm>>
    tpu.enqueue_indirect_dma source(%dma_start3A_167 : memref<32768x768xf32, #tpu.memory_space<hbm>>) target(%arg9 : memref<16x768xf32, #tpu.memory_space<vmem>>) offsets(%dma_start3A_164 : memref<16xi32, #tpu.memory_space<vmem>>) semaphore(%arg17 : memref<!tpu.dma_semaphore, #tpu.memory_space<semaphore_mem>>)
    %dma_wait3A_168 = arith.constant 0 : i32
    %dma_wait3A_169 = arith.constant 80 : i32
    %dma_wait3A_170 = tpu.memref_slice %arg5[%dma_wait3A_168, %dma_wait3A_169] : memref<4x128xi32, #tpu.memory_space<vmem>> -> memref<1x16xi32, #tpu.memory_space<vmem>>
    %dma_wait3A_171 = tpu.memref_squeeze %dma_wait3A_170 : memref<1x16xi32, #tpu.memory_space<vmem>> -> memref<16xi32, #tpu.memory_space<vmem>>
    %dma_wait3A_172 = arith.constant 0 : i32
    %dma_wait3A_173 = arith.constant 0 : i32
    %dma_wait3A_174 = tpu.memref_slice %arg2[%dma_wait3A_172, %dma_wait3A_173] : memref<32768x768xf32, #tpu.memory_space<hbm>> -> memref<32768x768xf32, #tpu.memory_space<hbm>>
    tpu.wait_indirect_dma semaphore(%arg19 : memref<!tpu.dma_semaphore, #tpu.memory_space<semaphore_mem>>) src(%dma_wait3A_174 : memref<32768x768xf32, #tpu.memory_space<hbm>>) dst(%arg11 : memref<16x768xf32, #tpu.memory_space<vmem>>)
    %add3A_175 = arith.constant 80 : i32
    %add3A_176 = arith.addi %mul3A_2, %add3A_175 : i32
    %dma_start3A_177 = arith.constant 0 : i32
    %dma_start3A_178 = tpu.memref_slice %arg4[%add3A_176, %dma_start3A_177] : memref<16384x768xf32, #tpu.memory_space<hbm>> -> memref<16x768xf32, #tpu.memory_space<hbm>>
    %dma_start3A_179 = arith.constant 0 : i32
    %dma_start3A_180 = tpu.memref_slice %arg4[%add3A_176, %dma_start3A_179] : memref<16384x768xf32, #tpu.memory_space<hbm>> -> memref<16x768xf32, #tpu.memory_space<hbm>>
    tpu.enqueue_dma source(%arg11 : memref<16x768xf32, #tpu.memory_space<vmem>>) target(%dma_start3A_180 : memref<16x768xf32, #tpu.memory_space<hbm>>) target_semaphore(%arg27 : memref<!tpu.dma_semaphore, #tpu.memory_space<semaphore_mem>>)
    %dma_wait3A_181 = arith.constant 0 : i32
    %dma_wait3A_182 = tpu.memref_slice %arg4[%add3A_152, %dma_wait3A_181] : memref<16384x768xf32, #tpu.memory_space<hbm>> -> memref<16x768xf32, #tpu.memory_space<hbm>>
    %dma_wait3A_183 = arith.constant 0 : i32
    %dma_wait3A_184 = tpu.memref_slice %arg4[%add3A_152, %dma_wait3A_183] : memref<16384x768xf32, #tpu.memory_space<hbm>> -> memref<16x768xf32, #tpu.memory_space<hbm>>
    tpu.wait_dma2 semaphore(%arg26 : memref<!tpu.dma_semaphore, #tpu.memory_space<semaphore_mem>>) src(%arg10 : memref<16x768xf32, #tpu.memory_space<vmem>>) dst(%dma_wait3A_184 : memref<16x768xf32, #tpu.memory_space<hbm>>)
    %dma_start3A_185 = arith.constant 1 : i32
    %dma_start3A_186 = arith.constant 64 : i32
    %dma_start3A_187 = tpu.memref_slice %arg5[%dma_start3A_185, %dma_start3A_186] : memref<4x128xi32, #tpu.memory_space<vmem>> -> memref<1x16xi32, #tpu.memory_space<vmem>>
    %dma_start3A_188 = tpu.memref_squeeze %dma_start3A_187 : memref<1x16xi32, #tpu.memory_space<vmem>> -> memref<16xi32, #tpu.memory_space<vmem>>
    %dma_start3A_189 = arith.constant 0 : i32
    %dma_start3A_190 = arith.constant 0 : i32
    %dma_start3A_191 = tpu.memref_slice %arg2[%dma_start3A_189, %dma_start3A_190] : memref<32768x768xf32, #tpu.memory_space<hbm>> -> memref<32768x768xf32, #tpu.memory_space<hbm>>
    tpu.enqueue_indirect_dma source(%dma_start3A_191 : memref<32768x768xf32, #tpu.memory_space<hbm>>) target(%arg10 : memref<16x768xf32, #tpu.memory_space<vmem>>) offsets(%dma_start3A_188 : memref<16xi32, #tpu.memory_space<vmem>>) semaphore(%arg18 : memref<!tpu.dma_semaphore, #tpu.memory_space<semaphore_mem>>)
    %dma_wait3A_192 = arith.constant 0 : i32
    %dma_wait3A_193 = arith.constant 96 : i32
    %dma_wait3A_194 = tpu.memref_slice %arg5[%dma_wait3A_192, %dma_wait3A_193] : memref<4x128xi32, #tpu.memory_space<vmem>> -> memref<1x16xi32, #tpu.memory_space<vmem>>
    %dma_wait3A_195 = tpu.memref_squeeze %dma_wait3A_194 : memref<1x16xi32, #tpu.memory_space<vmem>> -> memref<16xi32, #tpu.memory_space<vmem>>
    %dma_wait3A_196 = arith.constant 0 : i32
    %dma_wait3A_197 = arith.constant 0 : i32
    %dma_wait3A_198 = tpu.memref_slice %arg2[%dma_wait3A_196, %dma_wait3A_197] : memref<32768x768xf32, #tpu.memory_space<hbm>> -> memref<32768x768xf32, #tpu.memory_space<hbm>>
    tpu.wait_indirect_dma semaphore(%arg20 : memref<!tpu.dma_semaphore, #tpu.memory_space<semaphore_mem>>) src(%dma_wait3A_198 : memref<32768x768xf32, #tpu.memory_space<hbm>>) dst(%arg12 : memref<16x768xf32, #tpu.memory_space<vmem>>)
    %add3A_199 = arith.constant 96 : i32
    %add3A_200 = arith.addi %mul3A_2, %add3A_199 : i32
    %dma_start3A_201 = arith.constant 0 : i32
    %dma_start3A_202 = tpu.memref_slice %arg4[%add3A_200, %dma_start3A_201] : memref<16384x768xf32, #tpu.memory_space<hbm>> -> memref<16x768xf32, #tpu.memory_space<hbm>>
    %dma_start3A_203 = arith.constant 0 : i32
    %dma_start3A_204 = tpu.memref_slice %arg4[%add3A_200, %dma_start3A_203] : memref<16384x768xf32, #tpu.memory_space<hbm>> -> memref<16x768xf32, #tpu.memory_space<hbm>>
    tpu.enqueue_dma source(%arg12 : memref<16x768xf32, #tpu.memory_space<vmem>>) target(%dma_start3A_204 : memref<16x768xf32, #tpu.memory_space<hbm>>) target_semaphore(%arg28 : memref<!tpu.dma_semaphore, #tpu.memory_space<semaphore_mem>>)
    %dma_wait3A_205 = arith.constant 0 : i32
    %dma_wait3A_206 = tpu.memref_slice %arg4[%add3A_176, %dma_wait3A_205] : memref<16384x768xf32, #tpu.memory_space<hbm>> -> memref<16x768xf32, #tpu.memory_space<hbm>>
    %dma_wait3A_207 = arith.constant 0 : i32
    %dma_wait3A_208 = tpu.memref_slice %arg4[%add3A_176, %dma_wait3A_207] : memref<16384x768xf32, #tpu.memory_space<hbm>> -> memref<16x768xf32, #tpu.memory_space<hbm>>
    tpu.wait_dma2 semaphore(%arg27 : memref<!tpu.dma_semaphore, #tpu.memory_space<semaphore_mem>>) src(%arg11 : memref<16x768xf32, #tpu.memory_space<vmem>>) dst(%dma_wait3A_208 : memref<16x768xf32, #tpu.memory_space<hbm>>)
    %dma_start3A_209 = arith.constant 1 : i32
    %dma_start3A_210 = arith.constant 80 : i32
    %dma_start3A_211 = tpu.memref_slice %arg5[%dma_start3A_209, %dma_start3A_210] : memref<4x128xi32, #tpu.memory_space<vmem>> -> memref<1x16xi32, #tpu.memory_space<vmem>>
    %dma_start3A_212 = tpu.memref_squeeze %dma_start3A_211 : memref<1x16xi32, #tpu.memory_space<vmem>> -> memref<16xi32, #tpu.memory_space<vmem>>
    %dma_start3A_213 = arith.constant 0 : i32
    %dma_start3A_214 = arith.constant 0 : i32
    %dma_start3A_215 = tpu.memref_slice %arg2[%dma_start3A_213, %dma_start3A_214] : memref<32768x768xf32, #tpu.memory_space<hbm>> -> memref<32768x768xf32, #tpu.memory_space<hbm>>
    tpu.enqueue_indirect_dma source(%dma_start3A_215 : memref<32768x768xf32, #tpu.memory_space<hbm>>) target(%arg11 : memref<16x768xf32, #tpu.memory_space<vmem>>) offsets(%dma_start3A_212 : memref<16xi32, #tpu.memory_space<vmem>>) semaphore(%arg19 : memref<!tpu.dma_semaphore, #tpu.memory_space<semaphore_mem>>)
    %dma_wait3A_216 = arith.constant 0 : i32
    %dma_wait3A_217 = arith.constant 112 : i32
    %dma_wait3A_218 = tpu.memref_slice %arg5[%dma_wait3A_216, %dma_wait3A_217] : memref<4x128xi32, #tpu.memory_space<vmem>> -> memref<1x16xi32, #tpu.memory_space<vmem>>
    %dma_wait3A_219 = tpu.memref_squeeze %dma_wait3A_218 : memref<1x16xi32, #tpu.memory_space<vmem>> -> memref<16xi32, #tpu.memory_space<vmem>>
    %dma_wait3A_220 = arith.constant 0 : i32
    %dma_wait3A_221 = arith.constant 0 : i32
    %dma_wait3A_222 = tpu.memref_slice %arg2[%dma_wait3A_220, %dma_wait3A_221] : memref<32768x768xf32, #tpu.memory_space<hbm>> -> memref<32768x768xf32, #tpu.memory_space<hbm>>
    tpu.wait_indirect_dma semaphore(%arg21 : memref<!tpu.dma_semaphore, #tpu.memory_space<semaphore_mem>>) src(%dma_wait3A_222 : memref<32768x768xf32, #tpu.memory_space<hbm>>) dst(%arg13 : memref<16x768xf32, #tpu.memory_space<vmem>>)
    %add3A_223 = arith.constant 112 : i32
    %add3A_224 = arith.addi %mul3A_2, %add3A_223 : i32
    %dma_start3A_225 = arith.constant 0 : i32
    %dma_start3A_226 = tpu.memref_slice %arg4[%add3A_224, %dma_start3A_225] : memref<16384x768xf32, #tpu.memory_space<hbm>> -> memref<16x768xf32, #tpu.memory_space<hbm>>
    %dma_start3A_227 = arith.constant 0 : i32
    %dma_start3A_228 = tpu.memref_slice %arg4[%add3A_224, %dma_start3A_227] : memref<16384x768xf32, #tpu.memory_space<hbm>> -> memref<16x768xf32, #tpu.memory_space<hbm>>
    tpu.enqueue_dma source(%arg13 : memref<16x768xf32, #tpu.memory_space<vmem>>) target(%dma_start3A_228 : memref<16x768xf32, #tpu.memory_space<hbm>>) target_semaphore(%arg29 : memref<!tpu.dma_semaphore, #tpu.memory_space<semaphore_mem>>)
    %dma_wait3A_229 = arith.constant 0 : i32
    %dma_wait3A_230 = tpu.memref_slice %arg4[%add3A_200, %dma_wait3A_229] : memref<16384x768xf32, #tpu.memory_space<hbm>> -> memref<16x768xf32, #tpu.memory_space<hbm>>
    %dma_wait3A_231 = arith.constant 0 : i32
    %dma_wait3A_232 = tpu.memref_slice %arg4[%add3A_200, %dma_wait3A_231] : memref<16384x768xf32, #tpu.memory_space<hbm>> -> memref<16x768xf32, #tpu.memory_space<hbm>>
    tpu.wait_dma2 semaphore(%arg28 : memref<!tpu.dma_semaphore, #tpu.memory_space<semaphore_mem>>) src(%arg12 : memref<16x768xf32, #tpu.memory_space<vmem>>) dst(%dma_wait3A_232 : memref<16x768xf32, #tpu.memory_space<hbm>>)
    %dma_start3A_233 = arith.constant 1 : i32
    %dma_start3A_234 = arith.constant 96 : i32
    %dma_start3A_235 = tpu.memref_slice %arg5[%dma_start3A_233, %dma_start3A_234] : memref<4x128xi32, #tpu.memory_space<vmem>> -> memref<1x16xi32, #tpu.memory_space<vmem>>
    %dma_start3A_236 = tpu.memref_squeeze %dma_start3A_235 : memref<1x16xi32, #tpu.memory_space<vmem>> -> memref<16xi32, #tpu.memory_space<vmem>>
    %dma_start3A_237 = arith.constant 0 : i32
    %dma_start3A_238 = arith.constant 0 : i32
    %dma_start3A_239 = tpu.memref_slice %arg2[%dma_start3A_237, %dma_start3A_238] : memref<32768x768xf32, #tpu.memory_space<hbm>> -> memref<32768x768xf32, #tpu.memory_space<hbm>>
    tpu.enqueue_indirect_dma source(%dma_start3A_239 : memref<32768x768xf32, #tpu.memory_space<hbm>>) target(%arg12 : memref<16x768xf32, #tpu.memory_space<vmem>>) offsets(%dma_start3A_236 : memref<16xi32, #tpu.memory_space<vmem>>) semaphore(%arg20 : memref<!tpu.dma_semaphore, #tpu.memory_space<semaphore_mem>>)
    %dma_wait3A_240 = arith.constant 1 : i32
    %dma_wait3A_241 = arith.constant 0 : i32
    %dma_wait3A_242 = tpu.memref_slice %arg5[%dma_wait3A_240, %dma_wait3A_241] : memref<4x128xi32, #tpu.memory_space<vmem>> -> memref<1x16xi32, #tpu.memory_space<vmem>>
    %dma_wait3A_243 = tpu.memref_squeeze %dma_wait3A_242 : memref<1x16xi32, #tpu.memory_space<vmem>> -> memref<16xi32, #tpu.memory_space<vmem>>
    %dma_wait3A_244 = arith.constant 0 : i32
    %dma_wait3A_245 = arith.constant 0 : i32
    %dma_wait3A_246 = tpu.memref_slice %arg2[%dma_wait3A_244, %dma_wait3A_245] : memref<32768x768xf32, #tpu.memory_space<hbm>> -> memref<32768x768xf32, #tpu.memory_space<hbm>>
    tpu.wait_indirect_dma semaphore(%arg14 : memref<!tpu.dma_semaphore, #tpu.memory_space<semaphore_mem>>) src(%dma_wait3A_246 : memref<32768x768xf32, #tpu.memory_space<hbm>>) dst(%arg6 : memref<16x768xf32, #tpu.memory_space<vmem>>)
    %add3A_247 = arith.constant 128 : i32
    %add3A_248 = arith.addi %mul3A_2, %add3A_247 : i32
    %dma_start3A_249 = arith.constant 0 : i32
    %dma_start3A_250 = tpu.memref_slice %arg4[%add3A_248, %dma_start3A_249] : memref<16384x768xf32, #tpu.memory_space<hbm>> -> memref<16x768xf32, #tpu.memory_space<hbm>>
    %dma_start3A_251 = arith.constant 0 : i32
    %dma_start3A_252 = tpu.memref_slice %arg4[%add3A_248, %dma_start3A_251] : memref<16384x768xf32, #tpu.memory_space<hbm>> -> memref<16x768xf32, #tpu.memory_space<hbm>>
    tpu.enqueue_dma source(%arg6 : memref<16x768xf32, #tpu.memory_space<vmem>>) target(%dma_start3A_252 : memref<16x768xf32, #tpu.memory_space<hbm>>) target_semaphore(%arg22 : memref<!tpu.dma_semaphore, #tpu.memory_space<semaphore_mem>>)
    %dma_wait3A_253 = arith.constant 0 : i32
    %dma_wait3A_254 = tpu.memref_slice %arg4[%add3A_224, %dma_wait3A_253] : memref<16384x768xf32, #tpu.memory_space<hbm>> -> memref<16x768xf32, #tpu.memory_space<hbm>>
    %dma_wait3A_255 = arith.constant 0 : i32
    %dma_wait3A_256 = tpu.memref_slice %arg4[%add3A_224, %dma_wait3A_255] : memref<16384x768xf32, #tpu.memory_space<hbm>> -> memref<16x768xf32, #tpu.memory_space<hbm>>
    tpu.wait_dma2 semaphore(%arg29 : memref<!tpu.dma_semaphore, #tpu.memory_space<semaphore_mem>>) src(%arg13 : memref<16x768xf32, #tpu.memory_space<vmem>>) dst(%dma_wait3A_256 : memref<16x768xf32, #tpu.memory_space<hbm>>)
    %dma_start3A_257 = arith.constant 1 : i32
    %dma_start3A_258 = arith.constant 112 : i32
    %dma_start3A_259 = tpu.memref_slice %arg5[%dma_start3A_257, %dma_start3A_258] : memref<4x128xi32, #tpu.memory_space<vmem>> -> memref<1x16xi32, #tpu.memory_space<vmem>>
    %dma_start3A_260 = tpu.memref_squeeze %dma_start3A_259 : memref<1x16xi32, #tpu.memory_space<vmem>> -> memref<16xi32, #tpu.memory_space<vmem>>
    %dma_start3A_261 = arith.constant 0 : i32
    %dma_start3A_262 = arith.constant 0 : i32
    %dma_start3A_263 = tpu.memref_slice %arg2[%dma_start3A_261, %dma_start3A_262] : memref<32768x768xf32, #tpu.memory_space<hbm>> -> memref<32768x768xf32, #tpu.memory_space<hbm>>
    tpu.enqueue_indirect_dma source(%dma_start3A_263 : memref<32768x768xf32, #tpu.memory_space<hbm>>) target(%arg13 : memref<16x768xf32, #tpu.memory_space<vmem>>) offsets(%dma_start3A_260 : memref<16xi32, #tpu.memory_space<vmem>>) semaphore(%arg21 : memref<!tpu.dma_semaphore, #tpu.memory_space<semaphore_mem>>)
    %dma_wait3A_264 = arith.constant 1 : i32
    %dma_wait3A_265 = arith.constant 16 : i32
    %dma_wait3A_266 = tpu.memref_slice %arg5[%dma_wait3A_264, %dma_wait3A_265] : memref<4x128xi32, #tpu.memory_space<vmem>> -> memref<1x16xi32, #tpu.memory_space<vmem>>
    %dma_wait3A_267 = tpu.memref_squeeze %dma_wait3A_266 : memref<1x16xi32, #tpu.memory_space<vmem>> -> memref<16xi32, #tpu.memory_space<vmem>>
    %dma_wait3A_268 = arith.constant 0 : i32
    %dma_wait3A_269 = arith.constant 0 : i32
    %dma_wait3A_270 = tpu.memref_slice %arg2[%dma_wait3A_268, %dma_wait3A_269] : memref<32768x768xf32, #tpu.memory_space<hbm>> -> memref<32768x768xf32, #tpu.memory_space<hbm>>
    tpu.wait_indirect_dma semaphore(%arg15 : memref<!tpu.dma_semaphore, #tpu.memory_space<semaphore_mem>>) src(%dma_wait3A_270 : memref<32768x768xf32, #tpu.memory_space<hbm>>) dst(%arg7 : memref<16x768xf32, #tpu.memory_space<vmem>>)
    %add3A_271 = arith.constant 144 : i32
    %add3A_272 = arith.addi %mul3A_2, %add3A_271 : i32
    %dma_start3A_273 = arith.constant 0 : i32
    %dma_start3A_274 = tpu.memref_slice %arg4[%add3A_272, %dma_start3A_273] : memref<16384x768xf32, #tpu.memory_space<hbm>> -> memref<16x768xf32, #tpu.memory_space<hbm>>
    %dma_start3A_275 = arith.constant 0 : i32
    %dma_start3A_276 = tpu.memref_slice %arg4[%add3A_272, %dma_start3A_275] : memref<16384x768xf32, #tpu.memory_space<hbm>> -> memref<16x768xf32, #tpu.memory_space<hbm>>
    tpu.enqueue_dma source(%arg7 : memref<16x768xf32, #tpu.memory_space<vmem>>) target(%dma_start3A_276 : memref<16x768xf32, #tpu.memory_space<hbm>>) target_semaphore(%arg23 : memref<!tpu.dma_semaphore, #tpu.memory_space<semaphore_mem>>)
    %dma_wait3A_277 = arith.constant 0 : i32
    %dma_wait3A_278 = tpu.memref_slice %arg4[%add3A_248, %dma_wait3A_277] : memref<16384x768xf32, #tpu.memory_space<hbm>> -> memref<16x768xf32, #tpu.memory_space<hbm>>
    %dma_wait3A_279 = arith.constant 0 : i32
    %dma_wait3A_280 = tpu.memref_slice %arg4[%add3A_248, %dma_wait3A_279] : memref<16384x768xf32, #tpu.memory_space<hbm>> -> memref<16x768xf32, #tpu.memory_space<hbm>>
    tpu.wait_dma2 semaphore(%arg22 : memref<!tpu.dma_semaphore, #tpu.memory_space<semaphore_mem>>) src(%arg6 : memref<16x768xf32, #tpu.memory_space<vmem>>) dst(%dma_wait3A_280 : memref<16x768xf32, #tpu.memory_space<hbm>>)
    %dma_start3A_281 = arith.constant 2 : i32
    %dma_start3A_282 = arith.constant 0 : i32
    %dma_start3A_283 = tpu.memref_slice %arg5[%dma_start3A_281, %dma_start3A_282] : memref<4x128xi32, #tpu.memory_space<vmem>> -> memref<1x16xi32, #tpu.memory_space<vmem>>
    %dma_start3A_284 = tpu.memref_squeeze %dma_start3A_283 : memref<1x16xi32, #tpu.memory_space<vmem>> -> memref<16xi32, #tpu.memory_space<vmem>>
    %dma_start3A_285 = arith.constant 0 : i32
    %dma_start3A_286 = arith.constant 0 : i32
    %dma_start3A_287 = tpu.memref_slice %arg2[%dma_start3A_285, %dma_start3A_286] : memref<32768x768xf32, #tpu.memory_space<hbm>> -> memref<32768x768xf32, #tpu.memory_space<hbm>>
    tpu.enqueue_indirect_dma source(%dma_start3A_287 : memref<32768x768xf32, #tpu.memory_space<hbm>>) target(%arg6 : memref<16x768xf32, #tpu.memory_space<vmem>>) offsets(%dma_start3A_284 : memref<16xi32, #tpu.memory_space<vmem>>) semaphore(%arg14 : memref<!tpu.dma_semaphore, #tpu.memory_space<semaphore_mem>>)
    %dma_wait3A_288 = arith.constant 1 : i32
    %dma_wait3A_289 = arith.constant 32 : i32
    %dma_wait3A_290 = tpu.memref_slice %arg5[%dma_wait3A_288, %dma_wait3A_289] : memref<4x128xi32, #tpu.memory_space<vmem>> -> memref<1x16xi32, #tpu.memory_space<vmem>>
    %dma_wait3A_291 = tpu.memref_squeeze %dma_wait3A_290 : memref<1x16xi32, #tpu.memory_space<vmem>> -> memref<16xi32, #tpu.memory_space<vmem>>
    %dma_wait3A_292 = arith.constant 0 : i32
    %dma_wait3A_293 = arith.constant 0 : i32
    %dma_wait3A_294 = tpu.memref_slice %arg2[%dma_wait3A_292, %dma_wait3A_293] : memref<32768x768xf32, #tpu.memory_space<hbm>> -> memref<32768x768xf32, #tpu.memory_space<hbm>>
    tpu.wait_indirect_dma semaphore(%arg16 : memref<!tpu.dma_semaphore, #tpu.memory_space<semaphore_mem>>) src(%dma_wait3A_294 : memref<32768x768xf32, #tpu.memory_space<hbm>>) dst(%arg8 : memref<16x768xf32, #tpu.memory_space<vmem>>)
    %add3A_295 = arith.constant 160 : i32
    %add3A_296 = arith.addi %mul3A_2, %add3A_295 : i32
    %dma_start3A_297 = arith.constant 0 : i32
    %dma_start3A_298 = tpu.memref_slice %arg4[%add3A_296, %dma_start3A_297] : memref<16384x768xf32, #tpu.memory_space<hbm>> -> memref<16x768xf32, #tpu.memory_space<hbm>>
    %dma_start3A_299 = arith.constant 0 : i32
    %dma_start3A_300 = tpu.memref_slice %arg4[%add3A_296, %dma_start3A_299] : memref<16384x768xf32, #tpu.memory_space<hbm>> -> memref<16x768xf32, #tpu.memory_space<hbm>>
    tpu.enqueue_dma source(%arg8 : memref<16x768xf32, #tpu.memory_space<vmem>>) target(%dma_start3A_300 : memref<16x768xf32, #tpu.memory_space<hbm>>) target_semaphore(%arg24 : memref<!tpu.dma_semaphore, #tpu.memory_space<semaphore_mem>>)
    %dma_wait3A_301 = arith.constant 0 : i32
    %dma_wait3A_302 = tpu.memref_slice %arg4[%add3A_272, %dma_wait3A_301] : memref<16384x768xf32, #tpu.memory_space<hbm>> -> memref<16x768xf32, #tpu.memory_space<hbm>>
    %dma_wait3A_303 = arith.constant 0 : i32
    %dma_wait3A_304 = tpu.memref_slice %arg4[%add3A_272, %dma_wait3A_303] : memref<16384x768xf32, #tpu.memory_space<hbm>> -> memref<16x768xf32, #tpu.memory_space<hbm>>
    tpu.wait_dma2 semaphore(%arg23 : memref<!tpu.dma_semaphore, #tpu.memory_space<semaphore_mem>>) src(%arg7 : memref<16x768xf32, #tpu.memory_space<vmem>>) dst(%dma_wait3A_304 : memref<16x768xf32, #tpu.memory_space<hbm>>)
    %dma_start3A_305 = arith.constant 2 : i32
    %dma_start3A_306 = arith.constant 16 : i32
    %dma_start3A_307 = tpu.memref_slice %arg5[%dma_start3A_305, %dma_start3A_306] : memref<4x128xi32, #tpu.memory_space<vmem>> -> memref<1x16xi32, #tpu.memory_space<vmem>>
    %dma_start3A_308 = tpu.memref_squeeze %dma_start3A_307 : memref<1x16xi32, #tpu.memory_space<vmem>> -> memref<16xi32, #tpu.memory_space<vmem>>
    %dma_start3A_309 = arith.constant 0 : i32
    %dma_start3A_310 = arith.constant 0 : i32
    %dma_start3A_311 = tpu.memref_slice %arg2[%dma_start3A_309, %dma_start3A_310] : memref<32768x768xf32, #tpu.memory_space<hbm>> -> memref<32768x768xf32, #tpu.memory_space<hbm>>
    tpu.enqueue_indirect_dma source(%dma_start3A_311 : memref<32768x768xf32, #tpu.memory_space<hbm>>) target(%arg7 : memref<16x768xf32, #tpu.memory_space<vmem>>) offsets(%dma_start3A_308 : memref<16xi32, #tpu.memory_space<vmem>>) semaphore(%arg15 : memref<!tpu.dma_semaphore, #tpu.memory_space<semaphore_mem>>)
    %dma_wait3A_312 = arith.constant 1 : i32
    %dma_wait3A_313 = arith.constant 48 : i32
    %dma_wait3A_314 = tpu.memref_slice %arg5[%dma_wait3A_312, %dma_wait3A_313] : memref<4x128xi32, #tpu.memory_space<vmem>> -> memref<1x16xi32, #tpu.memory_space<vmem>>
    %dma_wait3A_315 = tpu.memref_squeeze %dma_wait3A_314 : memref<1x16xi32, #tpu.memory_space<vmem>> -> memref<16xi32, #tpu.memory_space<vmem>>
    %dma_wait3A_316 = arith.constant 0 : i32
    %dma_wait3A_317 = arith.constant 0 : i32
    %dma_wait3A_318 = tpu.memref_slice %arg2[%dma_wait3A_316, %dma_wait3A_317] : memref<32768x768xf32, #tpu.memory_space<hbm>> -> memref<32768x768xf32, #tpu.memory_space<hbm>>
    tpu.wait_indirect_dma semaphore(%arg17 : memref<!tpu.dma_semaphore, #tpu.memory_space<semaphore_mem>>) src(%dma_wait3A_318 : memref<32768x768xf32, #tpu.memory_space<hbm>>) dst(%arg9 : memref<16x768xf32, #tpu.memory_space<vmem>>)
    %add3A_319 = arith.constant 176 : i32
    %add3A_320 = arith.addi %mul3A_2, %add3A_319 : i32
    %dma_start3A_321 = arith.constant 0 : i32
    %dma_start3A_322 = tpu.memref_slice %arg4[%add3A_320, %dma_start3A_321] : memref<16384x768xf32, #tpu.memory_space<hbm>> -> memref<16x768xf32, #tpu.memory_space<hbm>>
    %dma_start3A_323 = arith.constant 0 : i32
    %dma_start3A_324 = tpu.memref_slice %arg4[%add3A_320, %dma_start3A_323] : memref<16384x768xf32, #tpu.memory_space<hbm>> -> memref<16x768xf32, #tpu.memory_space<hbm>>
    tpu.enqueue_dma source(%arg9 : memref<16x768xf32, #tpu.memory_space<vmem>>) target(%dma_start3A_324 : memref<16x768xf32, #tpu.memory_space<hbm>>) target_semaphore(%arg25 : memref<!tpu.dma_semaphore, #tpu.memory_space<semaphore_mem>>)
    %dma_wait3A_325 = arith.constant 0 : i32
    %dma_wait3A_326 = tpu.memref_slice %arg4[%add3A_296, %dma_wait3A_325] : memref<16384x768xf32, #tpu.memory_space<hbm>> -> memref<16x768xf32, #tpu.memory_space<hbm>>
    %dma_wait3A_327 = arith.constant 0 : i32
    %dma_wait3A_328 = tpu.memref_slice %arg4[%add3A_296, %dma_wait3A_327] : memref<16384x768xf32, #tpu.memory_space<hbm>> -> memref<16x768xf32, #tpu.memory_space<hbm>>
    tpu.wait_dma2 semaphore(%arg24 : memref<!tpu.dma_semaphore, #tpu.memory_space<semaphore_mem>>) src(%arg8 : memref<16x768xf32, #tpu.memory_space<vmem>>) dst(%dma_wait3A_328 : memref<16x768xf32, #tpu.memory_space<hbm>>)
    %dma_start3A_329 = arith.constant 2 : i32
    %dma_start3A_330 = arith.constant 32 : i32
    %dma_start3A_331 = tpu.memref_slice %arg5[%dma_start3A_329, %dma_start3A_330] : memref<4x128xi32, #tpu.memory_space<vmem>> -> memref<1x16xi32, #tpu.memory_space<vmem>>
    %dma_start3A_332 = tpu.memref_squeeze %dma_start3A_331 : memref<1x16xi32, #tpu.memory_space<vmem>> -> memref<16xi32, #tpu.memory_space<vmem>>
    %dma_start3A_333 = arith.constant 0 : i32
    %dma_start3A_334 = arith.constant 0 : i32
    %dma_start3A_335 = tpu.memref_slice %arg2[%dma_start3A_333, %dma_start3A_334] : memref<32768x768xf32, #tpu.memory_space<hbm>> -> memref<32768x768xf32, #tpu.memory_space<hbm>>
    tpu.enqueue_indirect_dma source(%dma_start3A_335 : memref<32768x768xf32, #tpu.memory_space<hbm>>) target(%arg8 : memref<16x768xf32, #tpu.memory_space<vmem>>) offsets(%dma_start3A_332 : memref<16xi32, #tpu.memory_space<vmem>>) semaphore(%arg16 : memref<!tpu.dma_semaphore, #tpu.memory_space<semaphore_mem>>)
    %dma_wait3A_336 = arith.constant 1 : i32
    %dma_wait3A_337 = arith.constant 64 : i32
    %dma_wait3A_338 = tpu.memref_slice %arg5[%dma_wait3A_336, %dma_wait3A_337] : memref<4x128xi32, #tpu.memory_space<vmem>> -> memref<1x16xi32, #tpu.memory_space<vmem>>
    %dma_wait3A_339 = tpu.memref_squeeze %dma_wait3A_338 : memref<1x16xi32, #tpu.memory_space<vmem>> -> memref<16xi32, #tpu.memory_space<vmem>>
    %dma_wait3A_340 = arith.constant 0 : i32
    %dma_wait3A_341 = arith.constant 0 : i32
    %dma_wait3A_342 = tpu.memref_slice %arg2[%dma_wait3A_340, %dma_wait3A_341] : memref<32768x768xf32, #tpu.memory_space<hbm>> -> memref<32768x768xf32, #tpu.memory_space<hbm>>
    tpu.wait_indirect_dma semaphore(%arg18 : memref<!tpu.dma_semaphore, #tpu.memory_space<semaphore_mem>>) src(%dma_wait3A_342 : memref<32768x768xf32, #tpu.memory_space<hbm>>) dst(%arg10 : memref<16x768xf32, #tpu.memory_space<vmem>>)
    %add3A_343 = arith.constant 192 : i32
    %add3A_344 = arith.addi %mul3A_2, %add3A_343 : i32
    %dma_start3A_345 = arith.constant 0 : i32
    %dma_start3A_346 = tpu.memref_slice %arg4[%add3A_344, %dma_start3A_345] : memref<16384x768xf32, #tpu.memory_space<hbm>> -> memref<16x768xf32, #tpu.memory_space<hbm>>
    %dma_start3A_347 = arith.constant 0 : i32
    %dma_start3A_348 = tpu.memref_slice %arg4[%add3A_344, %dma_start3A_347] : memref<16384x768xf32, #tpu.memory_space<hbm>> -> memref<16x768xf32, #tpu.memory_space<hbm>>
    tpu.enqueue_dma source(%arg10 : memref<16x768xf32, #tpu.memory_space<vmem>>) target(%dma_start3A_348 : memref<16x768xf32, #tpu.memory_space<hbm>>) target_semaphore(%arg26 : memref<!tpu.dma_semaphore, #tpu.memory_space<semaphore_mem>>)
    %dma_wait3A_349 = arith.constant 0 : i32
    %dma_wait3A_350 = tpu.memref_slice %arg4[%add3A_320, %dma_wait3A_349] : memref<16384x768xf32, #tpu.memory_space<hbm>> -> memref<16x768xf32, #tpu.memory_space<hbm>>
    %dma_wait3A_351 = arith.constant 0 : i32
    %dma_wait3A_352 = tpu.memref_slice %arg4[%add3A_320, %dma_wait3A_351] : memref<16384x768xf32, #tpu.memory_space<hbm>> -> memref<16x768xf32, #tpu.memory_space<hbm>>
    tpu.wait_dma2 semaphore(%arg25 : memref<!tpu.dma_semaphore, #tpu.memory_space<semaphore_mem>>) src(%arg9 : memref<16x768xf32, #tpu.memory_space<vmem>>) dst(%dma_wait3A_352 : memref<16x768xf32, #tpu.memory_space<hbm>>)
    %dma_start3A_353 = arith.constant 2 : i32
    %dma_start3A_354 = arith.constant 48 : i32
    %dma_start3A_355 = tpu.memref_slice %arg5[%dma_start3A_353, %dma_start3A_354] : memref<4x128xi32, #tpu.memory_space<vmem>> -> memref<1x16xi32, #tpu.memory_space<vmem>>
    %dma_start3A_356 = tpu.memref_squeeze %dma_start3A_355 : memref<1x16xi32, #tpu.memory_space<vmem>> -> memref<16xi32, #tpu.memory_space<vmem>>
    %dma_start3A_357 = arith.constant 0 : i32
    %dma_start3A_358 = arith.constant 0 : i32
    %dma_start3A_359 = tpu.memref_slice %arg2[%dma_start3A_357, %dma_start3A_358] : memref<32768x768xf32, #tpu.memory_space<hbm>> -> memref<32768x768xf32, #tpu.memory_space<hbm>>
    tpu.enqueue_indirect_dma source(%dma_start3A_359 : memref<32768x768xf32, #tpu.memory_space<hbm>>) target(%arg9 : memref<16x768xf32, #tpu.memory_space<vmem>>) offsets(%dma_start3A_356 : memref<16xi32, #tpu.memory_space<vmem>>) semaphore(%arg17 : memref<!tpu.dma_semaphore, #tpu.memory_space<semaphore_mem>>)
    %dma_wait3A_360 = arith.constant 1 : i32
    %dma_wait3A_361 = arith.constant 80 : i32
    %dma_wait3A_362 = tpu.memref_slice %arg5[%dma_wait3A_360, %dma_wait3A_361] : memref<4x128xi32, #tpu.memory_space<vmem>> -> memref<1x16xi32, #tpu.memory_space<vmem>>
    %dma_wait3A_363 = tpu.memref_squeeze %dma_wait3A_362 : memref<1x16xi32, #tpu.memory_space<vmem>> -> memref<16xi32, #tpu.memory_space<vmem>>
    %dma_wait3A_364 = arith.constant 0 : i32
    %dma_wait3A_365 = arith.constant 0 : i32
    %dma_wait3A_366 = tpu.memref_slice %arg2[%dma_wait3A_364, %dma_wait3A_365] : memref<32768x768xf32, #tpu.memory_space<hbm>> -> memref<32768x768xf32, #tpu.memory_space<hbm>>
    tpu.wait_indirect_dma semaphore(%arg19 : memref<!tpu.dma_semaphore, #tpu.memory_space<semaphore_mem>>) src(%dma_wait3A_366 : memref<32768x768xf32, #tpu.memory_space<hbm>>) dst(%arg11 : memref<16x768xf32, #tpu.memory_space<vmem>>)
    %add3A_367 = arith.constant 208 : i32
    %add3A_368 = arith.addi %mul3A_2, %add3A_367 : i32
    %dma_start3A_369 = arith.constant 0 : i32
    %dma_start3A_370 = tpu.memref_slice %arg4[%add3A_368, %dma_start3A_369] : memref<16384x768xf32, #tpu.memory_space<hbm>> -> memref<16x768xf32, #tpu.memory_space<hbm>>
    %dma_start3A_371 = arith.constant 0 : i32
    %dma_start3A_372 = tpu.memref_slice %arg4[%add3A_368, %dma_start3A_371] : memref<16384x768xf32, #tpu.memory_space<hbm>> -> memref<16x768xf32, #tpu.memory_space<hbm>>
    tpu.enqueue_dma source(%arg11 : memref<16x768xf32, #tpu.memory_space<vmem>>) target(%dma_start3A_372 : memref<16x768xf32, #tpu.memory_space<hbm>>) target_semaphore(%arg27 : memref<!tpu.dma_semaphore, #tpu.memory_space<semaphore_mem>>)
    %dma_wait3A_373 = arith.constant 0 : i32
    %dma_wait3A_374 = tpu.memref_slice %arg4[%add3A_344, %dma_wait3A_373] : memref<16384x768xf32, #tpu.memory_space<hbm>> -> memref<16x768xf32, #tpu.memory_space<hbm>>
    %dma_wait3A_375 = arith.constant 0 : i32
    %dma_wait3A_376 = tpu.memref_slice %arg4[%add3A_344, %dma_wait3A_375] : memref<16384x768xf32, #tpu.memory_space<hbm>> -> memref<16x768xf32, #tpu.memory_space<hbm>>
    tpu.wait_dma2 semaphore(%arg26 : memref<!tpu.dma_semaphore, #tpu.memory_space<semaphore_mem>>) src(%arg10 : memref<16x768xf32, #tpu.memory_space<vmem>>) dst(%dma_wait3A_376 : memref<16x768xf32, #tpu.memory_space<hbm>>)
    %dma_start3A_377 = arith.constant 2 : i32
    %dma_start3A_378 = arith.constant 64 : i32
    %dma_start3A_379 = tpu.memref_slice %arg5[%dma_start3A_377, %dma_start3A_378] : memref<4x128xi32, #tpu.memory_space<vmem>> -> memref<1x16xi32, #tpu.memory_space<vmem>>
    %dma_start3A_380 = tpu.memref_squeeze %dma_start3A_379 : memref<1x16xi32, #tpu.memory_space<vmem>> -> memref<16xi32, #tpu.memory_space<vmem>>
    %dma_start3A_381 = arith.constant 0 : i32
    %dma_start3A_382 = arith.constant 0 : i32
    %dma_start3A_383 = tpu.memref_slice %arg2[%dma_start3A_381, %dma_start3A_382] : memref<32768x768xf32, #tpu.memory_space<hbm>> -> memref<32768x768xf32, #tpu.memory_space<hbm>>
    tpu.enqueue_indirect_dma source(%dma_start3A_383 : memref<32768x768xf32, #tpu.memory_space<hbm>>) target(%arg10 : memref<16x768xf32, #tpu.memory_space<vmem>>) offsets(%dma_start3A_380 : memref<16xi32, #tpu.memory_space<vmem>>) semaphore(%arg18 : memref<!tpu.dma_semaphore, #tpu.memory_space<semaphore_mem>>)
    %dma_wait3A_384 = arith.constant 1 : i32
    %dma_wait3A_385 = arith.constant 96 : i32
    %dma_wait3A_386 = tpu.memref_slice %arg5[%dma_wait3A_384, %dma_wait3A_385] : memref<4x128xi32, #tpu.memory_space<vmem>> -> memref<1x16xi32, #tpu.memory_space<vmem>>
    %dma_wait3A_387 = tpu.memref_squeeze %dma_wait3A_386 : memref<1x16xi32, #tpu.memory_space<vmem>> -> memref<16xi32, #tpu.memory_space<vmem>>
    %dma_wait3A_388 = arith.constant 0 : i32
    %dma_wait3A_389 = arith.constant 0 : i32
    %dma_wait3A_390 = tpu.memref_slice %arg2[%dma_wait3A_388, %dma_wait3A_389] : memref<32768x768xf32, #tpu.memory_space<hbm>> -> memref<32768x768xf32, #tpu.memory_space<hbm>>
    tpu.wait_indirect_dma semaphore(%arg20 : memref<!tpu.dma_semaphore, #tpu.memory_space<semaphore_mem>>) src(%dma_wait3A_390 : memref<32768x768xf32, #tpu.memory_space<hbm>>) dst(%arg12 : memref<16x768xf32, #tpu.memory_space<vmem>>)
    %add3A_391 = arith.constant 224 : i32
    %add3A_392 = arith.addi %mul3A_2, %add3A_391 : i32
    %dma_start3A_393 = arith.constant 0 : i32
    %dma_start3A_394 = tpu.memref_slice %arg4[%add3A_392, %dma_start3A_393] : memref<16384x768xf32, #tpu.memory_space<hbm>> -> memref<16x768xf32, #tpu.memory_space<hbm>>
    %dma_start3A_395 = arith.constant 0 : i32
    %dma_start3A_396 = tpu.memref_slice %arg4[%add3A_392, %dma_start3A_395] : memref<16384x768xf32, #tpu.memory_space<hbm>> -> memref<16x768xf32, #tpu.memory_space<hbm>>
    tpu.enqueue_dma source(%arg12 : memref<16x768xf32, #tpu.memory_space<vmem>>) target(%dma_start3A_396 : memref<16x768xf32, #tpu.memory_space<hbm>>) target_semaphore(%arg28 : memref<!tpu.dma_semaphore, #tpu.memory_space<semaphore_mem>>)
    %dma_wait3A_397 = arith.constant 0 : i32
    %dma_wait3A_398 = tpu.memref_slice %arg4[%add3A_368, %dma_wait3A_397] : memref<16384x768xf32, #tpu.memory_space<hbm>> -> memref<16x768xf32, #tpu.memory_space<hbm>>
    %dma_wait3A_399 = arith.constant 0 : i32
    %dma_wait3A_400 = tpu.memref_slice %arg4[%add3A_368, %dma_wait3A_399] : memref<16384x768xf32, #tpu.memory_space<hbm>> -> memref<16x768xf32, #tpu.memory_space<hbm>>
    tpu.wait_dma2 semaphore(%arg27 : memref<!tpu.dma_semaphore, #tpu.memory_space<semaphore_mem>>) src(%arg11 : memref<16x768xf32, #tpu.memory_space<vmem>>) dst(%dma_wait3A_400 : memref<16x768xf32, #tpu.memory_space<hbm>>)
    %dma_start3A_401 = arith.constant 2 : i32
    %dma_start3A_402 = arith.constant 80 : i32
    %dma_start3A_403 = tpu.memref_slice %arg5[%dma_start3A_401, %dma_start3A_402] : memref<4x128xi32, #tpu.memory_space<vmem>> -> memref<1x16xi32, #tpu.memory_space<vmem>>
    %dma_start3A_404 = tpu.memref_squeeze %dma_start3A_403 : memref<1x16xi32, #tpu.memory_space<vmem>> -> memref<16xi32, #tpu.memory_space<vmem>>
    %dma_start3A_405 = arith.constant 0 : i32
    %dma_start3A_406 = arith.constant 0 : i32
    %dma_start3A_407 = tpu.memref_slice %arg2[%dma_start3A_405, %dma_start3A_406] : memref<32768x768xf32, #tpu.memory_space<hbm>> -> memref<32768x768xf32, #tpu.memory_space<hbm>>
    tpu.enqueue_indirect_dma source(%dma_start3A_407 : memref<32768x768xf32, #tpu.memory_space<hbm>>) target(%arg11 : memref<16x768xf32, #tpu.memory_space<vmem>>) offsets(%dma_start3A_404 : memref<16xi32, #tpu.memory_space<vmem>>) semaphore(%arg19 : memref<!tpu.dma_semaphore, #tpu.memory_space<semaphore_mem>>)
    %dma_wait3A_408 = arith.constant 1 : i32
    %dma_wait3A_409 = arith.constant 112 : i32
    %dma_wait3A_410 = tpu.memref_slice %arg5[%dma_wait3A_408, %dma_wait3A_409] : memref<4x128xi32, #tpu.memory_space<vmem>> -> memref<1x16xi32, #tpu.memory_space<vmem>>
    %dma_wait3A_411 = tpu.memref_squeeze %dma_wait3A_410 : memref<1x16xi32, #tpu.memory_space<vmem>> -> memref<16xi32, #tpu.memory_space<vmem>>
    %dma_wait3A_412 = arith.constant 0 : i32
    %dma_wait3A_413 = arith.constant 0 : i32
    %dma_wait3A_414 = tpu.memref_slice %arg2[%dma_wait3A_412, %dma_wait3A_413] : memref<32768x768xf32, #tpu.memory_space<hbm>> -> memref<32768x768xf32, #tpu.memory_space<hbm>>
    tpu.wait_indirect_dma semaphore(%arg21 : memref<!tpu.dma_semaphore, #tpu.memory_space<semaphore_mem>>) src(%dma_wait3A_414 : memref<32768x768xf32, #tpu.memory_space<hbm>>) dst(%arg13 : memref<16x768xf32, #tpu.memory_space<vmem>>)
    %add3A_415 = arith.constant 240 : i32
    %add3A_416 = arith.addi %mul3A_2, %add3A_415 : i32
    %dma_start3A_417 = arith.constant 0 : i32
    %dma_start3A_418 = tpu.memref_slice %arg4[%add3A_416, %dma_start3A_417] : memref<16384x768xf32, #tpu.memory_space<hbm>> -> memref<16x768xf32, #tpu.memory_space<hbm>>
    %dma_start3A_419 = arith.constant 0 : i32
    %dma_start3A_420 = tpu.memref_slice %arg4[%add3A_416, %dma_start3A_419] : memref<16384x768xf32, #tpu.memory_space<hbm>> -> memref<16x768xf32, #tpu.memory_space<hbm>>
    tpu.enqueue_dma source(%arg13 : memref<16x768xf32, #tpu.memory_space<vmem>>) target(%dma_start3A_420 : memref<16x768xf32, #tpu.memory_space<hbm>>) target_semaphore(%arg29 : memref<!tpu.dma_semaphore, #tpu.memory_space<semaphore_mem>>)
    %dma_wait3A_421 = arith.constant 0 : i32
    %dma_wait3A_422 = tpu.memref_slice %arg4[%add3A_392, %dma_wait3A_421] : memref<16384x768xf32, #tpu.memory_space<hbm>> -> memref<16x768xf32, #tpu.memory_space<hbm>>
    %dma_wait3A_423 = arith.constant 0 : i32
    %dma_wait3A_424 = tpu.memref_slice %arg4[%add3A_392, %dma_wait3A_423] : memref<16384x768xf32, #tpu.memory_space<hbm>> -> memref<16x768xf32, #tpu.memory_space<hbm>>
    tpu.wait_dma2 semaphore(%arg28 : memref<!tpu.dma_semaphore, #tpu.memory_space<semaphore_mem>>) src(%arg12 : memref<16x768xf32, #tpu.memory_space<vmem>>) dst(%dma_wait3A_424 : memref<16x768xf32, #tpu.memory_space<hbm>>)
    %dma_start3A_425 = arith.constant 2 : i32
    %dma_start3A_426 = arith.constant 96 : i32
    %dma_start3A_427 = tpu.memref_slice %arg5[%dma_start3A_425, %dma_start3A_426] : memref<4x128xi32, #tpu.memory_space<vmem>> -> memref<1x16xi32, #tpu.memory_space<vmem>>
    %dma_start3A_428 = tpu.memref_squeeze %dma_start3A_427 : memref<1x16xi32, #tpu.memory_space<vmem>> -> memref<16xi32, #tpu.memory_space<vmem>>
    %dma_start3A_429 = arith.constant 0 : i32
    %dma_start3A_430 = arith.constant 0 : i32
    %dma_start3A_431 = tpu.memref_slice %arg2[%dma_start3A_429, %dma_start3A_430] : memref<32768x768xf32, #tpu.memory_space<hbm>> -> memref<32768x768xf32, #tpu.memory_space<hbm>>
    tpu.enqueue_indirect_dma source(%dma_start3A_431 : memref<32768x768xf32, #tpu.memory_space<hbm>>) target(%arg12 : memref<16x768xf32, #tpu.memory_space<vmem>>) offsets(%dma_start3A_428 : memref<16xi32, #tpu.memory_space<vmem>>) semaphore(%arg20 : memref<!tpu.dma_semaphore, #tpu.memory_space<semaphore_mem>>)
    %dma_wait3A_432 = arith.constant 2 : i32
    %dma_wait3A_433 = arith.constant 0 : i32
    %dma_wait3A_434 = tpu.memref_slice %arg5[%dma_wait3A_432, %dma_wait3A_433] : memref<4x128xi32, #tpu.memory_space<vmem>> -> memref<1x16xi32, #tpu.memory_space<vmem>>
    %dma_wait3A_435 = tpu.memref_squeeze %dma_wait3A_434 : memref<1x16xi32, #tpu.memory_space<vmem>> -> memref<16xi32, #tpu.memory_space<vmem>>
    %dma_wait3A_436 = arith.constant 0 : i32
    %dma_wait3A_437 = arith.constant 0 : i32
    %dma_wait3A_438 = tpu.memref_slice %arg2[%dma_wait3A_436, %dma_wait3A_437] : memref<32768x768xf32, #tpu.memory_space<hbm>> -> memref<32768x768xf32, #tpu.memory_space<hbm>>
    tpu.wait_indirect_dma semaphore(%arg14 : memref<!tpu.dma_semaphore, #tpu.memory_space<semaphore_mem>>) src(%dma_wait3A_438 : memref<32768x768xf32, #tpu.memory_space<hbm>>) dst(%arg6 : memref<16x768xf32, #tpu.memory_space<vmem>>)
    %add3A_439 = arith.constant 256 : i32
    %add3A_440 = arith.addi %mul3A_2, %add3A_439 : i32
    %dma_start3A_441 = arith.constant 0 : i32
    %dma_start3A_442 = tpu.memref_slice %arg4[%add3A_440, %dma_start3A_441] : memref<16384x768xf32, #tpu.memory_space<hbm>> -> memref<16x768xf32, #tpu.memory_space<hbm>>
    %dma_start3A_443 = arith.constant 0 : i32
    %dma_start3A_444 = tpu.memref_slice %arg4[%add3A_440, %dma_start3A_443] : memref<16384x768xf32, #tpu.memory_space<hbm>> -> memref<16x768xf32, #tpu.memory_space<hbm>>
    tpu.enqueue_dma source(%arg6 : memref<16x768xf32, #tpu.memory_space<vmem>>) target(%dma_start3A_444 : memref<16x768xf32, #tpu.memory_space<hbm>>) target_semaphore(%arg22 : memref<!tpu.dma_semaphore, #tpu.memory_space<semaphore_mem>>)
    %dma_wait3A_445 = arith.constant 0 : i32
    %dma_wait3A_446 = tpu.memref_slice %arg4[%add3A_416, %dma_wait3A_445] : memref<16384x768xf32, #tpu.memory_space<hbm>> -> memref<16x768xf32, #tpu.memory_space<hbm>>
    %dma_wait3A_447 = arith.constant 0 : i32
    %dma_wait3A_448 = tpu.memref_slice %arg4[%add3A_416, %dma_wait3A_447] : memref<16384x768xf32, #tpu.memory_space<hbm>> -> memref<16x768xf32, #tpu.memory_space<hbm>>
    tpu.wait_dma2 semaphore(%arg29 : memref<!tpu.dma_semaphore, #tpu.memory_space<semaphore_mem>>) src(%arg13 : memref<16x768xf32, #tpu.memory_space<vmem>>) dst(%dma_wait3A_448 : memref<16x768xf32, #tpu.memory_space<hbm>>)
    %dma_start3A_449 = arith.constant 2 : i32
    %dma_start3A_450 = arith.constant 112 : i32
    %dma_start3A_451 = tpu.memref_slice %arg5[%dma_start3A_449, %dma_start3A_450] : memref<4x128xi32, #tpu.memory_space<vmem>> -> memref<1x16xi32, #tpu.memory_space<vmem>>
    %dma_start3A_452 = tpu.memref_squeeze %dma_start3A_451 : memref<1x16xi32, #tpu.memory_space<vmem>> -> memref<16xi32, #tpu.memory_space<vmem>>
    %dma_start3A_453 = arith.constant 0 : i32
    %dma_start3A_454 = arith.constant 0 : i32
    %dma_start3A_455 = tpu.memref_slice %arg2[%dma_start3A_453, %dma_start3A_454] : memref<32768x768xf32, #tpu.memory_space<hbm>> -> memref<32768x768xf32, #tpu.memory_space<hbm>>
    tpu.enqueue_indirect_dma source(%dma_start3A_455 : memref<32768x768xf32, #tpu.memory_space<hbm>>) target(%arg13 : memref<16x768xf32, #tpu.memory_space<vmem>>) offsets(%dma_start3A_452 : memref<16xi32, #tpu.memory_space<vmem>>) semaphore(%arg21 : memref<!tpu.dma_semaphore, #tpu.memory_space<semaphore_mem>>)
    %dma_wait3A_456 = arith.constant 2 : i32
    %dma_wait3A_457 = arith.constant 16 : i32
    %dma_wait3A_458 = tpu.memref_slice %arg5[%dma_wait3A_456, %dma_wait3A_457] : memref<4x128xi32, #tpu.memory_space<vmem>> -> memref<1x16xi32, #tpu.memory_space<vmem>>
    %dma_wait3A_459 = tpu.memref_squeeze %dma_wait3A_458 : memref<1x16xi32, #tpu.memory_space<vmem>> -> memref<16xi32, #tpu.memory_space<vmem>>
    %dma_wait3A_460 = arith.constant 0 : i32
    %dma_wait3A_461 = arith.constant 0 : i32
    %dma_wait3A_462 = tpu.memref_slice %arg2[%dma_wait3A_460, %dma_wait3A_461] : memref<32768x768xf32, #tpu.memory_space<hbm>> -> memref<32768x768xf32, #tpu.memory_space<hbm>>
    tpu.wait_indirect_dma semaphore(%arg15 : memref<!tpu.dma_semaphore, #tpu.memory_space<semaphore_mem>>) src(%dma_wait3A_462 : memref<32768x768xf32, #tpu.memory_space<hbm>>) dst(%arg7 : memref<16x768xf32, #tpu.memory_space<vmem>>)
    %add3A_463 = arith.constant 272 : i32
    %add3A_464 = arith.addi %mul3A_2, %add3A_463 : i32
    %dma_start3A_465 = arith.constant 0 : i32
    %dma_start3A_466 = tpu.memref_slice %arg4[%add3A_464, %dma_start3A_465] : memref<16384x768xf32, #tpu.memory_space<hbm>> -> memref<16x768xf32, #tpu.memory_space<hbm>>
    %dma_start3A_467 = arith.constant 0 : i32
    %dma_start3A_468 = tpu.memref_slice %arg4[%add3A_464, %dma_start3A_467] : memref<16384x768xf32, #tpu.memory_space<hbm>> -> memref<16x768xf32, #tpu.memory_space<hbm>>
    tpu.enqueue_dma source(%arg7 : memref<16x768xf32, #tpu.memory_space<vmem>>) target(%dma_start3A_468 : memref<16x768xf32, #tpu.memory_space<hbm>>) target_semaphore(%arg23 : memref<!tpu.dma_semaphore, #tpu.memory_space<semaphore_mem>>)
    %dma_wait3A_469 = arith.constant 0 : i32
    %dma_wait3A_470 = tpu.memref_slice %arg4[%add3A_440, %dma_wait3A_469] : memref<16384x768xf32, #tpu.memory_space<hbm>> -> memref<16x768xf32, #tpu.memory_space<hbm>>
    %dma_wait3A_471 = arith.constant 0 : i32
    %dma_wait3A_472 = tpu.memref_slice %arg4[%add3A_440, %dma_wait3A_471] : memref<16384x768xf32, #tpu.memory_space<hbm>> -> memref<16x768xf32, #tpu.memory_space<hbm>>
    tpu.wait_dma2 semaphore(%arg22 : memref<!tpu.dma_semaphore, #tpu.memory_space<semaphore_mem>>) src(%arg6 : memref<16x768xf32, #tpu.memory_space<vmem>>) dst(%dma_wait3A_472 : memref<16x768xf32, #tpu.memory_space<hbm>>)
    %dma_start3A_473 = arith.constant 3 : i32
    %dma_start3A_474 = arith.constant 0 : i32
    %dma_start3A_475 = tpu.memref_slice %arg5[%dma_start3A_473, %dma_start3A_474] : memref<4x128xi32, #tpu.memory_space<vmem>> -> memref<1x16xi32, #tpu.memory_space<vmem>>
    %dma_start3A_476 = tpu.memref_squeeze %dma_start3A_475 : memref<1x16xi32, #tpu.memory_space<vmem>> -> memref<16xi32, #tpu.memory_space<vmem>>
    %dma_start3A_477 = arith.constant 0 : i32
    %dma_start3A_478 = arith.constant 0 : i32
    %dma_start3A_479 = tpu.memref_slice %arg2[%dma_start3A_477, %dma_start3A_478] : memref<32768x768xf32, #tpu.memory_space<hbm>> -> memref<32768x768xf32, #tpu.memory_space<hbm>>
    tpu.enqueue_indirect_dma source(%dma_start3A_479 : memref<32768x768xf32, #tpu.memory_space<hbm>>) target(%arg6 : memref<16x768xf32, #tpu.memory_space<vmem>>) offsets(%dma_start3A_476 : memref<16xi32, #tpu.memory_space<vmem>>) semaphore(%arg14 : memref<!tpu.dma_semaphore, #tpu.memory_space<semaphore_mem>>)
    %dma_wait3A_480 = arith.constant 2 : i32
    %dma_wait3A_481 = arith.constant 32 : i32
    %dma_wait3A_482 = tpu.memref_slice %arg5[%dma_wait3A_480, %dma_wait3A_481] : memref<4x128xi32, #tpu.memory_space<vmem>> -> memref<1x16xi32, #tpu.memory_space<vmem>>
    %dma_wait3A_483 = tpu.memref_squeeze %dma_wait3A_482 : memref<1x16xi32, #tpu.memory_space<vmem>> -> memref<16xi32, #tpu.memory_space<vmem>>
    %dma_wait3A_484 = arith.constant 0 : i32
    %dma_wait3A_485 = arith.constant 0 : i32
    %dma_wait3A_486 = tpu.memref_slice %arg2[%dma_wait3A_484, %dma_wait3A_485] : memref<32768x768xf32, #tpu.memory_space<hbm>> -> memref<32768x768xf32, #tpu.memory_space<hbm>>
    tpu.wait_indirect_dma semaphore(%arg16 : memref<!tpu.dma_semaphore, #tpu.memory_space<semaphore_mem>>) src(%dma_wait3A_486 : memref<32768x768xf32, #tpu.memory_space<hbm>>) dst(%arg8 : memref<16x768xf32, #tpu.memory_space<vmem>>)
    %add3A_487 = arith.constant 288 : i32
    %add3A_488 = arith.addi %mul3A_2, %add3A_487 : i32
    %dma_start3A_489 = arith.constant 0 : i32
    %dma_start3A_490 = tpu.memref_slice %arg4[%add3A_488, %dma_start3A_489] : memref<16384x768xf32, #tpu.memory_space<hbm>> -> memref<16x768xf32, #tpu.memory_space<hbm>>
    %dma_start3A_491 = arith.constant 0 : i32
    %dma_start3A_492 = tpu.memref_slice %arg4[%add3A_488, %dma_start3A_491] : memref<16384x768xf32, #tpu.memory_space<hbm>> -> memref<16x768xf32, #tpu.memory_space<hbm>>
    tpu.enqueue_dma source(%arg8 : memref<16x768xf32, #tpu.memory_space<vmem>>) target(%dma_start3A_492 : memref<16x768xf32, #tpu.memory_space<hbm>>) target_semaphore(%arg24 : memref<!tpu.dma_semaphore, #tpu.memory_space<semaphore_mem>>)
    %dma_wait3A_493 = arith.constant 0 : i32
    %dma_wait3A_494 = tpu.memref_slice %arg4[%add3A_464, %dma_wait3A_493] : memref<16384x768xf32, #tpu.memory_space<hbm>> -> memref<16x768xf32, #tpu.memory_space<hbm>>
    %dma_wait3A_495 = arith.constant 0 : i32
    %dma_wait3A_496 = tpu.memref_slice %arg4[%add3A_464, %dma_wait3A_495] : memref<16384x768xf32, #tpu.memory_space<hbm>> -> memref<16x768xf32, #tpu.memory_space<hbm>>
    tpu.wait_dma2 semaphore(%arg23 : memref<!tpu.dma_semaphore, #tpu.memory_space<semaphore_mem>>) src(%arg7 : memref<16x768xf32, #tpu.memory_space<vmem>>) dst(%dma_wait3A_496 : memref<16x768xf32, #tpu.memory_space<hbm>>)
    %dma_start3A_497 = arith.constant 3 : i32
    %dma_start3A_498 = arith.constant 16 : i32
    %dma_start3A_499 = tpu.memref_slice %arg5[%dma_start3A_497, %dma_start3A_498] : memref<4x128xi32, #tpu.memory_space<vmem>> -> memref<1x16xi32, #tpu.memory_space<vmem>>
    %dma_start3A_500 = tpu.memref_squeeze %dma_start3A_499 : memref<1x16xi32, #tpu.memory_space<vmem>> -> memref<16xi32, #tpu.memory_space<vmem>>
    %dma_start3A_501 = arith.constant 0 : i32
    %dma_start3A_502 = arith.constant 0 : i32
    %dma_start3A_503 = tpu.memref_slice %arg2[%dma_start3A_501, %dma_start3A_502] : memref<32768x768xf32, #tpu.memory_space<hbm>> -> memref<32768x768xf32, #tpu.memory_space<hbm>>
    tpu.enqueue_indirect_dma source(%dma_start3A_503 : memref<32768x768xf32, #tpu.memory_space<hbm>>) target(%arg7 : memref<16x768xf32, #tpu.memory_space<vmem>>) offsets(%dma_start3A_500 : memref<16xi32, #tpu.memory_space<vmem>>) semaphore(%arg15 : memref<!tpu.dma_semaphore, #tpu.memory_space<semaphore_mem>>)
    %dma_wait3A_504 = arith.constant 2 : i32
    %dma_wait3A_505 = arith.constant 48 : i32
    %dma_wait3A_506 = tpu.memref_slice %arg5[%dma_wait3A_504, %dma_wait3A_505] : memref<4x128xi32, #tpu.memory_space<vmem>> -> memref<1x16xi32, #tpu.memory_space<vmem>>
    %dma_wait3A_507 = tpu.memref_squeeze %dma_wait3A_506 : memref<1x16xi32, #tpu.memory_space<vmem>> -> memref<16xi32, #tpu.memory_space<vmem>>
    %dma_wait3A_508 = arith.constant 0 : i32
    %dma_wait3A_509 = arith.constant 0 : i32
    %dma_wait3A_510 = tpu.memref_slice %arg2[%dma_wait3A_508, %dma_wait3A_509] : memref<32768x768xf32, #tpu.memory_space<hbm>> -> memref<32768x768xf32, #tpu.memory_space<hbm>>
    tpu.wait_indirect_dma semaphore(%arg17 : memref<!tpu.dma_semaphore, #tpu.memory_space<semaphore_mem>>) src(%dma_wait3A_510 : memref<32768x768xf32, #tpu.memory_space<hbm>>) dst(%arg9 : memref<16x768xf32, #tpu.memory_space<vmem>>)
    %add3A_511 = arith.constant 304 : i32
    %add3A_512 = arith.addi %mul3A_2, %add3A_511 : i32
    %dma_start3A_513 = arith.constant 0 : i32
    %dma_start3A_514 = tpu.memref_slice %arg4[%add3A_512, %dma_start3A_513] : memref<16384x768xf32, #tpu.memory_space<hbm>> -> memref<16x768xf32, #tpu.memory_space<hbm>>
    %dma_start3A_515 = arith.constant 0 : i32
    %dma_start3A_516 = tpu.memref_slice %arg4[%add3A_512, %dma_start3A_515] : memref<16384x768xf32, #tpu.memory_space<hbm>> -> memref<16x768xf32, #tpu.memory_space<hbm>>
    tpu.enqueue_dma source(%arg9 : memref<16x768xf32, #tpu.memory_space<vmem>>) target(%dma_start3A_516 : memref<16x768xf32, #tpu.memory_space<hbm>>) target_semaphore(%arg25 : memref<!tpu.dma_semaphore, #tpu.memory_space<semaphore_mem>>)
    %dma_wait3A_517 = arith.constant 0 : i32
    %dma_wait3A_518 = tpu.memref_slice %arg4[%add3A_488, %dma_wait3A_517] : memref<16384x768xf32, #tpu.memory_space<hbm>> -> memref<16x768xf32, #tpu.memory_space<hbm>>
    %dma_wait3A_519 = arith.constant 0 : i32
    %dma_wait3A_520 = tpu.memref_slice %arg4[%add3A_488, %dma_wait3A_519] : memref<16384x768xf32, #tpu.memory_space<hbm>> -> memref<16x768xf32, #tpu.memory_space<hbm>>
    tpu.wait_dma2 semaphore(%arg24 : memref<!tpu.dma_semaphore, #tpu.memory_space<semaphore_mem>>) src(%arg8 : memref<16x768xf32, #tpu.memory_space<vmem>>) dst(%dma_wait3A_520 : memref<16x768xf32, #tpu.memory_space<hbm>>)
    %dma_start3A_521 = arith.constant 3 : i32
    %dma_start3A_522 = arith.constant 32 : i32
    %dma_start3A_523 = tpu.memref_slice %arg5[%dma_start3A_521, %dma_start3A_522] : memref<4x128xi32, #tpu.memory_space<vmem>> -> memref<1x16xi32, #tpu.memory_space<vmem>>
    %dma_start3A_524 = tpu.memref_squeeze %dma_start3A_523 : memref<1x16xi32, #tpu.memory_space<vmem>> -> memref<16xi32, #tpu.memory_space<vmem>>
    %dma_start3A_525 = arith.constant 0 : i32
    %dma_start3A_526 = arith.constant 0 : i32
    %dma_start3A_527 = tpu.memref_slice %arg2[%dma_start3A_525, %dma_start3A_526] : memref<32768x768xf32, #tpu.memory_space<hbm>> -> memref<32768x768xf32, #tpu.memory_space<hbm>>
    tpu.enqueue_indirect_dma source(%dma_start3A_527 : memref<32768x768xf32, #tpu.memory_space<hbm>>) target(%arg8 : memref<16x768xf32, #tpu.memory_space<vmem>>) offsets(%dma_start3A_524 : memref<16xi32, #tpu.memory_space<vmem>>) semaphore(%arg16 : memref<!tpu.dma_semaphore, #tpu.memory_space<semaphore_mem>>)
    %dma_wait3A_528 = arith.constant 2 : i32
    %dma_wait3A_529 = arith.constant 64 : i32
    %dma_wait3A_530 = tpu.memref_slice %arg5[%dma_wait3A_528, %dma_wait3A_529] : memref<4x128xi32, #tpu.memory_space<vmem>> -> memref<1x16xi32, #tpu.memory_space<vmem>>
    %dma_wait3A_531 = tpu.memref_squeeze %dma_wait3A_530 : memref<1x16xi32, #tpu.memory_space<vmem>> -> memref<16xi32, #tpu.memory_space<vmem>>
    %dma_wait3A_532 = arith.constant 0 : i32
    %dma_wait3A_533 = arith.constant 0 : i32
    %dma_wait3A_534 = tpu.memref_slice %arg2[%dma_wait3A_532, %dma_wait3A_533] : memref<32768x768xf32, #tpu.memory_space<hbm>> -> memref<32768x768xf32, #tpu.memory_space<hbm>>
    tpu.wait_indirect_dma semaphore(%arg18 : memref<!tpu.dma_semaphore, #tpu.memory_space<semaphore_mem>>) src(%dma_wait3A_534 : memref<32768x768xf32, #tpu.memory_space<hbm>>) dst(%arg10 : memref<16x768xf32, #tpu.memory_space<vmem>>)
    %add3A_535 = arith.constant 320 : i32
    %add3A_536 = arith.addi %mul3A_2, %add3A_535 : i32
    %dma_start3A_537 = arith.constant 0 : i32
    %dma_start3A_538 = tpu.memref_slice %arg4[%add3A_536, %dma_start3A_537] : memref<16384x768xf32, #tpu.memory_space<hbm>> -> memref<16x768xf32, #tpu.memory_space<hbm>>
    %dma_start3A_539 = arith.constant 0 : i32
    %dma_start3A_540 = tpu.memref_slice %arg4[%add3A_536, %dma_start3A_539] : memref<16384x768xf32, #tpu.memory_space<hbm>> -> memref<16x768xf32, #tpu.memory_space<hbm>>
    tpu.enqueue_dma source(%arg10 : memref<16x768xf32, #tpu.memory_space<vmem>>) target(%dma_start3A_540 : memref<16x768xf32, #tpu.memory_space<hbm>>) target_semaphore(%arg26 : memref<!tpu.dma_semaphore, #tpu.memory_space<semaphore_mem>>)
    %dma_wait3A_541 = arith.constant 0 : i32
    %dma_wait3A_542 = tpu.memref_slice %arg4[%add3A_512, %dma_wait3A_541] : memref<16384x768xf32, #tpu.memory_space<hbm>> -> memref<16x768xf32, #tpu.memory_space<hbm>>
    %dma_wait3A_543 = arith.constant 0 : i32
    %dma_wait3A_544 = tpu.memref_slice %arg4[%add3A_512, %dma_wait3A_543] : memref<16384x768xf32, #tpu.memory_space<hbm>> -> memref<16x768xf32, #tpu.memory_space<hbm>>
    tpu.wait_dma2 semaphore(%arg25 : memref<!tpu.dma_semaphore, #tpu.memory_space<semaphore_mem>>) src(%arg9 : memref<16x768xf32, #tpu.memory_space<vmem>>) dst(%dma_wait3A_544 : memref<16x768xf32, #tpu.memory_space<hbm>>)
    %dma_start3A_545 = arith.constant 3 : i32
    %dma_start3A_546 = arith.constant 48 : i32
    %dma_start3A_547 = tpu.memref_slice %arg5[%dma_start3A_545, %dma_start3A_546] : memref<4x128xi32, #tpu.memory_space<vmem>> -> memref<1x16xi32, #tpu.memory_space<vmem>>
    %dma_start3A_548 = tpu.memref_squeeze %dma_start3A_547 : memref<1x16xi32, #tpu.memory_space<vmem>> -> memref<16xi32, #tpu.memory_space<vmem>>
    %dma_start3A_549 = arith.constant 0 : i32
    %dma_start3A_550 = arith.constant 0 : i32
    %dma_start3A_551 = tpu.memref_slice %arg2[%dma_start3A_549, %dma_start3A_550] : memref<32768x768xf32, #tpu.memory_space<hbm>> -> memref<32768x768xf32, #tpu.memory_space<hbm>>
    tpu.enqueue_indirect_dma source(%dma_start3A_551 : memref<32768x768xf32, #tpu.memory_space<hbm>>) target(%arg9 : memref<16x768xf32, #tpu.memory_space<vmem>>) offsets(%dma_start3A_548 : memref<16xi32, #tpu.memory_space<vmem>>) semaphore(%arg17 : memref<!tpu.dma_semaphore, #tpu.memory_space<semaphore_mem>>)
    %dma_wait3A_552 = arith.constant 2 : i32
    %dma_wait3A_553 = arith.constant 80 : i32
    %dma_wait3A_554 = tpu.memref_slice %arg5[%dma_wait3A_552, %dma_wait3A_553] : memref<4x128xi32, #tpu.memory_space<vmem>> -> memref<1x16xi32, #tpu.memory_space<vmem>>
    %dma_wait3A_555 = tpu.memref_squeeze %dma_wait3A_554 : memref<1x16xi32, #tpu.memory_space<vmem>> -> memref<16xi32, #tpu.memory_space<vmem>>
    %dma_wait3A_556 = arith.constant 0 : i32
    %dma_wait3A_557 = arith.constant 0 : i32
    %dma_wait3A_558 = tpu.memref_slice %arg2[%dma_wait3A_556, %dma_wait3A_557] : memref<32768x768xf32, #tpu.memory_space<hbm>> -> memref<32768x768xf32, #tpu.memory_space<hbm>>
    tpu.wait_indirect_dma semaphore(%arg19 : memref<!tpu.dma_semaphore, #tpu.memory_space<semaphore_mem>>) src(%dma_wait3A_558 : memref<32768x768xf32, #tpu.memory_space<hbm>>) dst(%arg11 : memref<16x768xf32, #tpu.memory_space<vmem>>)
    %add3A_559 = arith.constant 336 : i32
    %add3A_560 = arith.addi %mul3A_2, %add3A_559 : i32
    %dma_start3A_561 = arith.constant 0 : i32
    %dma_start3A_562 = tpu.memref_slice %arg4[%add3A_560, %dma_start3A_561] : memref<16384x768xf32, #tpu.memory_space<hbm>> -> memref<16x768xf32, #tpu.memory_space<hbm>>
    %dma_start3A_563 = arith.constant 0 : i32
    %dma_start3A_564 = tpu.memref_slice %arg4[%add3A_560, %dma_start3A_563] : memref<16384x768xf32, #tpu.memory_space<hbm>> -> memref<16x768xf32, #tpu.memory_space<hbm>>
    tpu.enqueue_dma source(%arg11 : memref<16x768xf32, #tpu.memory_space<vmem>>) target(%dma_start3A_564 : memref<16x768xf32, #tpu.memory_space<hbm>>) target_semaphore(%arg27 : memref<!tpu.dma_semaphore, #tpu.memory_space<semaphore_mem>>)
    %dma_wait3A_565 = arith.constant 0 : i32
    %dma_wait3A_566 = tpu.memref_slice %arg4[%add3A_536, %dma_wait3A_565] : memref<16384x768xf32, #tpu.memory_space<hbm>> -> memref<16x768xf32, #tpu.memory_space<hbm>>
    %dma_wait3A_567 = arith.constant 0 : i32
    %dma_wait3A_568 = tpu.memref_slice %arg4[%add3A_536, %dma_wait3A_567] : memref<16384x768xf32, #tpu.memory_space<hbm>> -> memref<16x768xf32, #tpu.memory_space<hbm>>
    tpu.wait_dma2 semaphore(%arg26 : memref<!tpu.dma_semaphore, #tpu.memory_space<semaphore_mem>>) src(%arg10 : memref<16x768xf32, #tpu.memory_space<vmem>>) dst(%dma_wait3A_568 : memref<16x768xf32, #tpu.memory_space<hbm>>)
    %dma_start3A_569 = arith.constant 3 : i32
    %dma_start3A_570 = arith.constant 64 : i32
    %dma_start3A_571 = tpu.memref_slice %arg5[%dma_start3A_569, %dma_start3A_570] : memref<4x128xi32, #tpu.memory_space<vmem>> -> memref<1x16xi32, #tpu.memory_space<vmem>>
    %dma_start3A_572 = tpu.memref_squeeze %dma_start3A_571 : memref<1x16xi32, #tpu.memory_space<vmem>> -> memref<16xi32, #tpu.memory_space<vmem>>
    %dma_start3A_573 = arith.constant 0 : i32
    %dma_start3A_574 = arith.constant 0 : i32
    %dma_start3A_575 = tpu.memref_slice %arg2[%dma_start3A_573, %dma_start3A_574] : memref<32768x768xf32, #tpu.memory_space<hbm>> -> memref<32768x768xf32, #tpu.memory_space<hbm>>
    tpu.enqueue_indirect_dma source(%dma_start3A_575 : memref<32768x768xf32, #tpu.memory_space<hbm>>) target(%arg10 : memref<16x768xf32, #tpu.memory_space<vmem>>) offsets(%dma_start3A_572 : memref<16xi32, #tpu.memory_space<vmem>>) semaphore(%arg18 : memref<!tpu.dma_semaphore, #tpu.memory_space<semaphore_mem>>)
    %dma_wait3A_576 = arith.constant 2 : i32
    %dma_wait3A_577 = arith.constant 96 : i32
    %dma_wait3A_578 = tpu.memref_slice %arg5[%dma_wait3A_576, %dma_wait3A_577] : memref<4x128xi32, #tpu.memory_space<vmem>> -> memref<1x16xi32, #tpu.memory_space<vmem>>
    %dma_wait3A_579 = tpu.memref_squeeze %dma_wait3A_578 : memref<1x16xi32, #tpu.memory_space<vmem>> -> memref<16xi32, #tpu.memory_space<vmem>>
    %dma_wait3A_580 = arith.constant 0 : i32
    %dma_wait3A_581 = arith.constant 0 : i32
    %dma_wait3A_582 = tpu.memref_slice %arg2[%dma_wait3A_580, %dma_wait3A_581] : memref<32768x768xf32, #tpu.memory_space<hbm>> -> memref<32768x768xf32, #tpu.memory_space<hbm>>
    tpu.wait_indirect_dma semaphore(%arg20 : memref<!tpu.dma_semaphore, #tpu.memory_space<semaphore_mem>>) src(%dma_wait3A_582 : memref<32768x768xf32, #tpu.memory_space<hbm>>) dst(%arg12 : memref<16x768xf32, #tpu.memory_space<vmem>>)
    %add3A_583 = arith.constant 352 : i32
    %add3A_584 = arith.addi %mul3A_2, %add3A_583 : i32
    %dma_start3A_585 = arith.constant 0 : i32
    %dma_start3A_586 = tpu.memref_slice %arg4[%add3A_584, %dma_start3A_585] : memref<16384x768xf32, #tpu.memory_space<hbm>> -> memref<16x768xf32, #tpu.memory_space<hbm>>
    %dma_start3A_587 = arith.constant 0 : i32
    %dma_start3A_588 = tpu.memref_slice %arg4[%add3A_584, %dma_start3A_587] : memref<16384x768xf32, #tpu.memory_space<hbm>> -> memref<16x768xf32, #tpu.memory_space<hbm>>
    tpu.enqueue_dma source(%arg12 : memref<16x768xf32, #tpu.memory_space<vmem>>) target(%dma_start3A_588 : memref<16x768xf32, #tpu.memory_space<hbm>>) target_semaphore(%arg28 : memref<!tpu.dma_semaphore, #tpu.memory_space<semaphore_mem>>)
    %dma_wait3A_589 = arith.constant 0 : i32
    %dma_wait3A_590 = tpu.memref_slice %arg4[%add3A_560, %dma_wait3A_589] : memref<16384x768xf32, #tpu.memory_space<hbm>> -> memref<16x768xf32, #tpu.memory_space<hbm>>
    %dma_wait3A_591 = arith.constant 0 : i32
    %dma_wait3A_592 = tpu.memref_slice %arg4[%add3A_560, %dma_wait3A_591] : memref<16384x768xf32, #tpu.memory_space<hbm>> -> memref<16x768xf32, #tpu.memory_space<hbm>>
    tpu.wait_dma2 semaphore(%arg27 : memref<!tpu.dma_semaphore, #tpu.memory_space<semaphore_mem>>) src(%arg11 : memref<16x768xf32, #tpu.memory_space<vmem>>) dst(%dma_wait3A_592 : memref<16x768xf32, #tpu.memory_space<hbm>>)
    %dma_start3A_593 = arith.constant 3 : i32
    %dma_start3A_594 = arith.constant 80 : i32
    %dma_start3A_595 = tpu.memref_slice %arg5[%dma_start3A_593, %dma_start3A_594] : memref<4x128xi32, #tpu.memory_space<vmem>> -> memref<1x16xi32, #tpu.memory_space<vmem>>
    %dma_start3A_596 = tpu.memref_squeeze %dma_start3A_595 : memref<1x16xi32, #tpu.memory_space<vmem>> -> memref<16xi32, #tpu.memory_space<vmem>>
    %dma_start3A_597 = arith.constant 0 : i32
    %dma_start3A_598 = arith.constant 0 : i32
    %dma_start3A_599 = tpu.memref_slice %arg2[%dma_start3A_597, %dma_start3A_598] : memref<32768x768xf32, #tpu.memory_space<hbm>> -> memref<32768x768xf32, #tpu.memory_space<hbm>>
    tpu.enqueue_indirect_dma source(%dma_start3A_599 : memref<32768x768xf32, #tpu.memory_space<hbm>>) target(%arg11 : memref<16x768xf32, #tpu.memory_space<vmem>>) offsets(%dma_start3A_596 : memref<16xi32, #tpu.memory_space<vmem>>) semaphore(%arg19 : memref<!tpu.dma_semaphore, #tpu.memory_space<semaphore_mem>>)
    %dma_wait3A_600 = arith.constant 2 : i32
    %dma_wait3A_601 = arith.constant 112 : i32
    %dma_wait3A_602 = tpu.memref_slice %arg5[%dma_wait3A_600, %dma_wait3A_601] : memref<4x128xi32, #tpu.memory_space<vmem>> -> memref<1x16xi32, #tpu.memory_space<vmem>>
    %dma_wait3A_603 = tpu.memref_squeeze %dma_wait3A_602 : memref<1x16xi32, #tpu.memory_space<vmem>> -> memref<16xi32, #tpu.memory_space<vmem>>
    %dma_wait3A_604 = arith.constant 0 : i32
    %dma_wait3A_605 = arith.constant 0 : i32
    %dma_wait3A_606 = tpu.memref_slice %arg2[%dma_wait3A_604, %dma_wait3A_605] : memref<32768x768xf32, #tpu.memory_space<hbm>> -> memref<32768x768xf32, #tpu.memory_space<hbm>>
    tpu.wait_indirect_dma semaphore(%arg21 : memref<!tpu.dma_semaphore, #tpu.memory_space<semaphore_mem>>) src(%dma_wait3A_606 : memref<32768x768xf32, #tpu.memory_space<hbm>>) dst(%arg13 : memref<16x768xf32, #tpu.memory_space<vmem>>)
    %add3A_607 = arith.constant 368 : i32
    %add3A_608 = arith.addi %mul3A_2, %add3A_607 : i32
    %dma_start3A_609 = arith.constant 0 : i32
    %dma_start3A_610 = tpu.memref_slice %arg4[%add3A_608, %dma_start3A_609] : memref<16384x768xf32, #tpu.memory_space<hbm>> -> memref<16x768xf32, #tpu.memory_space<hbm>>
    %dma_start3A_611 = arith.constant 0 : i32
    %dma_start3A_612 = tpu.memref_slice %arg4[%add3A_608, %dma_start3A_611] : memref<16384x768xf32, #tpu.memory_space<hbm>> -> memref<16x768xf32, #tpu.memory_space<hbm>>
    tpu.enqueue_dma source(%arg13 : memref<16x768xf32, #tpu.memory_space<vmem>>) target(%dma_start3A_612 : memref<16x768xf32, #tpu.memory_space<hbm>>) target_semaphore(%arg29 : memref<!tpu.dma_semaphore, #tpu.memory_space<semaphore_mem>>)
    %dma_wait3A_613 = arith.constant 0 : i32
    %dma_wait3A_614 = tpu.memref_slice %arg4[%add3A_584, %dma_wait3A_613] : memref<16384x768xf32, #tpu.memory_space<hbm>> -> memref<16x768xf32, #tpu.memory_space<hbm>>
    %dma_wait3A_615 = arith.constant 0 : i32
    %dma_wait3A_616 = tpu.memref_slice %arg4[%add3A_584, %dma_wait3A_615] : memref<16384x768xf32, #tpu.memory_space<hbm>> -> memref<16x768xf32, #tpu.memory_space<hbm>>
    tpu.wait_dma2 semaphore(%arg28 : memref<!tpu.dma_semaphore, #tpu.memory_space<semaphore_mem>>) src(%arg12 : memref<16x768xf32, #tpu.memory_space<vmem>>) dst(%dma_wait3A_616 : memref<16x768xf32, #tpu.memory_space<hbm>>)
    %dma_start3A_617 = arith.constant 3 : i32
    %dma_start3A_618 = arith.constant 96 : i32
    %dma_start3A_619 = tpu.memref_slice %arg5[%dma_start3A_617, %dma_start3A_618] : memref<4x128xi32, #tpu.memory_space<vmem>> -> memref<1x16xi32, #tpu.memory_space<vmem>>
    %dma_start3A_620 = tpu.memref_squeeze %dma_start3A_619 : memref<1x16xi32, #tpu.memory_space<vmem>> -> memref<16xi32, #tpu.memory_space<vmem>>
    %dma_start3A_621 = arith.constant 0 : i32
    %dma_start3A_622 = arith.constant 0 : i32
    %dma_start3A_623 = tpu.memref_slice %arg2[%dma_start3A_621, %dma_start3A_622] : memref<32768x768xf32, #tpu.memory_space<hbm>> -> memref<32768x768xf32, #tpu.memory_space<hbm>>
    tpu.enqueue_indirect_dma source(%dma_start3A_623 : memref<32768x768xf32, #tpu.memory_space<hbm>>) target(%arg12 : memref<16x768xf32, #tpu.memory_space<vmem>>) offsets(%dma_start3A_620 : memref<16xi32, #tpu.memory_space<vmem>>) semaphore(%arg20 : memref<!tpu.dma_semaphore, #tpu.memory_space<semaphore_mem>>)
    %dma_wait3A_624 = arith.constant 3 : i32
    %dma_wait3A_625 = arith.constant 0 : i32
    %dma_wait3A_626 = tpu.memref_slice %arg5[%dma_wait3A_624, %dma_wait3A_625] : memref<4x128xi32, #tpu.memory_space<vmem>> -> memref<1x16xi32, #tpu.memory_space<vmem>>
    %dma_wait3A_627 = tpu.memref_squeeze %dma_wait3A_626 : memref<1x16xi32, #tpu.memory_space<vmem>> -> memref<16xi32, #tpu.memory_space<vmem>>
    %dma_wait3A_628 = arith.constant 0 : i32
    %dma_wait3A_629 = arith.constant 0 : i32
    %dma_wait3A_630 = tpu.memref_slice %arg2[%dma_wait3A_628, %dma_wait3A_629] : memref<32768x768xf32, #tpu.memory_space<hbm>> -> memref<32768x768xf32, #tpu.memory_space<hbm>>
    tpu.wait_indirect_dma semaphore(%arg14 : memref<!tpu.dma_semaphore, #tpu.memory_space<semaphore_mem>>) src(%dma_wait3A_630 : memref<32768x768xf32, #tpu.memory_space<hbm>>) dst(%arg6 : memref<16x768xf32, #tpu.memory_space<vmem>>)
    %add3A_631 = arith.constant 384 : i32
    %add3A_632 = arith.addi %mul3A_2, %add3A_631 : i32
    %dma_start3A_633 = arith.constant 0 : i32
    %dma_start3A_634 = tpu.memref_slice %arg4[%add3A_632, %dma_start3A_633] : memref<16384x768xf32, #tpu.memory_space<hbm>> -> memref<16x768xf32, #tpu.memory_space<hbm>>
    %dma_start3A_635 = arith.constant 0 : i32
    %dma_start3A_636 = tpu.memref_slice %arg4[%add3A_632, %dma_start3A_635] : memref<16384x768xf32, #tpu.memory_space<hbm>> -> memref<16x768xf32, #tpu.memory_space<hbm>>
    tpu.enqueue_dma source(%arg6 : memref<16x768xf32, #tpu.memory_space<vmem>>) target(%dma_start3A_636 : memref<16x768xf32, #tpu.memory_space<hbm>>) target_semaphore(%arg22 : memref<!tpu.dma_semaphore, #tpu.memory_space<semaphore_mem>>)
    %dma_wait3A_637 = arith.constant 0 : i32
    %dma_wait3A_638 = tpu.memref_slice %arg4[%add3A_608, %dma_wait3A_637] : memref<16384x768xf32, #tpu.memory_space<hbm>> -> memref<16x768xf32, #tpu.memory_space<hbm>>
    %dma_wait3A_639 = arith.constant 0 : i32
    %dma_wait3A_640 = tpu.memref_slice %arg4[%add3A_608, %dma_wait3A_639] : memref<16384x768xf32, #tpu.memory_space<hbm>> -> memref<16x768xf32, #tpu.memory_space<hbm>>
    tpu.wait_dma2 semaphore(%arg29 : memref<!tpu.dma_semaphore, #tpu.memory_space<semaphore_mem>>) src(%arg13 : memref<16x768xf32, #tpu.memory_space<vmem>>) dst(%dma_wait3A_640 : memref<16x768xf32, #tpu.memory_space<hbm>>)
    %dma_start3A_641 = arith.constant 3 : i32
    %dma_start3A_642 = arith.constant 112 : i32
    %dma_start3A_643 = tpu.memref_slice %arg5[%dma_start3A_641, %dma_start3A_642] : memref<4x128xi32, #tpu.memory_space<vmem>> -> memref<1x16xi32, #tpu.memory_space<vmem>>
    %dma_start3A_644 = tpu.memref_squeeze %dma_start3A_643 : memref<1x16xi32, #tpu.memory_space<vmem>> -> memref<16xi32, #tpu.memory_space<vmem>>
    %dma_start3A_645 = arith.constant 0 : i32
    %dma_start3A_646 = arith.constant 0 : i32
    %dma_start3A_647 = tpu.memref_slice %arg2[%dma_start3A_645, %dma_start3A_646] : memref<32768x768xf32, #tpu.memory_space<hbm>> -> memref<32768x768xf32, #tpu.memory_space<hbm>>
    tpu.enqueue_indirect_dma source(%dma_start3A_647 : memref<32768x768xf32, #tpu.memory_space<hbm>>) target(%arg13 : memref<16x768xf32, #tpu.memory_space<vmem>>) offsets(%dma_start3A_644 : memref<16xi32, #tpu.memory_space<vmem>>) semaphore(%arg21 : memref<!tpu.dma_semaphore, #tpu.memory_space<semaphore_mem>>)
    %dma_wait3A_648 = arith.constant 3 : i32
    %dma_wait3A_649 = arith.constant 16 : i32
    %dma_wait3A_650 = tpu.memref_slice %arg5[%dma_wait3A_648, %dma_wait3A_649] : memref<4x128xi32, #tpu.memory_space<vmem>> -> memref<1x16xi32, #tpu.memory_space<vmem>>
    %dma_wait3A_651 = tpu.memref_squeeze %dma_wait3A_650 : memref<1x16xi32, #tpu.memory_space<vmem>> -> memref<16xi32, #tpu.memory_space<vmem>>
    %dma_wait3A_652 = arith.constant 0 : i32
    %dma_wait3A_653 = arith.constant 0 : i32
    %dma_wait3A_654 = tpu.memref_slice %arg2[%dma_wait3A_652, %dma_wait3A_653] : memref<32768x768xf32, #tpu.memory_space<hbm>> -> memref<32768x768xf32, #tpu.memory_space<hbm>>
    tpu.wait_indirect_dma semaphore(%arg15 : memref<!tpu.dma_semaphore, #tpu.memory_space<semaphore_mem>>) src(%dma_wait3A_654 : memref<32768x768xf32, #tpu.memory_space<hbm>>) dst(%arg7 : memref<16x768xf32, #tpu.memory_space<vmem>>)
    %add3A_655 = arith.constant 400 : i32
    %add3A_656 = arith.addi %mul3A_2, %add3A_655 : i32
    %dma_start3A_657 = arith.constant 0 : i32
    %dma_start3A_658 = tpu.memref_slice %arg4[%add3A_656, %dma_start3A_657] : memref<16384x768xf32, #tpu.memory_space<hbm>> -> memref<16x768xf32, #tpu.memory_space<hbm>>
    %dma_start3A_659 = arith.constant 0 : i32
    %dma_start3A_660 = tpu.memref_slice %arg4[%add3A_656, %dma_start3A_659] : memref<16384x768xf32, #tpu.memory_space<hbm>> -> memref<16x768xf32, #tpu.memory_space<hbm>>
    tpu.enqueue_dma source(%arg7 : memref<16x768xf32, #tpu.memory_space<vmem>>) target(%dma_start3A_660 : memref<16x768xf32, #tpu.memory_space<hbm>>) target_semaphore(%arg23 : memref<!tpu.dma_semaphore, #tpu.memory_space<semaphore_mem>>)
    %dma_wait3A_661 = arith.constant 3 : i32
    %dma_wait3A_662 = arith.constant 32 : i32
    %dma_wait3A_663 = tpu.memref_slice %arg5[%dma_wait3A_661, %dma_wait3A_662] : memref<4x128xi32, #tpu.memory_space<vmem>> -> memref<1x16xi32, #tpu.memory_space<vmem>>
    %dma_wait3A_664 = tpu.memref_squeeze %dma_wait3A_663 : memref<1x16xi32, #tpu.memory_space<vmem>> -> memref<16xi32, #tpu.memory_space<vmem>>
    %dma_wait3A_665 = arith.constant 0 : i32
    %dma_wait3A_666 = arith.constant 0 : i32
    %dma_wait3A_667 = tpu.memref_slice %arg2[%dma_wait3A_665, %dma_wait3A_666] : memref<32768x768xf32, #tpu.memory_space<hbm>> -> memref<32768x768xf32, #tpu.memory_space<hbm>>
    tpu.wait_indirect_dma semaphore(%arg16 : memref<!tpu.dma_semaphore, #tpu.memory_space<semaphore_mem>>) src(%dma_wait3A_667 : memref<32768x768xf32, #tpu.memory_space<hbm>>) dst(%arg8 : memref<16x768xf32, #tpu.memory_space<vmem>>)
    %add3A_668 = arith.constant 416 : i32
    %add3A_669 = arith.addi %mul3A_2, %add3A_668 : i32
    %dma_start3A_670 = arith.constant 0 : i32
    %dma_start3A_671 = tpu.memref_slice %arg4[%add3A_669, %dma_start3A_670] : memref<16384x768xf32, #tpu.memory_space<hbm>> -> memref<16x768xf32, #tpu.memory_space<hbm>>
    %dma_start3A_672 = arith.constant 0 : i32
    %dma_start3A_673 = tpu.memref_slice %arg4[%add3A_669, %dma_start3A_672] : memref<16384x768xf32, #tpu.memory_space<hbm>> -> memref<16x768xf32, #tpu.memory_space<hbm>>
    tpu.enqueue_dma source(%arg8 : memref<16x768xf32, #tpu.memory_space<vmem>>) target(%dma_start3A_673 : memref<16x768xf32, #tpu.memory_space<hbm>>) target_semaphore(%arg24 : memref<!tpu.dma_semaphore, #tpu.memory_space<semaphore_mem>>)
    %dma_wait3A_674 = arith.constant 3 : i32
    %dma_wait3A_675 = arith.constant 48 : i32
    %dma_wait3A_676 = tpu.memref_slice %arg5[%dma_wait3A_674, %dma_wait3A_675] : memref<4x128xi32, #tpu.memory_space<vmem>> -> memref<1x16xi32, #tpu.memory_space<vmem>>
    %dma_wait3A_677 = tpu.memref_squeeze %dma_wait3A_676 : memref<1x16xi32, #tpu.memory_space<vmem>> -> memref<16xi32, #tpu.memory_space<vmem>>
    %dma_wait3A_678 = arith.constant 0 : i32
    %dma_wait3A_679 = arith.constant 0 : i32
    %dma_wait3A_680 = tpu.memref_slice %arg2[%dma_wait3A_678, %dma_wait3A_679] : memref<32768x768xf32, #tpu.memory_space<hbm>> -> memref<32768x768xf32, #tpu.memory_space<hbm>>
    tpu.wait_indirect_dma semaphore(%arg17 : memref<!tpu.dma_semaphore, #tpu.memory_space<semaphore_mem>>) src(%dma_wait3A_680 : memref<32768x768xf32, #tpu.memory_space<hbm>>) dst(%arg9 : memref<16x768xf32, #tpu.memory_space<vmem>>)
    %add3A_681 = arith.constant 432 : i32
    %add3A_682 = arith.addi %mul3A_2, %add3A_681 : i32
    %dma_start3A_683 = arith.constant 0 : i32
    %dma_start3A_684 = tpu.memref_slice %arg4[%add3A_682, %dma_start3A_683] : memref<16384x768xf32, #tpu.memory_space<hbm>> -> memref<16x768xf32, #tpu.memory_space<hbm>>
    %dma_start3A_685 = arith.constant 0 : i32
    %dma_start3A_686 = tpu.memref_slice %arg4[%add3A_682, %dma_start3A_685] : memref<16384x768xf32, #tpu.memory_space<hbm>> -> memref<16x768xf32, #tpu.memory_space<hbm>>
    tpu.enqueue_dma source(%arg9 : memref<16x768xf32, #tpu.memory_space<vmem>>) target(%dma_start3A_686 : memref<16x768xf32, #tpu.memory_space<hbm>>) target_semaphore(%arg25 : memref<!tpu.dma_semaphore, #tpu.memory_space<semaphore_mem>>)
    %dma_wait3A_687 = arith.constant 3 : i32
    %dma_wait3A_688 = arith.constant 64 : i32
    %dma_wait3A_689 = tpu.memref_slice %arg5[%dma_wait3A_687, %dma_wait3A_688] : memref<4x128xi32, #tpu.memory_space<vmem>> -> memref<1x16xi32, #tpu.memory_space<vmem>>
    %dma_wait3A_690 = tpu.memref_squeeze %dma_wait3A_689 : memref<1x16xi32, #tpu.memory_space<vmem>> -> memref<16xi32, #tpu.memory_space<vmem>>
    %dma_wait3A_691 = arith.constant 0 : i32
    %dma_wait3A_692 = arith.constant 0 : i32
    %dma_wait3A_693 = tpu.memref_slice %arg2[%dma_wait3A_691, %dma_wait3A_692] : memref<32768x768xf32, #tpu.memory_space<hbm>> -> memref<32768x768xf32, #tpu.memory_space<hbm>>
    tpu.wait_indirect_dma semaphore(%arg18 : memref<!tpu.dma_semaphore, #tpu.memory_space<semaphore_mem>>) src(%dma_wait3A_693 : memref<32768x768xf32, #tpu.memory_space<hbm>>) dst(%arg10 : memref<16x768xf32, #tpu.memory_space<vmem>>)
    %add3A_694 = arith.constant 448 : i32
    %add3A_695 = arith.addi %mul3A_2, %add3A_694 : i32
    %dma_start3A_696 = arith.constant 0 : i32
    %dma_start3A_697 = tpu.memref_slice %arg4[%add3A_695, %dma_start3A_696] : memref<16384x768xf32, #tpu.memory_space<hbm>> -> memref<16x768xf32, #tpu.memory_space<hbm>>
    %dma_start3A_698 = arith.constant 0 : i32
    %dma_start3A_699 = tpu.memref_slice %arg4[%add3A_695, %dma_start3A_698] : memref<16384x768xf32, #tpu.memory_space<hbm>> -> memref<16x768xf32, #tpu.memory_space<hbm>>
    tpu.enqueue_dma source(%arg10 : memref<16x768xf32, #tpu.memory_space<vmem>>) target(%dma_start3A_699 : memref<16x768xf32, #tpu.memory_space<hbm>>) target_semaphore(%arg26 : memref<!tpu.dma_semaphore, #tpu.memory_space<semaphore_mem>>)
    %dma_wait3A_700 = arith.constant 3 : i32
    %dma_wait3A_701 = arith.constant 80 : i32
    %dma_wait3A_702 = tpu.memref_slice %arg5[%dma_wait3A_700, %dma_wait3A_701] : memref<4x128xi32, #tpu.memory_space<vmem>> -> memref<1x16xi32, #tpu.memory_space<vmem>>
    %dma_wait3A_703 = tpu.memref_squeeze %dma_wait3A_702 : memref<1x16xi32, #tpu.memory_space<vmem>> -> memref<16xi32, #tpu.memory_space<vmem>>
    %dma_wait3A_704 = arith.constant 0 : i32
    %dma_wait3A_705 = arith.constant 0 : i32
    %dma_wait3A_706 = tpu.memref_slice %arg2[%dma_wait3A_704, %dma_wait3A_705] : memref<32768x768xf32, #tpu.memory_space<hbm>> -> memref<32768x768xf32, #tpu.memory_space<hbm>>
    tpu.wait_indirect_dma semaphore(%arg19 : memref<!tpu.dma_semaphore, #tpu.memory_space<semaphore_mem>>) src(%dma_wait3A_706 : memref<32768x768xf32, #tpu.memory_space<hbm>>) dst(%arg11 : memref<16x768xf32, #tpu.memory_space<vmem>>)
    %add3A_707 = arith.constant 464 : i32
    %add3A_708 = arith.addi %mul3A_2, %add3A_707 : i32
    %dma_start3A_709 = arith.constant 0 : i32
    %dma_start3A_710 = tpu.memref_slice %arg4[%add3A_708, %dma_start3A_709] : memref<16384x768xf32, #tpu.memory_space<hbm>> -> memref<16x768xf32, #tpu.memory_space<hbm>>
    %dma_start3A_711 = arith.constant 0 : i32
    %dma_start3A_712 = tpu.memref_slice %arg4[%add3A_708, %dma_start3A_711] : memref<16384x768xf32, #tpu.memory_space<hbm>> -> memref<16x768xf32, #tpu.memory_space<hbm>>
    tpu.enqueue_dma source(%arg11 : memref<16x768xf32, #tpu.memory_space<vmem>>) target(%dma_start3A_712 : memref<16x768xf32, #tpu.memory_space<hbm>>) target_semaphore(%arg27 : memref<!tpu.dma_semaphore, #tpu.memory_space<semaphore_mem>>)
    %dma_wait3A_713 = arith.constant 3 : i32
    %dma_wait3A_714 = arith.constant 96 : i32
    %dma_wait3A_715 = tpu.memref_slice %arg5[%dma_wait3A_713, %dma_wait3A_714] : memref<4x128xi32, #tpu.memory_space<vmem>> -> memref<1x16xi32, #tpu.memory_space<vmem>>
    %dma_wait3A_716 = tpu.memref_squeeze %dma_wait3A_715 : memref<1x16xi32, #tpu.memory_space<vmem>> -> memref<16xi32, #tpu.memory_space<vmem>>
    %dma_wait3A_717 = arith.constant 0 : i32
    %dma_wait3A_718 = arith.constant 0 : i32
    %dma_wait3A_719 = tpu.memref_slice %arg2[%dma_wait3A_717, %dma_wait3A_718] : memref<32768x768xf32, #tpu.memory_space<hbm>> -> memref<32768x768xf32, #tpu.memory_space<hbm>>
    tpu.wait_indirect_dma semaphore(%arg20 : memref<!tpu.dma_semaphore, #tpu.memory_space<semaphore_mem>>) src(%dma_wait3A_719 : memref<32768x768xf32, #tpu.memory_space<hbm>>) dst(%arg12 : memref<16x768xf32, #tpu.memory_space<vmem>>)
    %add3A_720 = arith.constant 480 : i32
    %add3A_721 = arith.addi %mul3A_2, %add3A_720 : i32
    %dma_start3A_722 = arith.constant 0 : i32
    %dma_start3A_723 = tpu.memref_slice %arg4[%add3A_721, %dma_start3A_722] : memref<16384x768xf32, #tpu.memory_space<hbm>> -> memref<16x768xf32, #tpu.memory_space<hbm>>
    %dma_start3A_724 = arith.constant 0 : i32
    %dma_start3A_725 = tpu.memref_slice %arg4[%add3A_721, %dma_start3A_724] : memref<16384x768xf32, #tpu.memory_space<hbm>> -> memref<16x768xf32, #tpu.memory_space<hbm>>
    tpu.enqueue_dma source(%arg12 : memref<16x768xf32, #tpu.memory_space<vmem>>) target(%dma_start3A_725 : memref<16x768xf32, #tpu.memory_space<hbm>>) target_semaphore(%arg28 : memref<!tpu.dma_semaphore, #tpu.memory_space<semaphore_mem>>)
    %dma_wait3A_726 = arith.constant 3 : i32
    %dma_wait3A_727 = arith.constant 112 : i32
    %dma_wait3A_728 = tpu.memref_slice %arg5[%dma_wait3A_726, %dma_wait3A_727] : memref<4x128xi32, #tpu.memory_space<vmem>> -> memref<1x16xi32, #tpu.memory_space<vmem>>
    %dma_wait3A_729 = tpu.memref_squeeze %dma_wait3A_728 : memref<1x16xi32, #tpu.memory_space<vmem>> -> memref<16xi32, #tpu.memory_space<vmem>>
    %dma_wait3A_730 = arith.constant 0 : i32
    %dma_wait3A_731 = arith.constant 0 : i32
    %dma_wait3A_732 = tpu.memref_slice %arg2[%dma_wait3A_730, %dma_wait3A_731] : memref<32768x768xf32, #tpu.memory_space<hbm>> -> memref<32768x768xf32, #tpu.memory_space<hbm>>
    tpu.wait_indirect_dma semaphore(%arg21 : memref<!tpu.dma_semaphore, #tpu.memory_space<semaphore_mem>>) src(%dma_wait3A_732 : memref<32768x768xf32, #tpu.memory_space<hbm>>) dst(%arg13 : memref<16x768xf32, #tpu.memory_space<vmem>>)
    %add3A_733 = arith.constant 496 : i32
    %add3A_734 = arith.addi %mul3A_2, %add3A_733 : i32
    %dma_start3A_735 = arith.constant 0 : i32
    %dma_start3A_736 = tpu.memref_slice %arg4[%add3A_734, %dma_start3A_735] : memref<16384x768xf32, #tpu.memory_space<hbm>> -> memref<16x768xf32, #tpu.memory_space<hbm>>
    %dma_start3A_737 = arith.constant 0 : i32
    %dma_start3A_738 = tpu.memref_slice %arg4[%add3A_734, %dma_start3A_737] : memref<16384x768xf32, #tpu.memory_space<hbm>> -> memref<16x768xf32, #tpu.memory_space<hbm>>
    tpu.enqueue_dma source(%arg13 : memref<16x768xf32, #tpu.memory_space<vmem>>) target(%dma_start3A_738 : memref<16x768xf32, #tpu.memory_space<hbm>>) target_semaphore(%arg29 : memref<!tpu.dma_semaphore, #tpu.memory_space<semaphore_mem>>)
    %dma_wait3A_739 = arith.constant 0 : i32
    %dma_wait3A_740 = tpu.memref_slice %arg4[%add3A_632, %dma_wait3A_739] : memref<16384x768xf32, #tpu.memory_space<hbm>> -> memref<16x768xf32, #tpu.memory_space<hbm>>
    %dma_wait3A_741 = arith.constant 0 : i32
    %dma_wait3A_742 = tpu.memref_slice %arg4[%add3A_632, %dma_wait3A_741] : memref<16384x768xf32, #tpu.memory_space<hbm>> -> memref<16x768xf32, #tpu.memory_space<hbm>>
    tpu.wait_dma2 semaphore(%arg22 : memref<!tpu.dma_semaphore, #tpu.memory_space<semaphore_mem>>) src(%arg6 : memref<16x768xf32, #tpu.memory_space<vmem>>) dst(%dma_wait3A_742 : memref<16x768xf32, #tpu.memory_space<hbm>>)
    %dma_wait3A_743 = arith.constant 0 : i32
    %dma_wait3A_744 = tpu.memref_slice %arg4[%add3A_656, %dma_wait3A_743] : memref<16384x768xf32, #tpu.memory_space<hbm>> -> memref<16x768xf32, #tpu.memory_space<hbm>>
    %dma_wait3A_745 = arith.constant 0 : i32
    %dma_wait3A_746 = tpu.memref_slice %arg4[%add3A_656, %dma_wait3A_745] : memref<16384x768xf32, #tpu.memory_space<hbm>> -> memref<16x768xf32, #tpu.memory_space<hbm>>
    tpu.wait_dma2 semaphore(%arg23 : memref<!tpu.dma_semaphore, #tpu.memory_space<semaphore_mem>>) src(%arg7 : memref<16x768xf32, #tpu.memory_space<vmem>>) dst(%dma_wait3A_746 : memref<16x768xf32, #tpu.memory_space<hbm>>)
    %dma_wait3A_747 = arith.constant 0 : i32
    %dma_wait3A_748 = tpu.memref_slice %arg4[%add3A_669, %dma_wait3A_747] : memref<16384x768xf32, #tpu.memory_space<hbm>> -> memref<16x768xf32, #tpu.memory_space<hbm>>
    %dma_wait3A_749 = arith.constant 0 : i32
    %dma_wait3A_750 = tpu.memref_slice %arg4[%add3A_669, %dma_wait3A_749] : memref<16384x768xf32, #tpu.memory_space<hbm>> -> memref<16x768xf32, #tpu.memory_space<hbm>>
    tpu.wait_dma2 semaphore(%arg24 : memref<!tpu.dma_semaphore, #tpu.memory_space<semaphore_mem>>) src(%arg8 : memref<16x768xf32, #tpu.memory_space<vmem>>) dst(%dma_wait3A_750 : memref<16x768xf32, #tpu.memory_space<hbm>>)
    %dma_wait3A_751 = arith.constant 0 : i32
    %dma_wait3A_752 = tpu.memref_slice %arg4[%add3A_682, %dma_wait3A_751] : memref<16384x768xf32, #tpu.memory_space<hbm>> -> memref<16x768xf32, #tpu.memory_space<hbm>>
    %dma_wait3A_753 = arith.constant 0 : i32
    %dma_wait3A_754 = tpu.memref_slice %arg4[%add3A_682, %dma_wait3A_753] : memref<16384x768xf32, #tpu.memory_space<hbm>> -> memref<16x768xf32, #tpu.memory_space<hbm>>
    tpu.wait_dma2 semaphore(%arg25 : memref<!tpu.dma_semaphore, #tpu.memory_space<semaphore_mem>>) src(%arg9 : memref<16x768xf32, #tpu.memory_space<vmem>>) dst(%dma_wait3A_754 : memref<16x768xf32, #tpu.memory_space<hbm>>)
    %dma_wait3A_755 = arith.constant 0 : i32
    %dma_wait3A_756 = tpu.memref_slice %arg4[%add3A_695, %dma_wait3A_755] : memref<16384x768xf32, #tpu.memory_space<hbm>> -> memref<16x768xf32, #tpu.memory_space<hbm>>
    %dma_wait3A_757 = arith.constant 0 : i32
    %dma_wait3A_758 = tpu.memref_slice %arg4[%add3A_695, %dma_wait3A_757] : memref<16384x768xf32, #tpu.memory_space<hbm>> -> memref<16x768xf32, #tpu.memory_space<hbm>>
    tpu.wait_dma2 semaphore(%arg26 : memref<!tpu.dma_semaphore, #tpu.memory_space<semaphore_mem>>) src(%arg10 : memref<16x768xf32, #tpu.memory_space<vmem>>) dst(%dma_wait3A_758 : memref<16x768xf32, #tpu.memory_space<hbm>>)
    %dma_wait3A_759 = arith.constant 0 : i32
    %dma_wait3A_760 = tpu.memref_slice %arg4[%add3A_708, %dma_wait3A_759] : memref<16384x768xf32, #tpu.memory_space<hbm>> -> memref<16x768xf32, #tpu.memory_space<hbm>>
    %dma_wait3A_761 = arith.constant 0 : i32
    %dma_wait3A_762 = tpu.memref_slice %arg4[%add3A_708, %dma_wait3A_761] : memref<16384x768xf32, #tpu.memory_space<hbm>> -> memref<16x768xf32, #tpu.memory_space<hbm>>
    tpu.wait_dma2 semaphore(%arg27 : memref<!tpu.dma_semaphore, #tpu.memory_space<semaphore_mem>>) src(%arg11 : memref<16x768xf32, #tpu.memory_space<vmem>>) dst(%dma_wait3A_762 : memref<16x768xf32, #tpu.memory_space<hbm>>)
    %dma_wait3A_763 = arith.constant 0 : i32
    %dma_wait3A_764 = tpu.memref_slice %arg4[%add3A_721, %dma_wait3A_763] : memref<16384x768xf32, #tpu.memory_space<hbm>> -> memref<16x768xf32, #tpu.memory_space<hbm>>
    %dma_wait3A_765 = arith.constant 0 : i32
    %dma_wait3A_766 = tpu.memref_slice %arg4[%add3A_721, %dma_wait3A_765] : memref<16384x768xf32, #tpu.memory_space<hbm>> -> memref<16x768xf32, #tpu.memory_space<hbm>>
    tpu.wait_dma2 semaphore(%arg28 : memref<!tpu.dma_semaphore, #tpu.memory_space<semaphore_mem>>) src(%arg12 : memref<16x768xf32, #tpu.memory_space<vmem>>) dst(%dma_wait3A_766 : memref<16x768xf32, #tpu.memory_space<hbm>>)
    %dma_wait3A_767 = arith.constant 0 : i32
    %dma_wait3A_768 = tpu.memref_slice %arg4[%add3A_734, %dma_wait3A_767] : memref<16384x768xf32, #tpu.memory_space<hbm>> -> memref<16x768xf32, #tpu.memory_space<hbm>>
    %dma_wait3A_769 = arith.constant 0 : i32
    %dma_wait3A_770 = tpu.memref_slice %arg4[%add3A_734, %dma_wait3A_769] : memref<16384x768xf32, #tpu.memory_space<hbm>> -> memref<16x768xf32, #tpu.memory_space<hbm>>
    tpu.wait_dma2 semaphore(%arg29 : memref<!tpu.dma_semaphore, #tpu.memory_space<semaphore_mem>>) src(%arg13 : memref<16x768xf32, #tpu.memory_space<vmem>>) dst(%dma_wait3A_770 : memref<16x768xf32, #tpu.memory_space<hbm>>)
    return
  }
}

module attributes {stable_mosaic.version = 14 : i64} {
  func.func @_select_kernel(%arg0: memref<4xi32, #tpu.memory_space<smem>>, %arg1: memref<256x128xf32, #tpu.memory_space<vmem>>, %arg2: memref<256x128xi32, #tpu.memory_space<vmem>>, %arg3: memref<128x128xi32, #tpu.memory_space<vmem>>) attributes {dimension_semantics = [], scalar_prefetch = 0 : i64, scratch_operands = 0 : i64, tpu.core_type = #tpu.core_type<tc>} {
    %iota3A = tpu.iota {dimensions = array<i32: 0>} : vector<256x128xi32>
    %iota3A_0 = tpu.iota {dimensions = array<i32: 1>} : vector<256x128xi32>
    %and3A = arith.constant 63 : i32
    %and3A_1 = vector.broadcast %and3A : i32 to vector<256x128xi32>
    %and3A_2 = arith.andi %iota3A, %and3A_1 : vector<256x128xi32>
    %mul3A = arith.constant 128 : i32
    %mul3A_3 = vector.broadcast %mul3A : i32 to vector<256x128xi32>
    %mul3A_4 = arith.muli %and3A_2, %mul3A_3 : vector<256x128xi32>
    %add3A = arith.addi %mul3A_4, %iota3A_0 : vector<256x128xi32>
    %shift_right_arithmetic3A = arith.constant 6 : i32
    %shift_right_arithmetic3A_5 = vector.broadcast %shift_right_arithmetic3A : i32 to vector<256x128xi32>
    %shift_right_arithmetic3A_6 = arith.shrsi %iota3A, %shift_right_arithmetic3A_5 : vector<256x128xi32>
    %get3A = arith.constant 0 : index
    %get3A_7 = memref.load %arg0[%get3A] : memref<4xi32, #tpu.memory_space<smem>>
    %broadcast_in_dim3A = vector.broadcast %get3A_7 : i32 to vector<256x128xi32>
    %eq3A = arith.constant 1 : i32
    %eq3A_8 = vector.broadcast %eq3A : i32 to vector<256x128xi32>
    %eq3A_9 = arith.cmpi eq, %shift_right_arithmetic3A_6, %eq3A_8 : vector<256x128xi32>
    %get3A_10 = arith.constant 1 : index
    %get3A_11 = memref.load %arg0[%get3A_10] : memref<4xi32, #tpu.memory_space<smem>>
    %broadcast_in_dim3A_12 = vector.broadcast %get3A_11 : i32 to vector<256x128xi32>
    %select_n3A = arith.select %eq3A_9, %broadcast_in_dim3A_12, %broadcast_in_dim3A : vector<256x128xi1>, vector<256x128xi32>
    %eq3A_13 = arith.constant 2 : i32
    %eq3A_14 = vector.broadcast %eq3A_13 : i32 to vector<256x128xi32>
    %eq3A_15 = arith.cmpi eq, %shift_right_arithmetic3A_6, %eq3A_14 : vector<256x128xi32>
    %get3A_16 = arith.constant 2 : index
    %get3A_17 = memref.load %arg0[%get3A_16] : memref<4xi32, #tpu.memory_space<smem>>
    %broadcast_in_dim3A_18 = vector.broadcast %get3A_17 : i32 to vector<256x128xi32>
    %select_n3A_19 = arith.select %eq3A_15, %broadcast_in_dim3A_18, %select_n3A : vector<256x128xi1>, vector<256x128xi32>
    %eq3A_20 = arith.constant 3 : i32
    %eq3A_21 = vector.broadcast %eq3A_20 : i32 to vector<256x128xi32>
    %eq3A_22 = arith.cmpi eq, %shift_right_arithmetic3A_6, %eq3A_21 : vector<256x128xi32>
    %get3A_23 = arith.constant 3 : index
    %get3A_24 = memref.load %arg0[%get3A_23] : memref<4xi32, #tpu.memory_space<smem>>
    %broadcast_in_dim3A_25 = vector.broadcast %get3A_24 : i32 to vector<256x128xi32>
    %select_n3A_26 = arith.select %eq3A_22, %broadcast_in_dim3A_25, %select_n3A_19 : vector<256x128xi1>, vector<256x128xi32>
    %get3A_27 = arith.constant 0 : index
    %get3A_28 = arith.constant 0 : index
    %get3A_29 = vector.load %arg1[%get3A_27, %get3A_28] : memref<256x128xf32, #tpu.memory_space<vmem>>, vector<256x128xf32>
    %bitcast_convert_type3A = tpu.bitcast %get3A_29 : vector<256x128xf32> -> vector<256x128xi32>
    %shift_right_arithmetic3A_30 = arith.constant 31 : i32
    %shift_right_arithmetic3A_31 = vector.broadcast %shift_right_arithmetic3A_30 : i32 to vector<256x128xi32>
    %shift_right_arithmetic3A_32 = arith.shrsi %bitcast_convert_type3A, %shift_right_arithmetic3A_31 : vector<256x128xi32>
    %and3A_33 = arith.constant 2147483647 : i32
    %and3A_34 = vector.broadcast %and3A_33 : i32 to vector<256x128xi32>
    %and3A_35 = arith.andi %shift_right_arithmetic3A_32, %and3A_34 : vector<256x128xi32>
    %xor3A = arith.xori %bitcast_convert_type3A, %and3A_35 : vector<256x128xi32>
    %get3A_36 = arith.constant 0 : index
    %get3A_37 = arith.constant 0 : index
    %get3A_38 = vector.load %arg2[%get3A_36, %get3A_37] : memref<256x128xi32, #tpu.memory_space<vmem>>, vector<256x128xi32>
    %get3A_39 = arith.constant dense<0> : vector<256x128xi32>
    %get3A_40 = arith.cmpi ne, %get3A_38, %get3A_39 : vector<256x128xi32>
    %eq3A_41 = arith.cmpi eq, %add3A, %select_n3A_26 : vector<256x128xi32>
    %or3A = arith.ori %get3A_40, %eq3A_41 : vector<256x128xi1>
    %sub3A = arith.constant -1148846081 : i32
    %sub3A_42 = vector.broadcast %sub3A : i32 to vector<256x128xi32>
    %sub3A_43 = arith.subi %sub3A_42, %add3A : vector<256x128xi32>
    %select_n3A_44 = arith.select %or3A, %sub3A_43, %xor3A : vector<256x128xi1>, vector<256x128xi32>
    %shift_right_arithmetic3A_45 = arith.constant 1 : i32
    %shift_right_arithmetic3A_46 = vector.broadcast %shift_right_arithmetic3A_45 : i32 to vector<256x128xi32>
    %shift_right_arithmetic3A_47 = arith.shrsi %add3A, %shift_right_arithmetic3A_46 : vector<256x128xi32>
    %and3A_48 = arith.constant 1 : i32
    %and3A_49 = vector.broadcast %and3A_48 : i32 to vector<256x128xi32>
    %and3A_50 = arith.andi %shift_right_arithmetic3A_47, %and3A_49 : vector<256x128xi32>
    %ne3A = arith.constant 0 : i32
    %ne3A_51 = vector.broadcast %ne3A : i32 to vector<256x128xi32>
    %ne3A_52 = arith.cmpi ne, %and3A_50, %ne3A_51 : vector<256x128xi32>
    %and3A_53 = arith.constant 1 : i32
    %and3A_54 = vector.broadcast %and3A_53 : i32 to vector<256x128xi32>
    %and3A_55 = arith.andi %add3A, %and3A_54 : vector<256x128xi32>
    %ne3A_56 = arith.constant 0 : i32
    %ne3A_57 = vector.broadcast %ne3A_56 : i32 to vector<256x128xi32>
    %ne3A_58 = arith.cmpi ne, %and3A_55, %ne3A_57 : vector<256x128xi32>
    %roll3A = arith.constant 1 : i32
    %roll3A_59 = tpu.dynamic_rotate %select_n3A_44 by %roll3A dim 1 : vector<256x128xi32>, i32 -> vector<256x128xi32>
    %roll3A_60 = arith.constant 127 : i32
    %roll3A_61 = tpu.dynamic_rotate %select_n3A_44 by %roll3A_60 dim 1 : vector<256x128xi32>, i32 -> vector<256x128xi32>
    %select_n3A_62 = arith.select %ne3A_58, %roll3A_59, %roll3A_61 : vector<256x128xi1>, vector<256x128xi32>
    %roll3A_63 = arith.constant 1 : i32
    %roll3A_64 = tpu.dynamic_rotate %add3A by %roll3A_63 dim 1 : vector<256x128xi32>, i32 -> vector<256x128xi32>
    %roll3A_65 = arith.constant 127 : i32
    %roll3A_66 = tpu.dynamic_rotate %add3A by %roll3A_65 dim 1 : vector<256x128xi32>, i32 -> vector<256x128xi32>
    %select_n3A_67 = arith.select %ne3A_58, %roll3A_64, %roll3A_66 : vector<256x128xi1>, vector<256x128xi32>
    %gt3A = arith.cmpi sgt, %select_n3A_44, %select_n3A_62 : vector<256x128xi32>
    %eq3A_68 = arith.cmpi eq, %select_n3A_44, %select_n3A_62 : vector<256x128xi32>
    %lt3A = arith.cmpi slt, %add3A, %select_n3A_67 : vector<256x128xi32>
    %and3A_69 = arith.andi %eq3A_68, %lt3A : vector<256x128xi1>
    %or3A_70 = arith.ori %gt3A, %and3A_69 : vector<256x128xi1>
    %xor3A_71 = arith.xori %or3A_70, %ne3A_58 : vector<256x128xi1>
    %xor3A_72 = arith.xori %xor3A_71, %ne3A_52 : vector<256x128xi1>
    %select_n3A_73 = arith.select %xor3A_72, %select_n3A_44, %select_n3A_62 : vector<256x128xi1>, vector<256x128xi32>
    %select_n3A_74 = arith.select %xor3A_72, %add3A, %select_n3A_67 : vector<256x128xi1>, vector<256x128xi32>
    %shift_right_arithmetic3A_75 = arith.constant 2 : i32
    %shift_right_arithmetic3A_76 = vector.broadcast %shift_right_arithmetic3A_75 : i32 to vector<256x128xi32>
    %shift_right_arithmetic3A_77 = arith.shrsi %add3A, %shift_right_arithmetic3A_76 : vector<256x128xi32>
    %and3A_78 = arith.constant 1 : i32
    %and3A_79 = vector.broadcast %and3A_78 : i32 to vector<256x128xi32>
    %and3A_80 = arith.andi %shift_right_arithmetic3A_77, %and3A_79 : vector<256x128xi32>
    %ne3A_81 = arith.constant 0 : i32
    %ne3A_82 = vector.broadcast %ne3A_81 : i32 to vector<256x128xi32>
    %ne3A_83 = arith.cmpi ne, %and3A_80, %ne3A_82 : vector<256x128xi32>
    %and3A_84 = arith.constant 2 : i32
    %and3A_85 = vector.broadcast %and3A_84 : i32 to vector<256x128xi32>
    %and3A_86 = arith.andi %add3A, %and3A_85 : vector<256x128xi32>
    %ne3A_87 = arith.constant 0 : i32
    %ne3A_88 = vector.broadcast %ne3A_87 : i32 to vector<256x128xi32>
    %ne3A_89 = arith.cmpi ne, %and3A_86, %ne3A_88 : vector<256x128xi32>
    %roll3A_90 = arith.constant 2 : i32
    %roll3A_91 = tpu.dynamic_rotate %select_n3A_73 by %roll3A_90 dim 1 : vector<256x128xi32>, i32 -> vector<256x128xi32>
    %roll3A_92 = arith.constant 126 : i32
    %roll3A_93 = tpu.dynamic_rotate %select_n3A_73 by %roll3A_92 dim 1 : vector<256x128xi32>, i32 -> vector<256x128xi32>
    %select_n3A_94 = arith.select %ne3A_89, %roll3A_91, %roll3A_93 : vector<256x128xi1>, vector<256x128xi32>
    %roll3A_95 = arith.constant 2 : i32
    %roll3A_96 = tpu.dynamic_rotate %select_n3A_74 by %roll3A_95 dim 1 : vector<256x128xi32>, i32 -> vector<256x128xi32>
    %roll3A_97 = arith.constant 126 : i32
    %roll3A_98 = tpu.dynamic_rotate %select_n3A_74 by %roll3A_97 dim 1 : vector<256x128xi32>, i32 -> vector<256x128xi32>
    %select_n3A_99 = arith.select %ne3A_89, %roll3A_96, %roll3A_98 : vector<256x128xi1>, vector<256x128xi32>
    %gt3A_100 = arith.cmpi sgt, %select_n3A_73, %select_n3A_94 : vector<256x128xi32>
    %eq3A_101 = arith.cmpi eq, %select_n3A_73, %select_n3A_94 : vector<256x128xi32>
    %lt3A_102 = arith.cmpi slt, %select_n3A_74, %select_n3A_99 : vector<256x128xi32>
    %and3A_103 = arith.andi %eq3A_101, %lt3A_102 : vector<256x128xi1>
    %or3A_104 = arith.ori %gt3A_100, %and3A_103 : vector<256x128xi1>
    %xor3A_105 = arith.xori %or3A_104, %ne3A_89 : vector<256x128xi1>
    %xor3A_106 = arith.xori %xor3A_105, %ne3A_83 : vector<256x128xi1>
    %select_n3A_107 = arith.select %xor3A_106, %select_n3A_73, %select_n3A_94 : vector<256x128xi1>, vector<256x128xi32>
    %select_n3A_108 = arith.select %xor3A_106, %select_n3A_74, %select_n3A_99 : vector<256x128xi1>, vector<256x128xi32>
    %and3A_109 = arith.constant 1 : i32
    %and3A_110 = vector.broadcast %and3A_109 : i32 to vector<256x128xi32>
    %and3A_111 = arith.andi %add3A, %and3A_110 : vector<256x128xi32>
    %ne3A_112 = arith.constant 0 : i32
    %ne3A_113 = vector.broadcast %ne3A_112 : i32 to vector<256x128xi32>
    %ne3A_114 = arith.cmpi ne, %and3A_111, %ne3A_113 : vector<256x128xi32>
    %roll3A_115 = arith.constant 1 : i32
    %roll3A_116 = tpu.dynamic_rotate %select_n3A_107 by %roll3A_115 dim 1 : vector<256x128xi32>, i32 -> vector<256x128xi32>
    %roll3A_117 = arith.constant 127 : i32
    %roll3A_118 = tpu.dynamic_rotate %select_n3A_107 by %roll3A_117 dim 1 : vector<256x128xi32>, i32 -> vector<256x128xi32>
    %select_n3A_119 = arith.select %ne3A_114, %roll3A_116, %roll3A_118 : vector<256x128xi1>, vector<256x128xi32>
    %roll3A_120 = arith.constant 1 : i32
    %roll3A_121 = tpu.dynamic_rotate %select_n3A_108 by %roll3A_120 dim 1 : vector<256x128xi32>, i32 -> vector<256x128xi32>
    %roll3A_122 = arith.constant 127 : i32
    %roll3A_123 = tpu.dynamic_rotate %select_n3A_108 by %roll3A_122 dim 1 : vector<256x128xi32>, i32 -> vector<256x128xi32>
    %select_n3A_124 = arith.select %ne3A_114, %roll3A_121, %roll3A_123 : vector<256x128xi1>, vector<256x128xi32>
    %gt3A_125 = arith.cmpi sgt, %select_n3A_107, %select_n3A_119 : vector<256x128xi32>
    %eq3A_126 = arith.cmpi eq, %select_n3A_107, %select_n3A_119 : vector<256x128xi32>
    %lt3A_127 = arith.cmpi slt, %select_n3A_108, %select_n3A_124 : vector<256x128xi32>
    %and3A_128 = arith.andi %eq3A_126, %lt3A_127 : vector<256x128xi1>
    %or3A_129 = arith.ori %gt3A_125, %and3A_128 : vector<256x128xi1>
    %xor3A_130 = arith.xori %or3A_129, %ne3A_114 : vector<256x128xi1>
    %xor3A_131 = arith.xori %xor3A_130, %ne3A_83 : vector<256x128xi1>
    %select_n3A_132 = arith.select %xor3A_131, %select_n3A_107, %select_n3A_119 : vector<256x128xi1>, vector<256x128xi32>
    %select_n3A_133 = arith.select %xor3A_131, %select_n3A_108, %select_n3A_124 : vector<256x128xi1>, vector<256x128xi32>
    %shift_right_arithmetic3A_134 = arith.constant 3 : i32
    %shift_right_arithmetic3A_135 = vector.broadcast %shift_right_arithmetic3A_134 : i32 to vector<256x128xi32>
    %shift_right_arithmetic3A_136 = arith.shrsi %add3A, %shift_right_arithmetic3A_135 : vector<256x128xi32>
    %and3A_137 = arith.constant 1 : i32
    %and3A_138 = vector.broadcast %and3A_137 : i32 to vector<256x128xi32>
    %and3A_139 = arith.andi %shift_right_arithmetic3A_136, %and3A_138 : vector<256x128xi32>
    %ne3A_140 = arith.constant 0 : i32
    %ne3A_141 = vector.broadcast %ne3A_140 : i32 to vector<256x128xi32>
    %ne3A_142 = arith.cmpi ne, %and3A_139, %ne3A_141 : vector<256x128xi32>
    %and3A_143 = arith.constant 4 : i32
    %and3A_144 = vector.broadcast %and3A_143 : i32 to vector<256x128xi32>
    %and3A_145 = arith.andi %add3A, %and3A_144 : vector<256x128xi32>
    %ne3A_146 = arith.constant 0 : i32
    %ne3A_147 = vector.broadcast %ne3A_146 : i32 to vector<256x128xi32>
    %ne3A_148 = arith.cmpi ne, %and3A_145, %ne3A_147 : vector<256x128xi32>
    %roll3A_149 = arith.constant 4 : i32
    %roll3A_150 = tpu.dynamic_rotate %select_n3A_132 by %roll3A_149 dim 1 : vector<256x128xi32>, i32 -> vector<256x128xi32>
    %roll3A_151 = arith.constant 124 : i32
    %roll3A_152 = tpu.dynamic_rotate %select_n3A_132 by %roll3A_151 dim 1 : vector<256x128xi32>, i32 -> vector<256x128xi32>
    %select_n3A_153 = arith.select %ne3A_148, %roll3A_150, %roll3A_152 : vector<256x128xi1>, vector<256x128xi32>
    %roll3A_154 = arith.constant 4 : i32
    %roll3A_155 = tpu.dynamic_rotate %select_n3A_133 by %roll3A_154 dim 1 : vector<256x128xi32>, i32 -> vector<256x128xi32>
    %roll3A_156 = arith.constant 124 : i32
    %roll3A_157 = tpu.dynamic_rotate %select_n3A_133 by %roll3A_156 dim 1 : vector<256x128xi32>, i32 -> vector<256x128xi32>
    %select_n3A_158 = arith.select %ne3A_148, %roll3A_155, %roll3A_157 : vector<256x128xi1>, vector<256x128xi32>
    %gt3A_159 = arith.cmpi sgt, %select_n3A_132, %select_n3A_153 : vector<256x128xi32>
    %eq3A_160 = arith.cmpi eq, %select_n3A_132, %select_n3A_153 : vector<256x128xi32>
    %lt3A_161 = arith.cmpi slt, %select_n3A_133, %select_n3A_158 : vector<256x128xi32>
    %and3A_162 = arith.andi %eq3A_160, %lt3A_161 : vector<256x128xi1>
    %or3A_163 = arith.ori %gt3A_159, %and3A_162 : vector<256x128xi1>
    %xor3A_164 = arith.xori %or3A_163, %ne3A_148 : vector<256x128xi1>
    %xor3A_165 = arith.xori %xor3A_164, %ne3A_142 : vector<256x128xi1>
    %select_n3A_166 = arith.select %xor3A_165, %select_n3A_132, %select_n3A_153 : vector<256x128xi1>, vector<256x128xi32>
    %select_n3A_167 = arith.select %xor3A_165, %select_n3A_133, %select_n3A_158 : vector<256x128xi1>, vector<256x128xi32>
    %and3A_168 = arith.constant 2 : i32
    %and3A_169 = vector.broadcast %and3A_168 : i32 to vector<256x128xi32>
    %and3A_170 = arith.andi %add3A, %and3A_169 : vector<256x128xi32>
    %ne3A_171 = arith.constant 0 : i32
    %ne3A_172 = vector.broadcast %ne3A_171 : i32 to vector<256x128xi32>
    %ne3A_173 = arith.cmpi ne, %and3A_170, %ne3A_172 : vector<256x128xi32>
    %roll3A_174 = arith.constant 2 : i32
    %roll3A_175 = tpu.dynamic_rotate %select_n3A_166 by %roll3A_174 dim 1 : vector<256x128xi32>, i32 -> vector<256x128xi32>
    %roll3A_176 = arith.constant 126 : i32
    %roll3A_177 = tpu.dynamic_rotate %select_n3A_166 by %roll3A_176 dim 1 : vector<256x128xi32>, i32 -> vector<256x128xi32>
    %select_n3A_178 = arith.select %ne3A_173, %roll3A_175, %roll3A_177 : vector<256x128xi1>, vector<256x128xi32>
    %roll3A_179 = arith.constant 2 : i32
    %roll3A_180 = tpu.dynamic_rotate %select_n3A_167 by %roll3A_179 dim 1 : vector<256x128xi32>, i32 -> vector<256x128xi32>
    %roll3A_181 = arith.constant 126 : i32
    %roll3A_182 = tpu.dynamic_rotate %select_n3A_167 by %roll3A_181 dim 1 : vector<256x128xi32>, i32 -> vector<256x128xi32>
    %select_n3A_183 = arith.select %ne3A_173, %roll3A_180, %roll3A_182 : vector<256x128xi1>, vector<256x128xi32>
    %gt3A_184 = arith.cmpi sgt, %select_n3A_166, %select_n3A_178 : vector<256x128xi32>
    %eq3A_185 = arith.cmpi eq, %select_n3A_166, %select_n3A_178 : vector<256x128xi32>
    %lt3A_186 = arith.cmpi slt, %select_n3A_167, %select_n3A_183 : vector<256x128xi32>
    %and3A_187 = arith.andi %eq3A_185, %lt3A_186 : vector<256x128xi1>
    %or3A_188 = arith.ori %gt3A_184, %and3A_187 : vector<256x128xi1>
    %xor3A_189 = arith.xori %or3A_188, %ne3A_173 : vector<256x128xi1>
    %xor3A_190 = arith.xori %xor3A_189, %ne3A_142 : vector<256x128xi1>
    %select_n3A_191 = arith.select %xor3A_190, %select_n3A_166, %select_n3A_178 : vector<256x128xi1>, vector<256x128xi32>
    %select_n3A_192 = arith.select %xor3A_190, %select_n3A_167, %select_n3A_183 : vector<256x128xi1>, vector<256x128xi32>
    %and3A_193 = arith.constant 1 : i32
    %and3A_194 = vector.broadcast %and3A_193 : i32 to vector<256x128xi32>
    %and3A_195 = arith.andi %add3A, %and3A_194 : vector<256x128xi32>
    %ne3A_196 = arith.constant 0 : i32
    %ne3A_197 = vector.broadcast %ne3A_196 : i32 to vector<256x128xi32>
    %ne3A_198 = arith.cmpi ne, %and3A_195, %ne3A_197 : vector<256x128xi32>
    %roll3A_199 = arith.constant 1 : i32
    %roll3A_200 = tpu.dynamic_rotate %select_n3A_191 by %roll3A_199 dim 1 : vector<256x128xi32>, i32 -> vector<256x128xi32>
    %roll3A_201 = arith.constant 127 : i32
    %roll3A_202 = tpu.dynamic_rotate %select_n3A_191 by %roll3A_201 dim 1 : vector<256x128xi32>, i32 -> vector<256x128xi32>
    %select_n3A_203 = arith.select %ne3A_198, %roll3A_200, %roll3A_202 : vector<256x128xi1>, vector<256x128xi32>
    %roll3A_204 = arith.constant 1 : i32
    %roll3A_205 = tpu.dynamic_rotate %select_n3A_192 by %roll3A_204 dim 1 : vector<256x128xi32>, i32 -> vector<256x128xi32>
    %roll3A_206 = arith.constant 127 : i32
    %roll3A_207 = tpu.dynamic_rotate %select_n3A_192 by %roll3A_206 dim 1 : vector<256x128xi32>, i32 -> vector<256x128xi32>
    %select_n3A_208 = arith.select %ne3A_198, %roll3A_205, %roll3A_207 : vector<256x128xi1>, vector<256x128xi32>
    %gt3A_209 = arith.cmpi sgt, %select_n3A_191, %select_n3A_203 : vector<256x128xi32>
    %eq3A_210 = arith.cmpi eq, %select_n3A_191, %select_n3A_203 : vector<256x128xi32>
    %lt3A_211 = arith.cmpi slt, %select_n3A_192, %select_n3A_208 : vector<256x128xi32>
    %and3A_212 = arith.andi %eq3A_210, %lt3A_211 : vector<256x128xi1>
    %or3A_213 = arith.ori %gt3A_209, %and3A_212 : vector<256x128xi1>
    %xor3A_214 = arith.xori %or3A_213, %ne3A_198 : vector<256x128xi1>
    %xor3A_215 = arith.xori %xor3A_214, %ne3A_142 : vector<256x128xi1>
    %select_n3A_216 = arith.select %xor3A_215, %select_n3A_191, %select_n3A_203 : vector<256x128xi1>, vector<256x128xi32>
    %select_n3A_217 = arith.select %xor3A_215, %select_n3A_192, %select_n3A_208 : vector<256x128xi1>, vector<256x128xi32>
    %shift_right_arithmetic3A_218 = arith.constant 4 : i32
    %shift_right_arithmetic3A_219 = vector.broadcast %shift_right_arithmetic3A_218 : i32 to vector<256x128xi32>
    %shift_right_arithmetic3A_220 = arith.shrsi %add3A, %shift_right_arithmetic3A_219 : vector<256x128xi32>
    %and3A_221 = arith.constant 1 : i32
    %and3A_222 = vector.broadcast %and3A_221 : i32 to vector<256x128xi32>
    %and3A_223 = arith.andi %shift_right_arithmetic3A_220, %and3A_222 : vector<256x128xi32>
    %ne3A_224 = arith.constant 0 : i32
    %ne3A_225 = vector.broadcast %ne3A_224 : i32 to vector<256x128xi32>
    %ne3A_226 = arith.cmpi ne, %and3A_223, %ne3A_225 : vector<256x128xi32>
    %and3A_227 = arith.constant 8 : i32
    %and3A_228 = vector.broadcast %and3A_227 : i32 to vector<256x128xi32>
    %and3A_229 = arith.andi %add3A, %and3A_228 : vector<256x128xi32>
    %ne3A_230 = arith.constant 0 : i32
    %ne3A_231 = vector.broadcast %ne3A_230 : i32 to vector<256x128xi32>
    %ne3A_232 = arith.cmpi ne, %and3A_229, %ne3A_231 : vector<256x128xi32>
    %roll3A_233 = arith.constant 8 : i32
    %roll3A_234 = tpu.dynamic_rotate %select_n3A_216 by %roll3A_233 dim 1 : vector<256x128xi32>, i32 -> vector<256x128xi32>
    %roll3A_235 = arith.constant 120 : i32
    %roll3A_236 = tpu.dynamic_rotate %select_n3A_216 by %roll3A_235 dim 1 : vector<256x128xi32>, i32 -> vector<256x128xi32>
    %select_n3A_237 = arith.select %ne3A_232, %roll3A_234, %roll3A_236 : vector<256x128xi1>, vector<256x128xi32>
    %roll3A_238 = arith.constant 8 : i32
    %roll3A_239 = tpu.dynamic_rotate %select_n3A_217 by %roll3A_238 dim 1 : vector<256x128xi32>, i32 -> vector<256x128xi32>
    %roll3A_240 = arith.constant 120 : i32
    %roll3A_241 = tpu.dynamic_rotate %select_n3A_217 by %roll3A_240 dim 1 : vector<256x128xi32>, i32 -> vector<256x128xi32>
    %select_n3A_242 = arith.select %ne3A_232, %roll3A_239, %roll3A_241 : vector<256x128xi1>, vector<256x128xi32>
    %gt3A_243 = arith.cmpi sgt, %select_n3A_216, %select_n3A_237 : vector<256x128xi32>
    %eq3A_244 = arith.cmpi eq, %select_n3A_216, %select_n3A_237 : vector<256x128xi32>
    %lt3A_245 = arith.cmpi slt, %select_n3A_217, %select_n3A_242 : vector<256x128xi32>
    %and3A_246 = arith.andi %eq3A_244, %lt3A_245 : vector<256x128xi1>
    %or3A_247 = arith.ori %gt3A_243, %and3A_246 : vector<256x128xi1>
    %xor3A_248 = arith.xori %or3A_247, %ne3A_232 : vector<256x128xi1>
    %xor3A_249 = arith.xori %xor3A_248, %ne3A_226 : vector<256x128xi1>
    %select_n3A_250 = arith.select %xor3A_249, %select_n3A_216, %select_n3A_237 : vector<256x128xi1>, vector<256x128xi32>
    %select_n3A_251 = arith.select %xor3A_249, %select_n3A_217, %select_n3A_242 : vector<256x128xi1>, vector<256x128xi32>
    %and3A_252 = arith.constant 4 : i32
    %and3A_253 = vector.broadcast %and3A_252 : i32 to vector<256x128xi32>
    %and3A_254 = arith.andi %add3A, %and3A_253 : vector<256x128xi32>
    %ne3A_255 = arith.constant 0 : i32
    %ne3A_256 = vector.broadcast %ne3A_255 : i32 to vector<256x128xi32>
    %ne3A_257 = arith.cmpi ne, %and3A_254, %ne3A_256 : vector<256x128xi32>
    %roll3A_258 = arith.constant 4 : i32
    %roll3A_259 = tpu.dynamic_rotate %select_n3A_250 by %roll3A_258 dim 1 : vector<256x128xi32>, i32 -> vector<256x128xi32>
    %roll3A_260 = arith.constant 124 : i32
    %roll3A_261 = tpu.dynamic_rotate %select_n3A_250 by %roll3A_260 dim 1 : vector<256x128xi32>, i32 -> vector<256x128xi32>
    %select_n3A_262 = arith.select %ne3A_257, %roll3A_259, %roll3A_261 : vector<256x128xi1>, vector<256x128xi32>
    %roll3A_263 = arith.constant 4 : i32
    %roll3A_264 = tpu.dynamic_rotate %select_n3A_251 by %roll3A_263 dim 1 : vector<256x128xi32>, i32 -> vector<256x128xi32>
    %roll3A_265 = arith.constant 124 : i32
    %roll3A_266 = tpu.dynamic_rotate %select_n3A_251 by %roll3A_265 dim 1 : vector<256x128xi32>, i32 -> vector<256x128xi32>
    %select_n3A_267 = arith.select %ne3A_257, %roll3A_264, %roll3A_266 : vector<256x128xi1>, vector<256x128xi32>
    %gt3A_268 = arith.cmpi sgt, %select_n3A_250, %select_n3A_262 : vector<256x128xi32>
    %eq3A_269 = arith.cmpi eq, %select_n3A_250, %select_n3A_262 : vector<256x128xi32>
    %lt3A_270 = arith.cmpi slt, %select_n3A_251, %select_n3A_267 : vector<256x128xi32>
    %and3A_271 = arith.andi %eq3A_269, %lt3A_270 : vector<256x128xi1>
    %or3A_272 = arith.ori %gt3A_268, %and3A_271 : vector<256x128xi1>
    %xor3A_273 = arith.xori %or3A_272, %ne3A_257 : vector<256x128xi1>
    %xor3A_274 = arith.xori %xor3A_273, %ne3A_226 : vector<256x128xi1>
    %select_n3A_275 = arith.select %xor3A_274, %select_n3A_250, %select_n3A_262 : vector<256x128xi1>, vector<256x128xi32>
    %select_n3A_276 = arith.select %xor3A_274, %select_n3A_251, %select_n3A_267 : vector<256x128xi1>, vector<256x128xi32>
    %and3A_277 = arith.constant 2 : i32
    %and3A_278 = vector.broadcast %and3A_277 : i32 to vector<256x128xi32>
    %and3A_279 = arith.andi %add3A, %and3A_278 : vector<256x128xi32>
    %ne3A_280 = arith.constant 0 : i32
    %ne3A_281 = vector.broadcast %ne3A_280 : i32 to vector<256x128xi32>
    %ne3A_282 = arith.cmpi ne, %and3A_279, %ne3A_281 : vector<256x128xi32>
    %roll3A_283 = arith.constant 2 : i32
    %roll3A_284 = tpu.dynamic_rotate %select_n3A_275 by %roll3A_283 dim 1 : vector<256x128xi32>, i32 -> vector<256x128xi32>
    %roll3A_285 = arith.constant 126 : i32
    %roll3A_286 = tpu.dynamic_rotate %select_n3A_275 by %roll3A_285 dim 1 : vector<256x128xi32>, i32 -> vector<256x128xi32>
    %select_n3A_287 = arith.select %ne3A_282, %roll3A_284, %roll3A_286 : vector<256x128xi1>, vector<256x128xi32>
    %roll3A_288 = arith.constant 2 : i32
    %roll3A_289 = tpu.dynamic_rotate %select_n3A_276 by %roll3A_288 dim 1 : vector<256x128xi32>, i32 -> vector<256x128xi32>
    %roll3A_290 = arith.constant 126 : i32
    %roll3A_291 = tpu.dynamic_rotate %select_n3A_276 by %roll3A_290 dim 1 : vector<256x128xi32>, i32 -> vector<256x128xi32>
    %select_n3A_292 = arith.select %ne3A_282, %roll3A_289, %roll3A_291 : vector<256x128xi1>, vector<256x128xi32>
    %gt3A_293 = arith.cmpi sgt, %select_n3A_275, %select_n3A_287 : vector<256x128xi32>
    %eq3A_294 = arith.cmpi eq, %select_n3A_275, %select_n3A_287 : vector<256x128xi32>
    %lt3A_295 = arith.cmpi slt, %select_n3A_276, %select_n3A_292 : vector<256x128xi32>
    %and3A_296 = arith.andi %eq3A_294, %lt3A_295 : vector<256x128xi1>
    %or3A_297 = arith.ori %gt3A_293, %and3A_296 : vector<256x128xi1>
    %xor3A_298 = arith.xori %or3A_297, %ne3A_282 : vector<256x128xi1>
    %xor3A_299 = arith.xori %xor3A_298, %ne3A_226 : vector<256x128xi1>
    %select_n3A_300 = arith.select %xor3A_299, %select_n3A_275, %select_n3A_287 : vector<256x128xi1>, vector<256x128xi32>
    %select_n3A_301 = arith.select %xor3A_299, %select_n3A_276, %select_n3A_292 : vector<256x128xi1>, vector<256x128xi32>
    %and3A_302 = arith.constant 1 : i32
    %and3A_303 = vector.broadcast %and3A_302 : i32 to vector<256x128xi32>
    %and3A_304 = arith.andi %add3A, %and3A_303 : vector<256x128xi32>
    %ne3A_305 = arith.constant 0 : i32
    %ne3A_306 = vector.broadcast %ne3A_305 : i32 to vector<256x128xi32>
    %ne3A_307 = arith.cmpi ne, %and3A_304, %ne3A_306 : vector<256x128xi32>
    %roll3A_308 = arith.constant 1 : i32
    %roll3A_309 = tpu.dynamic_rotate %select_n3A_300 by %roll3A_308 dim 1 : vector<256x128xi32>, i32 -> vector<256x128xi32>
    %roll3A_310 = arith.constant 127 : i32
    %roll3A_311 = tpu.dynamic_rotate %select_n3A_300 by %roll3A_310 dim 1 : vector<256x128xi32>, i32 -> vector<256x128xi32>
    %select_n3A_312 = arith.select %ne3A_307, %roll3A_309, %roll3A_311 : vector<256x128xi1>, vector<256x128xi32>
    %roll3A_313 = arith.constant 1 : i32
    %roll3A_314 = tpu.dynamic_rotate %select_n3A_301 by %roll3A_313 dim 1 : vector<256x128xi32>, i32 -> vector<256x128xi32>
    %roll3A_315 = arith.constant 127 : i32
    %roll3A_316 = tpu.dynamic_rotate %select_n3A_301 by %roll3A_315 dim 1 : vector<256x128xi32>, i32 -> vector<256x128xi32>
    %select_n3A_317 = arith.select %ne3A_307, %roll3A_314, %roll3A_316 : vector<256x128xi1>, vector<256x128xi32>
    %gt3A_318 = arith.cmpi sgt, %select_n3A_300, %select_n3A_312 : vector<256x128xi32>
    %eq3A_319 = arith.cmpi eq, %select_n3A_300, %select_n3A_312 : vector<256x128xi32>
    %lt3A_320 = arith.cmpi slt, %select_n3A_301, %select_n3A_317 : vector<256x128xi32>
    %and3A_321 = arith.andi %eq3A_319, %lt3A_320 : vector<256x128xi1>
    %or3A_322 = arith.ori %gt3A_318, %and3A_321 : vector<256x128xi1>
    %xor3A_323 = arith.xori %or3A_322, %ne3A_307 : vector<256x128xi1>
    %xor3A_324 = arith.xori %xor3A_323, %ne3A_226 : vector<256x128xi1>
    %select_n3A_325 = arith.select %xor3A_324, %select_n3A_300, %select_n3A_312 : vector<256x128xi1>, vector<256x128xi32>
    %select_n3A_326 = arith.select %xor3A_324, %select_n3A_301, %select_n3A_317 : vector<256x128xi1>, vector<256x128xi32>
    %shift_right_arithmetic3A_327 = arith.constant 5 : i32
    %shift_right_arithmetic3A_328 = vector.broadcast %shift_right_arithmetic3A_327 : i32 to vector<256x128xi32>
    %shift_right_arithmetic3A_329 = arith.shrsi %add3A, %shift_right_arithmetic3A_328 : vector<256x128xi32>
    %and3A_330 = arith.constant 1 : i32
    %and3A_331 = vector.broadcast %and3A_330 : i32 to vector<256x128xi32>
    %and3A_332 = arith.andi %shift_right_arithmetic3A_329, %and3A_331 : vector<256x128xi32>
    %ne3A_333 = arith.constant 0 : i32
    %ne3A_334 = vector.broadcast %ne3A_333 : i32 to vector<256x128xi32>
    %ne3A_335 = arith.cmpi ne, %and3A_332, %ne3A_334 : vector<256x128xi32>
    %and3A_336 = arith.constant 16 : i32
    %and3A_337 = vector.broadcast %and3A_336 : i32 to vector<256x128xi32>
    %and3A_338 = arith.andi %add3A, %and3A_337 : vector<256x128xi32>
    %ne3A_339 = arith.constant 0 : i32
    %ne3A_340 = vector.broadcast %ne3A_339 : i32 to vector<256x128xi32>
    %ne3A_341 = arith.cmpi ne, %and3A_338, %ne3A_340 : vector<256x128xi32>
    %roll3A_342 = arith.constant 16 : i32
    %roll3A_343 = tpu.dynamic_rotate %select_n3A_325 by %roll3A_342 dim 1 : vector<256x128xi32>, i32 -> vector<256x128xi32>
    %roll3A_344 = arith.constant 112 : i32
    %roll3A_345 = tpu.dynamic_rotate %select_n3A_325 by %roll3A_344 dim 1 : vector<256x128xi32>, i32 -> vector<256x128xi32>
    %select_n3A_346 = arith.select %ne3A_341, %roll3A_343, %roll3A_345 : vector<256x128xi1>, vector<256x128xi32>
    %roll3A_347 = arith.constant 16 : i32
    %roll3A_348 = tpu.dynamic_rotate %select_n3A_326 by %roll3A_347 dim 1 : vector<256x128xi32>, i32 -> vector<256x128xi32>
    %roll3A_349 = arith.constant 112 : i32
    %roll3A_350 = tpu.dynamic_rotate %select_n3A_326 by %roll3A_349 dim 1 : vector<256x128xi32>, i32 -> vector<256x128xi32>
    %select_n3A_351 = arith.select %ne3A_341, %roll3A_348, %roll3A_350 : vector<256x128xi1>, vector<256x128xi32>
    %gt3A_352 = arith.cmpi sgt, %select_n3A_325, %select_n3A_346 : vector<256x128xi32>
    %eq3A_353 = arith.cmpi eq, %select_n3A_325, %select_n3A_346 : vector<256x128xi32>
    %lt3A_354 = arith.cmpi slt, %select_n3A_326, %select_n3A_351 : vector<256x128xi32>
    %and3A_355 = arith.andi %eq3A_353, %lt3A_354 : vector<256x128xi1>
    %or3A_356 = arith.ori %gt3A_352, %and3A_355 : vector<256x128xi1>
    %xor3A_357 = arith.xori %or3A_356, %ne3A_341 : vector<256x128xi1>
    %xor3A_358 = arith.xori %xor3A_357, %ne3A_335 : vector<256x128xi1>
    %select_n3A_359 = arith.select %xor3A_358, %select_n3A_325, %select_n3A_346 : vector<256x128xi1>, vector<256x128xi32>
    %select_n3A_360 = arith.select %xor3A_358, %select_n3A_326, %select_n3A_351 : vector<256x128xi1>, vector<256x128xi32>
    %and3A_361 = arith.constant 8 : i32
    %and3A_362 = vector.broadcast %and3A_361 : i32 to vector<256x128xi32>
    %and3A_363 = arith.andi %add3A, %and3A_362 : vector<256x128xi32>
    %ne3A_364 = arith.constant 0 : i32
    %ne3A_365 = vector.broadcast %ne3A_364 : i32 to vector<256x128xi32>
    %ne3A_366 = arith.cmpi ne, %and3A_363, %ne3A_365 : vector<256x128xi32>
    %roll3A_367 = arith.constant 8 : i32
    %roll3A_368 = tpu.dynamic_rotate %select_n3A_359 by %roll3A_367 dim 1 : vector<256x128xi32>, i32 -> vector<256x128xi32>
    %roll3A_369 = arith.constant 120 : i32
    %roll3A_370 = tpu.dynamic_rotate %select_n3A_359 by %roll3A_369 dim 1 : vector<256x128xi32>, i32 -> vector<256x128xi32>
    %select_n3A_371 = arith.select %ne3A_366, %roll3A_368, %roll3A_370 : vector<256x128xi1>, vector<256x128xi32>
    %roll3A_372 = arith.constant 8 : i32
    %roll3A_373 = tpu.dynamic_rotate %select_n3A_360 by %roll3A_372 dim 1 : vector<256x128xi32>, i32 -> vector<256x128xi32>
    %roll3A_374 = arith.constant 120 : i32
    %roll3A_375 = tpu.dynamic_rotate %select_n3A_360 by %roll3A_374 dim 1 : vector<256x128xi32>, i32 -> vector<256x128xi32>
    %select_n3A_376 = arith.select %ne3A_366, %roll3A_373, %roll3A_375 : vector<256x128xi1>, vector<256x128xi32>
    %gt3A_377 = arith.cmpi sgt, %select_n3A_359, %select_n3A_371 : vector<256x128xi32>
    %eq3A_378 = arith.cmpi eq, %select_n3A_359, %select_n3A_371 : vector<256x128xi32>
    %lt3A_379 = arith.cmpi slt, %select_n3A_360, %select_n3A_376 : vector<256x128xi32>
    %and3A_380 = arith.andi %eq3A_378, %lt3A_379 : vector<256x128xi1>
    %or3A_381 = arith.ori %gt3A_377, %and3A_380 : vector<256x128xi1>
    %xor3A_382 = arith.xori %or3A_381, %ne3A_366 : vector<256x128xi1>
    %xor3A_383 = arith.xori %xor3A_382, %ne3A_335 : vector<256x128xi1>
    %select_n3A_384 = arith.select %xor3A_383, %select_n3A_359, %select_n3A_371 : vector<256x128xi1>, vector<256x128xi32>
    %select_n3A_385 = arith.select %xor3A_383, %select_n3A_360, %select_n3A_376 : vector<256x128xi1>, vector<256x128xi32>
    %and3A_386 = arith.constant 4 : i32
    %and3A_387 = vector.broadcast %and3A_386 : i32 to vector<256x128xi32>
    %and3A_388 = arith.andi %add3A, %and3A_387 : vector<256x128xi32>
    %ne3A_389 = arith.constant 0 : i32
    %ne3A_390 = vector.broadcast %ne3A_389 : i32 to vector<256x128xi32>
    %ne3A_391 = arith.cmpi ne, %and3A_388, %ne3A_390 : vector<256x128xi32>
    %roll3A_392 = arith.constant 4 : i32
    %roll3A_393 = tpu.dynamic_rotate %select_n3A_384 by %roll3A_392 dim 1 : vector<256x128xi32>, i32 -> vector<256x128xi32>
    %roll3A_394 = arith.constant 124 : i32
    %roll3A_395 = tpu.dynamic_rotate %select_n3A_384 by %roll3A_394 dim 1 : vector<256x128xi32>, i32 -> vector<256x128xi32>
    %select_n3A_396 = arith.select %ne3A_391, %roll3A_393, %roll3A_395 : vector<256x128xi1>, vector<256x128xi32>
    %roll3A_397 = arith.constant 4 : i32
    %roll3A_398 = tpu.dynamic_rotate %select_n3A_385 by %roll3A_397 dim 1 : vector<256x128xi32>, i32 -> vector<256x128xi32>
    %roll3A_399 = arith.constant 124 : i32
    %roll3A_400 = tpu.dynamic_rotate %select_n3A_385 by %roll3A_399 dim 1 : vector<256x128xi32>, i32 -> vector<256x128xi32>
    %select_n3A_401 = arith.select %ne3A_391, %roll3A_398, %roll3A_400 : vector<256x128xi1>, vector<256x128xi32>
    %gt3A_402 = arith.cmpi sgt, %select_n3A_384, %select_n3A_396 : vector<256x128xi32>
    %eq3A_403 = arith.cmpi eq, %select_n3A_384, %select_n3A_396 : vector<256x128xi32>
    %lt3A_404 = arith.cmpi slt, %select_n3A_385, %select_n3A_401 : vector<256x128xi32>
    %and3A_405 = arith.andi %eq3A_403, %lt3A_404 : vector<256x128xi1>
    %or3A_406 = arith.ori %gt3A_402, %and3A_405 : vector<256x128xi1>
    %xor3A_407 = arith.xori %or3A_406, %ne3A_391 : vector<256x128xi1>
    %xor3A_408 = arith.xori %xor3A_407, %ne3A_335 : vector<256x128xi1>
    %select_n3A_409 = arith.select %xor3A_408, %select_n3A_384, %select_n3A_396 : vector<256x128xi1>, vector<256x128xi32>
    %select_n3A_410 = arith.select %xor3A_408, %select_n3A_385, %select_n3A_401 : vector<256x128xi1>, vector<256x128xi32>
    %and3A_411 = arith.constant 2 : i32
    %and3A_412 = vector.broadcast %and3A_411 : i32 to vector<256x128xi32>
    %and3A_413 = arith.andi %add3A, %and3A_412 : vector<256x128xi32>
    %ne3A_414 = arith.constant 0 : i32
    %ne3A_415 = vector.broadcast %ne3A_414 : i32 to vector<256x128xi32>
    %ne3A_416 = arith.cmpi ne, %and3A_413, %ne3A_415 : vector<256x128xi32>
    %roll3A_417 = arith.constant 2 : i32
    %roll3A_418 = tpu.dynamic_rotate %select_n3A_409 by %roll3A_417 dim 1 : vector<256x128xi32>, i32 -> vector<256x128xi32>
    %roll3A_419 = arith.constant 126 : i32
    %roll3A_420 = tpu.dynamic_rotate %select_n3A_409 by %roll3A_419 dim 1 : vector<256x128xi32>, i32 -> vector<256x128xi32>
    %select_n3A_421 = arith.select %ne3A_416, %roll3A_418, %roll3A_420 : vector<256x128xi1>, vector<256x128xi32>
    %roll3A_422 = arith.constant 2 : i32
    %roll3A_423 = tpu.dynamic_rotate %select_n3A_410 by %roll3A_422 dim 1 : vector<256x128xi32>, i32 -> vector<256x128xi32>
    %roll3A_424 = arith.constant 126 : i32
    %roll3A_425 = tpu.dynamic_rotate %select_n3A_410 by %roll3A_424 dim 1 : vector<256x128xi32>, i32 -> vector<256x128xi32>
    %select_n3A_426 = arith.select %ne3A_416, %roll3A_423, %roll3A_425 : vector<256x128xi1>, vector<256x128xi32>
    %gt3A_427 = arith.cmpi sgt, %select_n3A_409, %select_n3A_421 : vector<256x128xi32>
    %eq3A_428 = arith.cmpi eq, %select_n3A_409, %select_n3A_421 : vector<256x128xi32>
    %lt3A_429 = arith.cmpi slt, %select_n3A_410, %select_n3A_426 : vector<256x128xi32>
    %and3A_430 = arith.andi %eq3A_428, %lt3A_429 : vector<256x128xi1>
    %or3A_431 = arith.ori %gt3A_427, %and3A_430 : vector<256x128xi1>
    %xor3A_432 = arith.xori %or3A_431, %ne3A_416 : vector<256x128xi1>
    %xor3A_433 = arith.xori %xor3A_432, %ne3A_335 : vector<256x128xi1>
    %select_n3A_434 = arith.select %xor3A_433, %select_n3A_409, %select_n3A_421 : vector<256x128xi1>, vector<256x128xi32>
    %select_n3A_435 = arith.select %xor3A_433, %select_n3A_410, %select_n3A_426 : vector<256x128xi1>, vector<256x128xi32>
    %and3A_436 = arith.constant 1 : i32
    %and3A_437 = vector.broadcast %and3A_436 : i32 to vector<256x128xi32>
    %and3A_438 = arith.andi %add3A, %and3A_437 : vector<256x128xi32>
    %ne3A_439 = arith.constant 0 : i32
    %ne3A_440 = vector.broadcast %ne3A_439 : i32 to vector<256x128xi32>
    %ne3A_441 = arith.cmpi ne, %and3A_438, %ne3A_440 : vector<256x128xi32>
    %roll3A_442 = arith.constant 1 : i32
    %roll3A_443 = tpu.dynamic_rotate %select_n3A_434 by %roll3A_442 dim 1 : vector<256x128xi32>, i32 -> vector<256x128xi32>
    %roll3A_444 = arith.constant 127 : i32
    %roll3A_445 = tpu.dynamic_rotate %select_n3A_434 by %roll3A_444 dim 1 : vector<256x128xi32>, i32 -> vector<256x128xi32>
    %select_n3A_446 = arith.select %ne3A_441, %roll3A_443, %roll3A_445 : vector<256x128xi1>, vector<256x128xi32>
    %roll3A_447 = arith.constant 1 : i32
    %roll3A_448 = tpu.dynamic_rotate %select_n3A_435 by %roll3A_447 dim 1 : vector<256x128xi32>, i32 -> vector<256x128xi32>
    %roll3A_449 = arith.constant 127 : i32
    %roll3A_450 = tpu.dynamic_rotate %select_n3A_435 by %roll3A_449 dim 1 : vector<256x128xi32>, i32 -> vector<256x128xi32>
    %select_n3A_451 = arith.select %ne3A_441, %roll3A_448, %roll3A_450 : vector<256x128xi1>, vector<256x128xi32>
    %gt3A_452 = arith.cmpi sgt, %select_n3A_434, %select_n3A_446 : vector<256x128xi32>
    %eq3A_453 = arith.cmpi eq, %select_n3A_434, %select_n3A_446 : vector<256x128xi32>
    %lt3A_454 = arith.cmpi slt, %select_n3A_435, %select_n3A_451 : vector<256x128xi32>
    %and3A_455 = arith.andi %eq3A_453, %lt3A_454 : vector<256x128xi1>
    %or3A_456 = arith.ori %gt3A_452, %and3A_455 : vector<256x128xi1>
    %xor3A_457 = arith.xori %or3A_456, %ne3A_441 : vector<256x128xi1>
    %xor3A_458 = arith.xori %xor3A_457, %ne3A_335 : vector<256x128xi1>
    %select_n3A_459 = arith.select %xor3A_458, %select_n3A_434, %select_n3A_446 : vector<256x128xi1>, vector<256x128xi32>
    %select_n3A_460 = arith.select %xor3A_458, %select_n3A_435, %select_n3A_451 : vector<256x128xi1>, vector<256x128xi32>
    %shift_right_arithmetic3A_461 = arith.constant 6 : i32
    %shift_right_arithmetic3A_462 = vector.broadcast %shift_right_arithmetic3A_461 : i32 to vector<256x128xi32>
    %shift_right_arithmetic3A_463 = arith.shrsi %add3A, %shift_right_arithmetic3A_462 : vector<256x128xi32>
    %and3A_464 = arith.constant 1 : i32
    %and3A_465 = vector.broadcast %and3A_464 : i32 to vector<256x128xi32>
    %and3A_466 = arith.andi %shift_right_arithmetic3A_463, %and3A_465 : vector<256x128xi32>
    %ne3A_467 = arith.constant 0 : i32
    %ne3A_468 = vector.broadcast %ne3A_467 : i32 to vector<256x128xi32>
    %ne3A_469 = arith.cmpi ne, %and3A_466, %ne3A_468 : vector<256x128xi32>
    %and3A_470 = arith.constant 32 : i32
    %and3A_471 = vector.broadcast %and3A_470 : i32 to vector<256x128xi32>
    %and3A_472 = arith.andi %add3A, %and3A_471 : vector<256x128xi32>
    %ne3A_473 = arith.constant 0 : i32
    %ne3A_474 = vector.broadcast %ne3A_473 : i32 to vector<256x128xi32>
    %ne3A_475 = arith.cmpi ne, %and3A_472, %ne3A_474 : vector<256x128xi32>
    %roll3A_476 = arith.constant 32 : i32
    %roll3A_477 = tpu.dynamic_rotate %select_n3A_459 by %roll3A_476 dim 1 : vector<256x128xi32>, i32 -> vector<256x128xi32>
    %roll3A_478 = arith.constant 96 : i32
    %roll3A_479 = tpu.dynamic_rotate %select_n3A_459 by %roll3A_478 dim 1 : vector<256x128xi32>, i32 -> vector<256x128xi32>
    %select_n3A_480 = arith.select %ne3A_475, %roll3A_477, %roll3A_479 : vector<256x128xi1>, vector<256x128xi32>
    %roll3A_481 = arith.constant 32 : i32
    %roll3A_482 = tpu.dynamic_rotate %select_n3A_460 by %roll3A_481 dim 1 : vector<256x128xi32>, i32 -> vector<256x128xi32>
    %roll3A_483 = arith.constant 96 : i32
    %roll3A_484 = tpu.dynamic_rotate %select_n3A_460 by %roll3A_483 dim 1 : vector<256x128xi32>, i32 -> vector<256x128xi32>
    %select_n3A_485 = arith.select %ne3A_475, %roll3A_482, %roll3A_484 : vector<256x128xi1>, vector<256x128xi32>
    %gt3A_486 = arith.cmpi sgt, %select_n3A_459, %select_n3A_480 : vector<256x128xi32>
    %eq3A_487 = arith.cmpi eq, %select_n3A_459, %select_n3A_480 : vector<256x128xi32>
    %lt3A_488 = arith.cmpi slt, %select_n3A_460, %select_n3A_485 : vector<256x128xi32>
    %and3A_489 = arith.andi %eq3A_487, %lt3A_488 : vector<256x128xi1>
    %or3A_490 = arith.ori %gt3A_486, %and3A_489 : vector<256x128xi1>
    %xor3A_491 = arith.xori %or3A_490, %ne3A_475 : vector<256x128xi1>
    %xor3A_492 = arith.xori %xor3A_491, %ne3A_469 : vector<256x128xi1>
    %select_n3A_493 = arith.select %xor3A_492, %select_n3A_459, %select_n3A_480 : vector<256x128xi1>, vector<256x128xi32>
    %select_n3A_494 = arith.select %xor3A_492, %select_n3A_460, %select_n3A_485 : vector<256x128xi1>, vector<256x128xi32>
    %and3A_495 = arith.constant 16 : i32
    %and3A_496 = vector.broadcast %and3A_495 : i32 to vector<256x128xi32>
    %and3A_497 = arith.andi %add3A, %and3A_496 : vector<256x128xi32>
    %ne3A_498 = arith.constant 0 : i32
    %ne3A_499 = vector.broadcast %ne3A_498 : i32 to vector<256x128xi32>
    %ne3A_500 = arith.cmpi ne, %and3A_497, %ne3A_499 : vector<256x128xi32>
    %roll3A_501 = arith.constant 16 : i32
    %roll3A_502 = tpu.dynamic_rotate %select_n3A_493 by %roll3A_501 dim 1 : vector<256x128xi32>, i32 -> vector<256x128xi32>
    %roll3A_503 = arith.constant 112 : i32
    %roll3A_504 = tpu.dynamic_rotate %select_n3A_493 by %roll3A_503 dim 1 : vector<256x128xi32>, i32 -> vector<256x128xi32>
    %select_n3A_505 = arith.select %ne3A_500, %roll3A_502, %roll3A_504 : vector<256x128xi1>, vector<256x128xi32>
    %roll3A_506 = arith.constant 16 : i32
    %roll3A_507 = tpu.dynamic_rotate %select_n3A_494 by %roll3A_506 dim 1 : vector<256x128xi32>, i32 -> vector<256x128xi32>
    %roll3A_508 = arith.constant 112 : i32
    %roll3A_509 = tpu.dynamic_rotate %select_n3A_494 by %roll3A_508 dim 1 : vector<256x128xi32>, i32 -> vector<256x128xi32>
    %select_n3A_510 = arith.select %ne3A_500, %roll3A_507, %roll3A_509 : vector<256x128xi1>, vector<256x128xi32>
    %gt3A_511 = arith.cmpi sgt, %select_n3A_493, %select_n3A_505 : vector<256x128xi32>
    %eq3A_512 = arith.cmpi eq, %select_n3A_493, %select_n3A_505 : vector<256x128xi32>
    %lt3A_513 = arith.cmpi slt, %select_n3A_494, %select_n3A_510 : vector<256x128xi32>
    %and3A_514 = arith.andi %eq3A_512, %lt3A_513 : vector<256x128xi1>
    %or3A_515 = arith.ori %gt3A_511, %and3A_514 : vector<256x128xi1>
    %xor3A_516 = arith.xori %or3A_515, %ne3A_500 : vector<256x128xi1>
    %xor3A_517 = arith.xori %xor3A_516, %ne3A_469 : vector<256x128xi1>
    %select_n3A_518 = arith.select %xor3A_517, %select_n3A_493, %select_n3A_505 : vector<256x128xi1>, vector<256x128xi32>
    %select_n3A_519 = arith.select %xor3A_517, %select_n3A_494, %select_n3A_510 : vector<256x128xi1>, vector<256x128xi32>
    %and3A_520 = arith.constant 8 : i32
    %and3A_521 = vector.broadcast %and3A_520 : i32 to vector<256x128xi32>
    %and3A_522 = arith.andi %add3A, %and3A_521 : vector<256x128xi32>
    %ne3A_523 = arith.constant 0 : i32
    %ne3A_524 = vector.broadcast %ne3A_523 : i32 to vector<256x128xi32>
    %ne3A_525 = arith.cmpi ne, %and3A_522, %ne3A_524 : vector<256x128xi32>
    %roll3A_526 = arith.constant 8 : i32
    %roll3A_527 = tpu.dynamic_rotate %select_n3A_518 by %roll3A_526 dim 1 : vector<256x128xi32>, i32 -> vector<256x128xi32>
    %roll3A_528 = arith.constant 120 : i32
    %roll3A_529 = tpu.dynamic_rotate %select_n3A_518 by %roll3A_528 dim 1 : vector<256x128xi32>, i32 -> vector<256x128xi32>
    %select_n3A_530 = arith.select %ne3A_525, %roll3A_527, %roll3A_529 : vector<256x128xi1>, vector<256x128xi32>
    %roll3A_531 = arith.constant 8 : i32
    %roll3A_532 = tpu.dynamic_rotate %select_n3A_519 by %roll3A_531 dim 1 : vector<256x128xi32>, i32 -> vector<256x128xi32>
    %roll3A_533 = arith.constant 120 : i32
    %roll3A_534 = tpu.dynamic_rotate %select_n3A_519 by %roll3A_533 dim 1 : vector<256x128xi32>, i32 -> vector<256x128xi32>
    %select_n3A_535 = arith.select %ne3A_525, %roll3A_532, %roll3A_534 : vector<256x128xi1>, vector<256x128xi32>
    %gt3A_536 = arith.cmpi sgt, %select_n3A_518, %select_n3A_530 : vector<256x128xi32>
    %eq3A_537 = arith.cmpi eq, %select_n3A_518, %select_n3A_530 : vector<256x128xi32>
    %lt3A_538 = arith.cmpi slt, %select_n3A_519, %select_n3A_535 : vector<256x128xi32>
    %and3A_539 = arith.andi %eq3A_537, %lt3A_538 : vector<256x128xi1>
    %or3A_540 = arith.ori %gt3A_536, %and3A_539 : vector<256x128xi1>
    %xor3A_541 = arith.xori %or3A_540, %ne3A_525 : vector<256x128xi1>
    %xor3A_542 = arith.xori %xor3A_541, %ne3A_469 : vector<256x128xi1>
    %select_n3A_543 = arith.select %xor3A_542, %select_n3A_518, %select_n3A_530 : vector<256x128xi1>, vector<256x128xi32>
    %select_n3A_544 = arith.select %xor3A_542, %select_n3A_519, %select_n3A_535 : vector<256x128xi1>, vector<256x128xi32>
    %and3A_545 = arith.constant 4 : i32
    %and3A_546 = vector.broadcast %and3A_545 : i32 to vector<256x128xi32>
    %and3A_547 = arith.andi %add3A, %and3A_546 : vector<256x128xi32>
    %ne3A_548 = arith.constant 0 : i32
    %ne3A_549 = vector.broadcast %ne3A_548 : i32 to vector<256x128xi32>
    %ne3A_550 = arith.cmpi ne, %and3A_547, %ne3A_549 : vector<256x128xi32>
    %roll3A_551 = arith.constant 4 : i32
    %roll3A_552 = tpu.dynamic_rotate %select_n3A_543 by %roll3A_551 dim 1 : vector<256x128xi32>, i32 -> vector<256x128xi32>
    %roll3A_553 = arith.constant 124 : i32
    %roll3A_554 = tpu.dynamic_rotate %select_n3A_543 by %roll3A_553 dim 1 : vector<256x128xi32>, i32 -> vector<256x128xi32>
    %select_n3A_555 = arith.select %ne3A_550, %roll3A_552, %roll3A_554 : vector<256x128xi1>, vector<256x128xi32>
    %roll3A_556 = arith.constant 4 : i32
    %roll3A_557 = tpu.dynamic_rotate %select_n3A_544 by %roll3A_556 dim 1 : vector<256x128xi32>, i32 -> vector<256x128xi32>
    %roll3A_558 = arith.constant 124 : i32
    %roll3A_559 = tpu.dynamic_rotate %select_n3A_544 by %roll3A_558 dim 1 : vector<256x128xi32>, i32 -> vector<256x128xi32>
    %select_n3A_560 = arith.select %ne3A_550, %roll3A_557, %roll3A_559 : vector<256x128xi1>, vector<256x128xi32>
    %gt3A_561 = arith.cmpi sgt, %select_n3A_543, %select_n3A_555 : vector<256x128xi32>
    %eq3A_562 = arith.cmpi eq, %select_n3A_543, %select_n3A_555 : vector<256x128xi32>
    %lt3A_563 = arith.cmpi slt, %select_n3A_544, %select_n3A_560 : vector<256x128xi32>
    %and3A_564 = arith.andi %eq3A_562, %lt3A_563 : vector<256x128xi1>
    %or3A_565 = arith.ori %gt3A_561, %and3A_564 : vector<256x128xi1>
    %xor3A_566 = arith.xori %or3A_565, %ne3A_550 : vector<256x128xi1>
    %xor3A_567 = arith.xori %xor3A_566, %ne3A_469 : vector<256x128xi1>
    %select_n3A_568 = arith.select %xor3A_567, %select_n3A_543, %select_n3A_555 : vector<256x128xi1>, vector<256x128xi32>
    %select_n3A_569 = arith.select %xor3A_567, %select_n3A_544, %select_n3A_560 : vector<256x128xi1>, vector<256x128xi32>
    %and3A_570 = arith.constant 2 : i32
    %and3A_571 = vector.broadcast %and3A_570 : i32 to vector<256x128xi32>
    %and3A_572 = arith.andi %add3A, %and3A_571 : vector<256x128xi32>
    %ne3A_573 = arith.constant 0 : i32
    %ne3A_574 = vector.broadcast %ne3A_573 : i32 to vector<256x128xi32>
    %ne3A_575 = arith.cmpi ne, %and3A_572, %ne3A_574 : vector<256x128xi32>
    %roll3A_576 = arith.constant 2 : i32
    %roll3A_577 = tpu.dynamic_rotate %select_n3A_568 by %roll3A_576 dim 1 : vector<256x128xi32>, i32 -> vector<256x128xi32>
    %roll3A_578 = arith.constant 126 : i32
    %roll3A_579 = tpu.dynamic_rotate %select_n3A_568 by %roll3A_578 dim 1 : vector<256x128xi32>, i32 -> vector<256x128xi32>
    %select_n3A_580 = arith.select %ne3A_575, %roll3A_577, %roll3A_579 : vector<256x128xi1>, vector<256x128xi32>
    %roll3A_581 = arith.constant 2 : i32
    %roll3A_582 = tpu.dynamic_rotate %select_n3A_569 by %roll3A_581 dim 1 : vector<256x128xi32>, i32 -> vector<256x128xi32>
    %roll3A_583 = arith.constant 126 : i32
    %roll3A_584 = tpu.dynamic_rotate %select_n3A_569 by %roll3A_583 dim 1 : vector<256x128xi32>, i32 -> vector<256x128xi32>
    %select_n3A_585 = arith.select %ne3A_575, %roll3A_582, %roll3A_584 : vector<256x128xi1>, vector<256x128xi32>
    %gt3A_586 = arith.cmpi sgt, %select_n3A_568, %select_n3A_580 : vector<256x128xi32>
    %eq3A_587 = arith.cmpi eq, %select_n3A_568, %select_n3A_580 : vector<256x128xi32>
    %lt3A_588 = arith.cmpi slt, %select_n3A_569, %select_n3A_585 : vector<256x128xi32>
    %and3A_589 = arith.andi %eq3A_587, %lt3A_588 : vector<256x128xi1>
    %or3A_590 = arith.ori %gt3A_586, %and3A_589 : vector<256x128xi1>
    %xor3A_591 = arith.xori %or3A_590, %ne3A_575 : vector<256x128xi1>
    %xor3A_592 = arith.xori %xor3A_591, %ne3A_469 : vector<256x128xi1>
    %select_n3A_593 = arith.select %xor3A_592, %select_n3A_568, %select_n3A_580 : vector<256x128xi1>, vector<256x128xi32>
    %select_n3A_594 = arith.select %xor3A_592, %select_n3A_569, %select_n3A_585 : vector<256x128xi1>, vector<256x128xi32>
    %and3A_595 = arith.constant 1 : i32
    %and3A_596 = vector.broadcast %and3A_595 : i32 to vector<256x128xi32>
    %and3A_597 = arith.andi %add3A, %and3A_596 : vector<256x128xi32>
    %ne3A_598 = arith.constant 0 : i32
    %ne3A_599 = vector.broadcast %ne3A_598 : i32 to vector<256x128xi32>
    %ne3A_600 = arith.cmpi ne, %and3A_597, %ne3A_599 : vector<256x128xi32>
    %roll3A_601 = arith.constant 1 : i32
    %roll3A_602 = tpu.dynamic_rotate %select_n3A_593 by %roll3A_601 dim 1 : vector<256x128xi32>, i32 -> vector<256x128xi32>
    %roll3A_603 = arith.constant 127 : i32
    %roll3A_604 = tpu.dynamic_rotate %select_n3A_593 by %roll3A_603 dim 1 : vector<256x128xi32>, i32 -> vector<256x128xi32>
    %select_n3A_605 = arith.select %ne3A_600, %roll3A_602, %roll3A_604 : vector<256x128xi1>, vector<256x128xi32>
    %roll3A_606 = arith.constant 1 : i32
    %roll3A_607 = tpu.dynamic_rotate %select_n3A_594 by %roll3A_606 dim 1 : vector<256x128xi32>, i32 -> vector<256x128xi32>
    %roll3A_608 = arith.constant 127 : i32
    %roll3A_609 = tpu.dynamic_rotate %select_n3A_594 by %roll3A_608 dim 1 : vector<256x128xi32>, i32 -> vector<256x128xi32>
    %select_n3A_610 = arith.select %ne3A_600, %roll3A_607, %roll3A_609 : vector<256x128xi1>, vector<256x128xi32>
    %gt3A_611 = arith.cmpi sgt, %select_n3A_593, %select_n3A_605 : vector<256x128xi32>
    %eq3A_612 = arith.cmpi eq, %select_n3A_593, %select_n3A_605 : vector<256x128xi32>
    %lt3A_613 = arith.cmpi slt, %select_n3A_594, %select_n3A_610 : vector<256x128xi32>
    %and3A_614 = arith.andi %eq3A_612, %lt3A_613 : vector<256x128xi1>
    %or3A_615 = arith.ori %gt3A_611, %and3A_614 : vector<256x128xi1>
    %xor3A_616 = arith.xori %or3A_615, %ne3A_600 : vector<256x128xi1>
    %xor3A_617 = arith.xori %xor3A_616, %ne3A_469 : vector<256x128xi1>
    %select_n3A_618 = arith.select %xor3A_617, %select_n3A_593, %select_n3A_605 : vector<256x128xi1>, vector<256x128xi32>
    %select_n3A_619 = arith.select %xor3A_617, %select_n3A_594, %select_n3A_610 : vector<256x128xi1>, vector<256x128xi32>
    %shift_right_arithmetic3A_620 = arith.constant 7 : i32
    %shift_right_arithmetic3A_621 = vector.broadcast %shift_right_arithmetic3A_620 : i32 to vector<256x128xi32>
    %shift_right_arithmetic3A_622 = arith.shrsi %add3A, %shift_right_arithmetic3A_621 : vector<256x128xi32>
    %and3A_623 = arith.constant 1 : i32
    %and3A_624 = vector.broadcast %and3A_623 : i32 to vector<256x128xi32>
    %and3A_625 = arith.andi %shift_right_arithmetic3A_622, %and3A_624 : vector<256x128xi32>
    %ne3A_626 = arith.constant 0 : i32
    %ne3A_627 = vector.broadcast %ne3A_626 : i32 to vector<256x128xi32>
    %ne3A_628 = arith.cmpi ne, %and3A_625, %ne3A_627 : vector<256x128xi32>
    %and3A_629 = arith.constant 64 : i32
    %and3A_630 = vector.broadcast %and3A_629 : i32 to vector<256x128xi32>
    %and3A_631 = arith.andi %add3A, %and3A_630 : vector<256x128xi32>
    %ne3A_632 = arith.constant 0 : i32
    %ne3A_633 = vector.broadcast %ne3A_632 : i32 to vector<256x128xi32>
    %ne3A_634 = arith.cmpi ne, %and3A_631, %ne3A_633 : vector<256x128xi32>
    %roll3A_635 = arith.constant 64 : i32
    %roll3A_636 = tpu.dynamic_rotate %select_n3A_618 by %roll3A_635 dim 1 : vector<256x128xi32>, i32 -> vector<256x128xi32>
    %roll3A_637 = arith.constant 64 : i32
    %roll3A_638 = tpu.dynamic_rotate %select_n3A_618 by %roll3A_637 dim 1 : vector<256x128xi32>, i32 -> vector<256x128xi32>
    %select_n3A_639 = arith.select %ne3A_634, %roll3A_636, %roll3A_638 : vector<256x128xi1>, vector<256x128xi32>
    %roll3A_640 = arith.constant 64 : i32
    %roll3A_641 = tpu.dynamic_rotate %select_n3A_619 by %roll3A_640 dim 1 : vector<256x128xi32>, i32 -> vector<256x128xi32>
    %roll3A_642 = arith.constant 64 : i32
    %roll3A_643 = tpu.dynamic_rotate %select_n3A_619 by %roll3A_642 dim 1 : vector<256x128xi32>, i32 -> vector<256x128xi32>
    %select_n3A_644 = arith.select %ne3A_634, %roll3A_641, %roll3A_643 : vector<256x128xi1>, vector<256x128xi32>
    %gt3A_645 = arith.cmpi sgt, %select_n3A_618, %select_n3A_639 : vector<256x128xi32>
    %eq3A_646 = arith.cmpi eq, %select_n3A_618, %select_n3A_639 : vector<256x128xi32>
    %lt3A_647 = arith.cmpi slt, %select_n3A_619, %select_n3A_644 : vector<256x128xi32>
    %and3A_648 = arith.andi %eq3A_646, %lt3A_647 : vector<256x128xi1>
    %or3A_649 = arith.ori %gt3A_645, %and3A_648 : vector<256x128xi1>
    %xor3A_650 = arith.xori %or3A_649, %ne3A_634 : vector<256x128xi1>
    %xor3A_651 = arith.xori %xor3A_650, %ne3A_628 : vector<256x128xi1>
    %select_n3A_652 = arith.select %xor3A_651, %select_n3A_618, %select_n3A_639 : vector<256x128xi1>, vector<256x128xi32>
    %select_n3A_653 = arith.select %xor3A_651, %select_n3A_619, %select_n3A_644 : vector<256x128xi1>, vector<256x128xi32>
    %and3A_654 = arith.constant 32 : i32
    %and3A_655 = vector.broadcast %and3A_654 : i32 to vector<256x128xi32>
    %and3A_656 = arith.andi %add3A, %and3A_655 : vector<256x128xi32>
    %ne3A_657 = arith.constant 0 : i32
    %ne3A_658 = vector.broadcast %ne3A_657 : i32 to vector<256x128xi32>
    %ne3A_659 = arith.cmpi ne, %and3A_656, %ne3A_658 : vector<256x128xi32>
    %roll3A_660 = arith.constant 32 : i32
    %roll3A_661 = tpu.dynamic_rotate %select_n3A_652 by %roll3A_660 dim 1 : vector<256x128xi32>, i32 -> vector<256x128xi32>
    %roll3A_662 = arith.constant 96 : i32
    %roll3A_663 = tpu.dynamic_rotate %select_n3A_652 by %roll3A_662 dim 1 : vector<256x128xi32>, i32 -> vector<256x128xi32>
    %select_n3A_664 = arith.select %ne3A_659, %roll3A_661, %roll3A_663 : vector<256x128xi1>, vector<256x128xi32>
    %roll3A_665 = arith.constant 32 : i32
    %roll3A_666 = tpu.dynamic_rotate %select_n3A_653 by %roll3A_665 dim 1 : vector<256x128xi32>, i32 -> vector<256x128xi32>
    %roll3A_667 = arith.constant 96 : i32
    %roll3A_668 = tpu.dynamic_rotate %select_n3A_653 by %roll3A_667 dim 1 : vector<256x128xi32>, i32 -> vector<256x128xi32>
    %select_n3A_669 = arith.select %ne3A_659, %roll3A_666, %roll3A_668 : vector<256x128xi1>, vector<256x128xi32>
    %gt3A_670 = arith.cmpi sgt, %select_n3A_652, %select_n3A_664 : vector<256x128xi32>
    %eq3A_671 = arith.cmpi eq, %select_n3A_652, %select_n3A_664 : vector<256x128xi32>
    %lt3A_672 = arith.cmpi slt, %select_n3A_653, %select_n3A_669 : vector<256x128xi32>
    %and3A_673 = arith.andi %eq3A_671, %lt3A_672 : vector<256x128xi1>
    %or3A_674 = arith.ori %gt3A_670, %and3A_673 : vector<256x128xi1>
    %xor3A_675 = arith.xori %or3A_674, %ne3A_659 : vector<256x128xi1>
    %xor3A_676 = arith.xori %xor3A_675, %ne3A_628 : vector<256x128xi1>
    %select_n3A_677 = arith.select %xor3A_676, %select_n3A_652, %select_n3A_664 : vector<256x128xi1>, vector<256x128xi32>
    %select_n3A_678 = arith.select %xor3A_676, %select_n3A_653, %select_n3A_669 : vector<256x128xi1>, vector<256x128xi32>
    %and3A_679 = arith.constant 16 : i32
    %and3A_680 = vector.broadcast %and3A_679 : i32 to vector<256x128xi32>
    %and3A_681 = arith.andi %add3A, %and3A_680 : vector<256x128xi32>
    %ne3A_682 = arith.constant 0 : i32
    %ne3A_683 = vector.broadcast %ne3A_682 : i32 to vector<256x128xi32>
    %ne3A_684 = arith.cmpi ne, %and3A_681, %ne3A_683 : vector<256x128xi32>
    %roll3A_685 = arith.constant 16 : i32
    %roll3A_686 = tpu.dynamic_rotate %select_n3A_677 by %roll3A_685 dim 1 : vector<256x128xi32>, i32 -> vector<256x128xi32>
    %roll3A_687 = arith.constant 112 : i32
    %roll3A_688 = tpu.dynamic_rotate %select_n3A_677 by %roll3A_687 dim 1 : vector<256x128xi32>, i32 -> vector<256x128xi32>
    %select_n3A_689 = arith.select %ne3A_684, %roll3A_686, %roll3A_688 : vector<256x128xi1>, vector<256x128xi32>
    %roll3A_690 = arith.constant 16 : i32
    %roll3A_691 = tpu.dynamic_rotate %select_n3A_678 by %roll3A_690 dim 1 : vector<256x128xi32>, i32 -> vector<256x128xi32>
    %roll3A_692 = arith.constant 112 : i32
    %roll3A_693 = tpu.dynamic_rotate %select_n3A_678 by %roll3A_692 dim 1 : vector<256x128xi32>, i32 -> vector<256x128xi32>
    %select_n3A_694 = arith.select %ne3A_684, %roll3A_691, %roll3A_693 : vector<256x128xi1>, vector<256x128xi32>
    %gt3A_695 = arith.cmpi sgt, %select_n3A_677, %select_n3A_689 : vector<256x128xi32>
    %eq3A_696 = arith.cmpi eq, %select_n3A_677, %select_n3A_689 : vector<256x128xi32>
    %lt3A_697 = arith.cmpi slt, %select_n3A_678, %select_n3A_694 : vector<256x128xi32>
    %and3A_698 = arith.andi %eq3A_696, %lt3A_697 : vector<256x128xi1>
    %or3A_699 = arith.ori %gt3A_695, %and3A_698 : vector<256x128xi1>
    %xor3A_700 = arith.xori %or3A_699, %ne3A_684 : vector<256x128xi1>
    %xor3A_701 = arith.xori %xor3A_700, %ne3A_628 : vector<256x128xi1>
    %select_n3A_702 = arith.select %xor3A_701, %select_n3A_677, %select_n3A_689 : vector<256x128xi1>, vector<256x128xi32>
    %select_n3A_703 = arith.select %xor3A_701, %select_n3A_678, %select_n3A_694 : vector<256x128xi1>, vector<256x128xi32>
    %and3A_704 = arith.constant 8 : i32
    %and3A_705 = vector.broadcast %and3A_704 : i32 to vector<256x128xi32>
    %and3A_706 = arith.andi %add3A, %and3A_705 : vector<256x128xi32>
    %ne3A_707 = arith.constant 0 : i32
    %ne3A_708 = vector.broadcast %ne3A_707 : i32 to vector<256x128xi32>
    %ne3A_709 = arith.cmpi ne, %and3A_706, %ne3A_708 : vector<256x128xi32>
    %roll3A_710 = arith.constant 8 : i32
    %roll3A_711 = tpu.dynamic_rotate %select_n3A_702 by %roll3A_710 dim 1 : vector<256x128xi32>, i32 -> vector<256x128xi32>
    %roll3A_712 = arith.constant 120 : i32
    %roll3A_713 = tpu.dynamic_rotate %select_n3A_702 by %roll3A_712 dim 1 : vector<256x128xi32>, i32 -> vector<256x128xi32>
    %select_n3A_714 = arith.select %ne3A_709, %roll3A_711, %roll3A_713 : vector<256x128xi1>, vector<256x128xi32>
    %roll3A_715 = arith.constant 8 : i32
    %roll3A_716 = tpu.dynamic_rotate %select_n3A_703 by %roll3A_715 dim 1 : vector<256x128xi32>, i32 -> vector<256x128xi32>
    %roll3A_717 = arith.constant 120 : i32
    %roll3A_718 = tpu.dynamic_rotate %select_n3A_703 by %roll3A_717 dim 1 : vector<256x128xi32>, i32 -> vector<256x128xi32>
    %select_n3A_719 = arith.select %ne3A_709, %roll3A_716, %roll3A_718 : vector<256x128xi1>, vector<256x128xi32>
    %gt3A_720 = arith.cmpi sgt, %select_n3A_702, %select_n3A_714 : vector<256x128xi32>
    %eq3A_721 = arith.cmpi eq, %select_n3A_702, %select_n3A_714 : vector<256x128xi32>
    %lt3A_722 = arith.cmpi slt, %select_n3A_703, %select_n3A_719 : vector<256x128xi32>
    %and3A_723 = arith.andi %eq3A_721, %lt3A_722 : vector<256x128xi1>
    %or3A_724 = arith.ori %gt3A_720, %and3A_723 : vector<256x128xi1>
    %xor3A_725 = arith.xori %or3A_724, %ne3A_709 : vector<256x128xi1>
    %xor3A_726 = arith.xori %xor3A_725, %ne3A_628 : vector<256x128xi1>
    %select_n3A_727 = arith.select %xor3A_726, %select_n3A_702, %select_n3A_714 : vector<256x128xi1>, vector<256x128xi32>
    %select_n3A_728 = arith.select %xor3A_726, %select_n3A_703, %select_n3A_719 : vector<256x128xi1>, vector<256x128xi32>
    %and3A_729 = arith.constant 4 : i32
    %and3A_730 = vector.broadcast %and3A_729 : i32 to vector<256x128xi32>
    %and3A_731 = arith.andi %add3A, %and3A_730 : vector<256x128xi32>
    %ne3A_732 = arith.constant 0 : i32
    %ne3A_733 = vector.broadcast %ne3A_732 : i32 to vector<256x128xi32>
    %ne3A_734 = arith.cmpi ne, %and3A_731, %ne3A_733 : vector<256x128xi32>
    %roll3A_735 = arith.constant 4 : i32
    %roll3A_736 = tpu.dynamic_rotate %select_n3A_727 by %roll3A_735 dim 1 : vector<256x128xi32>, i32 -> vector<256x128xi32>
    %roll3A_737 = arith.constant 124 : i32
    %roll3A_738 = tpu.dynamic_rotate %select_n3A_727 by %roll3A_737 dim 1 : vector<256x128xi32>, i32 -> vector<256x128xi32>
    %select_n3A_739 = arith.select %ne3A_734, %roll3A_736, %roll3A_738 : vector<256x128xi1>, vector<256x128xi32>
    %roll3A_740 = arith.constant 4 : i32
    %roll3A_741 = tpu.dynamic_rotate %select_n3A_728 by %roll3A_740 dim 1 : vector<256x128xi32>, i32 -> vector<256x128xi32>
    %roll3A_742 = arith.constant 124 : i32
    %roll3A_743 = tpu.dynamic_rotate %select_n3A_728 by %roll3A_742 dim 1 : vector<256x128xi32>, i32 -> vector<256x128xi32>
    %select_n3A_744 = arith.select %ne3A_734, %roll3A_741, %roll3A_743 : vector<256x128xi1>, vector<256x128xi32>
    %gt3A_745 = arith.cmpi sgt, %select_n3A_727, %select_n3A_739 : vector<256x128xi32>
    %eq3A_746 = arith.cmpi eq, %select_n3A_727, %select_n3A_739 : vector<256x128xi32>
    %lt3A_747 = arith.cmpi slt, %select_n3A_728, %select_n3A_744 : vector<256x128xi32>
    %and3A_748 = arith.andi %eq3A_746, %lt3A_747 : vector<256x128xi1>
    %or3A_749 = arith.ori %gt3A_745, %and3A_748 : vector<256x128xi1>
    %xor3A_750 = arith.xori %or3A_749, %ne3A_734 : vector<256x128xi1>
    %xor3A_751 = arith.xori %xor3A_750, %ne3A_628 : vector<256x128xi1>
    %select_n3A_752 = arith.select %xor3A_751, %select_n3A_727, %select_n3A_739 : vector<256x128xi1>, vector<256x128xi32>
    %select_n3A_753 = arith.select %xor3A_751, %select_n3A_728, %select_n3A_744 : vector<256x128xi1>, vector<256x128xi32>
    %and3A_754 = arith.constant 2 : i32
    %and3A_755 = vector.broadcast %and3A_754 : i32 to vector<256x128xi32>
    %and3A_756 = arith.andi %add3A, %and3A_755 : vector<256x128xi32>
    %ne3A_757 = arith.constant 0 : i32
    %ne3A_758 = vector.broadcast %ne3A_757 : i32 to vector<256x128xi32>
    %ne3A_759 = arith.cmpi ne, %and3A_756, %ne3A_758 : vector<256x128xi32>
    %roll3A_760 = arith.constant 2 : i32
    %roll3A_761 = tpu.dynamic_rotate %select_n3A_752 by %roll3A_760 dim 1 : vector<256x128xi32>, i32 -> vector<256x128xi32>
    %roll3A_762 = arith.constant 126 : i32
    %roll3A_763 = tpu.dynamic_rotate %select_n3A_752 by %roll3A_762 dim 1 : vector<256x128xi32>, i32 -> vector<256x128xi32>
    %select_n3A_764 = arith.select %ne3A_759, %roll3A_761, %roll3A_763 : vector<256x128xi1>, vector<256x128xi32>
    %roll3A_765 = arith.constant 2 : i32
    %roll3A_766 = tpu.dynamic_rotate %select_n3A_753 by %roll3A_765 dim 1 : vector<256x128xi32>, i32 -> vector<256x128xi32>
    %roll3A_767 = arith.constant 126 : i32
    %roll3A_768 = tpu.dynamic_rotate %select_n3A_753 by %roll3A_767 dim 1 : vector<256x128xi32>, i32 -> vector<256x128xi32>
    %select_n3A_769 = arith.select %ne3A_759, %roll3A_766, %roll3A_768 : vector<256x128xi1>, vector<256x128xi32>
    %gt3A_770 = arith.cmpi sgt, %select_n3A_752, %select_n3A_764 : vector<256x128xi32>
    %eq3A_771 = arith.cmpi eq, %select_n3A_752, %select_n3A_764 : vector<256x128xi32>
    %lt3A_772 = arith.cmpi slt, %select_n3A_753, %select_n3A_769 : vector<256x128xi32>
    %and3A_773 = arith.andi %eq3A_771, %lt3A_772 : vector<256x128xi1>
    %or3A_774 = arith.ori %gt3A_770, %and3A_773 : vector<256x128xi1>
    %xor3A_775 = arith.xori %or3A_774, %ne3A_759 : vector<256x128xi1>
    %xor3A_776 = arith.xori %xor3A_775, %ne3A_628 : vector<256x128xi1>
    %select_n3A_777 = arith.select %xor3A_776, %select_n3A_752, %select_n3A_764 : vector<256x128xi1>, vector<256x128xi32>
    %select_n3A_778 = arith.select %xor3A_776, %select_n3A_753, %select_n3A_769 : vector<256x128xi1>, vector<256x128xi32>
    %and3A_779 = arith.constant 1 : i32
    %and3A_780 = vector.broadcast %and3A_779 : i32 to vector<256x128xi32>
    %and3A_781 = arith.andi %add3A, %and3A_780 : vector<256x128xi32>
    %ne3A_782 = arith.constant 0 : i32
    %ne3A_783 = vector.broadcast %ne3A_782 : i32 to vector<256x128xi32>
    %ne3A_784 = arith.cmpi ne, %and3A_781, %ne3A_783 : vector<256x128xi32>
    %roll3A_785 = arith.constant 1 : i32
    %roll3A_786 = tpu.dynamic_rotate %select_n3A_777 by %roll3A_785 dim 1 : vector<256x128xi32>, i32 -> vector<256x128xi32>
    %roll3A_787 = arith.constant 127 : i32
    %roll3A_788 = tpu.dynamic_rotate %select_n3A_777 by %roll3A_787 dim 1 : vector<256x128xi32>, i32 -> vector<256x128xi32>
    %select_n3A_789 = arith.select %ne3A_784, %roll3A_786, %roll3A_788 : vector<256x128xi1>, vector<256x128xi32>
    %roll3A_790 = arith.constant 1 : i32
    %roll3A_791 = tpu.dynamic_rotate %select_n3A_778 by %roll3A_790 dim 1 : vector<256x128xi32>, i32 -> vector<256x128xi32>
    %roll3A_792 = arith.constant 127 : i32
    %roll3A_793 = tpu.dynamic_rotate %select_n3A_778 by %roll3A_792 dim 1 : vector<256x128xi32>, i32 -> vector<256x128xi32>
    %select_n3A_794 = arith.select %ne3A_784, %roll3A_791, %roll3A_793 : vector<256x128xi1>, vector<256x128xi32>
    %gt3A_795 = arith.cmpi sgt, %select_n3A_777, %select_n3A_789 : vector<256x128xi32>
    %eq3A_796 = arith.cmpi eq, %select_n3A_777, %select_n3A_789 : vector<256x128xi32>
    %lt3A_797 = arith.cmpi slt, %select_n3A_778, %select_n3A_794 : vector<256x128xi32>
    %and3A_798 = arith.andi %eq3A_796, %lt3A_797 : vector<256x128xi1>
    %or3A_799 = arith.ori %gt3A_795, %and3A_798 : vector<256x128xi1>
    %xor3A_800 = arith.xori %or3A_799, %ne3A_784 : vector<256x128xi1>
    %xor3A_801 = arith.xori %xor3A_800, %ne3A_628 : vector<256x128xi1>
    %select_n3A_802 = arith.select %xor3A_801, %select_n3A_777, %select_n3A_789 : vector<256x128xi1>, vector<256x128xi32>
    %select_n3A_803 = arith.select %xor3A_801, %select_n3A_778, %select_n3A_794 : vector<256x128xi1>, vector<256x128xi32>
    %shift_right_arithmetic3A_804 = arith.constant 8 : i32
    %shift_right_arithmetic3A_805 = vector.broadcast %shift_right_arithmetic3A_804 : i32 to vector<256x128xi32>
    %shift_right_arithmetic3A_806 = arith.shrsi %add3A, %shift_right_arithmetic3A_805 : vector<256x128xi32>
    %and3A_807 = arith.constant 1 : i32
    %and3A_808 = vector.broadcast %and3A_807 : i32 to vector<256x128xi32>
    %and3A_809 = arith.andi %shift_right_arithmetic3A_806, %and3A_808 : vector<256x128xi32>
    %ne3A_810 = arith.constant 0 : i32
    %ne3A_811 = vector.broadcast %ne3A_810 : i32 to vector<256x128xi32>
    %ne3A_812 = arith.cmpi ne, %and3A_809, %ne3A_811 : vector<256x128xi32>
    %and3A_813 = arith.constant 128 : i32
    %and3A_814 = vector.broadcast %and3A_813 : i32 to vector<256x128xi32>
    %and3A_815 = arith.andi %add3A, %and3A_814 : vector<256x128xi32>
    %ne3A_816 = arith.constant 0 : i32
    %ne3A_817 = vector.broadcast %ne3A_816 : i32 to vector<256x128xi32>
    %ne3A_818 = arith.cmpi ne, %and3A_815, %ne3A_817 : vector<256x128xi32>
    %roll3A_819 = arith.constant 1 : i32
    %roll3A_820 = tpu.dynamic_rotate %select_n3A_802 by %roll3A_819 dim 0 : vector<256x128xi32>, i32 -> vector<256x128xi32>
    %roll3A_821 = arith.constant 255 : i32
    %roll3A_822 = tpu.dynamic_rotate %select_n3A_802 by %roll3A_821 dim 0 : vector<256x128xi32>, i32 -> vector<256x128xi32>
    %select_n3A_823 = arith.select %ne3A_818, %roll3A_820, %roll3A_822 : vector<256x128xi1>, vector<256x128xi32>
    %roll3A_824 = arith.constant 1 : i32
    %roll3A_825 = tpu.dynamic_rotate %select_n3A_803 by %roll3A_824 dim 0 : vector<256x128xi32>, i32 -> vector<256x128xi32>
    %roll3A_826 = arith.constant 255 : i32
    %roll3A_827 = tpu.dynamic_rotate %select_n3A_803 by %roll3A_826 dim 0 : vector<256x128xi32>, i32 -> vector<256x128xi32>
    %select_n3A_828 = arith.select %ne3A_818, %roll3A_825, %roll3A_827 : vector<256x128xi1>, vector<256x128xi32>
    %gt3A_829 = arith.cmpi sgt, %select_n3A_802, %select_n3A_823 : vector<256x128xi32>
    %eq3A_830 = arith.cmpi eq, %select_n3A_802, %select_n3A_823 : vector<256x128xi32>
    %lt3A_831 = arith.cmpi slt, %select_n3A_803, %select_n3A_828 : vector<256x128xi32>
    %and3A_832 = arith.andi %eq3A_830, %lt3A_831 : vector<256x128xi1>
    %or3A_833 = arith.ori %gt3A_829, %and3A_832 : vector<256x128xi1>
    %xor3A_834 = arith.xori %or3A_833, %ne3A_818 : vector<256x128xi1>
    %xor3A_835 = arith.xori %xor3A_834, %ne3A_812 : vector<256x128xi1>
    %select_n3A_836 = arith.select %xor3A_835, %select_n3A_802, %select_n3A_823 : vector<256x128xi1>, vector<256x128xi32>
    %select_n3A_837 = arith.select %xor3A_835, %select_n3A_803, %select_n3A_828 : vector<256x128xi1>, vector<256x128xi32>
    %and3A_838 = arith.constant 64 : i32
    %and3A_839 = vector.broadcast %and3A_838 : i32 to vector<256x128xi32>
    %and3A_840 = arith.andi %add3A, %and3A_839 : vector<256x128xi32>
    %ne3A_841 = arith.constant 0 : i32
    %ne3A_842 = vector.broadcast %ne3A_841 : i32 to vector<256x128xi32>
    %ne3A_843 = arith.cmpi ne, %and3A_840, %ne3A_842 : vector<256x128xi32>
    %roll3A_844 = arith.constant 64 : i32
    %roll3A_845 = tpu.dynamic_rotate %select_n3A_836 by %roll3A_844 dim 1 : vector<256x128xi32>, i32 -> vector<256x128xi32>
    %roll3A_846 = arith.constant 64 : i32
    %roll3A_847 = tpu.dynamic_rotate %select_n3A_836 by %roll3A_846 dim 1 : vector<256x128xi32>, i32 -> vector<256x128xi32>
    %select_n3A_848 = arith.select %ne3A_843, %roll3A_845, %roll3A_847 : vector<256x128xi1>, vector<256x128xi32>
    %roll3A_849 = arith.constant 64 : i32
    %roll3A_850 = tpu.dynamic_rotate %select_n3A_837 by %roll3A_849 dim 1 : vector<256x128xi32>, i32 -> vector<256x128xi32>
    %roll3A_851 = arith.constant 64 : i32
    %roll3A_852 = tpu.dynamic_rotate %select_n3A_837 by %roll3A_851 dim 1 : vector<256x128xi32>, i32 -> vector<256x128xi32>
    %select_n3A_853 = arith.select %ne3A_843, %roll3A_850, %roll3A_852 : vector<256x128xi1>, vector<256x128xi32>
    %gt3A_854 = arith.cmpi sgt, %select_n3A_836, %select_n3A_848 : vector<256x128xi32>
    %eq3A_855 = arith.cmpi eq, %select_n3A_836, %select_n3A_848 : vector<256x128xi32>
    %lt3A_856 = arith.cmpi slt, %select_n3A_837, %select_n3A_853 : vector<256x128xi32>
    %and3A_857 = arith.andi %eq3A_855, %lt3A_856 : vector<256x128xi1>
    %or3A_858 = arith.ori %gt3A_854, %and3A_857 : vector<256x128xi1>
    %xor3A_859 = arith.xori %or3A_858, %ne3A_843 : vector<256x128xi1>
    %xor3A_860 = arith.xori %xor3A_859, %ne3A_812 : vector<256x128xi1>
    %select_n3A_861 = arith.select %xor3A_860, %select_n3A_836, %select_n3A_848 : vector<256x128xi1>, vector<256x128xi32>
    %select_n3A_862 = arith.select %xor3A_860, %select_n3A_837, %select_n3A_853 : vector<256x128xi1>, vector<256x128xi32>
    %and3A_863 = arith.constant 32 : i32
    %and3A_864 = vector.broadcast %and3A_863 : i32 to vector<256x128xi32>
    %and3A_865 = arith.andi %add3A, %and3A_864 : vector<256x128xi32>
    %ne3A_866 = arith.constant 0 : i32
    %ne3A_867 = vector.broadcast %ne3A_866 : i32 to vector<256x128xi32>
    %ne3A_868 = arith.cmpi ne, %and3A_865, %ne3A_867 : vector<256x128xi32>
    %roll3A_869 = arith.constant 32 : i32
    %roll3A_870 = tpu.dynamic_rotate %select_n3A_861 by %roll3A_869 dim 1 : vector<256x128xi32>, i32 -> vector<256x128xi32>
    %roll3A_871 = arith.constant 96 : i32
    %roll3A_872 = tpu.dynamic_rotate %select_n3A_861 by %roll3A_871 dim 1 : vector<256x128xi32>, i32 -> vector<256x128xi32>
    %select_n3A_873 = arith.select %ne3A_868, %roll3A_870, %roll3A_872 : vector<256x128xi1>, vector<256x128xi32>
    %roll3A_874 = arith.constant 32 : i32
    %roll3A_875 = tpu.dynamic_rotate %select_n3A_862 by %roll3A_874 dim 1 : vector<256x128xi32>, i32 -> vector<256x128xi32>
    %roll3A_876 = arith.constant 96 : i32
    %roll3A_877 = tpu.dynamic_rotate %select_n3A_862 by %roll3A_876 dim 1 : vector<256x128xi32>, i32 -> vector<256x128xi32>
    %select_n3A_878 = arith.select %ne3A_868, %roll3A_875, %roll3A_877 : vector<256x128xi1>, vector<256x128xi32>
    %gt3A_879 = arith.cmpi sgt, %select_n3A_861, %select_n3A_873 : vector<256x128xi32>
    %eq3A_880 = arith.cmpi eq, %select_n3A_861, %select_n3A_873 : vector<256x128xi32>
    %lt3A_881 = arith.cmpi slt, %select_n3A_862, %select_n3A_878 : vector<256x128xi32>
    %and3A_882 = arith.andi %eq3A_880, %lt3A_881 : vector<256x128xi1>
    %or3A_883 = arith.ori %gt3A_879, %and3A_882 : vector<256x128xi1>
    %xor3A_884 = arith.xori %or3A_883, %ne3A_868 : vector<256x128xi1>
    %xor3A_885 = arith.xori %xor3A_884, %ne3A_812 : vector<256x128xi1>
    %select_n3A_886 = arith.select %xor3A_885, %select_n3A_861, %select_n3A_873 : vector<256x128xi1>, vector<256x128xi32>
    %select_n3A_887 = arith.select %xor3A_885, %select_n3A_862, %select_n3A_878 : vector<256x128xi1>, vector<256x128xi32>
    %and3A_888 = arith.constant 16 : i32
    %and3A_889 = vector.broadcast %and3A_888 : i32 to vector<256x128xi32>
    %and3A_890 = arith.andi %add3A, %and3A_889 : vector<256x128xi32>
    %ne3A_891 = arith.constant 0 : i32
    %ne3A_892 = vector.broadcast %ne3A_891 : i32 to vector<256x128xi32>
    %ne3A_893 = arith.cmpi ne, %and3A_890, %ne3A_892 : vector<256x128xi32>
    %roll3A_894 = arith.constant 16 : i32
    %roll3A_895 = tpu.dynamic_rotate %select_n3A_886 by %roll3A_894 dim 1 : vector<256x128xi32>, i32 -> vector<256x128xi32>
    %roll3A_896 = arith.constant 112 : i32
    %roll3A_897 = tpu.dynamic_rotate %select_n3A_886 by %roll3A_896 dim 1 : vector<256x128xi32>, i32 -> vector<256x128xi32>
    %select_n3A_898 = arith.select %ne3A_893, %roll3A_895, %roll3A_897 : vector<256x128xi1>, vector<256x128xi32>
    %roll3A_899 = arith.constant 16 : i32
    %roll3A_900 = tpu.dynamic_rotate %select_n3A_887 by %roll3A_899 dim 1 : vector<256x128xi32>, i32 -> vector<256x128xi32>
    %roll3A_901 = arith.constant 112 : i32
    %roll3A_902 = tpu.dynamic_rotate %select_n3A_887 by %roll3A_901 dim 1 : vector<256x128xi32>, i32 -> vector<256x128xi32>
    %select_n3A_903 = arith.select %ne3A_893, %roll3A_900, %roll3A_902 : vector<256x128xi1>, vector<256x128xi32>
    %gt3A_904 = arith.cmpi sgt, %select_n3A_886, %select_n3A_898 : vector<256x128xi32>
    %eq3A_905 = arith.cmpi eq, %select_n3A_886, %select_n3A_898 : vector<256x128xi32>
    %lt3A_906 = arith.cmpi slt, %select_n3A_887, %select_n3A_903 : vector<256x128xi32>
    %and3A_907 = arith.andi %eq3A_905, %lt3A_906 : vector<256x128xi1>
    %or3A_908 = arith.ori %gt3A_904, %and3A_907 : vector<256x128xi1>
    %xor3A_909 = arith.xori %or3A_908, %ne3A_893 : vector<256x128xi1>
    %xor3A_910 = arith.xori %xor3A_909, %ne3A_812 : vector<256x128xi1>
    %select_n3A_911 = arith.select %xor3A_910, %select_n3A_886, %select_n3A_898 : vector<256x128xi1>, vector<256x128xi32>
    %select_n3A_912 = arith.select %xor3A_910, %select_n3A_887, %select_n3A_903 : vector<256x128xi1>, vector<256x128xi32>
    %and3A_913 = arith.constant 8 : i32
    %and3A_914 = vector.broadcast %and3A_913 : i32 to vector<256x128xi32>
    %and3A_915 = arith.andi %add3A, %and3A_914 : vector<256x128xi32>
    %ne3A_916 = arith.constant 0 : i32
    %ne3A_917 = vector.broadcast %ne3A_916 : i32 to vector<256x128xi32>
    %ne3A_918 = arith.cmpi ne, %and3A_915, %ne3A_917 : vector<256x128xi32>
    %roll3A_919 = arith.constant 8 : i32
    %roll3A_920 = tpu.dynamic_rotate %select_n3A_911 by %roll3A_919 dim 1 : vector<256x128xi32>, i32 -> vector<256x128xi32>
    %roll3A_921 = arith.constant 120 : i32
    %roll3A_922 = tpu.dynamic_rotate %select_n3A_911 by %roll3A_921 dim 1 : vector<256x128xi32>, i32 -> vector<256x128xi32>
    %select_n3A_923 = arith.select %ne3A_918, %roll3A_920, %roll3A_922 : vector<256x128xi1>, vector<256x128xi32>
    %roll3A_924 = arith.constant 8 : i32
    %roll3A_925 = tpu.dynamic_rotate %select_n3A_912 by %roll3A_924 dim 1 : vector<256x128xi32>, i32 -> vector<256x128xi32>
    %roll3A_926 = arith.constant 120 : i32
    %roll3A_927 = tpu.dynamic_rotate %select_n3A_912 by %roll3A_926 dim 1 : vector<256x128xi32>, i32 -> vector<256x128xi32>
    %select_n3A_928 = arith.select %ne3A_918, %roll3A_925, %roll3A_927 : vector<256x128xi1>, vector<256x128xi32>
    %gt3A_929 = arith.cmpi sgt, %select_n3A_911, %select_n3A_923 : vector<256x128xi32>
    %eq3A_930 = arith.cmpi eq, %select_n3A_911, %select_n3A_923 : vector<256x128xi32>
    %lt3A_931 = arith.cmpi slt, %select_n3A_912, %select_n3A_928 : vector<256x128xi32>
    %and3A_932 = arith.andi %eq3A_930, %lt3A_931 : vector<256x128xi1>
    %or3A_933 = arith.ori %gt3A_929, %and3A_932 : vector<256x128xi1>
    %xor3A_934 = arith.xori %or3A_933, %ne3A_918 : vector<256x128xi1>
    %xor3A_935 = arith.xori %xor3A_934, %ne3A_812 : vector<256x128xi1>
    %select_n3A_936 = arith.select %xor3A_935, %select_n3A_911, %select_n3A_923 : vector<256x128xi1>, vector<256x128xi32>
    %select_n3A_937 = arith.select %xor3A_935, %select_n3A_912, %select_n3A_928 : vector<256x128xi1>, vector<256x128xi32>
    %and3A_938 = arith.constant 4 : i32
    %and3A_939 = vector.broadcast %and3A_938 : i32 to vector<256x128xi32>
    %and3A_940 = arith.andi %add3A, %and3A_939 : vector<256x128xi32>
    %ne3A_941 = arith.constant 0 : i32
    %ne3A_942 = vector.broadcast %ne3A_941 : i32 to vector<256x128xi32>
    %ne3A_943 = arith.cmpi ne, %and3A_940, %ne3A_942 : vector<256x128xi32>
    %roll3A_944 = arith.constant 4 : i32
    %roll3A_945 = tpu.dynamic_rotate %select_n3A_936 by %roll3A_944 dim 1 : vector<256x128xi32>, i32 -> vector<256x128xi32>
    %roll3A_946 = arith.constant 124 : i32
    %roll3A_947 = tpu.dynamic_rotate %select_n3A_936 by %roll3A_946 dim 1 : vector<256x128xi32>, i32 -> vector<256x128xi32>
    %select_n3A_948 = arith.select %ne3A_943, %roll3A_945, %roll3A_947 : vector<256x128xi1>, vector<256x128xi32>
    %roll3A_949 = arith.constant 4 : i32
    %roll3A_950 = tpu.dynamic_rotate %select_n3A_937 by %roll3A_949 dim 1 : vector<256x128xi32>, i32 -> vector<256x128xi32>
    %roll3A_951 = arith.constant 124 : i32
    %roll3A_952 = tpu.dynamic_rotate %select_n3A_937 by %roll3A_951 dim 1 : vector<256x128xi32>, i32 -> vector<256x128xi32>
    %select_n3A_953 = arith.select %ne3A_943, %roll3A_950, %roll3A_952 : vector<256x128xi1>, vector<256x128xi32>
    %gt3A_954 = arith.cmpi sgt, %select_n3A_936, %select_n3A_948 : vector<256x128xi32>
    %eq3A_955 = arith.cmpi eq, %select_n3A_936, %select_n3A_948 : vector<256x128xi32>
    %lt3A_956 = arith.cmpi slt, %select_n3A_937, %select_n3A_953 : vector<256x128xi32>
    %and3A_957 = arith.andi %eq3A_955, %lt3A_956 : vector<256x128xi1>
    %or3A_958 = arith.ori %gt3A_954, %and3A_957 : vector<256x128xi1>
    %xor3A_959 = arith.xori %or3A_958, %ne3A_943 : vector<256x128xi1>
    %xor3A_960 = arith.xori %xor3A_959, %ne3A_812 : vector<256x128xi1>
    %select_n3A_961 = arith.select %xor3A_960, %select_n3A_936, %select_n3A_948 : vector<256x128xi1>, vector<256x128xi32>
    %select_n3A_962 = arith.select %xor3A_960, %select_n3A_937, %select_n3A_953 : vector<256x128xi1>, vector<256x128xi32>
    %and3A_963 = arith.constant 2 : i32
    %and3A_964 = vector.broadcast %and3A_963 : i32 to vector<256x128xi32>
    %and3A_965 = arith.andi %add3A, %and3A_964 : vector<256x128xi32>
    %ne3A_966 = arith.constant 0 : i32
    %ne3A_967 = vector.broadcast %ne3A_966 : i32 to vector<256x128xi32>
    %ne3A_968 = arith.cmpi ne, %and3A_965, %ne3A_967 : vector<256x128xi32>
    %roll3A_969 = arith.constant 2 : i32
    %roll3A_970 = tpu.dynamic_rotate %select_n3A_961 by %roll3A_969 dim 1 : vector<256x128xi32>, i32 -> vector<256x128xi32>
    %roll3A_971 = arith.constant 126 : i32
    %roll3A_972 = tpu.dynamic_rotate %select_n3A_961 by %roll3A_971 dim 1 : vector<256x128xi32>, i32 -> vector<256x128xi32>
    %select_n3A_973 = arith.select %ne3A_968, %roll3A_970, %roll3A_972 : vector<256x128xi1>, vector<256x128xi32>
    %roll3A_974 = arith.constant 2 : i32
    %roll3A_975 = tpu.dynamic_rotate %select_n3A_962 by %roll3A_974 dim 1 : vector<256x128xi32>, i32 -> vector<256x128xi32>
    %roll3A_976 = arith.constant 126 : i32
    %roll3A_977 = tpu.dynamic_rotate %select_n3A_962 by %roll3A_976 dim 1 : vector<256x128xi32>, i32 -> vector<256x128xi32>
    %select_n3A_978 = arith.select %ne3A_968, %roll3A_975, %roll3A_977 : vector<256x128xi1>, vector<256x128xi32>
    %gt3A_979 = arith.cmpi sgt, %select_n3A_961, %select_n3A_973 : vector<256x128xi32>
    %eq3A_980 = arith.cmpi eq, %select_n3A_961, %select_n3A_973 : vector<256x128xi32>
    %lt3A_981 = arith.cmpi slt, %select_n3A_962, %select_n3A_978 : vector<256x128xi32>
    %and3A_982 = arith.andi %eq3A_980, %lt3A_981 : vector<256x128xi1>
    %or3A_983 = arith.ori %gt3A_979, %and3A_982 : vector<256x128xi1>
    %xor3A_984 = arith.xori %or3A_983, %ne3A_968 : vector<256x128xi1>
    %xor3A_985 = arith.xori %xor3A_984, %ne3A_812 : vector<256x128xi1>
    %select_n3A_986 = arith.select %xor3A_985, %select_n3A_961, %select_n3A_973 : vector<256x128xi1>, vector<256x128xi32>
    %select_n3A_987 = arith.select %xor3A_985, %select_n3A_962, %select_n3A_978 : vector<256x128xi1>, vector<256x128xi32>
    %and3A_988 = arith.constant 1 : i32
    %and3A_989 = vector.broadcast %and3A_988 : i32 to vector<256x128xi32>
    %and3A_990 = arith.andi %add3A, %and3A_989 : vector<256x128xi32>
    %ne3A_991 = arith.constant 0 : i32
    %ne3A_992 = vector.broadcast %ne3A_991 : i32 to vector<256x128xi32>
    %ne3A_993 = arith.cmpi ne, %and3A_990, %ne3A_992 : vector<256x128xi32>
    %roll3A_994 = arith.constant 1 : i32
    %roll3A_995 = tpu.dynamic_rotate %select_n3A_986 by %roll3A_994 dim 1 : vector<256x128xi32>, i32 -> vector<256x128xi32>
    %roll3A_996 = arith.constant 127 : i32
    %roll3A_997 = tpu.dynamic_rotate %select_n3A_986 by %roll3A_996 dim 1 : vector<256x128xi32>, i32 -> vector<256x128xi32>
    %select_n3A_998 = arith.select %ne3A_993, %roll3A_995, %roll3A_997 : vector<256x128xi1>, vector<256x128xi32>
    %roll3A_999 = arith.constant 1 : i32
    %roll3A_1000 = tpu.dynamic_rotate %select_n3A_987 by %roll3A_999 dim 1 : vector<256x128xi32>, i32 -> vector<256x128xi32>
    %roll3A_1001 = arith.constant 127 : i32
    %roll3A_1002 = tpu.dynamic_rotate %select_n3A_987 by %roll3A_1001 dim 1 : vector<256x128xi32>, i32 -> vector<256x128xi32>
    %select_n3A_1003 = arith.select %ne3A_993, %roll3A_1000, %roll3A_1002 : vector<256x128xi1>, vector<256x128xi32>
    %gt3A_1004 = arith.cmpi sgt, %select_n3A_986, %select_n3A_998 : vector<256x128xi32>
    %eq3A_1005 = arith.cmpi eq, %select_n3A_986, %select_n3A_998 : vector<256x128xi32>
    %lt3A_1006 = arith.cmpi slt, %select_n3A_987, %select_n3A_1003 : vector<256x128xi32>
    %and3A_1007 = arith.andi %eq3A_1005, %lt3A_1006 : vector<256x128xi1>
    %or3A_1008 = arith.ori %gt3A_1004, %and3A_1007 : vector<256x128xi1>
    %xor3A_1009 = arith.xori %or3A_1008, %ne3A_993 : vector<256x128xi1>
    %xor3A_1010 = arith.xori %xor3A_1009, %ne3A_812 : vector<256x128xi1>
    %select_n3A_1011 = arith.select %xor3A_1010, %select_n3A_986, %select_n3A_998 : vector<256x128xi1>, vector<256x128xi32>
    %select_n3A_1012 = arith.select %xor3A_1010, %select_n3A_987, %select_n3A_1003 : vector<256x128xi1>, vector<256x128xi32>
    %shift_right_arithmetic3A_1013 = arith.constant 9 : i32
    %shift_right_arithmetic3A_1014 = vector.broadcast %shift_right_arithmetic3A_1013 : i32 to vector<256x128xi32>
    %shift_right_arithmetic3A_1015 = arith.shrsi %add3A, %shift_right_arithmetic3A_1014 : vector<256x128xi32>
    %and3A_1016 = arith.constant 1 : i32
    %and3A_1017 = vector.broadcast %and3A_1016 : i32 to vector<256x128xi32>
    %and3A_1018 = arith.andi %shift_right_arithmetic3A_1015, %and3A_1017 : vector<256x128xi32>
    %ne3A_1019 = arith.constant 0 : i32
    %ne3A_1020 = vector.broadcast %ne3A_1019 : i32 to vector<256x128xi32>
    %ne3A_1021 = arith.cmpi ne, %and3A_1018, %ne3A_1020 : vector<256x128xi32>
    %and3A_1022 = arith.constant 256 : i32
    %and3A_1023 = vector.broadcast %and3A_1022 : i32 to vector<256x128xi32>
    %and3A_1024 = arith.andi %add3A, %and3A_1023 : vector<256x128xi32>
    %ne3A_1025 = arith.constant 0 : i32
    %ne3A_1026 = vector.broadcast %ne3A_1025 : i32 to vector<256x128xi32>
    %ne3A_1027 = arith.cmpi ne, %and3A_1024, %ne3A_1026 : vector<256x128xi32>
    %roll3A_1028 = arith.constant 2 : i32
    %roll3A_1029 = tpu.dynamic_rotate %select_n3A_1011 by %roll3A_1028 dim 0 : vector<256x128xi32>, i32 -> vector<256x128xi32>
    %roll3A_1030 = arith.constant 254 : i32
    %roll3A_1031 = tpu.dynamic_rotate %select_n3A_1011 by %roll3A_1030 dim 0 : vector<256x128xi32>, i32 -> vector<256x128xi32>
    %select_n3A_1032 = arith.select %ne3A_1027, %roll3A_1029, %roll3A_1031 : vector<256x128xi1>, vector<256x128xi32>
    %roll3A_1033 = arith.constant 2 : i32
    %roll3A_1034 = tpu.dynamic_rotate %select_n3A_1012 by %roll3A_1033 dim 0 : vector<256x128xi32>, i32 -> vector<256x128xi32>
    %roll3A_1035 = arith.constant 254 : i32
    %roll3A_1036 = tpu.dynamic_rotate %select_n3A_1012 by %roll3A_1035 dim 0 : vector<256x128xi32>, i32 -> vector<256x128xi32>
    %select_n3A_1037 = arith.select %ne3A_1027, %roll3A_1034, %roll3A_1036 : vector<256x128xi1>, vector<256x128xi32>
    %gt3A_1038 = arith.cmpi sgt, %select_n3A_1011, %select_n3A_1032 : vector<256x128xi32>
    %eq3A_1039 = arith.cmpi eq, %select_n3A_1011, %select_n3A_1032 : vector<256x128xi32>
    %lt3A_1040 = arith.cmpi slt, %select_n3A_1012, %select_n3A_1037 : vector<256x128xi32>
    %and3A_1041 = arith.andi %eq3A_1039, %lt3A_1040 : vector<256x128xi1>
    %or3A_1042 = arith.ori %gt3A_1038, %and3A_1041 : vector<256x128xi1>
    %xor3A_1043 = arith.xori %or3A_1042, %ne3A_1027 : vector<256x128xi1>
    %xor3A_1044 = arith.xori %xor3A_1043, %ne3A_1021 : vector<256x128xi1>
    %select_n3A_1045 = arith.select %xor3A_1044, %select_n3A_1011, %select_n3A_1032 : vector<256x128xi1>, vector<256x128xi32>
    %select_n3A_1046 = arith.select %xor3A_1044, %select_n3A_1012, %select_n3A_1037 : vector<256x128xi1>, vector<256x128xi32>
    %and3A_1047 = arith.constant 128 : i32
    %and3A_1048 = vector.broadcast %and3A_1047 : i32 to vector<256x128xi32>
    %and3A_1049 = arith.andi %add3A, %and3A_1048 : vector<256x128xi32>
    %ne3A_1050 = arith.constant 0 : i32
    %ne3A_1051 = vector.broadcast %ne3A_1050 : i32 to vector<256x128xi32>
    %ne3A_1052 = arith.cmpi ne, %and3A_1049, %ne3A_1051 : vector<256x128xi32>
    %roll3A_1053 = arith.constant 1 : i32
    %roll3A_1054 = tpu.dynamic_rotate %select_n3A_1045 by %roll3A_1053 dim 0 : vector<256x128xi32>, i32 -> vector<256x128xi32>
    %roll3A_1055 = arith.constant 255 : i32
    %roll3A_1056 = tpu.dynamic_rotate %select_n3A_1045 by %roll3A_1055 dim 0 : vector<256x128xi32>, i32 -> vector<256x128xi32>
    %select_n3A_1057 = arith.select %ne3A_1052, %roll3A_1054, %roll3A_1056 : vector<256x128xi1>, vector<256x128xi32>
    %roll3A_1058 = arith.constant 1 : i32
    %roll3A_1059 = tpu.dynamic_rotate %select_n3A_1046 by %roll3A_1058 dim 0 : vector<256x128xi32>, i32 -> vector<256x128xi32>
    %roll3A_1060 = arith.constant 255 : i32
    %roll3A_1061 = tpu.dynamic_rotate %select_n3A_1046 by %roll3A_1060 dim 0 : vector<256x128xi32>, i32 -> vector<256x128xi32>
    %select_n3A_1062 = arith.select %ne3A_1052, %roll3A_1059, %roll3A_1061 : vector<256x128xi1>, vector<256x128xi32>
    %gt3A_1063 = arith.cmpi sgt, %select_n3A_1045, %select_n3A_1057 : vector<256x128xi32>
    %eq3A_1064 = arith.cmpi eq, %select_n3A_1045, %select_n3A_1057 : vector<256x128xi32>
    %lt3A_1065 = arith.cmpi slt, %select_n3A_1046, %select_n3A_1062 : vector<256x128xi32>
    %and3A_1066 = arith.andi %eq3A_1064, %lt3A_1065 : vector<256x128xi1>
    %or3A_1067 = arith.ori %gt3A_1063, %and3A_1066 : vector<256x128xi1>
    %xor3A_1068 = arith.xori %or3A_1067, %ne3A_1052 : vector<256x128xi1>
    %xor3A_1069 = arith.xori %xor3A_1068, %ne3A_1021 : vector<256x128xi1>
    %select_n3A_1070 = arith.select %xor3A_1069, %select_n3A_1045, %select_n3A_1057 : vector<256x128xi1>, vector<256x128xi32>
    %select_n3A_1071 = arith.select %xor3A_1069, %select_n3A_1046, %select_n3A_1062 : vector<256x128xi1>, vector<256x128xi32>
    %and3A_1072 = arith.constant 64 : i32
    %and3A_1073 = vector.broadcast %and3A_1072 : i32 to vector<256x128xi32>
    %and3A_1074 = arith.andi %add3A, %and3A_1073 : vector<256x128xi32>
    %ne3A_1075 = arith.constant 0 : i32
    %ne3A_1076 = vector.broadcast %ne3A_1075 : i32 to vector<256x128xi32>
    %ne3A_1077 = arith.cmpi ne, %and3A_1074, %ne3A_1076 : vector<256x128xi32>
    %roll3A_1078 = arith.constant 64 : i32
    %roll3A_1079 = tpu.dynamic_rotate %select_n3A_1070 by %roll3A_1078 dim 1 : vector<256x128xi32>, i32 -> vector<256x128xi32>
    %roll3A_1080 = arith.constant 64 : i32
    %roll3A_1081 = tpu.dynamic_rotate %select_n3A_1070 by %roll3A_1080 dim 1 : vector<256x128xi32>, i32 -> vector<256x128xi32>
    %select_n3A_1082 = arith.select %ne3A_1077, %roll3A_1079, %roll3A_1081 : vector<256x128xi1>, vector<256x128xi32>
    %roll3A_1083 = arith.constant 64 : i32
    %roll3A_1084 = tpu.dynamic_rotate %select_n3A_1071 by %roll3A_1083 dim 1 : vector<256x128xi32>, i32 -> vector<256x128xi32>
    %roll3A_1085 = arith.constant 64 : i32
    %roll3A_1086 = tpu.dynamic_rotate %select_n3A_1071 by %roll3A_1085 dim 1 : vector<256x128xi32>, i32 -> vector<256x128xi32>
    %select_n3A_1087 = arith.select %ne3A_1077, %roll3A_1084, %roll3A_1086 : vector<256x128xi1>, vector<256x128xi32>
    %gt3A_1088 = arith.cmpi sgt, %select_n3A_1070, %select_n3A_1082 : vector<256x128xi32>
    %eq3A_1089 = arith.cmpi eq, %select_n3A_1070, %select_n3A_1082 : vector<256x128xi32>
    %lt3A_1090 = arith.cmpi slt, %select_n3A_1071, %select_n3A_1087 : vector<256x128xi32>
    %and3A_1091 = arith.andi %eq3A_1089, %lt3A_1090 : vector<256x128xi1>
    %or3A_1092 = arith.ori %gt3A_1088, %and3A_1091 : vector<256x128xi1>
    %xor3A_1093 = arith.xori %or3A_1092, %ne3A_1077 : vector<256x128xi1>
    %xor3A_1094 = arith.xori %xor3A_1093, %ne3A_1021 : vector<256x128xi1>
    %select_n3A_1095 = arith.select %xor3A_1094, %select_n3A_1070, %select_n3A_1082 : vector<256x128xi1>, vector<256x128xi32>
    %select_n3A_1096 = arith.select %xor3A_1094, %select_n3A_1071, %select_n3A_1087 : vector<256x128xi1>, vector<256x128xi32>
    %and3A_1097 = arith.constant 32 : i32
    %and3A_1098 = vector.broadcast %and3A_1097 : i32 to vector<256x128xi32>
    %and3A_1099 = arith.andi %add3A, %and3A_1098 : vector<256x128xi32>
    %ne3A_1100 = arith.constant 0 : i32
    %ne3A_1101 = vector.broadcast %ne3A_1100 : i32 to vector<256x128xi32>
    %ne3A_1102 = arith.cmpi ne, %and3A_1099, %ne3A_1101 : vector<256x128xi32>
    %roll3A_1103 = arith.constant 32 : i32
    %roll3A_1104 = tpu.dynamic_rotate %select_n3A_1095 by %roll3A_1103 dim 1 : vector<256x128xi32>, i32 -> vector<256x128xi32>
    %roll3A_1105 = arith.constant 96 : i32
    %roll3A_1106 = tpu.dynamic_rotate %select_n3A_1095 by %roll3A_1105 dim 1 : vector<256x128xi32>, i32 -> vector<256x128xi32>
    %select_n3A_1107 = arith.select %ne3A_1102, %roll3A_1104, %roll3A_1106 : vector<256x128xi1>, vector<256x128xi32>
    %roll3A_1108 = arith.constant 32 : i32
    %roll3A_1109 = tpu.dynamic_rotate %select_n3A_1096 by %roll3A_1108 dim 1 : vector<256x128xi32>, i32 -> vector<256x128xi32>
    %roll3A_1110 = arith.constant 96 : i32
    %roll3A_1111 = tpu.dynamic_rotate %select_n3A_1096 by %roll3A_1110 dim 1 : vector<256x128xi32>, i32 -> vector<256x128xi32>
    %select_n3A_1112 = arith.select %ne3A_1102, %roll3A_1109, %roll3A_1111 : vector<256x128xi1>, vector<256x128xi32>
    %gt3A_1113 = arith.cmpi sgt, %select_n3A_1095, %select_n3A_1107 : vector<256x128xi32>
    %eq3A_1114 = arith.cmpi eq, %select_n3A_1095, %select_n3A_1107 : vector<256x128xi32>
    %lt3A_1115 = arith.cmpi slt, %select_n3A_1096, %select_n3A_1112 : vector<256x128xi32>
    %and3A_1116 = arith.andi %eq3A_1114, %lt3A_1115 : vector<256x128xi1>
    %or3A_1117 = arith.ori %gt3A_1113, %and3A_1116 : vector<256x128xi1>
    %xor3A_1118 = arith.xori %or3A_1117, %ne3A_1102 : vector<256x128xi1>
    %xor3A_1119 = arith.xori %xor3A_1118, %ne3A_1021 : vector<256x128xi1>
    %select_n3A_1120 = arith.select %xor3A_1119, %select_n3A_1095, %select_n3A_1107 : vector<256x128xi1>, vector<256x128xi32>
    %select_n3A_1121 = arith.select %xor3A_1119, %select_n3A_1096, %select_n3A_1112 : vector<256x128xi1>, vector<256x128xi32>
    %and3A_1122 = arith.constant 16 : i32
    %and3A_1123 = vector.broadcast %and3A_1122 : i32 to vector<256x128xi32>
    %and3A_1124 = arith.andi %add3A, %and3A_1123 : vector<256x128xi32>
    %ne3A_1125 = arith.constant 0 : i32
    %ne3A_1126 = vector.broadcast %ne3A_1125 : i32 to vector<256x128xi32>
    %ne3A_1127 = arith.cmpi ne, %and3A_1124, %ne3A_1126 : vector<256x128xi32>
    %roll3A_1128 = arith.constant 16 : i32
    %roll3A_1129 = tpu.dynamic_rotate %select_n3A_1120 by %roll3A_1128 dim 1 : vector<256x128xi32>, i32 -> vector<256x128xi32>
    %roll3A_1130 = arith.constant 112 : i32
    %roll3A_1131 = tpu.dynamic_rotate %select_n3A_1120 by %roll3A_1130 dim 1 : vector<256x128xi32>, i32 -> vector<256x128xi32>
    %select_n3A_1132 = arith.select %ne3A_1127, %roll3A_1129, %roll3A_1131 : vector<256x128xi1>, vector<256x128xi32>
    %roll3A_1133 = arith.constant 16 : i32
    %roll3A_1134 = tpu.dynamic_rotate %select_n3A_1121 by %roll3A_1133 dim 1 : vector<256x128xi32>, i32 -> vector<256x128xi32>
    %roll3A_1135 = arith.constant 112 : i32
    %roll3A_1136 = tpu.dynamic_rotate %select_n3A_1121 by %roll3A_1135 dim 1 : vector<256x128xi32>, i32 -> vector<256x128xi32>
    %select_n3A_1137 = arith.select %ne3A_1127, %roll3A_1134, %roll3A_1136 : vector<256x128xi1>, vector<256x128xi32>
    %gt3A_1138 = arith.cmpi sgt, %select_n3A_1120, %select_n3A_1132 : vector<256x128xi32>
    %eq3A_1139 = arith.cmpi eq, %select_n3A_1120, %select_n3A_1132 : vector<256x128xi32>
    %lt3A_1140 = arith.cmpi slt, %select_n3A_1121, %select_n3A_1137 : vector<256x128xi32>
    %and3A_1141 = arith.andi %eq3A_1139, %lt3A_1140 : vector<256x128xi1>
    %or3A_1142 = arith.ori %gt3A_1138, %and3A_1141 : vector<256x128xi1>
    %xor3A_1143 = arith.xori %or3A_1142, %ne3A_1127 : vector<256x128xi1>
    %xor3A_1144 = arith.xori %xor3A_1143, %ne3A_1021 : vector<256x128xi1>
    %select_n3A_1145 = arith.select %xor3A_1144, %select_n3A_1120, %select_n3A_1132 : vector<256x128xi1>, vector<256x128xi32>
    %select_n3A_1146 = arith.select %xor3A_1144, %select_n3A_1121, %select_n3A_1137 : vector<256x128xi1>, vector<256x128xi32>
    %and3A_1147 = arith.constant 8 : i32
    %and3A_1148 = vector.broadcast %and3A_1147 : i32 to vector<256x128xi32>
    %and3A_1149 = arith.andi %add3A, %and3A_1148 : vector<256x128xi32>
    %ne3A_1150 = arith.constant 0 : i32
    %ne3A_1151 = vector.broadcast %ne3A_1150 : i32 to vector<256x128xi32>
    %ne3A_1152 = arith.cmpi ne, %and3A_1149, %ne3A_1151 : vector<256x128xi32>
    %roll3A_1153 = arith.constant 8 : i32
    %roll3A_1154 = tpu.dynamic_rotate %select_n3A_1145 by %roll3A_1153 dim 1 : vector<256x128xi32>, i32 -> vector<256x128xi32>
    %roll3A_1155 = arith.constant 120 : i32
    %roll3A_1156 = tpu.dynamic_rotate %select_n3A_1145 by %roll3A_1155 dim 1 : vector<256x128xi32>, i32 -> vector<256x128xi32>
    %select_n3A_1157 = arith.select %ne3A_1152, %roll3A_1154, %roll3A_1156 : vector<256x128xi1>, vector<256x128xi32>
    %roll3A_1158 = arith.constant 8 : i32
    %roll3A_1159 = tpu.dynamic_rotate %select_n3A_1146 by %roll3A_1158 dim 1 : vector<256x128xi32>, i32 -> vector<256x128xi32>
    %roll3A_1160 = arith.constant 120 : i32
    %roll3A_1161 = tpu.dynamic_rotate %select_n3A_1146 by %roll3A_1160 dim 1 : vector<256x128xi32>, i32 -> vector<256x128xi32>
    %select_n3A_1162 = arith.select %ne3A_1152, %roll3A_1159, %roll3A_1161 : vector<256x128xi1>, vector<256x128xi32>
    %gt3A_1163 = arith.cmpi sgt, %select_n3A_1145, %select_n3A_1157 : vector<256x128xi32>
    %eq3A_1164 = arith.cmpi eq, %select_n3A_1145, %select_n3A_1157 : vector<256x128xi32>
    %lt3A_1165 = arith.cmpi slt, %select_n3A_1146, %select_n3A_1162 : vector<256x128xi32>
    %and3A_1166 = arith.andi %eq3A_1164, %lt3A_1165 : vector<256x128xi1>
    %or3A_1167 = arith.ori %gt3A_1163, %and3A_1166 : vector<256x128xi1>
    %xor3A_1168 = arith.xori %or3A_1167, %ne3A_1152 : vector<256x128xi1>
    %xor3A_1169 = arith.xori %xor3A_1168, %ne3A_1021 : vector<256x128xi1>
    %select_n3A_1170 = arith.select %xor3A_1169, %select_n3A_1145, %select_n3A_1157 : vector<256x128xi1>, vector<256x128xi32>
    %select_n3A_1171 = arith.select %xor3A_1169, %select_n3A_1146, %select_n3A_1162 : vector<256x128xi1>, vector<256x128xi32>
    %and3A_1172 = arith.constant 4 : i32
    %and3A_1173 = vector.broadcast %and3A_1172 : i32 to vector<256x128xi32>
    %and3A_1174 = arith.andi %add3A, %and3A_1173 : vector<256x128xi32>
    %ne3A_1175 = arith.constant 0 : i32
    %ne3A_1176 = vector.broadcast %ne3A_1175 : i32 to vector<256x128xi32>
    %ne3A_1177 = arith.cmpi ne, %and3A_1174, %ne3A_1176 : vector<256x128xi32>
    %roll3A_1178 = arith.constant 4 : i32
    %roll3A_1179 = tpu.dynamic_rotate %select_n3A_1170 by %roll3A_1178 dim 1 : vector<256x128xi32>, i32 -> vector<256x128xi32>
    %roll3A_1180 = arith.constant 124 : i32
    %roll3A_1181 = tpu.dynamic_rotate %select_n3A_1170 by %roll3A_1180 dim 1 : vector<256x128xi32>, i32 -> vector<256x128xi32>
    %select_n3A_1182 = arith.select %ne3A_1177, %roll3A_1179, %roll3A_1181 : vector<256x128xi1>, vector<256x128xi32>
    %roll3A_1183 = arith.constant 4 : i32
    %roll3A_1184 = tpu.dynamic_rotate %select_n3A_1171 by %roll3A_1183 dim 1 : vector<256x128xi32>, i32 -> vector<256x128xi32>
    %roll3A_1185 = arith.constant 124 : i32
    %roll3A_1186 = tpu.dynamic_rotate %select_n3A_1171 by %roll3A_1185 dim 1 : vector<256x128xi32>, i32 -> vector<256x128xi32>
    %select_n3A_1187 = arith.select %ne3A_1177, %roll3A_1184, %roll3A_1186 : vector<256x128xi1>, vector<256x128xi32>
    %gt3A_1188 = arith.cmpi sgt, %select_n3A_1170, %select_n3A_1182 : vector<256x128xi32>
    %eq3A_1189 = arith.cmpi eq, %select_n3A_1170, %select_n3A_1182 : vector<256x128xi32>
    %lt3A_1190 = arith.cmpi slt, %select_n3A_1171, %select_n3A_1187 : vector<256x128xi32>
    %and3A_1191 = arith.andi %eq3A_1189, %lt3A_1190 : vector<256x128xi1>
    %or3A_1192 = arith.ori %gt3A_1188, %and3A_1191 : vector<256x128xi1>
    %xor3A_1193 = arith.xori %or3A_1192, %ne3A_1177 : vector<256x128xi1>
    %xor3A_1194 = arith.xori %xor3A_1193, %ne3A_1021 : vector<256x128xi1>
    %select_n3A_1195 = arith.select %xor3A_1194, %select_n3A_1170, %select_n3A_1182 : vector<256x128xi1>, vector<256x128xi32>
    %select_n3A_1196 = arith.select %xor3A_1194, %select_n3A_1171, %select_n3A_1187 : vector<256x128xi1>, vector<256x128xi32>
    %and3A_1197 = arith.constant 2 : i32
    %and3A_1198 = vector.broadcast %and3A_1197 : i32 to vector<256x128xi32>
    %and3A_1199 = arith.andi %add3A, %and3A_1198 : vector<256x128xi32>
    %ne3A_1200 = arith.constant 0 : i32
    %ne3A_1201 = vector.broadcast %ne3A_1200 : i32 to vector<256x128xi32>
    %ne3A_1202 = arith.cmpi ne, %and3A_1199, %ne3A_1201 : vector<256x128xi32>
    %roll3A_1203 = arith.constant 2 : i32
    %roll3A_1204 = tpu.dynamic_rotate %select_n3A_1195 by %roll3A_1203 dim 1 : vector<256x128xi32>, i32 -> vector<256x128xi32>
    %roll3A_1205 = arith.constant 126 : i32
    %roll3A_1206 = tpu.dynamic_rotate %select_n3A_1195 by %roll3A_1205 dim 1 : vector<256x128xi32>, i32 -> vector<256x128xi32>
    %select_n3A_1207 = arith.select %ne3A_1202, %roll3A_1204, %roll3A_1206 : vector<256x128xi1>, vector<256x128xi32>
    %roll3A_1208 = arith.constant 2 : i32
    %roll3A_1209 = tpu.dynamic_rotate %select_n3A_1196 by %roll3A_1208 dim 1 : vector<256x128xi32>, i32 -> vector<256x128xi32>
    %roll3A_1210 = arith.constant 126 : i32
    %roll3A_1211 = tpu.dynamic_rotate %select_n3A_1196 by %roll3A_1210 dim 1 : vector<256x128xi32>, i32 -> vector<256x128xi32>
    %select_n3A_1212 = arith.select %ne3A_1202, %roll3A_1209, %roll3A_1211 : vector<256x128xi1>, vector<256x128xi32>
    %gt3A_1213 = arith.cmpi sgt, %select_n3A_1195, %select_n3A_1207 : vector<256x128xi32>
    %eq3A_1214 = arith.cmpi eq, %select_n3A_1195, %select_n3A_1207 : vector<256x128xi32>
    %lt3A_1215 = arith.cmpi slt, %select_n3A_1196, %select_n3A_1212 : vector<256x128xi32>
    %and3A_1216 = arith.andi %eq3A_1214, %lt3A_1215 : vector<256x128xi1>
    %or3A_1217 = arith.ori %gt3A_1213, %and3A_1216 : vector<256x128xi1>
    %xor3A_1218 = arith.xori %or3A_1217, %ne3A_1202 : vector<256x128xi1>
    %xor3A_1219 = arith.xori %xor3A_1218, %ne3A_1021 : vector<256x128xi1>
    %select_n3A_1220 = arith.select %xor3A_1219, %select_n3A_1195, %select_n3A_1207 : vector<256x128xi1>, vector<256x128xi32>
    %select_n3A_1221 = arith.select %xor3A_1219, %select_n3A_1196, %select_n3A_1212 : vector<256x128xi1>, vector<256x128xi32>
    %and3A_1222 = arith.constant 1 : i32
    %and3A_1223 = vector.broadcast %and3A_1222 : i32 to vector<256x128xi32>
    %and3A_1224 = arith.andi %add3A, %and3A_1223 : vector<256x128xi32>
    %ne3A_1225 = arith.constant 0 : i32
    %ne3A_1226 = vector.broadcast %ne3A_1225 : i32 to vector<256x128xi32>
    %ne3A_1227 = arith.cmpi ne, %and3A_1224, %ne3A_1226 : vector<256x128xi32>
    %roll3A_1228 = arith.constant 1 : i32
    %roll3A_1229 = tpu.dynamic_rotate %select_n3A_1220 by %roll3A_1228 dim 1 : vector<256x128xi32>, i32 -> vector<256x128xi32>
    %roll3A_1230 = arith.constant 127 : i32
    %roll3A_1231 = tpu.dynamic_rotate %select_n3A_1220 by %roll3A_1230 dim 1 : vector<256x128xi32>, i32 -> vector<256x128xi32>
    %select_n3A_1232 = arith.select %ne3A_1227, %roll3A_1229, %roll3A_1231 : vector<256x128xi1>, vector<256x128xi32>
    %roll3A_1233 = arith.constant 1 : i32
    %roll3A_1234 = tpu.dynamic_rotate %select_n3A_1221 by %roll3A_1233 dim 1 : vector<256x128xi32>, i32 -> vector<256x128xi32>
    %roll3A_1235 = arith.constant 127 : i32
    %roll3A_1236 = tpu.dynamic_rotate %select_n3A_1221 by %roll3A_1235 dim 1 : vector<256x128xi32>, i32 -> vector<256x128xi32>
    %select_n3A_1237 = arith.select %ne3A_1227, %roll3A_1234, %roll3A_1236 : vector<256x128xi1>, vector<256x128xi32>
    %gt3A_1238 = arith.cmpi sgt, %select_n3A_1220, %select_n3A_1232 : vector<256x128xi32>
    %eq3A_1239 = arith.cmpi eq, %select_n3A_1220, %select_n3A_1232 : vector<256x128xi32>
    %lt3A_1240 = arith.cmpi slt, %select_n3A_1221, %select_n3A_1237 : vector<256x128xi32>
    %and3A_1241 = arith.andi %eq3A_1239, %lt3A_1240 : vector<256x128xi1>
    %or3A_1242 = arith.ori %gt3A_1238, %and3A_1241 : vector<256x128xi1>
    %xor3A_1243 = arith.xori %or3A_1242, %ne3A_1227 : vector<256x128xi1>
    %xor3A_1244 = arith.xori %xor3A_1243, %ne3A_1021 : vector<256x128xi1>
    %select_n3A_1245 = arith.select %xor3A_1244, %select_n3A_1220, %select_n3A_1232 : vector<256x128xi1>, vector<256x128xi32>
    %select_n3A_1246 = arith.select %xor3A_1244, %select_n3A_1221, %select_n3A_1237 : vector<256x128xi1>, vector<256x128xi32>
    %shift_right_arithmetic3A_1247 = arith.constant 10 : i32
    %shift_right_arithmetic3A_1248 = vector.broadcast %shift_right_arithmetic3A_1247 : i32 to vector<256x128xi32>
    %shift_right_arithmetic3A_1249 = arith.shrsi %add3A, %shift_right_arithmetic3A_1248 : vector<256x128xi32>
    %and3A_1250 = arith.constant 1 : i32
    %and3A_1251 = vector.broadcast %and3A_1250 : i32 to vector<256x128xi32>
    %and3A_1252 = arith.andi %shift_right_arithmetic3A_1249, %and3A_1251 : vector<256x128xi32>
    %ne3A_1253 = arith.constant 0 : i32
    %ne3A_1254 = vector.broadcast %ne3A_1253 : i32 to vector<256x128xi32>
    %ne3A_1255 = arith.cmpi ne, %and3A_1252, %ne3A_1254 : vector<256x128xi32>
    %and3A_1256 = arith.constant 512 : i32
    %and3A_1257 = vector.broadcast %and3A_1256 : i32 to vector<256x128xi32>
    %and3A_1258 = arith.andi %add3A, %and3A_1257 : vector<256x128xi32>
    %ne3A_1259 = arith.constant 0 : i32
    %ne3A_1260 = vector.broadcast %ne3A_1259 : i32 to vector<256x128xi32>
    %ne3A_1261 = arith.cmpi ne, %and3A_1258, %ne3A_1260 : vector<256x128xi32>
    %roll3A_1262 = arith.constant 4 : i32
    %roll3A_1263 = tpu.dynamic_rotate %select_n3A_1245 by %roll3A_1262 dim 0 : vector<256x128xi32>, i32 -> vector<256x128xi32>
    %roll3A_1264 = arith.constant 252 : i32
    %roll3A_1265 = tpu.dynamic_rotate %select_n3A_1245 by %roll3A_1264 dim 0 : vector<256x128xi32>, i32 -> vector<256x128xi32>
    %select_n3A_1266 = arith.select %ne3A_1261, %roll3A_1263, %roll3A_1265 : vector<256x128xi1>, vector<256x128xi32>
    %roll3A_1267 = arith.constant 4 : i32
    %roll3A_1268 = tpu.dynamic_rotate %select_n3A_1246 by %roll3A_1267 dim 0 : vector<256x128xi32>, i32 -> vector<256x128xi32>
    %roll3A_1269 = arith.constant 252 : i32
    %roll3A_1270 = tpu.dynamic_rotate %select_n3A_1246 by %roll3A_1269 dim 0 : vector<256x128xi32>, i32 -> vector<256x128xi32>
    %select_n3A_1271 = arith.select %ne3A_1261, %roll3A_1268, %roll3A_1270 : vector<256x128xi1>, vector<256x128xi32>
    %gt3A_1272 = arith.cmpi sgt, %select_n3A_1245, %select_n3A_1266 : vector<256x128xi32>
    %eq3A_1273 = arith.cmpi eq, %select_n3A_1245, %select_n3A_1266 : vector<256x128xi32>
    %lt3A_1274 = arith.cmpi slt, %select_n3A_1246, %select_n3A_1271 : vector<256x128xi32>
    %and3A_1275 = arith.andi %eq3A_1273, %lt3A_1274 : vector<256x128xi1>
    %or3A_1276 = arith.ori %gt3A_1272, %and3A_1275 : vector<256x128xi1>
    %xor3A_1277 = arith.xori %or3A_1276, %ne3A_1261 : vector<256x128xi1>
    %xor3A_1278 = arith.xori %xor3A_1277, %ne3A_1255 : vector<256x128xi1>
    %select_n3A_1279 = arith.select %xor3A_1278, %select_n3A_1245, %select_n3A_1266 : vector<256x128xi1>, vector<256x128xi32>
    %select_n3A_1280 = arith.select %xor3A_1278, %select_n3A_1246, %select_n3A_1271 : vector<256x128xi1>, vector<256x128xi32>
    %and3A_1281 = arith.constant 256 : i32
    %and3A_1282 = vector.broadcast %and3A_1281 : i32 to vector<256x128xi32>
    %and3A_1283 = arith.andi %add3A, %and3A_1282 : vector<256x128xi32>
    %ne3A_1284 = arith.constant 0 : i32
    %ne3A_1285 = vector.broadcast %ne3A_1284 : i32 to vector<256x128xi32>
    %ne3A_1286 = arith.cmpi ne, %and3A_1283, %ne3A_1285 : vector<256x128xi32>
    %roll3A_1287 = arith.constant 2 : i32
    %roll3A_1288 = tpu.dynamic_rotate %select_n3A_1279 by %roll3A_1287 dim 0 : vector<256x128xi32>, i32 -> vector<256x128xi32>
    %roll3A_1289 = arith.constant 254 : i32
    %roll3A_1290 = tpu.dynamic_rotate %select_n3A_1279 by %roll3A_1289 dim 0 : vector<256x128xi32>, i32 -> vector<256x128xi32>
    %select_n3A_1291 = arith.select %ne3A_1286, %roll3A_1288, %roll3A_1290 : vector<256x128xi1>, vector<256x128xi32>
    %roll3A_1292 = arith.constant 2 : i32
    %roll3A_1293 = tpu.dynamic_rotate %select_n3A_1280 by %roll3A_1292 dim 0 : vector<256x128xi32>, i32 -> vector<256x128xi32>
    %roll3A_1294 = arith.constant 254 : i32
    %roll3A_1295 = tpu.dynamic_rotate %select_n3A_1280 by %roll3A_1294 dim 0 : vector<256x128xi32>, i32 -> vector<256x128xi32>
    %select_n3A_1296 = arith.select %ne3A_1286, %roll3A_1293, %roll3A_1295 : vector<256x128xi1>, vector<256x128xi32>
    %gt3A_1297 = arith.cmpi sgt, %select_n3A_1279, %select_n3A_1291 : vector<256x128xi32>
    %eq3A_1298 = arith.cmpi eq, %select_n3A_1279, %select_n3A_1291 : vector<256x128xi32>
    %lt3A_1299 = arith.cmpi slt, %select_n3A_1280, %select_n3A_1296 : vector<256x128xi32>
    %and3A_1300 = arith.andi %eq3A_1298, %lt3A_1299 : vector<256x128xi1>
    %or3A_1301 = arith.ori %gt3A_1297, %and3A_1300 : vector<256x128xi1>
    %xor3A_1302 = arith.xori %or3A_1301, %ne3A_1286 : vector<256x128xi1>
    %xor3A_1303 = arith.xori %xor3A_1302, %ne3A_1255 : vector<256x128xi1>
    %select_n3A_1304 = arith.select %xor3A_1303, %select_n3A_1279, %select_n3A_1291 : vector<256x128xi1>, vector<256x128xi32>
    %select_n3A_1305 = arith.select %xor3A_1303, %select_n3A_1280, %select_n3A_1296 : vector<256x128xi1>, vector<256x128xi32>
    %and3A_1306 = arith.constant 128 : i32
    %and3A_1307 = vector.broadcast %and3A_1306 : i32 to vector<256x128xi32>
    %and3A_1308 = arith.andi %add3A, %and3A_1307 : vector<256x128xi32>
    %ne3A_1309 = arith.constant 0 : i32
    %ne3A_1310 = vector.broadcast %ne3A_1309 : i32 to vector<256x128xi32>
    %ne3A_1311 = arith.cmpi ne, %and3A_1308, %ne3A_1310 : vector<256x128xi32>
    %roll3A_1312 = arith.constant 1 : i32
    %roll3A_1313 = tpu.dynamic_rotate %select_n3A_1304 by %roll3A_1312 dim 0 : vector<256x128xi32>, i32 -> vector<256x128xi32>
    %roll3A_1314 = arith.constant 255 : i32
    %roll3A_1315 = tpu.dynamic_rotate %select_n3A_1304 by %roll3A_1314 dim 0 : vector<256x128xi32>, i32 -> vector<256x128xi32>
    %select_n3A_1316 = arith.select %ne3A_1311, %roll3A_1313, %roll3A_1315 : vector<256x128xi1>, vector<256x128xi32>
    %roll3A_1317 = arith.constant 1 : i32
    %roll3A_1318 = tpu.dynamic_rotate %select_n3A_1305 by %roll3A_1317 dim 0 : vector<256x128xi32>, i32 -> vector<256x128xi32>
    %roll3A_1319 = arith.constant 255 : i32
    %roll3A_1320 = tpu.dynamic_rotate %select_n3A_1305 by %roll3A_1319 dim 0 : vector<256x128xi32>, i32 -> vector<256x128xi32>
    %select_n3A_1321 = arith.select %ne3A_1311, %roll3A_1318, %roll3A_1320 : vector<256x128xi1>, vector<256x128xi32>
    %gt3A_1322 = arith.cmpi sgt, %select_n3A_1304, %select_n3A_1316 : vector<256x128xi32>
    %eq3A_1323 = arith.cmpi eq, %select_n3A_1304, %select_n3A_1316 : vector<256x128xi32>
    %lt3A_1324 = arith.cmpi slt, %select_n3A_1305, %select_n3A_1321 : vector<256x128xi32>
    %and3A_1325 = arith.andi %eq3A_1323, %lt3A_1324 : vector<256x128xi1>
    %or3A_1326 = arith.ori %gt3A_1322, %and3A_1325 : vector<256x128xi1>
    %xor3A_1327 = arith.xori %or3A_1326, %ne3A_1311 : vector<256x128xi1>
    %xor3A_1328 = arith.xori %xor3A_1327, %ne3A_1255 : vector<256x128xi1>
    %select_n3A_1329 = arith.select %xor3A_1328, %select_n3A_1304, %select_n3A_1316 : vector<256x128xi1>, vector<256x128xi32>
    %select_n3A_1330 = arith.select %xor3A_1328, %select_n3A_1305, %select_n3A_1321 : vector<256x128xi1>, vector<256x128xi32>
    %and3A_1331 = arith.constant 64 : i32
    %and3A_1332 = vector.broadcast %and3A_1331 : i32 to vector<256x128xi32>
    %and3A_1333 = arith.andi %add3A, %and3A_1332 : vector<256x128xi32>
    %ne3A_1334 = arith.constant 0 : i32
    %ne3A_1335 = vector.broadcast %ne3A_1334 : i32 to vector<256x128xi32>
    %ne3A_1336 = arith.cmpi ne, %and3A_1333, %ne3A_1335 : vector<256x128xi32>
    %roll3A_1337 = arith.constant 64 : i32
    %roll3A_1338 = tpu.dynamic_rotate %select_n3A_1329 by %roll3A_1337 dim 1 : vector<256x128xi32>, i32 -> vector<256x128xi32>
    %roll3A_1339 = arith.constant 64 : i32
    %roll3A_1340 = tpu.dynamic_rotate %select_n3A_1329 by %roll3A_1339 dim 1 : vector<256x128xi32>, i32 -> vector<256x128xi32>
    %select_n3A_1341 = arith.select %ne3A_1336, %roll3A_1338, %roll3A_1340 : vector<256x128xi1>, vector<256x128xi32>
    %roll3A_1342 = arith.constant 64 : i32
    %roll3A_1343 = tpu.dynamic_rotate %select_n3A_1330 by %roll3A_1342 dim 1 : vector<256x128xi32>, i32 -> vector<256x128xi32>
    %roll3A_1344 = arith.constant 64 : i32
    %roll3A_1345 = tpu.dynamic_rotate %select_n3A_1330 by %roll3A_1344 dim 1 : vector<256x128xi32>, i32 -> vector<256x128xi32>
    %select_n3A_1346 = arith.select %ne3A_1336, %roll3A_1343, %roll3A_1345 : vector<256x128xi1>, vector<256x128xi32>
    %gt3A_1347 = arith.cmpi sgt, %select_n3A_1329, %select_n3A_1341 : vector<256x128xi32>
    %eq3A_1348 = arith.cmpi eq, %select_n3A_1329, %select_n3A_1341 : vector<256x128xi32>
    %lt3A_1349 = arith.cmpi slt, %select_n3A_1330, %select_n3A_1346 : vector<256x128xi32>
    %and3A_1350 = arith.andi %eq3A_1348, %lt3A_1349 : vector<256x128xi1>
    %or3A_1351 = arith.ori %gt3A_1347, %and3A_1350 : vector<256x128xi1>
    %xor3A_1352 = arith.xori %or3A_1351, %ne3A_1336 : vector<256x128xi1>
    %xor3A_1353 = arith.xori %xor3A_1352, %ne3A_1255 : vector<256x128xi1>
    %select_n3A_1354 = arith.select %xor3A_1353, %select_n3A_1329, %select_n3A_1341 : vector<256x128xi1>, vector<256x128xi32>
    %select_n3A_1355 = arith.select %xor3A_1353, %select_n3A_1330, %select_n3A_1346 : vector<256x128xi1>, vector<256x128xi32>
    %and3A_1356 = arith.constant 32 : i32
    %and3A_1357 = vector.broadcast %and3A_1356 : i32 to vector<256x128xi32>
    %and3A_1358 = arith.andi %add3A, %and3A_1357 : vector<256x128xi32>
    %ne3A_1359 = arith.constant 0 : i32
    %ne3A_1360 = vector.broadcast %ne3A_1359 : i32 to vector<256x128xi32>
    %ne3A_1361 = arith.cmpi ne, %and3A_1358, %ne3A_1360 : vector<256x128xi32>
    %roll3A_1362 = arith.constant 32 : i32
    %roll3A_1363 = tpu.dynamic_rotate %select_n3A_1354 by %roll3A_1362 dim 1 : vector<256x128xi32>, i32 -> vector<256x128xi32>
    %roll3A_1364 = arith.constant 96 : i32
    %roll3A_1365 = tpu.dynamic_rotate %select_n3A_1354 by %roll3A_1364 dim 1 : vector<256x128xi32>, i32 -> vector<256x128xi32>
    %select_n3A_1366 = arith.select %ne3A_1361, %roll3A_1363, %roll3A_1365 : vector<256x128xi1>, vector<256x128xi32>
    %roll3A_1367 = arith.constant 32 : i32
    %roll3A_1368 = tpu.dynamic_rotate %select_n3A_1355 by %roll3A_1367 dim 1 : vector<256x128xi32>, i32 -> vector<256x128xi32>
    %roll3A_1369 = arith.constant 96 : i32
    %roll3A_1370 = tpu.dynamic_rotate %select_n3A_1355 by %roll3A_1369 dim 1 : vector<256x128xi32>, i32 -> vector<256x128xi32>
    %select_n3A_1371 = arith.select %ne3A_1361, %roll3A_1368, %roll3A_1370 : vector<256x128xi1>, vector<256x128xi32>
    %gt3A_1372 = arith.cmpi sgt, %select_n3A_1354, %select_n3A_1366 : vector<256x128xi32>
    %eq3A_1373 = arith.cmpi eq, %select_n3A_1354, %select_n3A_1366 : vector<256x128xi32>
    %lt3A_1374 = arith.cmpi slt, %select_n3A_1355, %select_n3A_1371 : vector<256x128xi32>
    %and3A_1375 = arith.andi %eq3A_1373, %lt3A_1374 : vector<256x128xi1>
    %or3A_1376 = arith.ori %gt3A_1372, %and3A_1375 : vector<256x128xi1>
    %xor3A_1377 = arith.xori %or3A_1376, %ne3A_1361 : vector<256x128xi1>
    %xor3A_1378 = arith.xori %xor3A_1377, %ne3A_1255 : vector<256x128xi1>
    %select_n3A_1379 = arith.select %xor3A_1378, %select_n3A_1354, %select_n3A_1366 : vector<256x128xi1>, vector<256x128xi32>
    %select_n3A_1380 = arith.select %xor3A_1378, %select_n3A_1355, %select_n3A_1371 : vector<256x128xi1>, vector<256x128xi32>
    %and3A_1381 = arith.constant 16 : i32
    %and3A_1382 = vector.broadcast %and3A_1381 : i32 to vector<256x128xi32>
    %and3A_1383 = arith.andi %add3A, %and3A_1382 : vector<256x128xi32>
    %ne3A_1384 = arith.constant 0 : i32
    %ne3A_1385 = vector.broadcast %ne3A_1384 : i32 to vector<256x128xi32>
    %ne3A_1386 = arith.cmpi ne, %and3A_1383, %ne3A_1385 : vector<256x128xi32>
    %roll3A_1387 = arith.constant 16 : i32
    %roll3A_1388 = tpu.dynamic_rotate %select_n3A_1379 by %roll3A_1387 dim 1 : vector<256x128xi32>, i32 -> vector<256x128xi32>
    %roll3A_1389 = arith.constant 112 : i32
    %roll3A_1390 = tpu.dynamic_rotate %select_n3A_1379 by %roll3A_1389 dim 1 : vector<256x128xi32>, i32 -> vector<256x128xi32>
    %select_n3A_1391 = arith.select %ne3A_1386, %roll3A_1388, %roll3A_1390 : vector<256x128xi1>, vector<256x128xi32>
    %roll3A_1392 = arith.constant 16 : i32
    %roll3A_1393 = tpu.dynamic_rotate %select_n3A_1380 by %roll3A_1392 dim 1 : vector<256x128xi32>, i32 -> vector<256x128xi32>
    %roll3A_1394 = arith.constant 112 : i32
    %roll3A_1395 = tpu.dynamic_rotate %select_n3A_1380 by %roll3A_1394 dim 1 : vector<256x128xi32>, i32 -> vector<256x128xi32>
    %select_n3A_1396 = arith.select %ne3A_1386, %roll3A_1393, %roll3A_1395 : vector<256x128xi1>, vector<256x128xi32>
    %gt3A_1397 = arith.cmpi sgt, %select_n3A_1379, %select_n3A_1391 : vector<256x128xi32>
    %eq3A_1398 = arith.cmpi eq, %select_n3A_1379, %select_n3A_1391 : vector<256x128xi32>
    %lt3A_1399 = arith.cmpi slt, %select_n3A_1380, %select_n3A_1396 : vector<256x128xi32>
    %and3A_1400 = arith.andi %eq3A_1398, %lt3A_1399 : vector<256x128xi1>
    %or3A_1401 = arith.ori %gt3A_1397, %and3A_1400 : vector<256x128xi1>
    %xor3A_1402 = arith.xori %or3A_1401, %ne3A_1386 : vector<256x128xi1>
    %xor3A_1403 = arith.xori %xor3A_1402, %ne3A_1255 : vector<256x128xi1>
    %select_n3A_1404 = arith.select %xor3A_1403, %select_n3A_1379, %select_n3A_1391 : vector<256x128xi1>, vector<256x128xi32>
    %select_n3A_1405 = arith.select %xor3A_1403, %select_n3A_1380, %select_n3A_1396 : vector<256x128xi1>, vector<256x128xi32>
    %and3A_1406 = arith.constant 8 : i32
    %and3A_1407 = vector.broadcast %and3A_1406 : i32 to vector<256x128xi32>
    %and3A_1408 = arith.andi %add3A, %and3A_1407 : vector<256x128xi32>
    %ne3A_1409 = arith.constant 0 : i32
    %ne3A_1410 = vector.broadcast %ne3A_1409 : i32 to vector<256x128xi32>
    %ne3A_1411 = arith.cmpi ne, %and3A_1408, %ne3A_1410 : vector<256x128xi32>
    %roll3A_1412 = arith.constant 8 : i32
    %roll3A_1413 = tpu.dynamic_rotate %select_n3A_1404 by %roll3A_1412 dim 1 : vector<256x128xi32>, i32 -> vector<256x128xi32>
    %roll3A_1414 = arith.constant 120 : i32
    %roll3A_1415 = tpu.dynamic_rotate %select_n3A_1404 by %roll3A_1414 dim 1 : vector<256x128xi32>, i32 -> vector<256x128xi32>
    %select_n3A_1416 = arith.select %ne3A_1411, %roll3A_1413, %roll3A_1415 : vector<256x128xi1>, vector<256x128xi32>
    %roll3A_1417 = arith.constant 8 : i32
    %roll3A_1418 = tpu.dynamic_rotate %select_n3A_1405 by %roll3A_1417 dim 1 : vector<256x128xi32>, i32 -> vector<256x128xi32>
    %roll3A_1419 = arith.constant 120 : i32
    %roll3A_1420 = tpu.dynamic_rotate %select_n3A_1405 by %roll3A_1419 dim 1 : vector<256x128xi32>, i32 -> vector<256x128xi32>
    %select_n3A_1421 = arith.select %ne3A_1411, %roll3A_1418, %roll3A_1420 : vector<256x128xi1>, vector<256x128xi32>
    %gt3A_1422 = arith.cmpi sgt, %select_n3A_1404, %select_n3A_1416 : vector<256x128xi32>
    %eq3A_1423 = arith.cmpi eq, %select_n3A_1404, %select_n3A_1416 : vector<256x128xi32>
    %lt3A_1424 = arith.cmpi slt, %select_n3A_1405, %select_n3A_1421 : vector<256x128xi32>
    %and3A_1425 = arith.andi %eq3A_1423, %lt3A_1424 : vector<256x128xi1>
    %or3A_1426 = arith.ori %gt3A_1422, %and3A_1425 : vector<256x128xi1>
    %xor3A_1427 = arith.xori %or3A_1426, %ne3A_1411 : vector<256x128xi1>
    %xor3A_1428 = arith.xori %xor3A_1427, %ne3A_1255 : vector<256x128xi1>
    %select_n3A_1429 = arith.select %xor3A_1428, %select_n3A_1404, %select_n3A_1416 : vector<256x128xi1>, vector<256x128xi32>
    %select_n3A_1430 = arith.select %xor3A_1428, %select_n3A_1405, %select_n3A_1421 : vector<256x128xi1>, vector<256x128xi32>
    %and3A_1431 = arith.constant 4 : i32
    %and3A_1432 = vector.broadcast %and3A_1431 : i32 to vector<256x128xi32>
    %and3A_1433 = arith.andi %add3A, %and3A_1432 : vector<256x128xi32>
    %ne3A_1434 = arith.constant 0 : i32
    %ne3A_1435 = vector.broadcast %ne3A_1434 : i32 to vector<256x128xi32>
    %ne3A_1436 = arith.cmpi ne, %and3A_1433, %ne3A_1435 : vector<256x128xi32>
    %roll3A_1437 = arith.constant 4 : i32
    %roll3A_1438 = tpu.dynamic_rotate %select_n3A_1429 by %roll3A_1437 dim 1 : vector<256x128xi32>, i32 -> vector<256x128xi32>
    %roll3A_1439 = arith.constant 124 : i32
    %roll3A_1440 = tpu.dynamic_rotate %select_n3A_1429 by %roll3A_1439 dim 1 : vector<256x128xi32>, i32 -> vector<256x128xi32>
    %select_n3A_1441 = arith.select %ne3A_1436, %roll3A_1438, %roll3A_1440 : vector<256x128xi1>, vector<256x128xi32>
    %roll3A_1442 = arith.constant 4 : i32
    %roll3A_1443 = tpu.dynamic_rotate %select_n3A_1430 by %roll3A_1442 dim 1 : vector<256x128xi32>, i32 -> vector<256x128xi32>
    %roll3A_1444 = arith.constant 124 : i32
    %roll3A_1445 = tpu.dynamic_rotate %select_n3A_1430 by %roll3A_1444 dim 1 : vector<256x128xi32>, i32 -> vector<256x128xi32>
    %select_n3A_1446 = arith.select %ne3A_1436, %roll3A_1443, %roll3A_1445 : vector<256x128xi1>, vector<256x128xi32>
    %gt3A_1447 = arith.cmpi sgt, %select_n3A_1429, %select_n3A_1441 : vector<256x128xi32>
    %eq3A_1448 = arith.cmpi eq, %select_n3A_1429, %select_n3A_1441 : vector<256x128xi32>
    %lt3A_1449 = arith.cmpi slt, %select_n3A_1430, %select_n3A_1446 : vector<256x128xi32>
    %and3A_1450 = arith.andi %eq3A_1448, %lt3A_1449 : vector<256x128xi1>
    %or3A_1451 = arith.ori %gt3A_1447, %and3A_1450 : vector<256x128xi1>
    %xor3A_1452 = arith.xori %or3A_1451, %ne3A_1436 : vector<256x128xi1>
    %xor3A_1453 = arith.xori %xor3A_1452, %ne3A_1255 : vector<256x128xi1>
    %select_n3A_1454 = arith.select %xor3A_1453, %select_n3A_1429, %select_n3A_1441 : vector<256x128xi1>, vector<256x128xi32>
    %select_n3A_1455 = arith.select %xor3A_1453, %select_n3A_1430, %select_n3A_1446 : vector<256x128xi1>, vector<256x128xi32>
    %and3A_1456 = arith.constant 2 : i32
    %and3A_1457 = vector.broadcast %and3A_1456 : i32 to vector<256x128xi32>
    %and3A_1458 = arith.andi %add3A, %and3A_1457 : vector<256x128xi32>
    %ne3A_1459 = arith.constant 0 : i32
    %ne3A_1460 = vector.broadcast %ne3A_1459 : i32 to vector<256x128xi32>
    %ne3A_1461 = arith.cmpi ne, %and3A_1458, %ne3A_1460 : vector<256x128xi32>
    %roll3A_1462 = arith.constant 2 : i32
    %roll3A_1463 = tpu.dynamic_rotate %select_n3A_1454 by %roll3A_1462 dim 1 : vector<256x128xi32>, i32 -> vector<256x128xi32>
    %roll3A_1464 = arith.constant 126 : i32
    %roll3A_1465 = tpu.dynamic_rotate %select_n3A_1454 by %roll3A_1464 dim 1 : vector<256x128xi32>, i32 -> vector<256x128xi32>
    %select_n3A_1466 = arith.select %ne3A_1461, %roll3A_1463, %roll3A_1465 : vector<256x128xi1>, vector<256x128xi32>
    %roll3A_1467 = arith.constant 2 : i32
    %roll3A_1468 = tpu.dynamic_rotate %select_n3A_1455 by %roll3A_1467 dim 1 : vector<256x128xi32>, i32 -> vector<256x128xi32>
    %roll3A_1469 = arith.constant 126 : i32
    %roll3A_1470 = tpu.dynamic_rotate %select_n3A_1455 by %roll3A_1469 dim 1 : vector<256x128xi32>, i32 -> vector<256x128xi32>
    %select_n3A_1471 = arith.select %ne3A_1461, %roll3A_1468, %roll3A_1470 : vector<256x128xi1>, vector<256x128xi32>
    %gt3A_1472 = arith.cmpi sgt, %select_n3A_1454, %select_n3A_1466 : vector<256x128xi32>
    %eq3A_1473 = arith.cmpi eq, %select_n3A_1454, %select_n3A_1466 : vector<256x128xi32>
    %lt3A_1474 = arith.cmpi slt, %select_n3A_1455, %select_n3A_1471 : vector<256x128xi32>
    %and3A_1475 = arith.andi %eq3A_1473, %lt3A_1474 : vector<256x128xi1>
    %or3A_1476 = arith.ori %gt3A_1472, %and3A_1475 : vector<256x128xi1>
    %xor3A_1477 = arith.xori %or3A_1476, %ne3A_1461 : vector<256x128xi1>
    %xor3A_1478 = arith.xori %xor3A_1477, %ne3A_1255 : vector<256x128xi1>
    %select_n3A_1479 = arith.select %xor3A_1478, %select_n3A_1454, %select_n3A_1466 : vector<256x128xi1>, vector<256x128xi32>
    %select_n3A_1480 = arith.select %xor3A_1478, %select_n3A_1455, %select_n3A_1471 : vector<256x128xi1>, vector<256x128xi32>
    %and3A_1481 = arith.constant 1 : i32
    %and3A_1482 = vector.broadcast %and3A_1481 : i32 to vector<256x128xi32>
    %and3A_1483 = arith.andi %add3A, %and3A_1482 : vector<256x128xi32>
    %ne3A_1484 = arith.constant 0 : i32
    %ne3A_1485 = vector.broadcast %ne3A_1484 : i32 to vector<256x128xi32>
    %ne3A_1486 = arith.cmpi ne, %and3A_1483, %ne3A_1485 : vector<256x128xi32>
    %roll3A_1487 = arith.constant 1 : i32
    %roll3A_1488 = tpu.dynamic_rotate %select_n3A_1479 by %roll3A_1487 dim 1 : vector<256x128xi32>, i32 -> vector<256x128xi32>
    %roll3A_1489 = arith.constant 127 : i32
    %roll3A_1490 = tpu.dynamic_rotate %select_n3A_1479 by %roll3A_1489 dim 1 : vector<256x128xi32>, i32 -> vector<256x128xi32>
    %select_n3A_1491 = arith.select %ne3A_1486, %roll3A_1488, %roll3A_1490 : vector<256x128xi1>, vector<256x128xi32>
    %roll3A_1492 = arith.constant 1 : i32
    %roll3A_1493 = tpu.dynamic_rotate %select_n3A_1480 by %roll3A_1492 dim 1 : vector<256x128xi32>, i32 -> vector<256x128xi32>
    %roll3A_1494 = arith.constant 127 : i32
    %roll3A_1495 = tpu.dynamic_rotate %select_n3A_1480 by %roll3A_1494 dim 1 : vector<256x128xi32>, i32 -> vector<256x128xi32>
    %select_n3A_1496 = arith.select %ne3A_1486, %roll3A_1493, %roll3A_1495 : vector<256x128xi1>, vector<256x128xi32>
    %gt3A_1497 = arith.cmpi sgt, %select_n3A_1479, %select_n3A_1491 : vector<256x128xi32>
    %eq3A_1498 = arith.cmpi eq, %select_n3A_1479, %select_n3A_1491 : vector<256x128xi32>
    %lt3A_1499 = arith.cmpi slt, %select_n3A_1480, %select_n3A_1496 : vector<256x128xi32>
    %and3A_1500 = arith.andi %eq3A_1498, %lt3A_1499 : vector<256x128xi1>
    %or3A_1501 = arith.ori %gt3A_1497, %and3A_1500 : vector<256x128xi1>
    %xor3A_1502 = arith.xori %or3A_1501, %ne3A_1486 : vector<256x128xi1>
    %xor3A_1503 = arith.xori %xor3A_1502, %ne3A_1255 : vector<256x128xi1>
    %select_n3A_1504 = arith.select %xor3A_1503, %select_n3A_1479, %select_n3A_1491 : vector<256x128xi1>, vector<256x128xi32>
    %select_n3A_1505 = arith.select %xor3A_1503, %select_n3A_1480, %select_n3A_1496 : vector<256x128xi1>, vector<256x128xi32>
    %shift_right_arithmetic3A_1506 = arith.constant 11 : i32
    %shift_right_arithmetic3A_1507 = vector.broadcast %shift_right_arithmetic3A_1506 : i32 to vector<256x128xi32>
    %shift_right_arithmetic3A_1508 = arith.shrsi %add3A, %shift_right_arithmetic3A_1507 : vector<256x128xi32>
    %and3A_1509 = arith.constant 1 : i32
    %and3A_1510 = vector.broadcast %and3A_1509 : i32 to vector<256x128xi32>
    %and3A_1511 = arith.andi %shift_right_arithmetic3A_1508, %and3A_1510 : vector<256x128xi32>
    %ne3A_1512 = arith.constant 0 : i32
    %ne3A_1513 = vector.broadcast %ne3A_1512 : i32 to vector<256x128xi32>
    %ne3A_1514 = arith.cmpi ne, %and3A_1511, %ne3A_1513 : vector<256x128xi32>
    %and3A_1515 = arith.constant 1024 : i32
    %and3A_1516 = vector.broadcast %and3A_1515 : i32 to vector<256x128xi32>
    %and3A_1517 = arith.andi %add3A, %and3A_1516 : vector<256x128xi32>
    %ne3A_1518 = arith.constant 0 : i32
    %ne3A_1519 = vector.broadcast %ne3A_1518 : i32 to vector<256x128xi32>
    %ne3A_1520 = arith.cmpi ne, %and3A_1517, %ne3A_1519 : vector<256x128xi32>
    %roll3A_1521 = arith.constant 8 : i32
    %roll3A_1522 = tpu.dynamic_rotate %select_n3A_1504 by %roll3A_1521 dim 0 : vector<256x128xi32>, i32 -> vector<256x128xi32>
    %roll3A_1523 = arith.constant 248 : i32
    %roll3A_1524 = tpu.dynamic_rotate %select_n3A_1504 by %roll3A_1523 dim 0 : vector<256x128xi32>, i32 -> vector<256x128xi32>
    %select_n3A_1525 = arith.select %ne3A_1520, %roll3A_1522, %roll3A_1524 : vector<256x128xi1>, vector<256x128xi32>
    %roll3A_1526 = arith.constant 8 : i32
    %roll3A_1527 = tpu.dynamic_rotate %select_n3A_1505 by %roll3A_1526 dim 0 : vector<256x128xi32>, i32 -> vector<256x128xi32>
    %roll3A_1528 = arith.constant 248 : i32
    %roll3A_1529 = tpu.dynamic_rotate %select_n3A_1505 by %roll3A_1528 dim 0 : vector<256x128xi32>, i32 -> vector<256x128xi32>
    %select_n3A_1530 = arith.select %ne3A_1520, %roll3A_1527, %roll3A_1529 : vector<256x128xi1>, vector<256x128xi32>
    %gt3A_1531 = arith.cmpi sgt, %select_n3A_1504, %select_n3A_1525 : vector<256x128xi32>
    %eq3A_1532 = arith.cmpi eq, %select_n3A_1504, %select_n3A_1525 : vector<256x128xi32>
    %lt3A_1533 = arith.cmpi slt, %select_n3A_1505, %select_n3A_1530 : vector<256x128xi32>
    %and3A_1534 = arith.andi %eq3A_1532, %lt3A_1533 : vector<256x128xi1>
    %or3A_1535 = arith.ori %gt3A_1531, %and3A_1534 : vector<256x128xi1>
    %xor3A_1536 = arith.xori %or3A_1535, %ne3A_1520 : vector<256x128xi1>
    %xor3A_1537 = arith.xori %xor3A_1536, %ne3A_1514 : vector<256x128xi1>
    %select_n3A_1538 = arith.select %xor3A_1537, %select_n3A_1504, %select_n3A_1525 : vector<256x128xi1>, vector<256x128xi32>
    %select_n3A_1539 = arith.select %xor3A_1537, %select_n3A_1505, %select_n3A_1530 : vector<256x128xi1>, vector<256x128xi32>
    %and3A_1540 = arith.constant 512 : i32
    %and3A_1541 = vector.broadcast %and3A_1540 : i32 to vector<256x128xi32>
    %and3A_1542 = arith.andi %add3A, %and3A_1541 : vector<256x128xi32>
    %ne3A_1543 = arith.constant 0 : i32
    %ne3A_1544 = vector.broadcast %ne3A_1543 : i32 to vector<256x128xi32>
    %ne3A_1545 = arith.cmpi ne, %and3A_1542, %ne3A_1544 : vector<256x128xi32>
    %roll3A_1546 = arith.constant 4 : i32
    %roll3A_1547 = tpu.dynamic_rotate %select_n3A_1538 by %roll3A_1546 dim 0 : vector<256x128xi32>, i32 -> vector<256x128xi32>
    %roll3A_1548 = arith.constant 252 : i32
    %roll3A_1549 = tpu.dynamic_rotate %select_n3A_1538 by %roll3A_1548 dim 0 : vector<256x128xi32>, i32 -> vector<256x128xi32>
    %select_n3A_1550 = arith.select %ne3A_1545, %roll3A_1547, %roll3A_1549 : vector<256x128xi1>, vector<256x128xi32>
    %roll3A_1551 = arith.constant 4 : i32
    %roll3A_1552 = tpu.dynamic_rotate %select_n3A_1539 by %roll3A_1551 dim 0 : vector<256x128xi32>, i32 -> vector<256x128xi32>
    %roll3A_1553 = arith.constant 252 : i32
    %roll3A_1554 = tpu.dynamic_rotate %select_n3A_1539 by %roll3A_1553 dim 0 : vector<256x128xi32>, i32 -> vector<256x128xi32>
    %select_n3A_1555 = arith.select %ne3A_1545, %roll3A_1552, %roll3A_1554 : vector<256x128xi1>, vector<256x128xi32>
    %gt3A_1556 = arith.cmpi sgt, %select_n3A_1538, %select_n3A_1550 : vector<256x128xi32>
    %eq3A_1557 = arith.cmpi eq, %select_n3A_1538, %select_n3A_1550 : vector<256x128xi32>
    %lt3A_1558 = arith.cmpi slt, %select_n3A_1539, %select_n3A_1555 : vector<256x128xi32>
    %and3A_1559 = arith.andi %eq3A_1557, %lt3A_1558 : vector<256x128xi1>
    %or3A_1560 = arith.ori %gt3A_1556, %and3A_1559 : vector<256x128xi1>
    %xor3A_1561 = arith.xori %or3A_1560, %ne3A_1545 : vector<256x128xi1>
    %xor3A_1562 = arith.xori %xor3A_1561, %ne3A_1514 : vector<256x128xi1>
    %select_n3A_1563 = arith.select %xor3A_1562, %select_n3A_1538, %select_n3A_1550 : vector<256x128xi1>, vector<256x128xi32>
    %select_n3A_1564 = arith.select %xor3A_1562, %select_n3A_1539, %select_n3A_1555 : vector<256x128xi1>, vector<256x128xi32>
    %and3A_1565 = arith.constant 256 : i32
    %and3A_1566 = vector.broadcast %and3A_1565 : i32 to vector<256x128xi32>
    %and3A_1567 = arith.andi %add3A, %and3A_1566 : vector<256x128xi32>
    %ne3A_1568 = arith.constant 0 : i32
    %ne3A_1569 = vector.broadcast %ne3A_1568 : i32 to vector<256x128xi32>
    %ne3A_1570 = arith.cmpi ne, %and3A_1567, %ne3A_1569 : vector<256x128xi32>
    %roll3A_1571 = arith.constant 2 : i32
    %roll3A_1572 = tpu.dynamic_rotate %select_n3A_1563 by %roll3A_1571 dim 0 : vector<256x128xi32>, i32 -> vector<256x128xi32>
    %roll3A_1573 = arith.constant 254 : i32
    %roll3A_1574 = tpu.dynamic_rotate %select_n3A_1563 by %roll3A_1573 dim 0 : vector<256x128xi32>, i32 -> vector<256x128xi32>
    %select_n3A_1575 = arith.select %ne3A_1570, %roll3A_1572, %roll3A_1574 : vector<256x128xi1>, vector<256x128xi32>
    %roll3A_1576 = arith.constant 2 : i32
    %roll3A_1577 = tpu.dynamic_rotate %select_n3A_1564 by %roll3A_1576 dim 0 : vector<256x128xi32>, i32 -> vector<256x128xi32>
    %roll3A_1578 = arith.constant 254 : i32
    %roll3A_1579 = tpu.dynamic_rotate %select_n3A_1564 by %roll3A_1578 dim 0 : vector<256x128xi32>, i32 -> vector<256x128xi32>
    %select_n3A_1580 = arith.select %ne3A_1570, %roll3A_1577, %roll3A_1579 : vector<256x128xi1>, vector<256x128xi32>
    %gt3A_1581 = arith.cmpi sgt, %select_n3A_1563, %select_n3A_1575 : vector<256x128xi32>
    %eq3A_1582 = arith.cmpi eq, %select_n3A_1563, %select_n3A_1575 : vector<256x128xi32>
    %lt3A_1583 = arith.cmpi slt, %select_n3A_1564, %select_n3A_1580 : vector<256x128xi32>
    %and3A_1584 = arith.andi %eq3A_1582, %lt3A_1583 : vector<256x128xi1>
    %or3A_1585 = arith.ori %gt3A_1581, %and3A_1584 : vector<256x128xi1>
    %xor3A_1586 = arith.xori %or3A_1585, %ne3A_1570 : vector<256x128xi1>
    %xor3A_1587 = arith.xori %xor3A_1586, %ne3A_1514 : vector<256x128xi1>
    %select_n3A_1588 = arith.select %xor3A_1587, %select_n3A_1563, %select_n3A_1575 : vector<256x128xi1>, vector<256x128xi32>
    %select_n3A_1589 = arith.select %xor3A_1587, %select_n3A_1564, %select_n3A_1580 : vector<256x128xi1>, vector<256x128xi32>
    %and3A_1590 = arith.constant 128 : i32
    %and3A_1591 = vector.broadcast %and3A_1590 : i32 to vector<256x128xi32>
    %and3A_1592 = arith.andi %add3A, %and3A_1591 : vector<256x128xi32>
    %ne3A_1593 = arith.constant 0 : i32
    %ne3A_1594 = vector.broadcast %ne3A_1593 : i32 to vector<256x128xi32>
    %ne3A_1595 = arith.cmpi ne, %and3A_1592, %ne3A_1594 : vector<256x128xi32>
    %roll3A_1596 = arith.constant 1 : i32
    %roll3A_1597 = tpu.dynamic_rotate %select_n3A_1588 by %roll3A_1596 dim 0 : vector<256x128xi32>, i32 -> vector<256x128xi32>
    %roll3A_1598 = arith.constant 255 : i32
    %roll3A_1599 = tpu.dynamic_rotate %select_n3A_1588 by %roll3A_1598 dim 0 : vector<256x128xi32>, i32 -> vector<256x128xi32>
    %select_n3A_1600 = arith.select %ne3A_1595, %roll3A_1597, %roll3A_1599 : vector<256x128xi1>, vector<256x128xi32>
    %roll3A_1601 = arith.constant 1 : i32
    %roll3A_1602 = tpu.dynamic_rotate %select_n3A_1589 by %roll3A_1601 dim 0 : vector<256x128xi32>, i32 -> vector<256x128xi32>
    %roll3A_1603 = arith.constant 255 : i32
    %roll3A_1604 = tpu.dynamic_rotate %select_n3A_1589 by %roll3A_1603 dim 0 : vector<256x128xi32>, i32 -> vector<256x128xi32>
    %select_n3A_1605 = arith.select %ne3A_1595, %roll3A_1602, %roll3A_1604 : vector<256x128xi1>, vector<256x128xi32>
    %gt3A_1606 = arith.cmpi sgt, %select_n3A_1588, %select_n3A_1600 : vector<256x128xi32>
    %eq3A_1607 = arith.cmpi eq, %select_n3A_1588, %select_n3A_1600 : vector<256x128xi32>
    %lt3A_1608 = arith.cmpi slt, %select_n3A_1589, %select_n3A_1605 : vector<256x128xi32>
    %and3A_1609 = arith.andi %eq3A_1607, %lt3A_1608 : vector<256x128xi1>
    %or3A_1610 = arith.ori %gt3A_1606, %and3A_1609 : vector<256x128xi1>
    %xor3A_1611 = arith.xori %or3A_1610, %ne3A_1595 : vector<256x128xi1>
    %xor3A_1612 = arith.xori %xor3A_1611, %ne3A_1514 : vector<256x128xi1>
    %select_n3A_1613 = arith.select %xor3A_1612, %select_n3A_1588, %select_n3A_1600 : vector<256x128xi1>, vector<256x128xi32>
    %select_n3A_1614 = arith.select %xor3A_1612, %select_n3A_1589, %select_n3A_1605 : vector<256x128xi1>, vector<256x128xi32>
    %and3A_1615 = arith.constant 64 : i32
    %and3A_1616 = vector.broadcast %and3A_1615 : i32 to vector<256x128xi32>
    %and3A_1617 = arith.andi %add3A, %and3A_1616 : vector<256x128xi32>
    %ne3A_1618 = arith.constant 0 : i32
    %ne3A_1619 = vector.broadcast %ne3A_1618 : i32 to vector<256x128xi32>
    %ne3A_1620 = arith.cmpi ne, %and3A_1617, %ne3A_1619 : vector<256x128xi32>
    %roll3A_1621 = arith.constant 64 : i32
    %roll3A_1622 = tpu.dynamic_rotate %select_n3A_1613 by %roll3A_1621 dim 1 : vector<256x128xi32>, i32 -> vector<256x128xi32>
    %roll3A_1623 = arith.constant 64 : i32
    %roll3A_1624 = tpu.dynamic_rotate %select_n3A_1613 by %roll3A_1623 dim 1 : vector<256x128xi32>, i32 -> vector<256x128xi32>
    %select_n3A_1625 = arith.select %ne3A_1620, %roll3A_1622, %roll3A_1624 : vector<256x128xi1>, vector<256x128xi32>
    %roll3A_1626 = arith.constant 64 : i32
    %roll3A_1627 = tpu.dynamic_rotate %select_n3A_1614 by %roll3A_1626 dim 1 : vector<256x128xi32>, i32 -> vector<256x128xi32>
    %roll3A_1628 = arith.constant 64 : i32
    %roll3A_1629 = tpu.dynamic_rotate %select_n3A_1614 by %roll3A_1628 dim 1 : vector<256x128xi32>, i32 -> vector<256x128xi32>
    %select_n3A_1630 = arith.select %ne3A_1620, %roll3A_1627, %roll3A_1629 : vector<256x128xi1>, vector<256x128xi32>
    %gt3A_1631 = arith.cmpi sgt, %select_n3A_1613, %select_n3A_1625 : vector<256x128xi32>
    %eq3A_1632 = arith.cmpi eq, %select_n3A_1613, %select_n3A_1625 : vector<256x128xi32>
    %lt3A_1633 = arith.cmpi slt, %select_n3A_1614, %select_n3A_1630 : vector<256x128xi32>
    %and3A_1634 = arith.andi %eq3A_1632, %lt3A_1633 : vector<256x128xi1>
    %or3A_1635 = arith.ori %gt3A_1631, %and3A_1634 : vector<256x128xi1>
    %xor3A_1636 = arith.xori %or3A_1635, %ne3A_1620 : vector<256x128xi1>
    %xor3A_1637 = arith.xori %xor3A_1636, %ne3A_1514 : vector<256x128xi1>
    %select_n3A_1638 = arith.select %xor3A_1637, %select_n3A_1613, %select_n3A_1625 : vector<256x128xi1>, vector<256x128xi32>
    %select_n3A_1639 = arith.select %xor3A_1637, %select_n3A_1614, %select_n3A_1630 : vector<256x128xi1>, vector<256x128xi32>
    %and3A_1640 = arith.constant 32 : i32
    %and3A_1641 = vector.broadcast %and3A_1640 : i32 to vector<256x128xi32>
    %and3A_1642 = arith.andi %add3A, %and3A_1641 : vector<256x128xi32>
    %ne3A_1643 = arith.constant 0 : i32
    %ne3A_1644 = vector.broadcast %ne3A_1643 : i32 to vector<256x128xi32>
    %ne3A_1645 = arith.cmpi ne, %and3A_1642, %ne3A_1644 : vector<256x128xi32>
    %roll3A_1646 = arith.constant 32 : i32
    %roll3A_1647 = tpu.dynamic_rotate %select_n3A_1638 by %roll3A_1646 dim 1 : vector<256x128xi32>, i32 -> vector<256x128xi32>
    %roll3A_1648 = arith.constant 96 : i32
    %roll3A_1649 = tpu.dynamic_rotate %select_n3A_1638 by %roll3A_1648 dim 1 : vector<256x128xi32>, i32 -> vector<256x128xi32>
    %select_n3A_1650 = arith.select %ne3A_1645, %roll3A_1647, %roll3A_1649 : vector<256x128xi1>, vector<256x128xi32>
    %roll3A_1651 = arith.constant 32 : i32
    %roll3A_1652 = tpu.dynamic_rotate %select_n3A_1639 by %roll3A_1651 dim 1 : vector<256x128xi32>, i32 -> vector<256x128xi32>
    %roll3A_1653 = arith.constant 96 : i32
    %roll3A_1654 = tpu.dynamic_rotate %select_n3A_1639 by %roll3A_1653 dim 1 : vector<256x128xi32>, i32 -> vector<256x128xi32>
    %select_n3A_1655 = arith.select %ne3A_1645, %roll3A_1652, %roll3A_1654 : vector<256x128xi1>, vector<256x128xi32>
    %gt3A_1656 = arith.cmpi sgt, %select_n3A_1638, %select_n3A_1650 : vector<256x128xi32>
    %eq3A_1657 = arith.cmpi eq, %select_n3A_1638, %select_n3A_1650 : vector<256x128xi32>
    %lt3A_1658 = arith.cmpi slt, %select_n3A_1639, %select_n3A_1655 : vector<256x128xi32>
    %and3A_1659 = arith.andi %eq3A_1657, %lt3A_1658 : vector<256x128xi1>
    %or3A_1660 = arith.ori %gt3A_1656, %and3A_1659 : vector<256x128xi1>
    %xor3A_1661 = arith.xori %or3A_1660, %ne3A_1645 : vector<256x128xi1>
    %xor3A_1662 = arith.xori %xor3A_1661, %ne3A_1514 : vector<256x128xi1>
    %select_n3A_1663 = arith.select %xor3A_1662, %select_n3A_1638, %select_n3A_1650 : vector<256x128xi1>, vector<256x128xi32>
    %select_n3A_1664 = arith.select %xor3A_1662, %select_n3A_1639, %select_n3A_1655 : vector<256x128xi1>, vector<256x128xi32>
    %and3A_1665 = arith.constant 16 : i32
    %and3A_1666 = vector.broadcast %and3A_1665 : i32 to vector<256x128xi32>
    %and3A_1667 = arith.andi %add3A, %and3A_1666 : vector<256x128xi32>
    %ne3A_1668 = arith.constant 0 : i32
    %ne3A_1669 = vector.broadcast %ne3A_1668 : i32 to vector<256x128xi32>
    %ne3A_1670 = arith.cmpi ne, %and3A_1667, %ne3A_1669 : vector<256x128xi32>
    %roll3A_1671 = arith.constant 16 : i32
    %roll3A_1672 = tpu.dynamic_rotate %select_n3A_1663 by %roll3A_1671 dim 1 : vector<256x128xi32>, i32 -> vector<256x128xi32>
    %roll3A_1673 = arith.constant 112 : i32
    %roll3A_1674 = tpu.dynamic_rotate %select_n3A_1663 by %roll3A_1673 dim 1 : vector<256x128xi32>, i32 -> vector<256x128xi32>
    %select_n3A_1675 = arith.select %ne3A_1670, %roll3A_1672, %roll3A_1674 : vector<256x128xi1>, vector<256x128xi32>
    %roll3A_1676 = arith.constant 16 : i32
    %roll3A_1677 = tpu.dynamic_rotate %select_n3A_1664 by %roll3A_1676 dim 1 : vector<256x128xi32>, i32 -> vector<256x128xi32>
    %roll3A_1678 = arith.constant 112 : i32
    %roll3A_1679 = tpu.dynamic_rotate %select_n3A_1664 by %roll3A_1678 dim 1 : vector<256x128xi32>, i32 -> vector<256x128xi32>
    %select_n3A_1680 = arith.select %ne3A_1670, %roll3A_1677, %roll3A_1679 : vector<256x128xi1>, vector<256x128xi32>
    %gt3A_1681 = arith.cmpi sgt, %select_n3A_1663, %select_n3A_1675 : vector<256x128xi32>
    %eq3A_1682 = arith.cmpi eq, %select_n3A_1663, %select_n3A_1675 : vector<256x128xi32>
    %lt3A_1683 = arith.cmpi slt, %select_n3A_1664, %select_n3A_1680 : vector<256x128xi32>
    %and3A_1684 = arith.andi %eq3A_1682, %lt3A_1683 : vector<256x128xi1>
    %or3A_1685 = arith.ori %gt3A_1681, %and3A_1684 : vector<256x128xi1>
    %xor3A_1686 = arith.xori %or3A_1685, %ne3A_1670 : vector<256x128xi1>
    %xor3A_1687 = arith.xori %xor3A_1686, %ne3A_1514 : vector<256x128xi1>
    %select_n3A_1688 = arith.select %xor3A_1687, %select_n3A_1663, %select_n3A_1675 : vector<256x128xi1>, vector<256x128xi32>
    %select_n3A_1689 = arith.select %xor3A_1687, %select_n3A_1664, %select_n3A_1680 : vector<256x128xi1>, vector<256x128xi32>
    %and3A_1690 = arith.constant 8 : i32
    %and3A_1691 = vector.broadcast %and3A_1690 : i32 to vector<256x128xi32>
    %and3A_1692 = arith.andi %add3A, %and3A_1691 : vector<256x128xi32>
    %ne3A_1693 = arith.constant 0 : i32
    %ne3A_1694 = vector.broadcast %ne3A_1693 : i32 to vector<256x128xi32>
    %ne3A_1695 = arith.cmpi ne, %and3A_1692, %ne3A_1694 : vector<256x128xi32>
    %roll3A_1696 = arith.constant 8 : i32
    %roll3A_1697 = tpu.dynamic_rotate %select_n3A_1688 by %roll3A_1696 dim 1 : vector<256x128xi32>, i32 -> vector<256x128xi32>
    %roll3A_1698 = arith.constant 120 : i32
    %roll3A_1699 = tpu.dynamic_rotate %select_n3A_1688 by %roll3A_1698 dim 1 : vector<256x128xi32>, i32 -> vector<256x128xi32>
    %select_n3A_1700 = arith.select %ne3A_1695, %roll3A_1697, %roll3A_1699 : vector<256x128xi1>, vector<256x128xi32>
    %roll3A_1701 = arith.constant 8 : i32
    %roll3A_1702 = tpu.dynamic_rotate %select_n3A_1689 by %roll3A_1701 dim 1 : vector<256x128xi32>, i32 -> vector<256x128xi32>
    %roll3A_1703 = arith.constant 120 : i32
    %roll3A_1704 = tpu.dynamic_rotate %select_n3A_1689 by %roll3A_1703 dim 1 : vector<256x128xi32>, i32 -> vector<256x128xi32>
    %select_n3A_1705 = arith.select %ne3A_1695, %roll3A_1702, %roll3A_1704 : vector<256x128xi1>, vector<256x128xi32>
    %gt3A_1706 = arith.cmpi sgt, %select_n3A_1688, %select_n3A_1700 : vector<256x128xi32>
    %eq3A_1707 = arith.cmpi eq, %select_n3A_1688, %select_n3A_1700 : vector<256x128xi32>
    %lt3A_1708 = arith.cmpi slt, %select_n3A_1689, %select_n3A_1705 : vector<256x128xi32>
    %and3A_1709 = arith.andi %eq3A_1707, %lt3A_1708 : vector<256x128xi1>
    %or3A_1710 = arith.ori %gt3A_1706, %and3A_1709 : vector<256x128xi1>
    %xor3A_1711 = arith.xori %or3A_1710, %ne3A_1695 : vector<256x128xi1>
    %xor3A_1712 = arith.xori %xor3A_1711, %ne3A_1514 : vector<256x128xi1>
    %select_n3A_1713 = arith.select %xor3A_1712, %select_n3A_1688, %select_n3A_1700 : vector<256x128xi1>, vector<256x128xi32>
    %select_n3A_1714 = arith.select %xor3A_1712, %select_n3A_1689, %select_n3A_1705 : vector<256x128xi1>, vector<256x128xi32>
    %and3A_1715 = arith.constant 4 : i32
    %and3A_1716 = vector.broadcast %and3A_1715 : i32 to vector<256x128xi32>
    %and3A_1717 = arith.andi %add3A, %and3A_1716 : vector<256x128xi32>
    %ne3A_1718 = arith.constant 0 : i32
    %ne3A_1719 = vector.broadcast %ne3A_1718 : i32 to vector<256x128xi32>
    %ne3A_1720 = arith.cmpi ne, %and3A_1717, %ne3A_1719 : vector<256x128xi32>
    %roll3A_1721 = arith.constant 4 : i32
    %roll3A_1722 = tpu.dynamic_rotate %select_n3A_1713 by %roll3A_1721 dim 1 : vector<256x128xi32>, i32 -> vector<256x128xi32>
    %roll3A_1723 = arith.constant 124 : i32
    %roll3A_1724 = tpu.dynamic_rotate %select_n3A_1713 by %roll3A_1723 dim 1 : vector<256x128xi32>, i32 -> vector<256x128xi32>
    %select_n3A_1725 = arith.select %ne3A_1720, %roll3A_1722, %roll3A_1724 : vector<256x128xi1>, vector<256x128xi32>
    %roll3A_1726 = arith.constant 4 : i32
    %roll3A_1727 = tpu.dynamic_rotate %select_n3A_1714 by %roll3A_1726 dim 1 : vector<256x128xi32>, i32 -> vector<256x128xi32>
    %roll3A_1728 = arith.constant 124 : i32
    %roll3A_1729 = tpu.dynamic_rotate %select_n3A_1714 by %roll3A_1728 dim 1 : vector<256x128xi32>, i32 -> vector<256x128xi32>
    %select_n3A_1730 = arith.select %ne3A_1720, %roll3A_1727, %roll3A_1729 : vector<256x128xi1>, vector<256x128xi32>
    %gt3A_1731 = arith.cmpi sgt, %select_n3A_1713, %select_n3A_1725 : vector<256x128xi32>
    %eq3A_1732 = arith.cmpi eq, %select_n3A_1713, %select_n3A_1725 : vector<256x128xi32>
    %lt3A_1733 = arith.cmpi slt, %select_n3A_1714, %select_n3A_1730 : vector<256x128xi32>
    %and3A_1734 = arith.andi %eq3A_1732, %lt3A_1733 : vector<256x128xi1>
    %or3A_1735 = arith.ori %gt3A_1731, %and3A_1734 : vector<256x128xi1>
    %xor3A_1736 = arith.xori %or3A_1735, %ne3A_1720 : vector<256x128xi1>
    %xor3A_1737 = arith.xori %xor3A_1736, %ne3A_1514 : vector<256x128xi1>
    %select_n3A_1738 = arith.select %xor3A_1737, %select_n3A_1713, %select_n3A_1725 : vector<256x128xi1>, vector<256x128xi32>
    %select_n3A_1739 = arith.select %xor3A_1737, %select_n3A_1714, %select_n3A_1730 : vector<256x128xi1>, vector<256x128xi32>
    %and3A_1740 = arith.constant 2 : i32
    %and3A_1741 = vector.broadcast %and3A_1740 : i32 to vector<256x128xi32>
    %and3A_1742 = arith.andi %add3A, %and3A_1741 : vector<256x128xi32>
    %ne3A_1743 = arith.constant 0 : i32
    %ne3A_1744 = vector.broadcast %ne3A_1743 : i32 to vector<256x128xi32>
    %ne3A_1745 = arith.cmpi ne, %and3A_1742, %ne3A_1744 : vector<256x128xi32>
    %roll3A_1746 = arith.constant 2 : i32
    %roll3A_1747 = tpu.dynamic_rotate %select_n3A_1738 by %roll3A_1746 dim 1 : vector<256x128xi32>, i32 -> vector<256x128xi32>
    %roll3A_1748 = arith.constant 126 : i32
    %roll3A_1749 = tpu.dynamic_rotate %select_n3A_1738 by %roll3A_1748 dim 1 : vector<256x128xi32>, i32 -> vector<256x128xi32>
    %select_n3A_1750 = arith.select %ne3A_1745, %roll3A_1747, %roll3A_1749 : vector<256x128xi1>, vector<256x128xi32>
    %roll3A_1751 = arith.constant 2 : i32
    %roll3A_1752 = tpu.dynamic_rotate %select_n3A_1739 by %roll3A_1751 dim 1 : vector<256x128xi32>, i32 -> vector<256x128xi32>
    %roll3A_1753 = arith.constant 126 : i32
    %roll3A_1754 = tpu.dynamic_rotate %select_n3A_1739 by %roll3A_1753 dim 1 : vector<256x128xi32>, i32 -> vector<256x128xi32>
    %select_n3A_1755 = arith.select %ne3A_1745, %roll3A_1752, %roll3A_1754 : vector<256x128xi1>, vector<256x128xi32>
    %gt3A_1756 = arith.cmpi sgt, %select_n3A_1738, %select_n3A_1750 : vector<256x128xi32>
    %eq3A_1757 = arith.cmpi eq, %select_n3A_1738, %select_n3A_1750 : vector<256x128xi32>
    %lt3A_1758 = arith.cmpi slt, %select_n3A_1739, %select_n3A_1755 : vector<256x128xi32>
    %and3A_1759 = arith.andi %eq3A_1757, %lt3A_1758 : vector<256x128xi1>
    %or3A_1760 = arith.ori %gt3A_1756, %and3A_1759 : vector<256x128xi1>
    %xor3A_1761 = arith.xori %or3A_1760, %ne3A_1745 : vector<256x128xi1>
    %xor3A_1762 = arith.xori %xor3A_1761, %ne3A_1514 : vector<256x128xi1>
    %select_n3A_1763 = arith.select %xor3A_1762, %select_n3A_1738, %select_n3A_1750 : vector<256x128xi1>, vector<256x128xi32>
    %select_n3A_1764 = arith.select %xor3A_1762, %select_n3A_1739, %select_n3A_1755 : vector<256x128xi1>, vector<256x128xi32>
    %and3A_1765 = arith.constant 1 : i32
    %and3A_1766 = vector.broadcast %and3A_1765 : i32 to vector<256x128xi32>
    %and3A_1767 = arith.andi %add3A, %and3A_1766 : vector<256x128xi32>
    %ne3A_1768 = arith.constant 0 : i32
    %ne3A_1769 = vector.broadcast %ne3A_1768 : i32 to vector<256x128xi32>
    %ne3A_1770 = arith.cmpi ne, %and3A_1767, %ne3A_1769 : vector<256x128xi32>
    %roll3A_1771 = arith.constant 1 : i32
    %roll3A_1772 = tpu.dynamic_rotate %select_n3A_1763 by %roll3A_1771 dim 1 : vector<256x128xi32>, i32 -> vector<256x128xi32>
    %roll3A_1773 = arith.constant 127 : i32
    %roll3A_1774 = tpu.dynamic_rotate %select_n3A_1763 by %roll3A_1773 dim 1 : vector<256x128xi32>, i32 -> vector<256x128xi32>
    %select_n3A_1775 = arith.select %ne3A_1770, %roll3A_1772, %roll3A_1774 : vector<256x128xi1>, vector<256x128xi32>
    %roll3A_1776 = arith.constant 1 : i32
    %roll3A_1777 = tpu.dynamic_rotate %select_n3A_1764 by %roll3A_1776 dim 1 : vector<256x128xi32>, i32 -> vector<256x128xi32>
    %roll3A_1778 = arith.constant 127 : i32
    %roll3A_1779 = tpu.dynamic_rotate %select_n3A_1764 by %roll3A_1778 dim 1 : vector<256x128xi32>, i32 -> vector<256x128xi32>
    %select_n3A_1780 = arith.select %ne3A_1770, %roll3A_1777, %roll3A_1779 : vector<256x128xi1>, vector<256x128xi32>
    %gt3A_1781 = arith.cmpi sgt, %select_n3A_1763, %select_n3A_1775 : vector<256x128xi32>
    %eq3A_1782 = arith.cmpi eq, %select_n3A_1763, %select_n3A_1775 : vector<256x128xi32>
    %lt3A_1783 = arith.cmpi slt, %select_n3A_1764, %select_n3A_1780 : vector<256x128xi32>
    %and3A_1784 = arith.andi %eq3A_1782, %lt3A_1783 : vector<256x128xi1>
    %or3A_1785 = arith.ori %gt3A_1781, %and3A_1784 : vector<256x128xi1>
    %xor3A_1786 = arith.xori %or3A_1785, %ne3A_1770 : vector<256x128xi1>
    %xor3A_1787 = arith.xori %xor3A_1786, %ne3A_1514 : vector<256x128xi1>
    %select_n3A_1788 = arith.select %xor3A_1787, %select_n3A_1763, %select_n3A_1775 : vector<256x128xi1>, vector<256x128xi32>
    %select_n3A_1789 = arith.select %xor3A_1787, %select_n3A_1764, %select_n3A_1780 : vector<256x128xi1>, vector<256x128xi32>
    %shift_right_arithmetic3A_1790 = arith.constant 12 : i32
    %shift_right_arithmetic3A_1791 = vector.broadcast %shift_right_arithmetic3A_1790 : i32 to vector<256x128xi32>
    %shift_right_arithmetic3A_1792 = arith.shrsi %add3A, %shift_right_arithmetic3A_1791 : vector<256x128xi32>
    %and3A_1793 = arith.constant 1 : i32
    %and3A_1794 = vector.broadcast %and3A_1793 : i32 to vector<256x128xi32>
    %and3A_1795 = arith.andi %shift_right_arithmetic3A_1792, %and3A_1794 : vector<256x128xi32>
    %ne3A_1796 = arith.constant 0 : i32
    %ne3A_1797 = vector.broadcast %ne3A_1796 : i32 to vector<256x128xi32>
    %ne3A_1798 = arith.cmpi ne, %and3A_1795, %ne3A_1797 : vector<256x128xi32>
    %and3A_1799 = arith.constant 2048 : i32
    %and3A_1800 = vector.broadcast %and3A_1799 : i32 to vector<256x128xi32>
    %and3A_1801 = arith.andi %add3A, %and3A_1800 : vector<256x128xi32>
    %ne3A_1802 = arith.constant 0 : i32
    %ne3A_1803 = vector.broadcast %ne3A_1802 : i32 to vector<256x128xi32>
    %ne3A_1804 = arith.cmpi ne, %and3A_1801, %ne3A_1803 : vector<256x128xi32>
    %roll3A_1805 = arith.constant 16 : i32
    %roll3A_1806 = tpu.dynamic_rotate %select_n3A_1788 by %roll3A_1805 dim 0 : vector<256x128xi32>, i32 -> vector<256x128xi32>
    %roll3A_1807 = arith.constant 240 : i32
    %roll3A_1808 = tpu.dynamic_rotate %select_n3A_1788 by %roll3A_1807 dim 0 : vector<256x128xi32>, i32 -> vector<256x128xi32>
    %select_n3A_1809 = arith.select %ne3A_1804, %roll3A_1806, %roll3A_1808 : vector<256x128xi1>, vector<256x128xi32>
    %roll3A_1810 = arith.constant 16 : i32
    %roll3A_1811 = tpu.dynamic_rotate %select_n3A_1789 by %roll3A_1810 dim 0 : vector<256x128xi32>, i32 -> vector<256x128xi32>
    %roll3A_1812 = arith.constant 240 : i32
    %roll3A_1813 = tpu.dynamic_rotate %select_n3A_1789 by %roll3A_1812 dim 0 : vector<256x128xi32>, i32 -> vector<256x128xi32>
    %select_n3A_1814 = arith.select %ne3A_1804, %roll3A_1811, %roll3A_1813 : vector<256x128xi1>, vector<256x128xi32>
    %gt3A_1815 = arith.cmpi sgt, %select_n3A_1788, %select_n3A_1809 : vector<256x128xi32>
    %eq3A_1816 = arith.cmpi eq, %select_n3A_1788, %select_n3A_1809 : vector<256x128xi32>
    %lt3A_1817 = arith.cmpi slt, %select_n3A_1789, %select_n3A_1814 : vector<256x128xi32>
    %and3A_1818 = arith.andi %eq3A_1816, %lt3A_1817 : vector<256x128xi1>
    %or3A_1819 = arith.ori %gt3A_1815, %and3A_1818 : vector<256x128xi1>
    %xor3A_1820 = arith.xori %or3A_1819, %ne3A_1804 : vector<256x128xi1>
    %xor3A_1821 = arith.xori %xor3A_1820, %ne3A_1798 : vector<256x128xi1>
    %select_n3A_1822 = arith.select %xor3A_1821, %select_n3A_1788, %select_n3A_1809 : vector<256x128xi1>, vector<256x128xi32>
    %select_n3A_1823 = arith.select %xor3A_1821, %select_n3A_1789, %select_n3A_1814 : vector<256x128xi1>, vector<256x128xi32>
    %and3A_1824 = arith.constant 1024 : i32
    %and3A_1825 = vector.broadcast %and3A_1824 : i32 to vector<256x128xi32>
    %and3A_1826 = arith.andi %add3A, %and3A_1825 : vector<256x128xi32>
    %ne3A_1827 = arith.constant 0 : i32
    %ne3A_1828 = vector.broadcast %ne3A_1827 : i32 to vector<256x128xi32>
    %ne3A_1829 = arith.cmpi ne, %and3A_1826, %ne3A_1828 : vector<256x128xi32>
    %roll3A_1830 = arith.constant 8 : i32
    %roll3A_1831 = tpu.dynamic_rotate %select_n3A_1822 by %roll3A_1830 dim 0 : vector<256x128xi32>, i32 -> vector<256x128xi32>
    %roll3A_1832 = arith.constant 248 : i32
    %roll3A_1833 = tpu.dynamic_rotate %select_n3A_1822 by %roll3A_1832 dim 0 : vector<256x128xi32>, i32 -> vector<256x128xi32>
    %select_n3A_1834 = arith.select %ne3A_1829, %roll3A_1831, %roll3A_1833 : vector<256x128xi1>, vector<256x128xi32>
    %roll3A_1835 = arith.constant 8 : i32
    %roll3A_1836 = tpu.dynamic_rotate %select_n3A_1823 by %roll3A_1835 dim 0 : vector<256x128xi32>, i32 -> vector<256x128xi32>
    %roll3A_1837 = arith.constant 248 : i32
    %roll3A_1838 = tpu.dynamic_rotate %select_n3A_1823 by %roll3A_1837 dim 0 : vector<256x128xi32>, i32 -> vector<256x128xi32>
    %select_n3A_1839 = arith.select %ne3A_1829, %roll3A_1836, %roll3A_1838 : vector<256x128xi1>, vector<256x128xi32>
    %gt3A_1840 = arith.cmpi sgt, %select_n3A_1822, %select_n3A_1834 : vector<256x128xi32>
    %eq3A_1841 = arith.cmpi eq, %select_n3A_1822, %select_n3A_1834 : vector<256x128xi32>
    %lt3A_1842 = arith.cmpi slt, %select_n3A_1823, %select_n3A_1839 : vector<256x128xi32>
    %and3A_1843 = arith.andi %eq3A_1841, %lt3A_1842 : vector<256x128xi1>
    %or3A_1844 = arith.ori %gt3A_1840, %and3A_1843 : vector<256x128xi1>
    %xor3A_1845 = arith.xori %or3A_1844, %ne3A_1829 : vector<256x128xi1>
    %xor3A_1846 = arith.xori %xor3A_1845, %ne3A_1798 : vector<256x128xi1>
    %select_n3A_1847 = arith.select %xor3A_1846, %select_n3A_1822, %select_n3A_1834 : vector<256x128xi1>, vector<256x128xi32>
    %select_n3A_1848 = arith.select %xor3A_1846, %select_n3A_1823, %select_n3A_1839 : vector<256x128xi1>, vector<256x128xi32>
    %and3A_1849 = arith.constant 512 : i32
    %and3A_1850 = vector.broadcast %and3A_1849 : i32 to vector<256x128xi32>
    %and3A_1851 = arith.andi %add3A, %and3A_1850 : vector<256x128xi32>
    %ne3A_1852 = arith.constant 0 : i32
    %ne3A_1853 = vector.broadcast %ne3A_1852 : i32 to vector<256x128xi32>
    %ne3A_1854 = arith.cmpi ne, %and3A_1851, %ne3A_1853 : vector<256x128xi32>
    %roll3A_1855 = arith.constant 4 : i32
    %roll3A_1856 = tpu.dynamic_rotate %select_n3A_1847 by %roll3A_1855 dim 0 : vector<256x128xi32>, i32 -> vector<256x128xi32>
    %roll3A_1857 = arith.constant 252 : i32
    %roll3A_1858 = tpu.dynamic_rotate %select_n3A_1847 by %roll3A_1857 dim 0 : vector<256x128xi32>, i32 -> vector<256x128xi32>
    %select_n3A_1859 = arith.select %ne3A_1854, %roll3A_1856, %roll3A_1858 : vector<256x128xi1>, vector<256x128xi32>
    %roll3A_1860 = arith.constant 4 : i32
    %roll3A_1861 = tpu.dynamic_rotate %select_n3A_1848 by %roll3A_1860 dim 0 : vector<256x128xi32>, i32 -> vector<256x128xi32>
    %roll3A_1862 = arith.constant 252 : i32
    %roll3A_1863 = tpu.dynamic_rotate %select_n3A_1848 by %roll3A_1862 dim 0 : vector<256x128xi32>, i32 -> vector<256x128xi32>
    %select_n3A_1864 = arith.select %ne3A_1854, %roll3A_1861, %roll3A_1863 : vector<256x128xi1>, vector<256x128xi32>
    %gt3A_1865 = arith.cmpi sgt, %select_n3A_1847, %select_n3A_1859 : vector<256x128xi32>
    %eq3A_1866 = arith.cmpi eq, %select_n3A_1847, %select_n3A_1859 : vector<256x128xi32>
    %lt3A_1867 = arith.cmpi slt, %select_n3A_1848, %select_n3A_1864 : vector<256x128xi32>
    %and3A_1868 = arith.andi %eq3A_1866, %lt3A_1867 : vector<256x128xi1>
    %or3A_1869 = arith.ori %gt3A_1865, %and3A_1868 : vector<256x128xi1>
    %xor3A_1870 = arith.xori %or3A_1869, %ne3A_1854 : vector<256x128xi1>
    %xor3A_1871 = arith.xori %xor3A_1870, %ne3A_1798 : vector<256x128xi1>
    %select_n3A_1872 = arith.select %xor3A_1871, %select_n3A_1847, %select_n3A_1859 : vector<256x128xi1>, vector<256x128xi32>
    %select_n3A_1873 = arith.select %xor3A_1871, %select_n3A_1848, %select_n3A_1864 : vector<256x128xi1>, vector<256x128xi32>
    %and3A_1874 = arith.constant 256 : i32
    %and3A_1875 = vector.broadcast %and3A_1874 : i32 to vector<256x128xi32>
    %and3A_1876 = arith.andi %add3A, %and3A_1875 : vector<256x128xi32>
    %ne3A_1877 = arith.constant 0 : i32
    %ne3A_1878 = vector.broadcast %ne3A_1877 : i32 to vector<256x128xi32>
    %ne3A_1879 = arith.cmpi ne, %and3A_1876, %ne3A_1878 : vector<256x128xi32>
    %roll3A_1880 = arith.constant 2 : i32
    %roll3A_1881 = tpu.dynamic_rotate %select_n3A_1872 by %roll3A_1880 dim 0 : vector<256x128xi32>, i32 -> vector<256x128xi32>
    %roll3A_1882 = arith.constant 254 : i32
    %roll3A_1883 = tpu.dynamic_rotate %select_n3A_1872 by %roll3A_1882 dim 0 : vector<256x128xi32>, i32 -> vector<256x128xi32>
    %select_n3A_1884 = arith.select %ne3A_1879, %roll3A_1881, %roll3A_1883 : vector<256x128xi1>, vector<256x128xi32>
    %roll3A_1885 = arith.constant 2 : i32
    %roll3A_1886 = tpu.dynamic_rotate %select_n3A_1873 by %roll3A_1885 dim 0 : vector<256x128xi32>, i32 -> vector<256x128xi32>
    %roll3A_1887 = arith.constant 254 : i32
    %roll3A_1888 = tpu.dynamic_rotate %select_n3A_1873 by %roll3A_1887 dim 0 : vector<256x128xi32>, i32 -> vector<256x128xi32>
    %select_n3A_1889 = arith.select %ne3A_1879, %roll3A_1886, %roll3A_1888 : vector<256x128xi1>, vector<256x128xi32>
    %gt3A_1890 = arith.cmpi sgt, %select_n3A_1872, %select_n3A_1884 : vector<256x128xi32>
    %eq3A_1891 = arith.cmpi eq, %select_n3A_1872, %select_n3A_1884 : vector<256x128xi32>
    %lt3A_1892 = arith.cmpi slt, %select_n3A_1873, %select_n3A_1889 : vector<256x128xi32>
    %and3A_1893 = arith.andi %eq3A_1891, %lt3A_1892 : vector<256x128xi1>
    %or3A_1894 = arith.ori %gt3A_1890, %and3A_1893 : vector<256x128xi1>
    %xor3A_1895 = arith.xori %or3A_1894, %ne3A_1879 : vector<256x128xi1>
    %xor3A_1896 = arith.xori %xor3A_1895, %ne3A_1798 : vector<256x128xi1>
    %select_n3A_1897 = arith.select %xor3A_1896, %select_n3A_1872, %select_n3A_1884 : vector<256x128xi1>, vector<256x128xi32>
    %select_n3A_1898 = arith.select %xor3A_1896, %select_n3A_1873, %select_n3A_1889 : vector<256x128xi1>, vector<256x128xi32>
    %and3A_1899 = arith.constant 128 : i32
    %and3A_1900 = vector.broadcast %and3A_1899 : i32 to vector<256x128xi32>
    %and3A_1901 = arith.andi %add3A, %and3A_1900 : vector<256x128xi32>
    %ne3A_1902 = arith.constant 0 : i32
    %ne3A_1903 = vector.broadcast %ne3A_1902 : i32 to vector<256x128xi32>
    %ne3A_1904 = arith.cmpi ne, %and3A_1901, %ne3A_1903 : vector<256x128xi32>
    %roll3A_1905 = arith.constant 1 : i32
    %roll3A_1906 = tpu.dynamic_rotate %select_n3A_1897 by %roll3A_1905 dim 0 : vector<256x128xi32>, i32 -> vector<256x128xi32>
    %roll3A_1907 = arith.constant 255 : i32
    %roll3A_1908 = tpu.dynamic_rotate %select_n3A_1897 by %roll3A_1907 dim 0 : vector<256x128xi32>, i32 -> vector<256x128xi32>
    %select_n3A_1909 = arith.select %ne3A_1904, %roll3A_1906, %roll3A_1908 : vector<256x128xi1>, vector<256x128xi32>
    %roll3A_1910 = arith.constant 1 : i32
    %roll3A_1911 = tpu.dynamic_rotate %select_n3A_1898 by %roll3A_1910 dim 0 : vector<256x128xi32>, i32 -> vector<256x128xi32>
    %roll3A_1912 = arith.constant 255 : i32
    %roll3A_1913 = tpu.dynamic_rotate %select_n3A_1898 by %roll3A_1912 dim 0 : vector<256x128xi32>, i32 -> vector<256x128xi32>
    %select_n3A_1914 = arith.select %ne3A_1904, %roll3A_1911, %roll3A_1913 : vector<256x128xi1>, vector<256x128xi32>
    %gt3A_1915 = arith.cmpi sgt, %select_n3A_1897, %select_n3A_1909 : vector<256x128xi32>
    %eq3A_1916 = arith.cmpi eq, %select_n3A_1897, %select_n3A_1909 : vector<256x128xi32>
    %lt3A_1917 = arith.cmpi slt, %select_n3A_1898, %select_n3A_1914 : vector<256x128xi32>
    %and3A_1918 = arith.andi %eq3A_1916, %lt3A_1917 : vector<256x128xi1>
    %or3A_1919 = arith.ori %gt3A_1915, %and3A_1918 : vector<256x128xi1>
    %xor3A_1920 = arith.xori %or3A_1919, %ne3A_1904 : vector<256x128xi1>
    %xor3A_1921 = arith.xori %xor3A_1920, %ne3A_1798 : vector<256x128xi1>
    %select_n3A_1922 = arith.select %xor3A_1921, %select_n3A_1897, %select_n3A_1909 : vector<256x128xi1>, vector<256x128xi32>
    %select_n3A_1923 = arith.select %xor3A_1921, %select_n3A_1898, %select_n3A_1914 : vector<256x128xi1>, vector<256x128xi32>
    %and3A_1924 = arith.constant 64 : i32
    %and3A_1925 = vector.broadcast %and3A_1924 : i32 to vector<256x128xi32>
    %and3A_1926 = arith.andi %add3A, %and3A_1925 : vector<256x128xi32>
    %ne3A_1927 = arith.constant 0 : i32
    %ne3A_1928 = vector.broadcast %ne3A_1927 : i32 to vector<256x128xi32>
    %ne3A_1929 = arith.cmpi ne, %and3A_1926, %ne3A_1928 : vector<256x128xi32>
    %roll3A_1930 = arith.constant 64 : i32
    %roll3A_1931 = tpu.dynamic_rotate %select_n3A_1922 by %roll3A_1930 dim 1 : vector<256x128xi32>, i32 -> vector<256x128xi32>
    %roll3A_1932 = arith.constant 64 : i32
    %roll3A_1933 = tpu.dynamic_rotate %select_n3A_1922 by %roll3A_1932 dim 1 : vector<256x128xi32>, i32 -> vector<256x128xi32>
    %select_n3A_1934 = arith.select %ne3A_1929, %roll3A_1931, %roll3A_1933 : vector<256x128xi1>, vector<256x128xi32>
    %roll3A_1935 = arith.constant 64 : i32
    %roll3A_1936 = tpu.dynamic_rotate %select_n3A_1923 by %roll3A_1935 dim 1 : vector<256x128xi32>, i32 -> vector<256x128xi32>
    %roll3A_1937 = arith.constant 64 : i32
    %roll3A_1938 = tpu.dynamic_rotate %select_n3A_1923 by %roll3A_1937 dim 1 : vector<256x128xi32>, i32 -> vector<256x128xi32>
    %select_n3A_1939 = arith.select %ne3A_1929, %roll3A_1936, %roll3A_1938 : vector<256x128xi1>, vector<256x128xi32>
    %gt3A_1940 = arith.cmpi sgt, %select_n3A_1922, %select_n3A_1934 : vector<256x128xi32>
    %eq3A_1941 = arith.cmpi eq, %select_n3A_1922, %select_n3A_1934 : vector<256x128xi32>
    %lt3A_1942 = arith.cmpi slt, %select_n3A_1923, %select_n3A_1939 : vector<256x128xi32>
    %and3A_1943 = arith.andi %eq3A_1941, %lt3A_1942 : vector<256x128xi1>
    %or3A_1944 = arith.ori %gt3A_1940, %and3A_1943 : vector<256x128xi1>
    %xor3A_1945 = arith.xori %or3A_1944, %ne3A_1929 : vector<256x128xi1>
    %xor3A_1946 = arith.xori %xor3A_1945, %ne3A_1798 : vector<256x128xi1>
    %select_n3A_1947 = arith.select %xor3A_1946, %select_n3A_1922, %select_n3A_1934 : vector<256x128xi1>, vector<256x128xi32>
    %select_n3A_1948 = arith.select %xor3A_1946, %select_n3A_1923, %select_n3A_1939 : vector<256x128xi1>, vector<256x128xi32>
    %and3A_1949 = arith.constant 32 : i32
    %and3A_1950 = vector.broadcast %and3A_1949 : i32 to vector<256x128xi32>
    %and3A_1951 = arith.andi %add3A, %and3A_1950 : vector<256x128xi32>
    %ne3A_1952 = arith.constant 0 : i32
    %ne3A_1953 = vector.broadcast %ne3A_1952 : i32 to vector<256x128xi32>
    %ne3A_1954 = arith.cmpi ne, %and3A_1951, %ne3A_1953 : vector<256x128xi32>
    %roll3A_1955 = arith.constant 32 : i32
    %roll3A_1956 = tpu.dynamic_rotate %select_n3A_1947 by %roll3A_1955 dim 1 : vector<256x128xi32>, i32 -> vector<256x128xi32>
    %roll3A_1957 = arith.constant 96 : i32
    %roll3A_1958 = tpu.dynamic_rotate %select_n3A_1947 by %roll3A_1957 dim 1 : vector<256x128xi32>, i32 -> vector<256x128xi32>
    %select_n3A_1959 = arith.select %ne3A_1954, %roll3A_1956, %roll3A_1958 : vector<256x128xi1>, vector<256x128xi32>
    %roll3A_1960 = arith.constant 32 : i32
    %roll3A_1961 = tpu.dynamic_rotate %select_n3A_1948 by %roll3A_1960 dim 1 : vector<256x128xi32>, i32 -> vector<256x128xi32>
    %roll3A_1962 = arith.constant 96 : i32
    %roll3A_1963 = tpu.dynamic_rotate %select_n3A_1948 by %roll3A_1962 dim 1 : vector<256x128xi32>, i32 -> vector<256x128xi32>
    %select_n3A_1964 = arith.select %ne3A_1954, %roll3A_1961, %roll3A_1963 : vector<256x128xi1>, vector<256x128xi32>
    %gt3A_1965 = arith.cmpi sgt, %select_n3A_1947, %select_n3A_1959 : vector<256x128xi32>
    %eq3A_1966 = arith.cmpi eq, %select_n3A_1947, %select_n3A_1959 : vector<256x128xi32>
    %lt3A_1967 = arith.cmpi slt, %select_n3A_1948, %select_n3A_1964 : vector<256x128xi32>
    %and3A_1968 = arith.andi %eq3A_1966, %lt3A_1967 : vector<256x128xi1>
    %or3A_1969 = arith.ori %gt3A_1965, %and3A_1968 : vector<256x128xi1>
    %xor3A_1970 = arith.xori %or3A_1969, %ne3A_1954 : vector<256x128xi1>
    %xor3A_1971 = arith.xori %xor3A_1970, %ne3A_1798 : vector<256x128xi1>
    %select_n3A_1972 = arith.select %xor3A_1971, %select_n3A_1947, %select_n3A_1959 : vector<256x128xi1>, vector<256x128xi32>
    %select_n3A_1973 = arith.select %xor3A_1971, %select_n3A_1948, %select_n3A_1964 : vector<256x128xi1>, vector<256x128xi32>
    %and3A_1974 = arith.constant 16 : i32
    %and3A_1975 = vector.broadcast %and3A_1974 : i32 to vector<256x128xi32>
    %and3A_1976 = arith.andi %add3A, %and3A_1975 : vector<256x128xi32>
    %ne3A_1977 = arith.constant 0 : i32
    %ne3A_1978 = vector.broadcast %ne3A_1977 : i32 to vector<256x128xi32>
    %ne3A_1979 = arith.cmpi ne, %and3A_1976, %ne3A_1978 : vector<256x128xi32>
    %roll3A_1980 = arith.constant 16 : i32
    %roll3A_1981 = tpu.dynamic_rotate %select_n3A_1972 by %roll3A_1980 dim 1 : vector<256x128xi32>, i32 -> vector<256x128xi32>
    %roll3A_1982 = arith.constant 112 : i32
    %roll3A_1983 = tpu.dynamic_rotate %select_n3A_1972 by %roll3A_1982 dim 1 : vector<256x128xi32>, i32 -> vector<256x128xi32>
    %select_n3A_1984 = arith.select %ne3A_1979, %roll3A_1981, %roll3A_1983 : vector<256x128xi1>, vector<256x128xi32>
    %roll3A_1985 = arith.constant 16 : i32
    %roll3A_1986 = tpu.dynamic_rotate %select_n3A_1973 by %roll3A_1985 dim 1 : vector<256x128xi32>, i32 -> vector<256x128xi32>
    %roll3A_1987 = arith.constant 112 : i32
    %roll3A_1988 = tpu.dynamic_rotate %select_n3A_1973 by %roll3A_1987 dim 1 : vector<256x128xi32>, i32 -> vector<256x128xi32>
    %select_n3A_1989 = arith.select %ne3A_1979, %roll3A_1986, %roll3A_1988 : vector<256x128xi1>, vector<256x128xi32>
    %gt3A_1990 = arith.cmpi sgt, %select_n3A_1972, %select_n3A_1984 : vector<256x128xi32>
    %eq3A_1991 = arith.cmpi eq, %select_n3A_1972, %select_n3A_1984 : vector<256x128xi32>
    %lt3A_1992 = arith.cmpi slt, %select_n3A_1973, %select_n3A_1989 : vector<256x128xi32>
    %and3A_1993 = arith.andi %eq3A_1991, %lt3A_1992 : vector<256x128xi1>
    %or3A_1994 = arith.ori %gt3A_1990, %and3A_1993 : vector<256x128xi1>
    %xor3A_1995 = arith.xori %or3A_1994, %ne3A_1979 : vector<256x128xi1>
    %xor3A_1996 = arith.xori %xor3A_1995, %ne3A_1798 : vector<256x128xi1>
    %select_n3A_1997 = arith.select %xor3A_1996, %select_n3A_1972, %select_n3A_1984 : vector<256x128xi1>, vector<256x128xi32>
    %select_n3A_1998 = arith.select %xor3A_1996, %select_n3A_1973, %select_n3A_1989 : vector<256x128xi1>, vector<256x128xi32>
    %and3A_1999 = arith.constant 8 : i32
    %and3A_2000 = vector.broadcast %and3A_1999 : i32 to vector<256x128xi32>
    %and3A_2001 = arith.andi %add3A, %and3A_2000 : vector<256x128xi32>
    %ne3A_2002 = arith.constant 0 : i32
    %ne3A_2003 = vector.broadcast %ne3A_2002 : i32 to vector<256x128xi32>
    %ne3A_2004 = arith.cmpi ne, %and3A_2001, %ne3A_2003 : vector<256x128xi32>
    %roll3A_2005 = arith.constant 8 : i32
    %roll3A_2006 = tpu.dynamic_rotate %select_n3A_1997 by %roll3A_2005 dim 1 : vector<256x128xi32>, i32 -> vector<256x128xi32>
    %roll3A_2007 = arith.constant 120 : i32
    %roll3A_2008 = tpu.dynamic_rotate %select_n3A_1997 by %roll3A_2007 dim 1 : vector<256x128xi32>, i32 -> vector<256x128xi32>
    %select_n3A_2009 = arith.select %ne3A_2004, %roll3A_2006, %roll3A_2008 : vector<256x128xi1>, vector<256x128xi32>
    %roll3A_2010 = arith.constant 8 : i32
    %roll3A_2011 = tpu.dynamic_rotate %select_n3A_1998 by %roll3A_2010 dim 1 : vector<256x128xi32>, i32 -> vector<256x128xi32>
    %roll3A_2012 = arith.constant 120 : i32
    %roll3A_2013 = tpu.dynamic_rotate %select_n3A_1998 by %roll3A_2012 dim 1 : vector<256x128xi32>, i32 -> vector<256x128xi32>
    %select_n3A_2014 = arith.select %ne3A_2004, %roll3A_2011, %roll3A_2013 : vector<256x128xi1>, vector<256x128xi32>
    %gt3A_2015 = arith.cmpi sgt, %select_n3A_1997, %select_n3A_2009 : vector<256x128xi32>
    %eq3A_2016 = arith.cmpi eq, %select_n3A_1997, %select_n3A_2009 : vector<256x128xi32>
    %lt3A_2017 = arith.cmpi slt, %select_n3A_1998, %select_n3A_2014 : vector<256x128xi32>
    %and3A_2018 = arith.andi %eq3A_2016, %lt3A_2017 : vector<256x128xi1>
    %or3A_2019 = arith.ori %gt3A_2015, %and3A_2018 : vector<256x128xi1>
    %xor3A_2020 = arith.xori %or3A_2019, %ne3A_2004 : vector<256x128xi1>
    %xor3A_2021 = arith.xori %xor3A_2020, %ne3A_1798 : vector<256x128xi1>
    %select_n3A_2022 = arith.select %xor3A_2021, %select_n3A_1997, %select_n3A_2009 : vector<256x128xi1>, vector<256x128xi32>
    %select_n3A_2023 = arith.select %xor3A_2021, %select_n3A_1998, %select_n3A_2014 : vector<256x128xi1>, vector<256x128xi32>
    %and3A_2024 = arith.constant 4 : i32
    %and3A_2025 = vector.broadcast %and3A_2024 : i32 to vector<256x128xi32>
    %and3A_2026 = arith.andi %add3A, %and3A_2025 : vector<256x128xi32>
    %ne3A_2027 = arith.constant 0 : i32
    %ne3A_2028 = vector.broadcast %ne3A_2027 : i32 to vector<256x128xi32>
    %ne3A_2029 = arith.cmpi ne, %and3A_2026, %ne3A_2028 : vector<256x128xi32>
    %roll3A_2030 = arith.constant 4 : i32
    %roll3A_2031 = tpu.dynamic_rotate %select_n3A_2022 by %roll3A_2030 dim 1 : vector<256x128xi32>, i32 -> vector<256x128xi32>
    %roll3A_2032 = arith.constant 124 : i32
    %roll3A_2033 = tpu.dynamic_rotate %select_n3A_2022 by %roll3A_2032 dim 1 : vector<256x128xi32>, i32 -> vector<256x128xi32>
    %select_n3A_2034 = arith.select %ne3A_2029, %roll3A_2031, %roll3A_2033 : vector<256x128xi1>, vector<256x128xi32>
    %roll3A_2035 = arith.constant 4 : i32
    %roll3A_2036 = tpu.dynamic_rotate %select_n3A_2023 by %roll3A_2035 dim 1 : vector<256x128xi32>, i32 -> vector<256x128xi32>
    %roll3A_2037 = arith.constant 124 : i32
    %roll3A_2038 = tpu.dynamic_rotate %select_n3A_2023 by %roll3A_2037 dim 1 : vector<256x128xi32>, i32 -> vector<256x128xi32>
    %select_n3A_2039 = arith.select %ne3A_2029, %roll3A_2036, %roll3A_2038 : vector<256x128xi1>, vector<256x128xi32>
    %gt3A_2040 = arith.cmpi sgt, %select_n3A_2022, %select_n3A_2034 : vector<256x128xi32>
    %eq3A_2041 = arith.cmpi eq, %select_n3A_2022, %select_n3A_2034 : vector<256x128xi32>
    %lt3A_2042 = arith.cmpi slt, %select_n3A_2023, %select_n3A_2039 : vector<256x128xi32>
    %and3A_2043 = arith.andi %eq3A_2041, %lt3A_2042 : vector<256x128xi1>
    %or3A_2044 = arith.ori %gt3A_2040, %and3A_2043 : vector<256x128xi1>
    %xor3A_2045 = arith.xori %or3A_2044, %ne3A_2029 : vector<256x128xi1>
    %xor3A_2046 = arith.xori %xor3A_2045, %ne3A_1798 : vector<256x128xi1>
    %select_n3A_2047 = arith.select %xor3A_2046, %select_n3A_2022, %select_n3A_2034 : vector<256x128xi1>, vector<256x128xi32>
    %select_n3A_2048 = arith.select %xor3A_2046, %select_n3A_2023, %select_n3A_2039 : vector<256x128xi1>, vector<256x128xi32>
    %and3A_2049 = arith.constant 2 : i32
    %and3A_2050 = vector.broadcast %and3A_2049 : i32 to vector<256x128xi32>
    %and3A_2051 = arith.andi %add3A, %and3A_2050 : vector<256x128xi32>
    %ne3A_2052 = arith.constant 0 : i32
    %ne3A_2053 = vector.broadcast %ne3A_2052 : i32 to vector<256x128xi32>
    %ne3A_2054 = arith.cmpi ne, %and3A_2051, %ne3A_2053 : vector<256x128xi32>
    %roll3A_2055 = arith.constant 2 : i32
    %roll3A_2056 = tpu.dynamic_rotate %select_n3A_2047 by %roll3A_2055 dim 1 : vector<256x128xi32>, i32 -> vector<256x128xi32>
    %roll3A_2057 = arith.constant 126 : i32
    %roll3A_2058 = tpu.dynamic_rotate %select_n3A_2047 by %roll3A_2057 dim 1 : vector<256x128xi32>, i32 -> vector<256x128xi32>
    %select_n3A_2059 = arith.select %ne3A_2054, %roll3A_2056, %roll3A_2058 : vector<256x128xi1>, vector<256x128xi32>
    %roll3A_2060 = arith.constant 2 : i32
    %roll3A_2061 = tpu.dynamic_rotate %select_n3A_2048 by %roll3A_2060 dim 1 : vector<256x128xi32>, i32 -> vector<256x128xi32>
    %roll3A_2062 = arith.constant 126 : i32
    %roll3A_2063 = tpu.dynamic_rotate %select_n3A_2048 by %roll3A_2062 dim 1 : vector<256x128xi32>, i32 -> vector<256x128xi32>
    %select_n3A_2064 = arith.select %ne3A_2054, %roll3A_2061, %roll3A_2063 : vector<256x128xi1>, vector<256x128xi32>
    %gt3A_2065 = arith.cmpi sgt, %select_n3A_2047, %select_n3A_2059 : vector<256x128xi32>
    %eq3A_2066 = arith.cmpi eq, %select_n3A_2047, %select_n3A_2059 : vector<256x128xi32>
    %lt3A_2067 = arith.cmpi slt, %select_n3A_2048, %select_n3A_2064 : vector<256x128xi32>
    %and3A_2068 = arith.andi %eq3A_2066, %lt3A_2067 : vector<256x128xi1>
    %or3A_2069 = arith.ori %gt3A_2065, %and3A_2068 : vector<256x128xi1>
    %xor3A_2070 = arith.xori %or3A_2069, %ne3A_2054 : vector<256x128xi1>
    %xor3A_2071 = arith.xori %xor3A_2070, %ne3A_1798 : vector<256x128xi1>
    %select_n3A_2072 = arith.select %xor3A_2071, %select_n3A_2047, %select_n3A_2059 : vector<256x128xi1>, vector<256x128xi32>
    %select_n3A_2073 = arith.select %xor3A_2071, %select_n3A_2048, %select_n3A_2064 : vector<256x128xi1>, vector<256x128xi32>
    %and3A_2074 = arith.constant 1 : i32
    %and3A_2075 = vector.broadcast %and3A_2074 : i32 to vector<256x128xi32>
    %and3A_2076 = arith.andi %add3A, %and3A_2075 : vector<256x128xi32>
    %ne3A_2077 = arith.constant 0 : i32
    %ne3A_2078 = vector.broadcast %ne3A_2077 : i32 to vector<256x128xi32>
    %ne3A_2079 = arith.cmpi ne, %and3A_2076, %ne3A_2078 : vector<256x128xi32>
    %roll3A_2080 = arith.constant 1 : i32
    %roll3A_2081 = tpu.dynamic_rotate %select_n3A_2072 by %roll3A_2080 dim 1 : vector<256x128xi32>, i32 -> vector<256x128xi32>
    %roll3A_2082 = arith.constant 127 : i32
    %roll3A_2083 = tpu.dynamic_rotate %select_n3A_2072 by %roll3A_2082 dim 1 : vector<256x128xi32>, i32 -> vector<256x128xi32>
    %select_n3A_2084 = arith.select %ne3A_2079, %roll3A_2081, %roll3A_2083 : vector<256x128xi1>, vector<256x128xi32>
    %roll3A_2085 = arith.constant 1 : i32
    %roll3A_2086 = tpu.dynamic_rotate %select_n3A_2073 by %roll3A_2085 dim 1 : vector<256x128xi32>, i32 -> vector<256x128xi32>
    %roll3A_2087 = arith.constant 127 : i32
    %roll3A_2088 = tpu.dynamic_rotate %select_n3A_2073 by %roll3A_2087 dim 1 : vector<256x128xi32>, i32 -> vector<256x128xi32>
    %select_n3A_2089 = arith.select %ne3A_2079, %roll3A_2086, %roll3A_2088 : vector<256x128xi1>, vector<256x128xi32>
    %gt3A_2090 = arith.cmpi sgt, %select_n3A_2072, %select_n3A_2084 : vector<256x128xi32>
    %eq3A_2091 = arith.cmpi eq, %select_n3A_2072, %select_n3A_2084 : vector<256x128xi32>
    %lt3A_2092 = arith.cmpi slt, %select_n3A_2073, %select_n3A_2089 : vector<256x128xi32>
    %and3A_2093 = arith.andi %eq3A_2091, %lt3A_2092 : vector<256x128xi1>
    %or3A_2094 = arith.ori %gt3A_2090, %and3A_2093 : vector<256x128xi1>
    %xor3A_2095 = arith.xori %or3A_2094, %ne3A_2079 : vector<256x128xi1>
    %xor3A_2096 = arith.xori %xor3A_2095, %ne3A_1798 : vector<256x128xi1>
    %select_n3A_2097 = arith.select %xor3A_2096, %select_n3A_2072, %select_n3A_2084 : vector<256x128xi1>, vector<256x128xi32>
    %select_n3A_2098 = arith.select %xor3A_2096, %select_n3A_2073, %select_n3A_2089 : vector<256x128xi1>, vector<256x128xi32>
    %broadcast_in_dim3A_2099 = arith.constant false
    %broadcast_in_dim3A_2100 = vector.broadcast %broadcast_in_dim3A_2099 : i1 to vector<256x128xi1>
    %and3A_2101 = arith.constant 4096 : i32
    %and3A_2102 = vector.broadcast %and3A_2101 : i32 to vector<256x128xi32>
    %and3A_2103 = arith.andi %add3A, %and3A_2102 : vector<256x128xi32>
    %ne3A_2104 = arith.constant 0 : i32
    %ne3A_2105 = vector.broadcast %ne3A_2104 : i32 to vector<256x128xi32>
    %ne3A_2106 = arith.cmpi ne, %and3A_2103, %ne3A_2105 : vector<256x128xi32>
    %roll3A_2107 = arith.constant 32 : i32
    %roll3A_2108 = tpu.dynamic_rotate %select_n3A_2097 by %roll3A_2107 dim 0 : vector<256x128xi32>, i32 -> vector<256x128xi32>
    %roll3A_2109 = arith.constant 224 : i32
    %roll3A_2110 = tpu.dynamic_rotate %select_n3A_2097 by %roll3A_2109 dim 0 : vector<256x128xi32>, i32 -> vector<256x128xi32>
    %select_n3A_2111 = arith.select %ne3A_2106, %roll3A_2108, %roll3A_2110 : vector<256x128xi1>, vector<256x128xi32>
    %roll3A_2112 = arith.constant 32 : i32
    %roll3A_2113 = tpu.dynamic_rotate %select_n3A_2098 by %roll3A_2112 dim 0 : vector<256x128xi32>, i32 -> vector<256x128xi32>
    %roll3A_2114 = arith.constant 224 : i32
    %roll3A_2115 = tpu.dynamic_rotate %select_n3A_2098 by %roll3A_2114 dim 0 : vector<256x128xi32>, i32 -> vector<256x128xi32>
    %select_n3A_2116 = arith.select %ne3A_2106, %roll3A_2113, %roll3A_2115 : vector<256x128xi1>, vector<256x128xi32>
    %gt3A_2117 = arith.cmpi sgt, %select_n3A_2097, %select_n3A_2111 : vector<256x128xi32>
    %eq3A_2118 = arith.cmpi eq, %select_n3A_2097, %select_n3A_2111 : vector<256x128xi32>
    %lt3A_2119 = arith.cmpi slt, %select_n3A_2098, %select_n3A_2116 : vector<256x128xi32>
    %and3A_2120 = arith.andi %eq3A_2118, %lt3A_2119 : vector<256x128xi1>
    %or3A_2121 = arith.ori %gt3A_2117, %and3A_2120 : vector<256x128xi1>
    %xor3A_2122 = arith.xori %or3A_2121, %ne3A_2106 : vector<256x128xi1>
    %xor3A_2123 = arith.xori %xor3A_2122, %broadcast_in_dim3A_2100 : vector<256x128xi1>
    %select_n3A_2124 = arith.select %xor3A_2123, %select_n3A_2097, %select_n3A_2111 : vector<256x128xi1>, vector<256x128xi32>
    %select_n3A_2125 = arith.select %xor3A_2123, %select_n3A_2098, %select_n3A_2116 : vector<256x128xi1>, vector<256x128xi32>
    %reshape3A = vector.shape_cast %select_n3A_2124 : vector<256x128xi32> to vector<4x64x128xi32>
    %slice3A = vector.extract_strided_slice %reshape3A {offsets = [0, 0, 0], sizes = [4, 32, 128], strides = [1, 1, 1]} : vector<4x64x128xi32> to vector<4x32x128xi32>
    %reshape3A_2126 = vector.shape_cast %slice3A : vector<4x32x128xi32> to vector<128x128xi32>
    %reshape3A_2127 = vector.shape_cast %select_n3A_2125 : vector<256x128xi32> to vector<4x64x128xi32>
    %slice3A_2128 = vector.extract_strided_slice %reshape3A_2127 {offsets = [0, 0, 0], sizes = [4, 32, 128], strides = [1, 1, 1]} : vector<4x64x128xi32> to vector<4x32x128xi32>
    %reshape3A_2129 = vector.shape_cast %slice3A_2128 : vector<4x32x128xi32> to vector<128x128xi32>
    %reshape3A_2130 = vector.shape_cast %add3A : vector<256x128xi32> to vector<4x64x128xi32>
    %slice3A_2131 = vector.extract_strided_slice %reshape3A_2130 {offsets = [0, 0, 0], sizes = [4, 32, 128], strides = [1, 1, 1]} : vector<4x64x128xi32> to vector<4x32x128xi32>
    %reshape3A_2132 = vector.shape_cast %slice3A_2131 : vector<4x32x128xi32> to vector<128x128xi32>
    %reshape3A_2133 = vector.shape_cast %broadcast_in_dim3A_2100 : vector<256x128xi1> to vector<4x64x128xi1>
    %slice3A_2134 = vector.extract_strided_slice %reshape3A_2133 {offsets = [0, 0, 0], sizes = [4, 32, 128], strides = [1, 1, 1]} : vector<4x64x128xi1> to vector<4x32x128xi1>
    %reshape3A_2135 = vector.shape_cast %slice3A_2134 : vector<4x32x128xi1> to vector<128x128xi1>
    %and3A_2136 = arith.constant 2048 : i32
    %and3A_2137 = vector.broadcast %and3A_2136 : i32 to vector<128x128xi32>
    %and3A_2138 = arith.andi %reshape3A_2132, %and3A_2137 : vector<128x128xi32>
    %ne3A_2139 = arith.constant 0 : i32
    %ne3A_2140 = vector.broadcast %ne3A_2139 : i32 to vector<128x128xi32>
    %ne3A_2141 = arith.cmpi ne, %and3A_2138, %ne3A_2140 : vector<128x128xi32>
    %roll3A_2142 = arith.constant 16 : i32
    %roll3A_2143 = tpu.dynamic_rotate %reshape3A_2126 by %roll3A_2142 dim 0 : vector<128x128xi32>, i32 -> vector<128x128xi32>
    %roll3A_2144 = arith.constant 112 : i32
    %roll3A_2145 = tpu.dynamic_rotate %reshape3A_2126 by %roll3A_2144 dim 0 : vector<128x128xi32>, i32 -> vector<128x128xi32>
    %select_n3A_2146 = arith.select %ne3A_2141, %roll3A_2143, %roll3A_2145 : vector<128x128xi1>, vector<128x128xi32>
    %roll3A_2147 = arith.constant 16 : i32
    %roll3A_2148 = tpu.dynamic_rotate %reshape3A_2129 by %roll3A_2147 dim 0 : vector<128x128xi32>, i32 -> vector<128x128xi32>
    %roll3A_2149 = arith.constant 112 : i32
    %roll3A_2150 = tpu.dynamic_rotate %reshape3A_2129 by %roll3A_2149 dim 0 : vector<128x128xi32>, i32 -> vector<128x128xi32>
    %select_n3A_2151 = arith.select %ne3A_2141, %roll3A_2148, %roll3A_2150 : vector<128x128xi1>, vector<128x128xi32>
    %gt3A_2152 = arith.cmpi sgt, %reshape3A_2126, %select_n3A_2146 : vector<128x128xi32>
    %eq3A_2153 = arith.cmpi eq, %reshape3A_2126, %select_n3A_2146 : vector<128x128xi32>
    %lt3A_2154 = arith.cmpi slt, %reshape3A_2129, %select_n3A_2151 : vector<128x128xi32>
    %and3A_2155 = arith.andi %eq3A_2153, %lt3A_2154 : vector<128x128xi1>
    %or3A_2156 = arith.ori %gt3A_2152, %and3A_2155 : vector<128x128xi1>
    %xor3A_2157 = arith.xori %or3A_2156, %ne3A_2141 : vector<128x128xi1>
    %xor3A_2158 = arith.xori %xor3A_2157, %reshape3A_2135 : vector<128x128xi1>
    %select_n3A_2159 = arith.select %xor3A_2158, %reshape3A_2126, %select_n3A_2146 : vector<128x128xi1>, vector<128x128xi32>
    %select_n3A_2160 = arith.select %xor3A_2158, %reshape3A_2129, %select_n3A_2151 : vector<128x128xi1>, vector<128x128xi32>
    %and3A_2161 = arith.constant 1024 : i32
    %and3A_2162 = vector.broadcast %and3A_2161 : i32 to vector<128x128xi32>
    %and3A_2163 = arith.andi %reshape3A_2132, %and3A_2162 : vector<128x128xi32>
    %ne3A_2164 = arith.constant 0 : i32
    %ne3A_2165 = vector.broadcast %ne3A_2164 : i32 to vector<128x128xi32>
    %ne3A_2166 = arith.cmpi ne, %and3A_2163, %ne3A_2165 : vector<128x128xi32>
    %roll3A_2167 = arith.constant 8 : i32
    %roll3A_2168 = tpu.dynamic_rotate %select_n3A_2159 by %roll3A_2167 dim 0 : vector<128x128xi32>, i32 -> vector<128x128xi32>
    %roll3A_2169 = arith.constant 120 : i32
    %roll3A_2170 = tpu.dynamic_rotate %select_n3A_2159 by %roll3A_2169 dim 0 : vector<128x128xi32>, i32 -> vector<128x128xi32>
    %select_n3A_2171 = arith.select %ne3A_2166, %roll3A_2168, %roll3A_2170 : vector<128x128xi1>, vector<128x128xi32>
    %roll3A_2172 = arith.constant 8 : i32
    %roll3A_2173 = tpu.dynamic_rotate %select_n3A_2160 by %roll3A_2172 dim 0 : vector<128x128xi32>, i32 -> vector<128x128xi32>
    %roll3A_2174 = arith.constant 120 : i32
    %roll3A_2175 = tpu.dynamic_rotate %select_n3A_2160 by %roll3A_2174 dim 0 : vector<128x128xi32>, i32 -> vector<128x128xi32>
    %select_n3A_2176 = arith.select %ne3A_2166, %roll3A_2173, %roll3A_2175 : vector<128x128xi1>, vector<128x128xi32>
    %gt3A_2177 = arith.cmpi sgt, %select_n3A_2159, %select_n3A_2171 : vector<128x128xi32>
    %eq3A_2178 = arith.cmpi eq, %select_n3A_2159, %select_n3A_2171 : vector<128x128xi32>
    %lt3A_2179 = arith.cmpi slt, %select_n3A_2160, %select_n3A_2176 : vector<128x128xi32>
    %and3A_2180 = arith.andi %eq3A_2178, %lt3A_2179 : vector<128x128xi1>
    %or3A_2181 = arith.ori %gt3A_2177, %and3A_2180 : vector<128x128xi1>
    %xor3A_2182 = arith.xori %or3A_2181, %ne3A_2166 : vector<128x128xi1>
    %xor3A_2183 = arith.xori %xor3A_2182, %reshape3A_2135 : vector<128x128xi1>
    %select_n3A_2184 = arith.select %xor3A_2183, %select_n3A_2159, %select_n3A_2171 : vector<128x128xi1>, vector<128x128xi32>
    %select_n3A_2185 = arith.select %xor3A_2183, %select_n3A_2160, %select_n3A_2176 : vector<128x128xi1>, vector<128x128xi32>
    %and3A_2186 = arith.constant 512 : i32
    %and3A_2187 = vector.broadcast %and3A_2186 : i32 to vector<128x128xi32>
    %and3A_2188 = arith.andi %reshape3A_2132, %and3A_2187 : vector<128x128xi32>
    %ne3A_2189 = arith.constant 0 : i32
    %ne3A_2190 = vector.broadcast %ne3A_2189 : i32 to vector<128x128xi32>
    %ne3A_2191 = arith.cmpi ne, %and3A_2188, %ne3A_2190 : vector<128x128xi32>
    %roll3A_2192 = arith.constant 4 : i32
    %roll3A_2193 = tpu.dynamic_rotate %select_n3A_2184 by %roll3A_2192 dim 0 : vector<128x128xi32>, i32 -> vector<128x128xi32>
    %roll3A_2194 = arith.constant 124 : i32
    %roll3A_2195 = tpu.dynamic_rotate %select_n3A_2184 by %roll3A_2194 dim 0 : vector<128x128xi32>, i32 -> vector<128x128xi32>
    %select_n3A_2196 = arith.select %ne3A_2191, %roll3A_2193, %roll3A_2195 : vector<128x128xi1>, vector<128x128xi32>
    %roll3A_2197 = arith.constant 4 : i32
    %roll3A_2198 = tpu.dynamic_rotate %select_n3A_2185 by %roll3A_2197 dim 0 : vector<128x128xi32>, i32 -> vector<128x128xi32>
    %roll3A_2199 = arith.constant 124 : i32
    %roll3A_2200 = tpu.dynamic_rotate %select_n3A_2185 by %roll3A_2199 dim 0 : vector<128x128xi32>, i32 -> vector<128x128xi32>
    %select_n3A_2201 = arith.select %ne3A_2191, %roll3A_2198, %roll3A_2200 : vector<128x128xi1>, vector<128x128xi32>
    %gt3A_2202 = arith.cmpi sgt, %select_n3A_2184, %select_n3A_2196 : vector<128x128xi32>
    %eq3A_2203 = arith.cmpi eq, %select_n3A_2184, %select_n3A_2196 : vector<128x128xi32>
    %lt3A_2204 = arith.cmpi slt, %select_n3A_2185, %select_n3A_2201 : vector<128x128xi32>
    %and3A_2205 = arith.andi %eq3A_2203, %lt3A_2204 : vector<128x128xi1>
    %or3A_2206 = arith.ori %gt3A_2202, %and3A_2205 : vector<128x128xi1>
    %xor3A_2207 = arith.xori %or3A_2206, %ne3A_2191 : vector<128x128xi1>
    %xor3A_2208 = arith.xori %xor3A_2207, %reshape3A_2135 : vector<128x128xi1>
    %select_n3A_2209 = arith.select %xor3A_2208, %select_n3A_2184, %select_n3A_2196 : vector<128x128xi1>, vector<128x128xi32>
    %select_n3A_2210 = arith.select %xor3A_2208, %select_n3A_2185, %select_n3A_2201 : vector<128x128xi1>, vector<128x128xi32>
    %and3A_2211 = arith.constant 256 : i32
    %and3A_2212 = vector.broadcast %and3A_2211 : i32 to vector<128x128xi32>
    %and3A_2213 = arith.andi %reshape3A_2132, %and3A_2212 : vector<128x128xi32>
    %ne3A_2214 = arith.constant 0 : i32
    %ne3A_2215 = vector.broadcast %ne3A_2214 : i32 to vector<128x128xi32>
    %ne3A_2216 = arith.cmpi ne, %and3A_2213, %ne3A_2215 : vector<128x128xi32>
    %roll3A_2217 = arith.constant 2 : i32
    %roll3A_2218 = tpu.dynamic_rotate %select_n3A_2209 by %roll3A_2217 dim 0 : vector<128x128xi32>, i32 -> vector<128x128xi32>
    %roll3A_2219 = arith.constant 126 : i32
    %roll3A_2220 = tpu.dynamic_rotate %select_n3A_2209 by %roll3A_2219 dim 0 : vector<128x128xi32>, i32 -> vector<128x128xi32>
    %select_n3A_2221 = arith.select %ne3A_2216, %roll3A_2218, %roll3A_2220 : vector<128x128xi1>, vector<128x128xi32>
    %roll3A_2222 = arith.constant 2 : i32
    %roll3A_2223 = tpu.dynamic_rotate %select_n3A_2210 by %roll3A_2222 dim 0 : vector<128x128xi32>, i32 -> vector<128x128xi32>
    %roll3A_2224 = arith.constant 126 : i32
    %roll3A_2225 = tpu.dynamic_rotate %select_n3A_2210 by %roll3A_2224 dim 0 : vector<128x128xi32>, i32 -> vector<128x128xi32>
    %select_n3A_2226 = arith.select %ne3A_2216, %roll3A_2223, %roll3A_2225 : vector<128x128xi1>, vector<128x128xi32>
    %gt3A_2227 = arith.cmpi sgt, %select_n3A_2209, %select_n3A_2221 : vector<128x128xi32>
    %eq3A_2228 = arith.cmpi eq, %select_n3A_2209, %select_n3A_2221 : vector<128x128xi32>
    %lt3A_2229 = arith.cmpi slt, %select_n3A_2210, %select_n3A_2226 : vector<128x128xi32>
    %and3A_2230 = arith.andi %eq3A_2228, %lt3A_2229 : vector<128x128xi1>
    %or3A_2231 = arith.ori %gt3A_2227, %and3A_2230 : vector<128x128xi1>
    %xor3A_2232 = arith.xori %or3A_2231, %ne3A_2216 : vector<128x128xi1>
    %xor3A_2233 = arith.xori %xor3A_2232, %reshape3A_2135 : vector<128x128xi1>
    %select_n3A_2234 = arith.select %xor3A_2233, %select_n3A_2209, %select_n3A_2221 : vector<128x128xi1>, vector<128x128xi32>
    %select_n3A_2235 = arith.select %xor3A_2233, %select_n3A_2210, %select_n3A_2226 : vector<128x128xi1>, vector<128x128xi32>
    %and3A_2236 = arith.constant 128 : i32
    %and3A_2237 = vector.broadcast %and3A_2236 : i32 to vector<128x128xi32>
    %and3A_2238 = arith.andi %reshape3A_2132, %and3A_2237 : vector<128x128xi32>
    %ne3A_2239 = arith.constant 0 : i32
    %ne3A_2240 = vector.broadcast %ne3A_2239 : i32 to vector<128x128xi32>
    %ne3A_2241 = arith.cmpi ne, %and3A_2238, %ne3A_2240 : vector<128x128xi32>
    %roll3A_2242 = arith.constant 1 : i32
    %roll3A_2243 = tpu.dynamic_rotate %select_n3A_2234 by %roll3A_2242 dim 0 : vector<128x128xi32>, i32 -> vector<128x128xi32>
    %roll3A_2244 = arith.constant 127 : i32
    %roll3A_2245 = tpu.dynamic_rotate %select_n3A_2234 by %roll3A_2244 dim 0 : vector<128x128xi32>, i32 -> vector<128x128xi32>
    %select_n3A_2246 = arith.select %ne3A_2241, %roll3A_2243, %roll3A_2245 : vector<128x128xi1>, vector<128x128xi32>
    %roll3A_2247 = arith.constant 1 : i32
    %roll3A_2248 = tpu.dynamic_rotate %select_n3A_2235 by %roll3A_2247 dim 0 : vector<128x128xi32>, i32 -> vector<128x128xi32>
    %roll3A_2249 = arith.constant 127 : i32
    %roll3A_2250 = tpu.dynamic_rotate %select_n3A_2235 by %roll3A_2249 dim 0 : vector<128x128xi32>, i32 -> vector<128x128xi32>
    %select_n3A_2251 = arith.select %ne3A_2241, %roll3A_2248, %roll3A_2250 : vector<128x128xi1>, vector<128x128xi32>
    %gt3A_2252 = arith.cmpi sgt, %select_n3A_2234, %select_n3A_2246 : vector<128x128xi32>
    %eq3A_2253 = arith.cmpi eq, %select_n3A_2234, %select_n3A_2246 : vector<128x128xi32>
    %lt3A_2254 = arith.cmpi slt, %select_n3A_2235, %select_n3A_2251 : vector<128x128xi32>
    %and3A_2255 = arith.andi %eq3A_2253, %lt3A_2254 : vector<128x128xi1>
    %or3A_2256 = arith.ori %gt3A_2252, %and3A_2255 : vector<128x128xi1>
    %xor3A_2257 = arith.xori %or3A_2256, %ne3A_2241 : vector<128x128xi1>
    %xor3A_2258 = arith.xori %xor3A_2257, %reshape3A_2135 : vector<128x128xi1>
    %select_n3A_2259 = arith.select %xor3A_2258, %select_n3A_2234, %select_n3A_2246 : vector<128x128xi1>, vector<128x128xi32>
    %select_n3A_2260 = arith.select %xor3A_2258, %select_n3A_2235, %select_n3A_2251 : vector<128x128xi1>, vector<128x128xi32>
    %and3A_2261 = arith.constant 64 : i32
    %and3A_2262 = vector.broadcast %and3A_2261 : i32 to vector<128x128xi32>
    %and3A_2263 = arith.andi %reshape3A_2132, %and3A_2262 : vector<128x128xi32>
    %ne3A_2264 = arith.constant 0 : i32
    %ne3A_2265 = vector.broadcast %ne3A_2264 : i32 to vector<128x128xi32>
    %ne3A_2266 = arith.cmpi ne, %and3A_2263, %ne3A_2265 : vector<128x128xi32>
    %roll3A_2267 = arith.constant 64 : i32
    %roll3A_2268 = tpu.dynamic_rotate %select_n3A_2259 by %roll3A_2267 dim 1 : vector<128x128xi32>, i32 -> vector<128x128xi32>
    %roll3A_2269 = arith.constant 64 : i32
    %roll3A_2270 = tpu.dynamic_rotate %select_n3A_2259 by %roll3A_2269 dim 1 : vector<128x128xi32>, i32 -> vector<128x128xi32>
    %select_n3A_2271 = arith.select %ne3A_2266, %roll3A_2268, %roll3A_2270 : vector<128x128xi1>, vector<128x128xi32>
    %roll3A_2272 = arith.constant 64 : i32
    %roll3A_2273 = tpu.dynamic_rotate %select_n3A_2260 by %roll3A_2272 dim 1 : vector<128x128xi32>, i32 -> vector<128x128xi32>
    %roll3A_2274 = arith.constant 64 : i32
    %roll3A_2275 = tpu.dynamic_rotate %select_n3A_2260 by %roll3A_2274 dim 1 : vector<128x128xi32>, i32 -> vector<128x128xi32>
    %select_n3A_2276 = arith.select %ne3A_2266, %roll3A_2273, %roll3A_2275 : vector<128x128xi1>, vector<128x128xi32>
    %gt3A_2277 = arith.cmpi sgt, %select_n3A_2259, %select_n3A_2271 : vector<128x128xi32>
    %eq3A_2278 = arith.cmpi eq, %select_n3A_2259, %select_n3A_2271 : vector<128x128xi32>
    %lt3A_2279 = arith.cmpi slt, %select_n3A_2260, %select_n3A_2276 : vector<128x128xi32>
    %and3A_2280 = arith.andi %eq3A_2278, %lt3A_2279 : vector<128x128xi1>
    %or3A_2281 = arith.ori %gt3A_2277, %and3A_2280 : vector<128x128xi1>
    %xor3A_2282 = arith.xori %or3A_2281, %ne3A_2266 : vector<128x128xi1>
    %xor3A_2283 = arith.xori %xor3A_2282, %reshape3A_2135 : vector<128x128xi1>
    %select_n3A_2284 = arith.select %xor3A_2283, %select_n3A_2259, %select_n3A_2271 : vector<128x128xi1>, vector<128x128xi32>
    %select_n3A_2285 = arith.select %xor3A_2283, %select_n3A_2260, %select_n3A_2276 : vector<128x128xi1>, vector<128x128xi32>
    %and3A_2286 = arith.constant 32 : i32
    %and3A_2287 = vector.broadcast %and3A_2286 : i32 to vector<128x128xi32>
    %and3A_2288 = arith.andi %reshape3A_2132, %and3A_2287 : vector<128x128xi32>
    %ne3A_2289 = arith.constant 0 : i32
    %ne3A_2290 = vector.broadcast %ne3A_2289 : i32 to vector<128x128xi32>
    %ne3A_2291 = arith.cmpi ne, %and3A_2288, %ne3A_2290 : vector<128x128xi32>
    %roll3A_2292 = arith.constant 32 : i32
    %roll3A_2293 = tpu.dynamic_rotate %select_n3A_2284 by %roll3A_2292 dim 1 : vector<128x128xi32>, i32 -> vector<128x128xi32>
    %roll3A_2294 = arith.constant 96 : i32
    %roll3A_2295 = tpu.dynamic_rotate %select_n3A_2284 by %roll3A_2294 dim 1 : vector<128x128xi32>, i32 -> vector<128x128xi32>
    %select_n3A_2296 = arith.select %ne3A_2291, %roll3A_2293, %roll3A_2295 : vector<128x128xi1>, vector<128x128xi32>
    %roll3A_2297 = arith.constant 32 : i32
    %roll3A_2298 = tpu.dynamic_rotate %select_n3A_2285 by %roll3A_2297 dim 1 : vector<128x128xi32>, i32 -> vector<128x128xi32>
    %roll3A_2299 = arith.constant 96 : i32
    %roll3A_2300 = tpu.dynamic_rotate %select_n3A_2285 by %roll3A_2299 dim 1 : vector<128x128xi32>, i32 -> vector<128x128xi32>
    %select_n3A_2301 = arith.select %ne3A_2291, %roll3A_2298, %roll3A_2300 : vector<128x128xi1>, vector<128x128xi32>
    %gt3A_2302 = arith.cmpi sgt, %select_n3A_2284, %select_n3A_2296 : vector<128x128xi32>
    %eq3A_2303 = arith.cmpi eq, %select_n3A_2284, %select_n3A_2296 : vector<128x128xi32>
    %lt3A_2304 = arith.cmpi slt, %select_n3A_2285, %select_n3A_2301 : vector<128x128xi32>
    %and3A_2305 = arith.andi %eq3A_2303, %lt3A_2304 : vector<128x128xi1>
    %or3A_2306 = arith.ori %gt3A_2302, %and3A_2305 : vector<128x128xi1>
    %xor3A_2307 = arith.xori %or3A_2306, %ne3A_2291 : vector<128x128xi1>
    %xor3A_2308 = arith.xori %xor3A_2307, %reshape3A_2135 : vector<128x128xi1>
    %select_n3A_2309 = arith.select %xor3A_2308, %select_n3A_2284, %select_n3A_2296 : vector<128x128xi1>, vector<128x128xi32>
    %select_n3A_2310 = arith.select %xor3A_2308, %select_n3A_2285, %select_n3A_2301 : vector<128x128xi1>, vector<128x128xi32>
    %and3A_2311 = arith.constant 16 : i32
    %and3A_2312 = vector.broadcast %and3A_2311 : i32 to vector<128x128xi32>
    %and3A_2313 = arith.andi %reshape3A_2132, %and3A_2312 : vector<128x128xi32>
    %ne3A_2314 = arith.constant 0 : i32
    %ne3A_2315 = vector.broadcast %ne3A_2314 : i32 to vector<128x128xi32>
    %ne3A_2316 = arith.cmpi ne, %and3A_2313, %ne3A_2315 : vector<128x128xi32>
    %roll3A_2317 = arith.constant 16 : i32
    %roll3A_2318 = tpu.dynamic_rotate %select_n3A_2309 by %roll3A_2317 dim 1 : vector<128x128xi32>, i32 -> vector<128x128xi32>
    %roll3A_2319 = arith.constant 112 : i32
    %roll3A_2320 = tpu.dynamic_rotate %select_n3A_2309 by %roll3A_2319 dim 1 : vector<128x128xi32>, i32 -> vector<128x128xi32>
    %select_n3A_2321 = arith.select %ne3A_2316, %roll3A_2318, %roll3A_2320 : vector<128x128xi1>, vector<128x128xi32>
    %roll3A_2322 = arith.constant 16 : i32
    %roll3A_2323 = tpu.dynamic_rotate %select_n3A_2310 by %roll3A_2322 dim 1 : vector<128x128xi32>, i32 -> vector<128x128xi32>
    %roll3A_2324 = arith.constant 112 : i32
    %roll3A_2325 = tpu.dynamic_rotate %select_n3A_2310 by %roll3A_2324 dim 1 : vector<128x128xi32>, i32 -> vector<128x128xi32>
    %select_n3A_2326 = arith.select %ne3A_2316, %roll3A_2323, %roll3A_2325 : vector<128x128xi1>, vector<128x128xi32>
    %gt3A_2327 = arith.cmpi sgt, %select_n3A_2309, %select_n3A_2321 : vector<128x128xi32>
    %eq3A_2328 = arith.cmpi eq, %select_n3A_2309, %select_n3A_2321 : vector<128x128xi32>
    %lt3A_2329 = arith.cmpi slt, %select_n3A_2310, %select_n3A_2326 : vector<128x128xi32>
    %and3A_2330 = arith.andi %eq3A_2328, %lt3A_2329 : vector<128x128xi1>
    %or3A_2331 = arith.ori %gt3A_2327, %and3A_2330 : vector<128x128xi1>
    %xor3A_2332 = arith.xori %or3A_2331, %ne3A_2316 : vector<128x128xi1>
    %xor3A_2333 = arith.xori %xor3A_2332, %reshape3A_2135 : vector<128x128xi1>
    %select_n3A_2334 = arith.select %xor3A_2333, %select_n3A_2309, %select_n3A_2321 : vector<128x128xi1>, vector<128x128xi32>
    %select_n3A_2335 = arith.select %xor3A_2333, %select_n3A_2310, %select_n3A_2326 : vector<128x128xi1>, vector<128x128xi32>
    %and3A_2336 = arith.constant 8 : i32
    %and3A_2337 = vector.broadcast %and3A_2336 : i32 to vector<128x128xi32>
    %and3A_2338 = arith.andi %reshape3A_2132, %and3A_2337 : vector<128x128xi32>
    %ne3A_2339 = arith.constant 0 : i32
    %ne3A_2340 = vector.broadcast %ne3A_2339 : i32 to vector<128x128xi32>
    %ne3A_2341 = arith.cmpi ne, %and3A_2338, %ne3A_2340 : vector<128x128xi32>
    %roll3A_2342 = arith.constant 8 : i32
    %roll3A_2343 = tpu.dynamic_rotate %select_n3A_2334 by %roll3A_2342 dim 1 : vector<128x128xi32>, i32 -> vector<128x128xi32>
    %roll3A_2344 = arith.constant 120 : i32
    %roll3A_2345 = tpu.dynamic_rotate %select_n3A_2334 by %roll3A_2344 dim 1 : vector<128x128xi32>, i32 -> vector<128x128xi32>
    %select_n3A_2346 = arith.select %ne3A_2341, %roll3A_2343, %roll3A_2345 : vector<128x128xi1>, vector<128x128xi32>
    %roll3A_2347 = arith.constant 8 : i32
    %roll3A_2348 = tpu.dynamic_rotate %select_n3A_2335 by %roll3A_2347 dim 1 : vector<128x128xi32>, i32 -> vector<128x128xi32>
    %roll3A_2349 = arith.constant 120 : i32
    %roll3A_2350 = tpu.dynamic_rotate %select_n3A_2335 by %roll3A_2349 dim 1 : vector<128x128xi32>, i32 -> vector<128x128xi32>
    %select_n3A_2351 = arith.select %ne3A_2341, %roll3A_2348, %roll3A_2350 : vector<128x128xi1>, vector<128x128xi32>
    %gt3A_2352 = arith.cmpi sgt, %select_n3A_2334, %select_n3A_2346 : vector<128x128xi32>
    %eq3A_2353 = arith.cmpi eq, %select_n3A_2334, %select_n3A_2346 : vector<128x128xi32>
    %lt3A_2354 = arith.cmpi slt, %select_n3A_2335, %select_n3A_2351 : vector<128x128xi32>
    %and3A_2355 = arith.andi %eq3A_2353, %lt3A_2354 : vector<128x128xi1>
    %or3A_2356 = arith.ori %gt3A_2352, %and3A_2355 : vector<128x128xi1>
    %xor3A_2357 = arith.xori %or3A_2356, %ne3A_2341 : vector<128x128xi1>
    %xor3A_2358 = arith.xori %xor3A_2357, %reshape3A_2135 : vector<128x128xi1>
    %select_n3A_2359 = arith.select %xor3A_2358, %select_n3A_2334, %select_n3A_2346 : vector<128x128xi1>, vector<128x128xi32>
    %select_n3A_2360 = arith.select %xor3A_2358, %select_n3A_2335, %select_n3A_2351 : vector<128x128xi1>, vector<128x128xi32>
    %and3A_2361 = arith.constant 4 : i32
    %and3A_2362 = vector.broadcast %and3A_2361 : i32 to vector<128x128xi32>
    %and3A_2363 = arith.andi %reshape3A_2132, %and3A_2362 : vector<128x128xi32>
    %ne3A_2364 = arith.constant 0 : i32
    %ne3A_2365 = vector.broadcast %ne3A_2364 : i32 to vector<128x128xi32>
    %ne3A_2366 = arith.cmpi ne, %and3A_2363, %ne3A_2365 : vector<128x128xi32>
    %roll3A_2367 = arith.constant 4 : i32
    %roll3A_2368 = tpu.dynamic_rotate %select_n3A_2359 by %roll3A_2367 dim 1 : vector<128x128xi32>, i32 -> vector<128x128xi32>
    %roll3A_2369 = arith.constant 124 : i32
    %roll3A_2370 = tpu.dynamic_rotate %select_n3A_2359 by %roll3A_2369 dim 1 : vector<128x128xi32>, i32 -> vector<128x128xi32>
    %select_n3A_2371 = arith.select %ne3A_2366, %roll3A_2368, %roll3A_2370 : vector<128x128xi1>, vector<128x128xi32>
    %roll3A_2372 = arith.constant 4 : i32
    %roll3A_2373 = tpu.dynamic_rotate %select_n3A_2360 by %roll3A_2372 dim 1 : vector<128x128xi32>, i32 -> vector<128x128xi32>
    %roll3A_2374 = arith.constant 124 : i32
    %roll3A_2375 = tpu.dynamic_rotate %select_n3A_2360 by %roll3A_2374 dim 1 : vector<128x128xi32>, i32 -> vector<128x128xi32>
    %select_n3A_2376 = arith.select %ne3A_2366, %roll3A_2373, %roll3A_2375 : vector<128x128xi1>, vector<128x128xi32>
    %gt3A_2377 = arith.cmpi sgt, %select_n3A_2359, %select_n3A_2371 : vector<128x128xi32>
    %eq3A_2378 = arith.cmpi eq, %select_n3A_2359, %select_n3A_2371 : vector<128x128xi32>
    %lt3A_2379 = arith.cmpi slt, %select_n3A_2360, %select_n3A_2376 : vector<128x128xi32>
    %and3A_2380 = arith.andi %eq3A_2378, %lt3A_2379 : vector<128x128xi1>
    %or3A_2381 = arith.ori %gt3A_2377, %and3A_2380 : vector<128x128xi1>
    %xor3A_2382 = arith.xori %or3A_2381, %ne3A_2366 : vector<128x128xi1>
    %xor3A_2383 = arith.xori %xor3A_2382, %reshape3A_2135 : vector<128x128xi1>
    %select_n3A_2384 = arith.select %xor3A_2383, %select_n3A_2359, %select_n3A_2371 : vector<128x128xi1>, vector<128x128xi32>
    %select_n3A_2385 = arith.select %xor3A_2383, %select_n3A_2360, %select_n3A_2376 : vector<128x128xi1>, vector<128x128xi32>
    %and3A_2386 = arith.constant 2 : i32
    %and3A_2387 = vector.broadcast %and3A_2386 : i32 to vector<128x128xi32>
    %and3A_2388 = arith.andi %reshape3A_2132, %and3A_2387 : vector<128x128xi32>
    %ne3A_2389 = arith.constant 0 : i32
    %ne3A_2390 = vector.broadcast %ne3A_2389 : i32 to vector<128x128xi32>
    %ne3A_2391 = arith.cmpi ne, %and3A_2388, %ne3A_2390 : vector<128x128xi32>
    %roll3A_2392 = arith.constant 2 : i32
    %roll3A_2393 = tpu.dynamic_rotate %select_n3A_2384 by %roll3A_2392 dim 1 : vector<128x128xi32>, i32 -> vector<128x128xi32>
    %roll3A_2394 = arith.constant 126 : i32
    %roll3A_2395 = tpu.dynamic_rotate %select_n3A_2384 by %roll3A_2394 dim 1 : vector<128x128xi32>, i32 -> vector<128x128xi32>
    %select_n3A_2396 = arith.select %ne3A_2391, %roll3A_2393, %roll3A_2395 : vector<128x128xi1>, vector<128x128xi32>
    %roll3A_2397 = arith.constant 2 : i32
    %roll3A_2398 = tpu.dynamic_rotate %select_n3A_2385 by %roll3A_2397 dim 1 : vector<128x128xi32>, i32 -> vector<128x128xi32>
    %roll3A_2399 = arith.constant 126 : i32
    %roll3A_2400 = tpu.dynamic_rotate %select_n3A_2385 by %roll3A_2399 dim 1 : vector<128x128xi32>, i32 -> vector<128x128xi32>
    %select_n3A_2401 = arith.select %ne3A_2391, %roll3A_2398, %roll3A_2400 : vector<128x128xi1>, vector<128x128xi32>
    %gt3A_2402 = arith.cmpi sgt, %select_n3A_2384, %select_n3A_2396 : vector<128x128xi32>
    %eq3A_2403 = arith.cmpi eq, %select_n3A_2384, %select_n3A_2396 : vector<128x128xi32>
    %lt3A_2404 = arith.cmpi slt, %select_n3A_2385, %select_n3A_2401 : vector<128x128xi32>
    %and3A_2405 = arith.andi %eq3A_2403, %lt3A_2404 : vector<128x128xi1>
    %or3A_2406 = arith.ori %gt3A_2402, %and3A_2405 : vector<128x128xi1>
    %xor3A_2407 = arith.xori %or3A_2406, %ne3A_2391 : vector<128x128xi1>
    %xor3A_2408 = arith.xori %xor3A_2407, %reshape3A_2135 : vector<128x128xi1>
    %select_n3A_2409 = arith.select %xor3A_2408, %select_n3A_2384, %select_n3A_2396 : vector<128x128xi1>, vector<128x128xi32>
    %select_n3A_2410 = arith.select %xor3A_2408, %select_n3A_2385, %select_n3A_2401 : vector<128x128xi1>, vector<128x128xi32>
    %and3A_2411 = arith.constant 1 : i32
    %and3A_2412 = vector.broadcast %and3A_2411 : i32 to vector<128x128xi32>
    %and3A_2413 = arith.andi %reshape3A_2132, %and3A_2412 : vector<128x128xi32>
    %ne3A_2414 = arith.constant 0 : i32
    %ne3A_2415 = vector.broadcast %ne3A_2414 : i32 to vector<128x128xi32>
    %ne3A_2416 = arith.cmpi ne, %and3A_2413, %ne3A_2415 : vector<128x128xi32>
    %roll3A_2417 = arith.constant 1 : i32
    %roll3A_2418 = tpu.dynamic_rotate %select_n3A_2409 by %roll3A_2417 dim 1 : vector<128x128xi32>, i32 -> vector<128x128xi32>
    %roll3A_2419 = arith.constant 127 : i32
    %roll3A_2420 = tpu.dynamic_rotate %select_n3A_2409 by %roll3A_2419 dim 1 : vector<128x128xi32>, i32 -> vector<128x128xi32>
    %select_n3A_2421 = arith.select %ne3A_2416, %roll3A_2418, %roll3A_2420 : vector<128x128xi1>, vector<128x128xi32>
    %roll3A_2422 = arith.constant 1 : i32
    %roll3A_2423 = tpu.dynamic_rotate %select_n3A_2410 by %roll3A_2422 dim 1 : vector<128x128xi32>, i32 -> vector<128x128xi32>
    %roll3A_2424 = arith.constant 127 : i32
    %roll3A_2425 = tpu.dynamic_rotate %select_n3A_2410 by %roll3A_2424 dim 1 : vector<128x128xi32>, i32 -> vector<128x128xi32>
    %select_n3A_2426 = arith.select %ne3A_2416, %roll3A_2423, %roll3A_2425 : vector<128x128xi1>, vector<128x128xi32>
    %gt3A_2427 = arith.cmpi sgt, %select_n3A_2409, %select_n3A_2421 : vector<128x128xi32>
    %eq3A_2428 = arith.cmpi eq, %select_n3A_2409, %select_n3A_2421 : vector<128x128xi32>
    %lt3A_2429 = arith.cmpi slt, %select_n3A_2410, %select_n3A_2426 : vector<128x128xi32>
    %and3A_2430 = arith.andi %eq3A_2428, %lt3A_2429 : vector<128x128xi1>
    %or3A_2431 = arith.ori %gt3A_2427, %and3A_2430 : vector<128x128xi1>
    %xor3A_2432 = arith.xori %or3A_2431, %ne3A_2416 : vector<128x128xi1>
    %xor3A_2433 = arith.xori %xor3A_2432, %reshape3A_2135 : vector<128x128xi1>
    %select_n3A_2434 = arith.select %xor3A_2433, %select_n3A_2410, %select_n3A_2426 : vector<128x128xi1>, vector<128x128xi32>
    %iota3A_2435 = tpu.iota {dimensions = array<i32: 0>} : vector<128x128xi32>
    %shift_right_arithmetic3A_2436 = arith.constant 5 : i32
    %shift_right_arithmetic3A_2437 = vector.broadcast %shift_right_arithmetic3A_2436 : i32 to vector<128x128xi32>
    %shift_right_arithmetic3A_2438 = arith.shrsi %iota3A_2435, %shift_right_arithmetic3A_2437 : vector<128x128xi32>
    %mul3A_2439 = arith.constant 8192 : i32
    %mul3A_2440 = vector.broadcast %mul3A_2439 : i32 to vector<128x128xi32>
    %mul3A_2441 = arith.muli %shift_right_arithmetic3A_2438, %mul3A_2440 : vector<128x128xi32>
    %add3A_2442 = arith.addi %mul3A_2441, %select_n3A_2434 : vector<128x128xi32>
    %swap3A = arith.constant 0 : index
    %swap3A_2443 = arith.constant 0 : index
    %swap3A_2444 = vector.load %arg3[%swap3A, %swap3A_2443] : memref<128x128xi32, #tpu.memory_space<vmem>>, vector<128x128xi32>
    tpu.vector_store %arg3[%swap3A, %swap3A_2443], %add3A_2442 {strides = array<i32>} : memref<128x128xi32, #tpu.memory_space<vmem>>, vector<128x128xi32>,
    return
  }
}

</mosaic_0001>

<sc_bundles>
// kernel: kernel.4.cloned.1.call-start
scs
__scs_entry_jumppad:
0x0: {  	(pc) =	sbr.rel $0x88, $3  }
0x1: {  	(tag) =	ssettag $0x0;
	lr =	simm.s32 $0x1  }
0x2: {  	[smem:$0x3F9D] =	sst lr;
	_ =	strace $0xD0000000  }
0x3: {  	_ = 	snop  }
0x4: {  	_ = 	snop  }
0x5: {  	_ = 	snop  }
0x6: {  	_ = 	snop  }
0x7: {  	_ = 	snop  }
__scs_overlays_trampoline_lowered:
0x8: {  	[smem:$0x3FAC] =	sst s0  }
0x9: {  	[smem:$0x3FAD] =	sst s1  }
0xa: {  	[smem:$0x3FAE] =	sst s2  }
0xb: {  	[smem:$0x3FAF] =	sst s3  }
0xc: {  	[smem:$0x3FB0] =	sst s4  }
0xd: {  	[smem:$0x3FB1] =	sst s5  }
0xe: {  	[smem:$0x3FB2] =	sst s6  }
0xf: {  	[smem:$0x3FB3] =	sst s7  }
0x10: {  	[smem:$0x3FB4] =	sst s8  }
0x11: {  	[smem:$0x3FB5] =	sst s9;
	s0 =	simm.s32 @!p0 $0x0  }
0x12: {  	s1 =	sld [smem:$0x3F9B];
	s0 =	simm.s32 @p0 $0x1  }
0x13: {  	[smem:$0x3FB6] =	sst s0;
	s0 =	simm.s32 @!p1 $0x0  }
0x14: {  	s2 =	sld [smem:$0x3F9A];
	s0 =	simm.s32 @p1 $0x1  }
0x15: {  	[smem:$0x3FB7] =	sst s0;
	s0 =	simm.s32 @!p2 $0x0  }
0x16: {  	s3 =	sld [smem:$0x3FDB];
	s0 =	simm.s32 @p2 $0x1  }
0x17: {  	s4 =	simm.s32 $0x1BF5;
	[smem:$0x3FB9] =	sst s0  }
0x18: {  	s0 =	sld [smem:$0x3F9C];
	_ =	swait.ge [sflag:s4], $0x0  }
0x19: {  	s7 =	sld [smem:$0x3F9D]  }
0x1a: {  	s8 =	sadd.s32 $0xFFFFE003, lr  }
0x1b: {  	s9 =	sadd.s32 $0xFFFFFEF7, lr;
	s5 =	simm.s32 $0xFFFFFFFF;
	p2 =	slt.u32 s8, $0xFFFFF086  }
0x1c: {  	p1 =	slt.u32 s9, $0xF7A;
	s5 =	simm.s32 @!p2 $0x0  }
0x1d: {  	s5 =	simm.s32 @p1 $0x1;
	p0 =	seq.s32 s7, s2  }
0x1e: {  	s7 =	smul.u32 @!p0 $0xF7A, s2;
	p2 =	seq.s32 @!p0 s5, $0x0  }
0x1f: {  	s9 =	smul.u32 $0xF7A, s1;
	s8 =	simm.s32 @!p0 $0x1BF5;
	p2 =	por !p2, p0  }
0x20: {  	[sflag:s8] =	ssyncset.s32 @!p0 $0xFFFFF086;
	s6 =	sadd.s32 @!p0 s3, s7;
	s7 =	simm.s32 @!p0 $0x108  }
0x21: {  	s3 =	sadd.s32 s3, s9;
	s6 =	sadd.s32 @!p0 $0x88, s6;
	s7 =	simm.s32 @p2 $0x1082  }
0x22: {  	[simem:s7], [sflag:s8] =	dma.local @!p0 [hbm:s6], $0xF7A  }
0x23: {  	s9 =	sor.u32 $0xD0000000, s2;
	s6 =	simm.s32 $0x108;
	_ =	swait.ge @!p0 [sflag:s8], $0x0  }
0x24: {  	s3 =	sadd.s32 $0x88, s3;
	s6 =	simm.s32 @!p1 $0x1082;
	[sflag:s4] =	ssyncset.s32 $0xFFFFF086  }
0x25: {  	[simem:s6], [sflag:s4] =	dma.local [hbm:s3], $0xF7A  }
0x26: {  	[smem:$0x3F9D] =	sst s1;
	(tag) =	ssettag s2;
	_ =	strace s9  }
0x27: {  	s1 =	sld [smem:$0x3FAD]  }
0x28: {  	s2 =	sld [smem:$0x3FAE]  }
0x29: {  	s4 =	sld [smem:$0x3FB0]  }
0x2a: {  	p0 =	seq.s32 s5, $0x0;
	s5 =	sld [smem:$0x3FB1]  }
0x2b: {  	s6 =	sld [smem:$0x3FB2]  }
0x2c: {  	s7 =	sld [smem:$0x3FB3]  }
0x2d: {  	s3 =	simm.s32 $0x108;
	s8 =	sld [smem:$0x3FB4]  }
0x2e: {  	s3 =	simm.s32 @!p0 $0x1082;
	s9 =	sld [smem:$0x3FB5]  }
0x2f: {  	lr =	sadd.s32 s0, s3;
	s0 =	sld [smem:$0x3FAC]  }
0x30: {  	s3 =	sld [smem:$0x3FAF]  }
0x31: {  	[smem:$0x3FB8] =	sst s10  }
0x32: {  	s10 =	sld [smem:$0x3FB6];
	_ =	sdelay $0x3  }
0x33: {  	p0 =	seq.s32 s10, $0x1;
	s10 =	sld [smem:$0x3FB8];
	_ =	sdelay $0x3  }
0x34: {  	[smem:$0x3FB8] =	sst s10  }
0x35: {  	s10 =	sld [smem:$0x3FB7];
	_ =	sdelay $0x3  }
0x36: {  	p1 =	seq.s32 s10, $0x1;
	s10 =	sld [smem:$0x3FB8];
	_ =	sdelay $0x3  }
0x37: {  	[smem:$0x3FB8] =	sst s10  }
0x38: {  	s10 =	sld [smem:$0x3FB9]  }
0x39: {  	_ = 	snop;
	(pc) =	sbr.ind lr, $3  }
0x3a: {  	_ = 	snop  }
0x3b: {  	_ = 	snop  }
0x3c: {  	p2 =	seq.s32 s10, $0x1;
	s10 =	sld [smem:$0x3FB8]  }
0x3d: {  	_ =	shalt  }
0x3e: {  	_ =	shalt  }
0x3f: {  	_ =	shalt  }
0x40: {  	_ =	shalt  }
0x41: {  	_ =	shalt  }
0x42: {  	_ =	shalt  }
0x43: {  	_ =	shalt  }
0x44: {  	_ =	shalt  }
0x45: {  	_ =	shalt  }
0x46: {  	_ =	shalt  }
0x47: {  	_ =	shalt  }
0x48: {  	_ =	shalt  }
0x49: {  	_ =	shalt  }
0x4a: {  	_ =	shalt  }
0x4b: {  	_ =	shalt  }
0x4c: {  	_ =	shalt  }
0x4d: {  	_ =	shalt  }
0x4e: {  	_ =	shalt  }
0x4f: {  	_ =	shalt  }
0x50: {  	_ =	shalt  }
0x51: {  	_ =	shalt  }
0x52: {  	_ =	shalt  }
0x53: {  	_ =	shalt  }
0x54: {  	_ =	shalt  }
0x55: {  	_ =	shalt  }
0x56: {  	_ =	shalt  }
0x57: {  	_ =	shalt  }
0x58: {  	_ =	shalt  }
0x59: {  	_ =	shalt  }
0x5a: {  	_ =	shalt  }
0x5b: {  	_ =	shalt  }
0x5c: {  	_ =	shalt  }
0x5d: {  	_ =	shalt  }
0x5e: {  	_ =	shalt  }
0x5f: {  	_ =	shalt  }
0x60: {  	_ =	shalt  }
0x61: {  	_ =	shalt  }
0x62: {  	_ =	shalt  }
0x63: {  	_ =	shalt  }
0x64: {  	_ =	shalt  }
0x65: {  	_ =	shalt  }
0x66: {  	_ =	shalt  }
0x67: {  	_ =	shalt  }
0x68: {  	_ =	shalt  }
0x69: {  	_ =	shalt  }
0x6a: {  	_ =	shalt  }
0x6b: {  	_ =	shalt  }
0x6c: {  	_ =	shalt  }
0x6d: {  	_ =	shalt  }
0x6e: {  	_ =	shalt  }
0x6f: {  	_ =	shalt  }
0x70: {  	_ =	shalt  }
0x71: {  	_ =	shalt  }
0x72: {  	_ =	shalt  }
0x73: {  	_ =	shalt  }
0x74: {  	_ =	shalt  }
0x75: {  	_ =	shalt  }
0x76: {  	_ =	shalt  }
0x77: {  	_ =	shalt  }
0x78: {  	_ =	shalt  }
0x79: {  	_ =	shalt  }
0x7a: {  	_ =	shalt  }
0x7b: {  	_ =	shalt  }
0x7c: {  	_ =	shalt  }
0x7d: {  	_ =	shalt  }
0x7e: {  	_ =	shalt  }
0x7f: {  	_ =	shalt  }
0x80: {  	_ =	shalt  }
0x81: {  	_ =	shalt  }
0x82: {  	_ =	shalt  }
0x83: {  	_ =	shalt  }
0x84: {  	_ =	shalt  }
0x85: {  	_ =	shalt  }
0x86: {  	_ =	shalt  }
0x87: {  	_ =	shalt  }
.Lfunc_end0:
.L_simem_size_0:
called_computation_lowered:
.L_overlay_start_0:
0x88: {  	s2 =	sld [smem:$0x3FD9]  }
0x89: {  	s3 =	sld [smem:$0x3FFE];
	_ =	sdelay $0x1  }
0x8a: {  	s1 =	srdreg.scid  }
0x8b: {  	s0 =	sand.u32 $0x1, s1  }
0x8c: {  	s17 =	sshll.u32 s0, $0xA;
	s2 =	sadd.s32 s3, s2  }
0x8d: {  	s2 =	sadd.s32 s2, s17  }
0x8e: {  	[smem:$0x3FC4] =	sst s2  }
0x8f: {  	_ = 	snop  }
0x90: {  	s2 =	sld [smem:$0x3FC9]  }
0x91: {  	s18 =	sld [smem:$0x3FD0];
	(tm) =	ssettm $0x1  }
0x92: {  	s4 =	sld [smem:$0x3FFB];
	_ =	sdelay $0x3  }
0x93: {  	_ =	strace s4  }
0x94: {  	s4 =	sld [smem:$0x3FFC];
	_ =	sdelay $0x3  }
0x95: {  	_ =	strace s4  }
0x96: {  	s4 =	sld [smem:$0x3FFD];
	_ =	sdelay $0x3  }
0x97: {  	_ =	strace s4  }
0x98: {  	_ =	strace $0x8FFFFFFF  }
0x99: {  	s19 =	sld [smem:$0x3FDB];
	_ =	sdelay $0x1  }
0x9a: {  	s5 =	simm.s32 $_scs_section_size  }
0x9b: {  	s6 =	simm.s32 $_size__tile_overlayer_lowered;
	s7 =	simm.s32 $_tile_overlayer_lowered  }
0x9c: {  	s22 =	simm.s32 $0x1BFF;
	s21 =	sshll.u32 s7, $0x1;
	s4 =	sadd.s32 s5, s19  }
0x9d: {  	s8 =	simm.s32 $0x0;
	s20 =	sshll.u32 s6, $0x1;
	s6 =	sadd.s32 s21, s4  }
0x9e: {  	[timem:s8], [sflag:s22] =	dma.local [hbm:s6], s20  }
0x9f: {  	_ =	swait.ge [sflag:s22], s20  }
0xa0: {  	s5 =	ssub.s32 $0x0, s20;
	[sflag:s22] =	ssyncset.done $0x0  }
0xa1: {  	[sflag:s22] =	ssyncadd.s32 s5;
	_ =	sdelay $0x1  }
0xa2: {  	s23 =	simm.s32 $0x1B8B  }
0xa3: {  	_ =	swait.ge [sflag:s23], $0x1  }
0xa4: {  	[sflag:s23] =	ssyncset.done $0x0  }
0xa5: {  	s25 =	simm.s32 $0x1B8E;
	s24 =	sld [smem:$0x3FFE];
	[sflag:s23] =	ssyncadd.s32 $0xFFFFFFFF  }
0xa6: {  	s26 =	simm.s32 $execute0_lowered;
	[smem:$0x3FD2] =	sst s25  }
0xa7: {  	s6 =	sshll.u32 s26, $0x1;
	_ =	strace $0x80000046;
	[dreg:$0x1] =	wrdreg $0xFFFFFFFF  }
0xa8: {  	s28 =	simm.s32 $_size_execute0_lowered;
	s4 =	sadd.s32 s4, s6;
	[dreg:$0x0] =	wrdreg $0x0  }
0xa9: {  	s6 =	sshll.u32 s28, $0x1;
	[dreg:$0x2] =	wrdreg s4  }
0xaa: {  	[dreg:$0x3] =	wrdreg s6  }
0xab: {  	[dreg:$0x4] =	wrdreg $0xC0  }
0xac: {  	_ =	task [dreg:s8], $0x5FFFF  }
0xad: {  	[dreg:$0x1] =	wrdreg $0xFFFFFFFF  }
0xae: {  	[dreg:$0x0] =	wrdreg $0x60  }
0xaf: {  	[dreg:$0x2] =	wrdreg s2  }
0xb0: {  	[dreg:$0x3] =	wrdreg s24  }
0xb1: {  	[dreg:$0x4] =	wrdreg s18  }
0xb2: {  	[dreg:$0x5] =	wrdreg $0x9  }
0xb3: {  	_ =	task.clear_ibuf [dreg:s8], $0x6FFFF;
	_ =	strace $0x90000046  }
0xb4: {  	s29 =	simm.s32 $0x9;
	_ =	strace $0x80000048  }
0xb5: {  	_ =	swait.ge [sflag:s29], $0x1  }
0xb6: {  	[sflag:s29] =	ssyncadd.s32 $0xFFFFFFFF  }
0xb7: {  	_ =	strace $0x90000048  }
0xb8: {  	_ =	sfence  }
0xb9: {  	s30 =	sld [smem:$0x0];
	_ =	sdelay $0x2  }
0xba: {  	s31 =	sshll.u32 s1, $0xD;
	s1 =	sshrl.u32 s1, $0x2  }
0xbb: {  	s3 =	sand.u32 $0x4000, s31;
	s1 =	sadd.s32 s1, s30  }
0xbc: {  	s0 =	sor.u32 s3, s0;
	s1 =	sshll.u32 s1, $0x11  }
0xbd: {  	s0 =	sor.u32 s1, s0  }
0xbe: {  	s0 =	sadd.s32 $0x8F2B, s0  }
0xbf: {  	[sflag:s0] =	ssyncadd.remote.s32 $0x1  }
0xc0: {  	_ =	sfence.sel $0xFFFF  }
0xc1: {  	[dreg:$0x0] =	wrdreg $0xFFFFFFFF;
	(pc) =	sbr.abs _section_cstart, $3  }
0xc2: {  	[dreg:$0x1] =	wrdreg $0xFFFFFFFF  }
0xc3: {  	_ =	task.clear_ibuf [dreg:s8], $0x2FFFF;
	_ =	strace $0x9FFFFFFF  }
0xc4: {  	(tm) =	ssettm $0x7FFFFFFF  }
0xc5: {  	_ =	shalt  }
tec
execute0_lowered:
.L_overlay_start_1:
0x0: {  	(tag) =	ssettag $0x1  }
0x1: {  	s2 =	rddreg [dreg:$0x0];
	s0 =	srdreg.scid  }
0x2: {  	s1 =	rddreg [dreg:$0x1];
	s7 =	stileid.u32;
	s0 =	sand.u32 $0x1, s0  }
0x3: {  	s4 =	rddreg [dreg:$0x2];
	s5 =	sshll.u32 s7, $0x1;
	s6 =	sshll.u32 s0, $0x6  }
0x4: {  	s20 =	sshll.u32 s7, $0x7;
	s5 =	sor.u32 s0, s5;
	s1 =	sadd.s32 s6, s1  }
0x5: {  	s3 =	simm.s32 $0x0;
	s21 =	smul.u32 $0xC000, s5;
	s1 =	sadd.s32 s20, s1  }
0x6: {  	[smem:$0x7FF] =	sst s3;
	s1 =	sadd.s32 $0x800, s1  }
0x7: {  	_ =	strace $0x80000047;
	s22 =	sadd.s32 s4, s21;
	[dreg:$0x4] =	wrdreg s1  }
0x8: {  	s23 =	sadd.s32 $0x600, s22;
	[smem:$0x7F9] =	sst s22  }
0x9: {  	s24 =	sadd.s32 $0xC00, s22;
	[dreg:$0x5] =	wrdreg s23  }
0xa: {  	s25 =	sadd.s32 $0x1200, s22;
	[dreg:$0x6] =	wrdreg s24  }
0xb: {  	s26 =	sadd.s32 $0x1800, s22;
	[dreg:$0x7] =	wrdreg s25  }
0xc: {  	s28 =	sadd.s32 $0x1E00, s22;
	[dreg:$0x8] =	wrdreg s26  }
0xd: {  	s29 =	sadd.s32 $0x2400, s22;
	[dreg:$0x9] =	wrdreg s28  }
0xe: {  	s5 =	smul.u32 $0x60000, s5;
	s30 =	sadd.s32 $0x2A00, s22;
	[dreg:$0xa] =	wrdreg s29  }
0xf: {  	s31 =	sadd.s32 $0x3000, s22;
	[dreg:$0xb] =	wrdreg s30  }
0x10: {  	s5 =	sshrl.u32 s5, $0x3;
	s7 =	sadd.s32 $0x3600, s22;
	[dreg:$0xc] =	wrdreg s31  }
0x11: {  	s8 =	sadd.s32 $0x3C00, s22;
	s4 =	sadd.s32 s4, s5;
	[dreg:$0xd] =	wrdreg s7  }
0x12: {  	[dreg:$0xe] =	wrdreg s8;
	s9 =	sadd.s32 $0x4200, s4  }
0x13: {  	s10 =	sadd.s32 $0x4800, s4;
	[dreg:$0xf] =	wrdreg s9  }
0x14: {  	s11 =	sadd.s32 $0x4E00, s4;
	[dreg:$0x10] =	wrdreg s10  }
0x15: {  	s12 =	sadd.s32 $0x5400, s4;
	[dreg:$0x11] =	wrdreg s11  }
0x16: {  	s13 =	sadd.s32 $0x5A00, s4;
	[dreg:$0x12] =	wrdreg s12  }
0x17: {  	s14 =	sadd.s32 $0x6000, s4;
	[dreg:$0x13] =	wrdreg s13  }
0x18: {  	s15 =	sadd.s32 $0x6600, s4;
	[dreg:$0x14] =	wrdreg s14  }
0x19: {  	s16 =	sadd.s32 $0x6C00, s4;
	[dreg:$0x15] =	wrdreg s15  }
0x1a: {  	s17 =	sadd.s32 $0x7200, s4;
	[dreg:$0x16] =	wrdreg s16  }
0x1b: {  	s18 =	sadd.s32 $0x7800, s4;
	[dreg:$0x17] =	wrdreg s17  }
0x1c: {  	s19 =	sadd.s32 $0x7E00, s4;
	[dreg:$0x18] =	wrdreg s18  }
0x1d: {  	s20 =	sadd.s32 $0x8400, s4;
	[dreg:$0x19] =	wrdreg s19  }
0x1e: {  	s21 =	sadd.s32 $0x8A00, s4;
	[dreg:$0x1a] =	wrdreg s20  }
0x1f: {  	s22 =	sadd.s32 $0x9000, s4;
	[dreg:$0x1b] =	wrdreg s21  }
0x20: {  	s23 =	sadd.s32 $0x9600, s4;
	[dreg:$0x1c] =	wrdreg s22  }
0x21: {  	s24 =	sadd.s32 $0x9C00, s4;
	[dreg:$0x1d] =	wrdreg s23  }
0x22: {  	s0 =	ssub.s32 $0x2, s0;
	s25 =	sadd.s32 $0xA200, s4;
	[dreg:$0x1e] =	wrdreg s24  }
0x23: {  	s6 =	sadd.s32 $0x200, s2;
	s26 =	sadd.s32 $0xA800, s4;
	[dreg:$0x1f] =	wrdreg s25  }
0x24: {  	s5 =	sadd.s32 $0x100, s2;
	s28 =	sadd.s32 $0xAE00, s4;
	[smem:$0x7FA] =	sst s26  }
0x25: {  	s29 =	sshrl.u32 s0, $0x1;
	s30 =	sadd.s32 $0xB400, s4;
	[smem:$0x7FB] =	sst s28  }
0x26: {  	v2 =	vlaneseq.u32;
	s31 =	sadd.s32 $0xBA00, s4;
	s0 =	ssub.s32 s0, s29;
	[smem:$0x7FC] =	sst s30  }
0x27: {  	vm0 =	vmmov $0xffff;
	v1 =	vshrl.u32 v2, $0x3;
	[smem:$0x7FD] =	sst s31;
	s13 =	simm.s32 $0x1;
	s16 =	simm.s32 $0x2  }
0x28: {  	v0 =	vand.u32 $0x7, v2;
	v2 =	vor.u32 $0x8, v2;
	v1 =	vmul.u32 $0x8, v1;
	s17 =	simm.s32 $0x3;
	s18 =	simm.s32 $0xA;
	s0 =	smax.u32 s0, $0x1  }
.LBB2_1:
0x29: {  	[smem:$0x7F8] =	sst s0  }
0x2a: {  	s10 =	rddreg [dreg:$0x4];
	s22 =	simm.s32 $0x11  }
0x2b: {  	[tilespmem:s3], [sflag:$0x11] =	stream.linear.gather [hbm4b:s10+s3], $0x200, $0x38;
	[tilespmem:$0x18200] =	vst v63  }
0x2c: {  	_ =	swait.ge [sflag:s22], $0x200  }
0x2d: {  	[sflag:s22] =	ssyncset.done $0x0  }
0x2e: {  	[sflag:s22] =	ssyncadd.s32 $0xFFFFFE00  }
0x2f: {  	v3 =	vld [tilespmem:$0x0];
	_ =	sdelay $0x4  }
0x30: {  	v4 =	vshrl.u32 v3, $0x3  }
0x31: {  	v4 =	vmul.u32 $0x30, v4  }
0x32: {  	v3 =	vand.u32 $0x7, v3  }
0x33: {  	v3 =	vor.u32 v3, v4  }
0x34: {  	v4 =	vperm.xlane v3, v0;
	_ =	sdelay $0x1  }
0x35: {  	v4 =	vadd.s32 v1, v4;
	_ =	sdelay $0x3  }
0x36: {  	s4 =	simm.s32 $0x200;
	v3 =	vperm.xlane v3, v2  }
0x37: {  	[tilespmem:s4], [sflag:$0x1] =	stream.indirect_vreg.gather [hbm4b:s2+s3], $0x80, v4, vm0, $0xb8;
	[tilespmem:$0x18200] =	vst v63  }
0x38: {  	s23 =	simm.s32 $0xA00;
	v3 =	vadd.s32 v1, v3  }
0x39: {  	[tilespmem:s23], [sflag:$0x1] =	stream.indirect_vreg.gather [hbm4b:s5+s3], $0x80, v4, vm0, $0xb8;
	[tilespmem:$0x18200] =	vst v63  }
0x3a: {  	s24 =	simm.s32 $0x1200  }
0x3b: {  	[tilespmem:s24], [sflag:$0x1] =	stream.indirect_vreg.gather [hbm4b:s6+s3], $0x80, v4, vm0, $0xb8;
	[tilespmem:$0x18200] =	vst v63  }
0x3c: {  	s25 =	simm.s32 $0x1A00  }
0x3d: {  	[tilespmem:s25], [sflag:$0x1] =	stream.indirect_vreg.gather [hbm4b:s2+s3], $0x80, v3, vm0, $0xb8;
	[tilespmem:$0x18200] =	vst v63  }
0x3e: {  	s26 =	simm.s32 $0x2200  }
0x3f: {  	[tilespmem:s26], [sflag:$0x1] =	stream.indirect_vreg.gather [hbm4b:s5+s3], $0x80, v3, vm0, $0xb8;
	[tilespmem:$0x18200] =	vst v63  }
0x40: {  	s28 =	simm.s32 $0x2A00  }
0x41: {  	[tilespmem:s28], [sflag:$0x1] =	stream.indirect_vreg.gather [hbm4b:s6+s3], $0x80, v3, vm0, $0xb8;
	[tilespmem:$0x18200] =	vst v63  }
0x42: {  	v3 =	vld [tilespmem:$0x10];
	_ =	sdelay $0x4  }
0x43: {  	v33 =	vshrl.u32 v3, $0x3  }
0x44: {  	v4 =	vmul.u32 $0x30, v33  }
0x45: {  	v3 =	vand.u32 $0x7, v3  }
0x46: {  	v3 =	vor.u32 v3, v4  }
0x47: {  	v4 =	vperm.xlane v3, v0;
	_ =	sdelay $0x1  }
0x48: {  	v4 =	vadd.s32 v1, v4;
	_ =	sdelay $0x3  }
0x49: {  	s29 =	simm.s32 $0x3200;
	v3 =	vperm.xlane v3, v2  }
0x4a: {  	[tilespmem:s29], [sflag:$0x2] =	stream.indirect_vreg.gather [hbm4b:s2+s3], $0x80, v4, vm0, $0xb8;
	[tilespmem:$0x18200] =	vst v63  }
0x4b: {  	s0 =	simm.s32 $0x3A00;
	v3 =	vadd.s32 v1, v3  }
0x4c: {  	[tilespmem:s0], [sflag:$0x2] =	stream.indirect_vreg.gather [hbm4b:s5+s3], $0x80, v4, vm0, $0xb8;
	[tilespmem:$0x18200] =	vst v63  }
0x4d: {  	s1 =	simm.s32 $0x4200  }
0x4e: {  	[tilespmem:s1], [sflag:$0x2] =	stream.indirect_vreg.gather [hbm4b:s6+s3], $0x80, v4, vm0, $0xb8;
	[tilespmem:$0x18200] =	vst v63  }
0x4f: {  	s7 =	simm.s32 $0x4A00  }
0x50: {  	[tilespmem:s7], [sflag:$0x2] =	stream.indirect_vreg.gather [hbm4b:s2+s3], $0x80, v3, vm0, $0xb8;
	[tilespmem:$0x18200] =	vst v63  }
0x51: {  	s8 =	simm.s32 $0x5200  }
0x52: {  	[tilespmem:s8], [sflag:$0x2] =	stream.indirect_vreg.gather [hbm4b:s5+s3], $0x80, v3, vm0, $0xb8;
	[tilespmem:$0x18200] =	vst v63  }
0x53: {  	s9 =	simm.s32 $0x5A00  }
0x54: {  	[tilespmem:s9], [sflag:$0x2] =	stream.indirect_vreg.gather [hbm4b:s6+s3], $0x80, v3, vm0, $0xb8;
	[tilespmem:$0x18200] =	vst v63  }
0x55: {  	v3 =	vld [tilespmem:$0x20];
	_ =	sdelay $0x4  }
0x56: {  	v34 =	vshrl.u32 v3, $0x3  }
0x57: {  	v4 =	vmul.u32 $0x30, v34  }
0x58: {  	v3 =	vand.u32 $0x7, v3  }
0x59: {  	v3 =	vor.u32 v3, v4  }
0x5a: {  	v4 =	vperm.xlane v3, v0;
	_ =	sdelay $0x1  }
0x5b: {  	v4 =	vadd.s32 v1, v4;
	_ =	sdelay $0x3  }
0x5c: {  	s10 =	simm.s32 $0x6200;
	v3 =	vperm.xlane v3, v2  }
0x5d: {  	[tilespmem:s10], [sflag:$0x3] =	stream.indirect_vreg.gather [hbm4b:s2+s3], $0x80, v4, vm0, $0xb8;
	[tilespmem:$0x18200] =	vst v63  }
0x5e: {  	s11 =	simm.s32 $0x6A00;
	v3 =	vadd.s32 v1, v3  }
0x5f: {  	[tilespmem:s11], [sflag:$0x3] =	stream.indirect_vreg.gather [hbm4b:s5+s3], $0x80, v4, vm0, $0xb8;
	[tilespmem:$0x18200] =	vst v63  }
0x60: {  	s12 =	simm.s32 $0x7200  }
0x61: {  	[tilespmem:s12], [sflag:$0x3] =	stream.indirect_vreg.gather [hbm4b:s6+s3], $0x80, v4, vm0, $0xb8;
	[tilespmem:$0x18200] =	vst v63  }
0x62: {  	s15 =	simm.s32 $0x7A00  }
0x63: {  	[tilespmem:s15], [sflag:$0x3] =	stream.indirect_vreg.gather [hbm4b:s2+s3], $0x80, v3, vm0, $0xb8;
	[tilespmem:$0x18200] =	vst v63  }
0x64: {  	s25 =	simm.s32 $0x8200  }
0x65: {  	[tilespmem:s25], [sflag:$0x3] =	stream.indirect_vreg.gather [hbm4b:s5+s3], $0x80, v3, vm0, $0xb8;
	[tilespmem:$0x18200] =	vst v63  }
0x66: {  	s28 =	simm.s32 $0x8A00  }
0x67: {  	[tilespmem:s28], [sflag:$0x3] =	stream.indirect_vreg.gather [hbm4b:s6+s3], $0x80, v3, vm0, $0xb8;
	[tilespmem:$0x18200] =	vst v63  }
0x68: {  	v3 =	vld [tilespmem:$0x30];
	_ =	sdelay $0x4  }
0x69: {  	v35 =	vshrl.u32 v3, $0x3  }
0x6a: {  	v4 =	vmul.u32 $0x30, v35  }
0x6b: {  	v3 =	vand.u32 $0x7, v3  }
0x6c: {  	v3 =	vor.u32 v3, v4  }
0x6d: {  	v4 =	vperm.xlane v3, v0;
	_ =	sdelay $0x1  }
0x6e: {  	v4 =	vadd.s32 v1, v4;
	_ =	sdelay $0x3  }
0x6f: {  	s29 =	simm.s32 $0x9200;
	v3 =	vperm.xlane v3, v2  }
0x70: {  	[tilespmem:s29], [sflag:$0x4] =	stream.indirect_vreg.gather [hbm4b:s2+s3], $0x80, v4, vm0, $0xb8;
	[tilespmem:$0x18200] =	vst v63  }
0x71: {  	s0 =	simm.s32 $0x9A00;
	v3 =	vadd.s32 v1, v3  }
0x72: {  	[tilespmem:s0], [sflag:$0x4] =	stream.indirect_vreg.gather [hbm4b:s5+s3], $0x80, v4, vm0, $0xb8;
	[tilespmem:$0x18200] =	vst v63  }
0x73: {  	s1 =	simm.s32 $0xA200  }
0x74: {  	[tilespmem:s1], [sflag:$0x4] =	stream.indirect_vreg.gather [hbm4b:s6+s3], $0x80, v4, vm0, $0xb8;
	[tilespmem:$0x18200] =	vst v63  }
0x75: {  	s7 =	simm.s32 $0xAA00  }
0x76: {  	[tilespmem:s7], [sflag:$0x4] =	stream.indirect_vreg.gather [hbm4b:s2+s3], $0x80, v3, vm0, $0xb8;
	[tilespmem:$0x18200] =	vst v63  }
0x77: {  	s8 =	simm.s32 $0xB200  }
0x78: {  	[tilespmem:s8], [sflag:$0x4] =	stream.indirect_vreg.gather [hbm4b:s5+s3], $0x80, v3, vm0, $0xb8;
	[tilespmem:$0x18200] =	vst v63  }
0x79: {  	s9 =	simm.s32 $0xBA00  }
0x7a: {  	[tilespmem:s9], [sflag:$0x4] =	stream.indirect_vreg.gather [hbm4b:s6+s3], $0x80, v3, vm0, $0xb8;
	[tilespmem:$0x18200] =	vst v63  }
0x7b: {  	v3 =	vld [tilespmem:$0x40];
	_ =	sdelay $0x4  }
0x7c: {  	v36 =	vshrl.u32 v3, $0x3  }
0x7d: {  	v4 =	vmul.u32 $0x30, v36  }
0x7e: {  	v3 =	vand.u32 $0x7, v3  }
0x7f: {  	v3 =	vor.u32 v3, v4  }
0x80: {  	v4 =	vperm.xlane v3, v0;
	_ =	sdelay $0x1  }
0x81: {  	v4 =	vadd.s32 v1, v4;
	_ =	sdelay $0x3  }
0x82: {  	s10 =	simm.s32 $0xC200;
	v3 =	vperm.xlane v3, v2  }
0x83: {  	[tilespmem:s10], [sflag:$0x5] =	stream.indirect_vreg.gather [hbm4b:s2+s3], $0x80, v4, vm0, $0xb8;
	[tilespmem:$0x18200] =	vst v63  }
0x84: {  	s11 =	simm.s32 $0xCA00;
	v3 =	vadd.s32 v1, v3  }
0x85: {  	[tilespmem:s11], [sflag:$0x5] =	stream.indirect_vreg.gather [hbm4b:s5+s3], $0x80, v4, vm0, $0xb8;
	[tilespmem:$0x18200] =	vst v63  }
0x86: {  	s12 =	simm.s32 $0xD200  }
0x87: {  	[tilespmem:s12], [sflag:$0x5] =	stream.indirect_vreg.gather [hbm4b:s6+s3], $0x80, v4, vm0, $0xb8;
	[tilespmem:$0x18200] =	vst v63  }
0x88: {  	s15 =	simm.s32 $0xDA00  }
0x89: {  	[tilespmem:s15], [sflag:$0x5] =	stream.indirect_vreg.gather [hbm4b:s2+s3], $0x80, v3, vm0, $0xb8;
	[tilespmem:$0x18200] =	vst v63  }
0x8a: {  	s28 =	simm.s32 $0xE200  }
0x8b: {  	[tilespmem:s28], [sflag:$0x5] =	stream.indirect_vreg.gather [hbm4b:s5+s3], $0x80, v3, vm0, $0xb8;
	[tilespmem:$0x18200] =	vst v63  }
0x8c: {  	s29 =	simm.s32 $0xEA00  }
0x8d: {  	[tilespmem:s29], [sflag:$0x5] =	stream.indirect_vreg.gather [hbm4b:s6+s3], $0x80, v3, vm0, $0xb8;
	[tilespmem:$0x18200] =	vst v63  }
0x8e: {  	v3 =	vld [tilespmem:$0x50];
	_ =	sdelay $0x4  }
0x8f: {  	v37 =	vshrl.u32 v3, $0x3  }
0x90: {  	v4 =	vmul.u32 $0x30, v37  }
0x91: {  	v3 =	vand.u32 $0x7, v3  }
0x92: {  	v3 =	vor.u32 v3, v4  }
0x93: {  	v4 =	vperm.xlane v3, v0;
	_ =	sdelay $0x1  }
0x94: {  	v4 =	vadd.s32 v1, v4;
	_ =	sdelay $0x3  }
0x95: {  	s0 =	simm.s32 $0xF200;
	v3 =	vperm.xlane v3, v2  }
0x96: {  	[tilespmem:s0], [sflag:$0x6] =	stream.indirect_vreg.gather [hbm4b:s2+s3], $0x80, v4, vm0, $0xb8;
	[tilespmem:$0x18200] =	vst v63  }
0x97: {  	s9 =	simm.s32 $0xFA00;
	v3 =	vadd.s32 v1, v3  }
0x98: {  	[tilespmem:s9], [sflag:$0x6] =	stream.indirect_vreg.gather [hbm4b:s5+s3], $0x80, v4, vm0, $0xb8;
	[tilespmem:$0x18200] =	vst v63  }
0x99: {  	s7 =	simm.s32 $0x10200  }
0x9a: {  	[tilespmem:s7], [sflag:$0x6] =	stream.indirect_vreg.gather [hbm4b:s6+s3], $0x80, v4, vm0, $0xb8;
	[tilespmem:$0x18200] =	vst v63  }
0x9b: {  	s10 =	simm.s32 $0x10A00  }
0x9c: {  	[tilespmem:s10], [sflag:$0x6] =	stream.indirect_vreg.gather [hbm4b:s2+s3], $0x80, v3, vm0, $0xb8;
	[tilespmem:$0x18200] =	vst v63  }
0x9d: {  	s11 =	simm.s32 $0x11200  }
0x9e: {  	[tilespmem:s11], [sflag:$0x6] =	stream.indirect_vreg.gather [hbm4b:s5+s3], $0x80, v3, vm0, $0xb8;
	[tilespmem:$0x18200] =	vst v63  }
0x9f: {  	s15 =	simm.s32 $0x11A00  }
0xa0: {  	[tilespmem:s15], [sflag:$0x6] =	stream.indirect_vreg.gather [hbm4b:s6+s3], $0x80, v3, vm0, $0xb8;
	[tilespmem:$0x18200] =	vst v63  }
0xa1: {  	v3 =	vld [tilespmem:$0x60];
	_ =	sdelay $0x4  }
0xa2: {  	v38 =	vshrl.u32 v3, $0x3  }
0xa3: {  	v4 =	vmul.u32 $0x30, v38  }
0xa4: {  	v3 =	vand.u32 $0x7, v3  }
0xa5: {  	v3 =	vor.u32 v3, v4  }
0xa6: {  	v4 =	vperm.xlane v3, v0;
	_ =	sdelay $0x1  }
0xa7: {  	v4 =	vadd.s32 v1, v4;
	_ =	sdelay $0x3  }
0xa8: {  	s28 =	simm.s32 $0x12200;
	v3 =	vperm.xlane v3, v2  }
0xa9: {  	[tilespmem:s28], [sflag:$0x7] =	stream.indirect_vreg.gather [hbm4b:s2+s3], $0x80, v4, vm0, $0xb8;
	[tilespmem:$0x18200] =	vst v63  }
0xaa: {  	s0 =	simm.s32 $0x12A00;
	v3 =	vadd.s32 v1, v3  }
0xab: {  	[tilespmem:s0], [sflag:$0x7] =	stream.indirect_vreg.gather [hbm4b:s5+s3], $0x80, v4, vm0, $0xb8;
	[tilespmem:$0x18200] =	vst v63  }
0xac: {  	s4 =	simm.s32 $0x13200  }
0xad: {  	[tilespmem:s4], [sflag:$0x7] =	stream.indirect_vreg.gather [hbm4b:s6+s3], $0x80, v4, vm0, $0xb8;
	[tilespmem:$0x18200] =	vst v63  }
0xae: {  	s9 =	simm.s32 $0x13A00  }
0xaf: {  	[tilespmem:s9], [sflag:$0x7] =	stream.indirect_vreg.gather [hbm4b:s2+s3], $0x80, v3, vm0, $0xb8;
	[tilespmem:$0x18200] =	vst v63  }
0xb0: {  	s11 =	simm.s32 $0x14200  }
0xb1: {  	[tilespmem:s11], [sflag:$0x7] =	stream.indirect_vreg.gather [hbm4b:s5+s3], $0x80, v3, vm0, $0xb8;
	[tilespmem:$0x18200] =	vst v63  }
0xb2: {  	s15 =	simm.s32 $0x14A00  }
0xb3: {  	[tilespmem:s15], [sflag:$0x7] =	stream.indirect_vreg.gather [hbm4b:s6+s3], $0x80, v3, vm0, $0xb8;
	[tilespmem:$0x18200] =	vst v63  }
0xb4: {  	_ =	swait.ge [sflag:s13], $0x3000  }
0xb5: {  	s28 =	sld [smem:$0x7F9]  }
0xb6: {  	[sflag:s13] =	ssyncset.done $0x0  }
0xb7: {  	s11 =	simm.s32 $0x200;
	[sflag:s13] =	ssyncadd.s32 $0xFFFFD000  }
0xb8: {  	[hbm4b:s28+s3] =	stream.linear.scatter [tilespmem:s11], [sflag:$0x9], $0x3000, $0x38;
	[tilespmem:$0x18200] =	vst v63  }
0xb9: {  	v3 =	vld [tilespmem:$0x70];
	_ =	sdelay $0x4  }
0xba: {  	v39 =	vshrl.u32 v3, $0x3  }
0xbb: {  	v4 =	vmul.u32 $0x30, v39  }
0xbc: {  	v3 =	vand.u32 $0x7, v3  }
0xbd: {  	v3 =	vor.u32 v3, v4  }
0xbe: {  	v4 =	vperm.xlane v3, v0;
	_ =	sdelay $0x1  }
0xbf: {  	v4 =	vadd.s32 v1, v4;
	_ =	sdelay $0x3  }
0xc0: {  	s0 =	simm.s32 $0x15200;
	v3 =	vperm.xlane v3, v2  }
0xc1: {  	[tilespmem:s0], [sflag:$0x8] =	stream.indirect_vreg.gather [hbm4b:s2+s3], $0x80, v4, vm0, $0xb8;
	[tilespmem:$0x18200] =	vst v63  }
0xc2: {  	s9 =	simm.s32 $0x15A00;
	v3 =	vadd.s32 v1, v3  }
0xc3: {  	[tilespmem:s9], [sflag:$0x8] =	stream.indirect_vreg.gather [hbm4b:s5+s3], $0x80, v4, vm0, $0xb8;
	[tilespmem:$0x18200] =	vst v63  }
0xc4: {  	s15 =	simm.s32 $0x16200  }
0xc5: {  	[tilespmem:s15], [sflag:$0x8] =	stream.indirect_vreg.gather [hbm4b:s6+s3], $0x80, v4, vm0, $0xb8;
	[tilespmem:$0x18200] =	vst v63  }
0xc6: {  	s0 =	simm.s32 $0x16A00  }
0xc7: {  	[tilespmem:s0], [sflag:$0x8] =	stream.indirect_vreg.gather [hbm4b:s2+s3], $0x80, v3, vm0, $0xb8;
	[tilespmem:$0x18200] =	vst v63  }
0xc8: {  	s9 =	simm.s32 $0x17200  }
0xc9: {  	[tilespmem:s9], [sflag:$0x8] =	stream.indirect_vreg.gather [hbm4b:s5+s3], $0x80, v3, vm0, $0xb8;
	[tilespmem:$0x18200] =	vst v63  }
0xca: {  	s15 =	simm.s32 $0x17A00  }
0xcb: {  	[tilespmem:s15], [sflag:$0x8] =	stream.indirect_vreg.gather [hbm4b:s6+s3], $0x80, v3, vm0, $0xb8;
	[tilespmem:$0x18200] =	vst v63  }
0xcc: {  	_ =	swait.ge [sflag:s16], $0x3000  }
0xcd: {  	s9 =	simm.s32 $0x3200;
	[sflag:s16] =	ssyncset.done $0x0  }
0xce: {  	s15 =	simm.s32 $0x9;
	s0 =	rddreg [dreg:$0x5];
	[sflag:s16] =	ssyncadd.s32 $0xFFFFD000  }
0xcf: {  	[hbm4b:s0+s3] =	stream.linear.scatter [tilespmem:s9], [sflag:$0xA], $0x3000, $0x38;
	[tilespmem:$0x18200] =	vst v63  }
0xd0: {  	_ =	swait.ge [sflag:s15], $0x3000  }
0xd1: {  	[sflag:s15] =	ssyncset.done $0x0  }
0xd2: {  	[sflag:s15] =	ssyncadd.s32 $0xFFFFD000  }
0xd3: {  	v3 =	vld [tilespmem:$0x80];
	_ =	sdelay $0x4  }
0xd4: {  	v40 =	vshrl.u32 v3, $0x3  }
0xd5: {  	v4 =	vmul.u32 $0x30, v40  }
0xd6: {  	v3 =	vand.u32 $0x7, v3  }
0xd7: {  	v3 =	vor.u32 v3, v4  }
0xd8: {  	v4 =	vperm.xlane v3, v0;
	_ =	sdelay $0x1  }
0xd9: {  	v4 =	vadd.s32 v1, v4;
	_ =	sdelay $0x3  }
0xda: {  	v3 =	vperm.xlane v3, v2  }
0xdb: {  	[tilespmem:s11], [sflag:$0x1] =	stream.indirect_vreg.gather [hbm4b:s2+s3], $0x80, v4, vm0, $0xb8;
	[tilespmem:$0x18200] =	vst v63  }
0xdc: {  	s31 =	simm.s32 $0xA00;
	v3 =	vadd.s32 v1, v3  }
0xdd: {  	[tilespmem:s31], [sflag:$0x1] =	stream.indirect_vreg.gather [hbm4b:s5+s3], $0x80, v4, vm0, $0xb8;
	[tilespmem:$0x18200] =	vst v63  }
0xde: {  	s22 =	simm.s32 $0x1200  }
0xdf: {  	[tilespmem:s22], [sflag:$0x1] =	stream.indirect_vreg.gather [hbm4b:s6+s3], $0x80, v4, vm0, $0xb8;
	[tilespmem:$0x18200] =	vst v63  }
0xe0: {  	s21 =	simm.s32 $0x1A00  }
0xe1: {  	[tilespmem:s21], [sflag:$0x1] =	stream.indirect_vreg.gather [hbm4b:s2+s3], $0x80, v3, vm0, $0xb8;
	[tilespmem:$0x18200] =	vst v63  }
0xe2: {  	s30 =	simm.s32 $0x2200  }
0xe3: {  	[tilespmem:s30], [sflag:$0x1] =	stream.indirect_vreg.gather [hbm4b:s5+s3], $0x80, v3, vm0, $0xb8;
	[tilespmem:$0x18200] =	vst v63  }
0xe4: {  	s14 =	simm.s32 $0x2A00  }
0xe5: {  	[tilespmem:s14], [sflag:$0x1] =	stream.indirect_vreg.gather [hbm4b:s6+s3], $0x80, v3, vm0, $0xb8;
	[tilespmem:$0x18200] =	vst v63  }
0xe6: {  	_ =	swait.ge [sflag:s17], $0x3000  }
0xe7: {  	[sflag:s17] =	ssyncset.done $0x0  }
0xe8: {  	s31 =	simm.s32 $0x6200;
	s30 =	rddreg [dreg:$0x6];
	[sflag:s17] =	ssyncadd.s32 $0xFFFFD000  }
0xe9: {  	[hbm4b:s30+s3] =	stream.linear.scatter [tilespmem:s31], [sflag:$0xB], $0x3000, $0x38;
	[tilespmem:$0x18200] =	vst v63  }
0xea: {  	_ =	swait.ge [sflag:s18], $0x3000  }
0xeb: {  	[sflag:s18] =	ssyncset.done $0x0  }
0xec: {  	[sflag:s18] =	ssyncadd.s32 $0xFFFFD000  }
0xed: {  	v3 =	vld [tilespmem:$0x90];
	_ =	sdelay $0x4  }
0xee: {  	v41 =	vshrl.u32 v3, $0x3  }
0xef: {  	v4 =	vmul.u32 $0x30, v41  }
0xf0: {  	v3 =	vand.u32 $0x7, v3  }
0xf1: {  	v3 =	vor.u32 v3, v4  }
0xf2: {  	v4 =	vperm.xlane v3, v0;
	_ =	sdelay $0x1  }
0xf3: {  	v4 =	vadd.s32 v1, v4;
	_ =	sdelay $0x3  }
0xf4: {  	v3 =	vperm.xlane v3, v2  }
0xf5: {  	[tilespmem:s9], [sflag:$0x2] =	stream.indirect_vreg.gather [hbm4b:s2+s3], $0x80, v4, vm0, $0xb8;
	[tilespmem:$0x18200] =	vst v63  }
0xf6: {  	s19 =	simm.s32 $0x3A00;
	v3 =	vadd.s32 v1, v3  }
0xf7: {  	[tilespmem:s19], [sflag:$0x2] =	stream.indirect_vreg.gather [hbm4b:s5+s3], $0x80, v4, vm0, $0xb8;
	[tilespmem:$0x18200] =	vst v63  }
0xf8: {  	s20 =	simm.s32 $0x4200  }
0xf9: {  	[tilespmem:s20], [sflag:$0x2] =	stream.indirect_vreg.gather [hbm4b:s6+s3], $0x80, v4, vm0, $0xb8;
	[tilespmem:$0x18200] =	vst v63  }
0xfa: {  	s14 =	simm.s32 $0x4A00  }
0xfb: {  	[tilespmem:s14], [sflag:$0x2] =	stream.indirect_vreg.gather [hbm4b:s2+s3], $0x80, v3, vm0, $0xb8;
	[tilespmem:$0x18200] =	vst v63  }
0xfc: {  	s19 =	simm.s32 $0x5200  }
0xfd: {  	[tilespmem:s19], [sflag:$0x2] =	stream.indirect_vreg.gather [hbm4b:s5+s3], $0x80, v3, vm0, $0xb8;
	[tilespmem:$0x18200] =	vst v63  }
0xfe: {  	s20 =	simm.s32 $0x5A00;
	s19 =	simm.s32 $0x4  }
0xff: {  	[tilespmem:s20], [sflag:$0x2] =	stream.indirect_vreg.gather [hbm4b:s6+s3], $0x80, v3, vm0, $0xb8;
	[tilespmem:$0x18200] =	vst v63  }
0x100: {  	_ =	swait.ge [sflag:s19], $0x3000  }
0x101: {  	s22 =	simm.s32 $0x9200;
	[sflag:s19] =	ssyncset.done $0x0  }
0x102: {  	s20 =	simm.s32 $0xB;
	s21 =	rddreg [dreg:$0x7];
	[sflag:s19] =	ssyncadd.s32 $0xFFFFD000  }
0x103: {  	[hbm4b:s21+s3] =	stream.linear.scatter [tilespmem:s22], [sflag:$0xC], $0x3000, $0x38;
	[tilespmem:$0x18200] =	vst v63  }
0x104: {  	_ =	swait.ge [sflag:s20], $0x3000  }
0x105: {  	[sflag:s20] =	ssyncset.done $0x0  }
0x106: {  	[sflag:s20] =	ssyncadd.s32 $0xFFFFD000  }
0x107: {  	v3 =	vld [tilespmem:$0xA0];
	_ =	sdelay $0x4  }
0x108: {  	v42 =	vshrl.u32 v3, $0x3  }
0x109: {  	v4 =	vmul.u32 $0x30, v42  }
0x10a: {  	v3 =	vand.u32 $0x7, v3  }
0x10b: {  	v3 =	vor.u32 v3, v4  }
0x10c: {  	v4 =	vperm.xlane v3, v0;
	_ =	sdelay $0x1  }
0x10d: {  	v4 =	vadd.s32 v1, v4;
	_ =	sdelay $0x3  }
0x10e: {  	v3 =	vperm.xlane v3, v2  }
0x10f: {  	[tilespmem:s31], [sflag:$0x3] =	stream.indirect_vreg.gather [hbm4b:s2+s3], $0x80, v4, vm0, $0xb8;
	[tilespmem:$0x18200] =	vst v63  }
0x110: {  	s23 =	simm.s32 $0x6A00;
	v3 =	vadd.s32 v1, v3  }
0x111: {  	[tilespmem:s23], [sflag:$0x3] =	stream.indirect_vreg.gather [hbm4b:s5+s3], $0x80, v4, vm0, $0xb8;
	[tilespmem:$0x18200] =	vst v63  }
0x112: {  	s24 =	simm.s32 $0x7200  }
0x113: {  	[tilespmem:s24], [sflag:$0x3] =	stream.indirect_vreg.gather [hbm4b:s6+s3], $0x80, v4, vm0, $0xb8;
	[tilespmem:$0x18200] =	vst v63  }
0x114: {  	s26 =	simm.s32 $0x7A00  }
0x115: {  	[tilespmem:s26], [sflag:$0x3] =	stream.indirect_vreg.gather [hbm4b:s2+s3], $0x80, v3, vm0, $0xb8;
	[tilespmem:$0x18200] =	vst v63  }
0x116: {  	s23 =	simm.s32 $0x8200  }
0x117: {  	[tilespmem:s23], [sflag:$0x3] =	stream.indirect_vreg.gather [hbm4b:s5+s3], $0x80, v3, vm0, $0xb8;
	[tilespmem:$0x18200] =	vst v63  }
0x118: {  	s24 =	simm.s32 $0x8A00;
	s23 =	simm.s32 $0x5  }
0x119: {  	[tilespmem:s24], [sflag:$0x3] =	stream.indirect_vreg.gather [hbm4b:s6+s3], $0x80, v3, vm0, $0xb8;
	[tilespmem:$0x18200] =	vst v63  }
0x11a: {  	_ =	swait.ge [sflag:s23], $0x3000  }
0x11b: {  	s11 =	simm.s32 $0xC200;
	[sflag:s23] =	ssyncset.done $0x0  }
0x11c: {  	s24 =	simm.s32 $0xC;
	s26 =	rddreg [dreg:$0x8];
	[sflag:s23] =	ssyncadd.s32 $0xFFFFD000  }
0x11d: {  	[hbm4b:s26+s3] =	stream.linear.scatter [tilespmem:s11], [sflag:$0xD], $0x3000, $0x38;
	[tilespmem:$0x18200] =	vst v63  }
0x11e: {  	_ =	swait.ge [sflag:s24], $0x3000  }
0x11f: {  	[sflag:s24] =	ssyncset.done $0x0  }
0x120: {  	[sflag:s24] =	ssyncadd.s32 $0xFFFFD000  }
0x121: {  	v3 =	vld [tilespmem:$0xB0];
	_ =	sdelay $0x4  }
0x122: {  	v43 =	vshrl.u32 v3, $0x3  }
0x123: {  	v4 =	vmul.u32 $0x30, v43  }
0x124: {  	v3 =	vand.u32 $0x7, v3  }
0x125: {  	v3 =	vor.u32 v3, v4  }
0x126: {  	v4 =	vperm.xlane v3, v0;
	_ =	sdelay $0x1  }
0x127: {  	v4 =	vadd.s32 v1, v4;
	_ =	sdelay $0x3  }
0x128: {  	v3 =	vperm.xlane v3, v2  }
0x129: {  	[tilespmem:s22], [sflag:$0x4] =	stream.indirect_vreg.gather [hbm4b:s2+s3], $0x80, v4, vm0, $0xb8;
	[tilespmem:$0x18200] =	vst v63  }
0x12a: {  	s30 =	simm.s32 $0x9A00;
	v3 =	vadd.s32 v1, v3  }
0x12b: {  	[tilespmem:s30], [sflag:$0x4] =	stream.indirect_vreg.gather [hbm4b:s5+s3], $0x80, v4, vm0, $0xb8;
	[tilespmem:$0x18200] =	vst v63  }
0x12c: {  	s25 =	simm.s32 $0xA200  }
0x12d: {  	[tilespmem:s25], [sflag:$0x4] =	stream.indirect_vreg.gather [hbm4b:s6+s3], $0x80, v4, vm0, $0xb8;
	[tilespmem:$0x18200] =	vst v63  }
0x12e: {  	s22 =	simm.s32 $0xAA00  }
0x12f: {  	[tilespmem:s22], [sflag:$0x4] =	stream.indirect_vreg.gather [hbm4b:s2+s3], $0x80, v3, vm0, $0xb8;
	[tilespmem:$0x18200] =	vst v63  }
0x130: {  	s31 =	simm.s32 $0xB200  }
0x131: {  	[tilespmem:s31], [sflag:$0x4] =	stream.indirect_vreg.gather [hbm4b:s5+s3], $0x80, v3, vm0, $0xb8;
	[tilespmem:$0x18200] =	vst v63  }
0x132: {  	s0 =	simm.s32 $0xBA00;
	s25 =	simm.s32 $0x6  }
0x133: {  	[tilespmem:s0], [sflag:$0x4] =	stream.indirect_vreg.gather [hbm4b:s6+s3], $0x80, v3, vm0, $0xb8;
	[tilespmem:$0x18200] =	vst v63  }
0x134: {  	_ =	swait.ge [sflag:s25], $0x3000  }
0x135: {  	s14 =	simm.s32 $0xF200;
	[sflag:s25] =	ssyncset.done $0x0  }
0x136: {  	s26 =	simm.s32 $0xD;
	s9 =	rddreg [dreg:$0x9];
	[sflag:s25] =	ssyncadd.s32 $0xFFFFD000  }
0x137: {  	[hbm4b:s9+s3] =	stream.linear.scatter [tilespmem:s14], [sflag:$0xE], $0x3000, $0x38;
	[tilespmem:$0x18200] =	vst v63  }
0x138: {  	_ =	swait.ge [sflag:s26], $0x3000  }
0x139: {  	[sflag:s26] =	ssyncset.done $0x0  }
0x13a: {  	[sflag:s26] =	ssyncadd.s32 $0xFFFFD000  }
0x13b: {  	v3 =	vld [tilespmem:$0xC0];
	_ =	sdelay $0x4  }
0x13c: {  	v44 =	vshrl.u32 v3, $0x3  }
0x13d: {  	v4 =	vmul.u32 $0x30, v44  }
0x13e: {  	v3 =	vand.u32 $0x7, v3  }
0x13f: {  	v3 =	vor.u32 v3, v4  }
0x140: {  	v4 =	vperm.xlane v3, v0;
	_ =	sdelay $0x1  }
0x141: {  	v4 =	vadd.s32 v1, v4;
	_ =	sdelay $0x3  }
0x142: {  	v3 =	vperm.xlane v3, v2  }
0x143: {  	[tilespmem:s11], [sflag:$0x5] =	stream.indirect_vreg.gather [hbm4b:s2+s3], $0x80, v4, vm0, $0xb8;
	[tilespmem:$0x18200] =	vst v63  }
0x144: {  	s1 =	simm.s32 $0xCA00;
	v3 =	vadd.s32 v1, v3  }
0x145: {  	[tilespmem:s1], [sflag:$0x5] =	stream.indirect_vreg.gather [hbm4b:s5+s3], $0x80, v4, vm0, $0xb8;
	[tilespmem:$0x18200] =	vst v63  }
0x146: {  	s8 =	simm.s32 $0xD200  }
0x147: {  	[tilespmem:s8], [sflag:$0x5] =	stream.indirect_vreg.gather [hbm4b:s6+s3], $0x80, v4, vm0, $0xb8;
	[tilespmem:$0x18200] =	vst v63  }
0x148: {  	s12 =	simm.s32 $0xDA00  }
0x149: {  	[tilespmem:s12], [sflag:$0x5] =	stream.indirect_vreg.gather [hbm4b:s2+s3], $0x80, v3, vm0, $0xb8;
	[tilespmem:$0x18200] =	vst v63  }
0x14a: {  	s9 =	simm.s32 $0xE200  }
0x14b: {  	[tilespmem:s9], [sflag:$0x5] =	stream.indirect_vreg.gather [hbm4b:s5+s3], $0x80, v3, vm0, $0xb8;
	[tilespmem:$0x18200] =	vst v63  }
0x14c: {  	s29 =	simm.s32 $0xEA00  }
0x14d: {  	[tilespmem:s29], [sflag:$0x5] =	stream.indirect_vreg.gather [hbm4b:s6+s3], $0x80, v3, vm0, $0xb8;
	[tilespmem:$0x18200] =	vst v63  }
0x14e: {  	s29 =	simm.s32 $0x7  }
0x14f: {  	_ =	swait.ge [sflag:s29], $0x3000  }
0x150: {  	s31 =	simm.s32 $0x12200;
	[sflag:s29] =	ssyncset.done $0x0  }
0x151: {  	s12 =	simm.s32 $0xE;
	s0 =	rddreg [dreg:$0xa];
	[sflag:s29] =	ssyncadd.s32 $0xFFFFD000  }
0x152: {  	[hbm4b:s0+s3] =	stream.linear.scatter [tilespmem:s31], [sflag:$0xF], $0x3000, $0x38;
	[tilespmem:$0x18200] =	vst v63  }
0x153: {  	_ =	swait.ge [sflag:s12], $0x3000  }
0x154: {  	[sflag:s12] =	ssyncset.done $0x0  }
0x155: {  	[sflag:s12] =	ssyncadd.s32 $0xFFFFD000  }
0x156: {  	v3 =	vld [tilespmem:$0xD0];
	_ =	sdelay $0x4  }
0x157: {  	v45 =	vshrl.u32 v3, $0x3  }
0x158: {  	v4 =	vmul.u32 $0x30, v45  }
0x159: {  	v3 =	vand.u32 $0x7, v3  }
0x15a: {  	v3 =	vor.u32 v3, v4  }
0x15b: {  	v4 =	vperm.xlane v3, v0;
	_ =	sdelay $0x1  }
0x15c: {  	v4 =	vadd.s32 v1, v4;
	_ =	sdelay $0x3  }
0x15d: {  	v3 =	vperm.xlane v3, v2  }
0x15e: {  	[tilespmem:s14], [sflag:$0x6] =	stream.indirect_vreg.gather [hbm4b:s2+s3], $0x80, v4, vm0, $0xb8;
	[tilespmem:$0x18200] =	vst v63  }
0x15f: {  	s11 =	simm.s32 $0xFA00;
	v3 =	vadd.s32 v1, v3  }
0x160: {  	[tilespmem:s11], [sflag:$0x6] =	stream.indirect_vreg.gather [hbm4b:s5+s3], $0x80, v4, vm0, $0xb8;
	[tilespmem:$0x18200] =	vst v63  }
0x161: {  	s1 =	simm.s32 $0x10200  }
0x162: {  	[tilespmem:s1], [sflag:$0x6] =	stream.indirect_vreg.gather [hbm4b:s6+s3], $0x80, v4, vm0, $0xb8;
	[tilespmem:$0x18200] =	vst v63  }
0x163: {  	s30 =	simm.s32 $0x10A00  }
0x164: {  	[tilespmem:s30], [sflag:$0x6] =	stream.indirect_vreg.gather [hbm4b:s2+s3], $0x80, v3, vm0, $0xb8;
	[tilespmem:$0x18200] =	vst v63  }
0x165: {  	s8 =	simm.s32 $0x11200  }
0x166: {  	[tilespmem:s8], [sflag:$0x6] =	stream.indirect_vreg.gather [hbm4b:s5+s3], $0x80, v3, vm0, $0xb8;
	[tilespmem:$0x18200] =	vst v63  }
0x167: {  	s14 =	simm.s32 $0x11A00;
	s1 =	simm.s32 $0x8  }
0x168: {  	[tilespmem:s14], [sflag:$0x6] =	stream.indirect_vreg.gather [hbm4b:s6+s3], $0x80, v3, vm0, $0xb8;
	[tilespmem:$0x18200] =	vst v63  }
0x169: {  	_ =	swait.ge [sflag:s1], $0x3000  }
0x16a: {  	s4 =	simm.s32 $0x15200;
	[sflag:s1] =	ssyncset.done $0x0  }
0x16b: {  	s8 =	simm.s32 $0xF;
	s0 =	rddreg [dreg:$0xb];
	[sflag:s1] =	ssyncadd.s32 $0xFFFFD000  }
0x16c: {  	[hbm4b:s0+s3] =	stream.linear.scatter [tilespmem:s4], [sflag:$0x10], $0x3000, $0x38;
	[tilespmem:$0x18200] =	vst v63  }
0x16d: {  	_ =	swait.ge [sflag:s8], $0x3000  }
0x16e: {  	[sflag:s8] =	ssyncset.done $0x0  }
0x16f: {  	[sflag:s8] =	ssyncadd.s32 $0xFFFFD000  }
0x170: {  	v3 =	vld [tilespmem:$0xE0];
	_ =	sdelay $0x4  }
0x171: {  	v46 =	vshrl.u32 v3, $0x3  }
0x172: {  	v4 =	vmul.u32 $0x30, v46  }
0x173: {  	v3 =	vand.u32 $0x7, v3  }
0x174: {  	v3 =	vor.u32 v3, v4  }
0x175: {  	v4 =	vperm.xlane v3, v0;
	_ =	sdelay $0x1  }
0x176: {  	v4 =	vadd.s32 v1, v4;
	_ =	sdelay $0x3  }
0x177: {  	v3 =	vperm.xlane v3, v2  }
0x178: {  	[tilespmem:s31], [sflag:$0x7] =	stream.indirect_vreg.gather [hbm4b:s2+s3], $0x80, v4, vm0, $0xb8;
	[tilespmem:$0x18200] =	vst v63  }
0x179: {  	s7 =	simm.s32 $0x12A00;
	v3 =	vadd.s32 v1, v3  }
0x17a: {  	[tilespmem:s7], [sflag:$0x7] =	stream.indirect_vreg.gather [hbm4b:s5+s3], $0x80, v4, vm0, $0xb8;
	[tilespmem:$0x18200] =	vst v63  }
0x17b: {  	s7 =	simm.s32 $0x13200  }
0x17c: {  	[tilespmem:s7], [sflag:$0x7] =	stream.indirect_vreg.gather [hbm4b:s6+s3], $0x80, v4, vm0, $0xb8;
	[tilespmem:$0x18200] =	vst v63  }
0x17d: {  	s10 =	simm.s32 $0x13A00  }
0x17e: {  	[tilespmem:s10], [sflag:$0x7] =	stream.indirect_vreg.gather [hbm4b:s2+s3], $0x80, v3, vm0, $0xb8;
	[tilespmem:$0x18200] =	vst v63  }
0x17f: {  	s14 =	simm.s32 $0x14200  }
0x180: {  	[tilespmem:s14], [sflag:$0x7] =	stream.indirect_vreg.gather [hbm4b:s5+s3], $0x80, v3, vm0, $0xb8;
	[tilespmem:$0x18200] =	vst v63  }
0x181: {  	s31 =	simm.s32 $0x14A00  }
0x182: {  	[tilespmem:s31], [sflag:$0x7] =	stream.indirect_vreg.gather [hbm4b:s6+s3], $0x80, v3, vm0, $0xb8;
	[tilespmem:$0x18200] =	vst v63  }
0x183: {  	_ =	swait.ge [sflag:s13], $0x3000  }
0x184: {  	[sflag:s13] =	ssyncset.done $0x0  }
0x185: {  	s15 =	simm.s32 $0x200;
	s7 =	rddreg [dreg:$0xc];
	[sflag:s13] =	ssyncadd.s32 $0xFFFFD000  }
0x186: {  	[hbm4b:s7+s3] =	stream.linear.scatter [tilespmem:s15], [sflag:$0x9], $0x3000, $0x38;
	[tilespmem:$0x18200] =	vst v63  }
0x187: {  	s7 =	simm.s32 $0x10  }
0x188: {  	_ =	swait.ge [sflag:s7], $0x3000  }
0x189: {  	[sflag:s7] =	ssyncset.done $0x0  }
0x18a: {  	[sflag:s7] =	ssyncadd.s32 $0xFFFFD000  }
0x18b: {  	v3 =	vld [tilespmem:$0xF0];
	_ =	sdelay $0x4  }
0x18c: {  	v47 =	vshrl.u32 v3, $0x3  }
0x18d: {  	v4 =	vmul.u32 $0x30, v47  }
0x18e: {  	v3 =	vand.u32 $0x7, v3  }
0x18f: {  	v3 =	vor.u32 v3, v4  }
0x190: {  	v4 =	vperm.xlane v3, v0;
	_ =	sdelay $0x1  }
0x191: {  	v4 =	vadd.s32 v1, v4;
	_ =	sdelay $0x3  }
0x192: {  	v3 =	vperm.xlane v3, v2  }
0x193: {  	[tilespmem:s4], [sflag:$0x8] =	stream.indirect_vreg.gather [hbm4b:s2+s3], $0x80, v4, vm0, $0xb8;
	[tilespmem:$0x18200] =	vst v63  }
0x194: {  	s28 =	simm.s32 $0x15A00;
	v3 =	vadd.s32 v1, v3  }
0x195: {  	[tilespmem:s28], [sflag:$0x8] =	stream.indirect_vreg.gather [hbm4b:s5+s3], $0x80, v4, vm0, $0xb8;
	[tilespmem:$0x18200] =	vst v63  }
0x196: {  	s10 =	simm.s32 $0x16200  }
0x197: {  	[tilespmem:s10], [sflag:$0x8] =	stream.indirect_vreg.gather [hbm4b:s6+s3], $0x80, v4, vm0, $0xb8;
	[tilespmem:$0x18200] =	vst v63  }
0x198: {  	s14 =	simm.s32 $0x16A00  }
0x199: {  	[tilespmem:s14], [sflag:$0x8] =	stream.indirect_vreg.gather [hbm4b:s2+s3], $0x80, v3, vm0, $0xb8;
	[tilespmem:$0x18200] =	vst v63  }
0x19a: {  	s28 =	simm.s32 $0x17200  }
0x19b: {  	[tilespmem:s28], [sflag:$0x8] =	stream.indirect_vreg.gather [hbm4b:s5+s3], $0x80, v3, vm0, $0xb8;
	[tilespmem:$0x18200] =	vst v63  }
0x19c: {  	s31 =	simm.s32 $0x17A00  }
0x19d: {  	[tilespmem:s31], [sflag:$0x8] =	stream.indirect_vreg.gather [hbm4b:s6+s3], $0x80, v3, vm0, $0xb8;
	[tilespmem:$0x18200] =	vst v63  }
0x19e: {  	_ =	swait.ge [sflag:s16], $0x3000  }
0x19f: {  	s10 =	simm.s32 $0x9;
	[sflag:s16] =	ssyncset.done $0x0  }
0x1a0: {  	s14 =	simm.s32 $0x3200;
	s4 =	rddreg [dreg:$0xd];
	[sflag:s16] =	ssyncadd.s32 $0xFFFFD000  }
0x1a1: {  	[hbm4b:s4+s3] =	stream.linear.scatter [tilespmem:s14], [sflag:$0xA], $0x3000, $0x38;
	[tilespmem:$0x18200] =	vst v63  }
0x1a2: {  	_ =	swait.ge [sflag:s10], $0x3000  }
0x1a3: {  	[sflag:s10] =	ssyncset.done $0x0  }
0x1a4: {  	[sflag:s10] =	ssyncadd.s32 $0xFFFFD000  }
0x1a5: {  	v3 =	vld [tilespmem:$0x100];
	_ =	sdelay $0x4  }
0x1a6: {  	v48 =	vshrl.u32 v3, $0x3  }
0x1a7: {  	v4 =	vmul.u32 $0x30, v48  }
0x1a8: {  	v3 =	vand.u32 $0x7, v3  }
0x1a9: {  	v3 =	vor.u32 v3, v4  }
0x1aa: {  	v4 =	vperm.xlane v3, v0;
	_ =	sdelay $0x1  }
0x1ab: {  	v4 =	vadd.s32 v1, v4;
	_ =	sdelay $0x3  }
0x1ac: {  	v3 =	vperm.xlane v3, v2  }
0x1ad: {  	[tilespmem:s15], [sflag:$0x1] =	stream.indirect_vreg.gather [hbm4b:s2+s3], $0x80, v4, vm0, $0xb8;
	[tilespmem:$0x18200] =	vst v63  }
0x1ae: {  	v3 =	vadd.s32 v1, v3;
	s15 =	simm.s32 $0xA00  }
0x1af: {  	[tilespmem:s15], [sflag:$0x1] =	stream.indirect_vreg.gather [hbm4b:s5+s3], $0x80, v4, vm0, $0xb8;
	[tilespmem:$0x18200] =	vst v63  }
0x1b0: {  	s28 =	simm.s32 $0x1200  }
0x1b1: {  	[tilespmem:s28], [sflag:$0x1] =	stream.indirect_vreg.gather [hbm4b:s6+s3], $0x80, v4, vm0, $0xb8;
	[tilespmem:$0x18200] =	vst v63  }
0x1b2: {  	s0 =	simm.s32 $0x1A00  }
0x1b3: {  	[tilespmem:s0], [sflag:$0x1] =	stream.indirect_vreg.gather [hbm4b:s2+s3], $0x80, v3, vm0, $0xb8;
	[tilespmem:$0x18200] =	vst v63  }
0x1b4: {  	s10 =	simm.s32 $0x2200  }
0x1b5: {  	[tilespmem:s10], [sflag:$0x1] =	stream.indirect_vreg.gather [hbm4b:s5+s3], $0x80, v3, vm0, $0xb8;
	[tilespmem:$0x18200] =	vst v63  }
0x1b6: {  	s15 =	simm.s32 $0x2A00  }
0x1b7: {  	[tilespmem:s15], [sflag:$0x1] =	stream.indirect_vreg.gather [hbm4b:s6+s3], $0x80, v3, vm0, $0xb8;
	[tilespmem:$0x18200] =	vst v63  }
0x1b8: {  	_ =	swait.ge [sflag:s17], $0x3000  }
0x1b9: {  	[sflag:s17] =	ssyncset.done $0x0  }
0x1ba: {  	s15 =	simm.s32 $0x6200;
	s28 =	rddreg [dreg:$0xe];
	[sflag:s17] =	ssyncadd.s32 $0xFFFFD000  }
0x1bb: {  	[hbm4b:s28+s3] =	stream.linear.scatter [tilespmem:s15], [sflag:$0xB], $0x3000, $0x38;
	[tilespmem:$0x18200] =	vst v63  }
0x1bc: {  	_ =	swait.ge [sflag:s18], $0x3000  }
0x1bd: {  	[sflag:s18] =	ssyncset.done $0x0  }
0x1be: {  	[sflag:s18] =	ssyncadd.s32 $0xFFFFD000  }
0x1bf: {  	v3 =	vld [tilespmem:$0x110];
	_ =	sdelay $0x4  }
0x1c0: {  	v49 =	vshrl.u32 v3, $0x3  }
0x1c1: {  	v4 =	vmul.u32 $0x30, v49  }
0x1c2: {  	v3 =	vand.u32 $0x7, v3  }
0x1c3: {  	v3 =	vor.u32 v3, v4  }
0x1c4: {  	v4 =	vperm.xlane v3, v0;
	_ =	sdelay $0x1  }
0x1c5: {  	v4 =	vadd.s32 v1, v4;
	_ =	sdelay $0x3  }
0x1c6: {  	v3 =	vperm.xlane v3, v2  }
0x1c7: {  	[tilespmem:s14], [sflag:$0x2] =	stream.indirect_vreg.gather [hbm4b:s2+s3], $0x80, v4, vm0, $0xb8;
	[tilespmem:$0x18200] =	vst v63  }
0x1c8: {  	s0 =	simm.s32 $0x3A00;
	v3 =	vadd.s32 v1, v3  }
0x1c9: {  	[tilespmem:s0], [sflag:$0x2] =	stream.indirect_vreg.gather [hbm4b:s5+s3], $0x80, v4, vm0, $0xb8;
	[tilespmem:$0x18200] =	vst v63  }
0x1ca: {  	s10 =	simm.s32 $0x4200  }
0x1cb: {  	[tilespmem:s10], [sflag:$0x2] =	stream.indirect_vreg.gather [hbm4b:s6+s3], $0x80, v4, vm0, $0xb8;
	[tilespmem:$0x18200] =	vst v63  }
0x1cc: {  	s14 =	simm.s32 $0x4A00  }
0x1cd: {  	[tilespmem:s14], [sflag:$0x2] =	stream.indirect_vreg.gather [hbm4b:s2+s3], $0x80, v3, vm0, $0xb8;
	[tilespmem:$0x18200] =	vst v63  }
0x1ce: {  	s28 =	simm.s32 $0x5200  }
0x1cf: {  	[tilespmem:s28], [sflag:$0x2] =	stream.indirect_vreg.gather [hbm4b:s5+s3], $0x80, v3, vm0, $0xb8;
	[tilespmem:$0x18200] =	vst v63  }
0x1d0: {  	s0 =	simm.s32 $0x5A00  }
0x1d1: {  	[tilespmem:s0], [sflag:$0x2] =	stream.indirect_vreg.gather [hbm4b:s6+s3], $0x80, v3, vm0, $0xb8;
	[tilespmem:$0x18200] =	vst v63  }
0x1d2: {  	_ =	swait.ge [sflag:s19], $0x3000  }
0x1d3: {  	[sflag:s19] =	ssyncset.done $0x0  }
0x1d4: {  	s14 =	simm.s32 $0x9200;
	s4 =	rddreg [dreg:$0xf];
	[sflag:s19] =	ssyncadd.s32 $0xFFFFD000  }
0x1d5: {  	[hbm4b:s4+s3] =	stream.linear.scatter [tilespmem:s14], [sflag:$0xC], $0x3000, $0x38;
	[tilespmem:$0x18200] =	vst v63  }
0x1d6: {  	_ =	swait.ge [sflag:s20], $0x3000  }
0x1d7: {  	[sflag:s20] =	ssyncset.done $0x0  }
0x1d8: {  	[sflag:s20] =	ssyncadd.s32 $0xFFFFD000  }
0x1d9: {  	v3 =	vld [tilespmem:$0x120];
	_ =	sdelay $0x4  }
0x1da: {  	v50 =	vshrl.u32 v3, $0x3  }
0x1db: {  	v4 =	vmul.u32 $0x30, v50  }
0x1dc: {  	v3 =	vand.u32 $0x7, v3  }
0x1dd: {  	v3 =	vor.u32 v3, v4  }
0x1de: {  	v4 =	vperm.xlane v3, v0;
	_ =	sdelay $0x1  }
0x1df: {  	v4 =	vadd.s32 v1, v4;
	_ =	sdelay $0x3  }
0x1e0: {  	v3 =	vperm.xlane v3, v2  }
0x1e1: {  	[tilespmem:s15], [sflag:$0x3] =	stream.indirect_vreg.gather [hbm4b:s2+s3], $0x80, v4, vm0, $0xb8;
	[tilespmem:$0x18200] =	vst v63  }
0x1e2: {  	s21 =	simm.s32 $0x6A00;
	v3 =	vadd.s32 v1, v3  }
0x1e3: {  	[tilespmem:s21], [sflag:$0x3] =	stream.indirect_vreg.gather [hbm4b:s5+s3], $0x80, v4, vm0, $0xb8;
	[tilespmem:$0x18200] =	vst v63  }
0x1e4: {  	s15 =	simm.s32 $0x7200  }
0x1e5: {  	[tilespmem:s15], [sflag:$0x3] =	stream.indirect_vreg.gather [hbm4b:s6+s3], $0x80, v4, vm0, $0xb8;
	[tilespmem:$0x18200] =	vst v63  }
0x1e6: {  	s21 =	simm.s32 $0x7A00  }
0x1e7: {  	[tilespmem:s21], [sflag:$0x3] =	stream.indirect_vreg.gather [hbm4b:s2+s3], $0x80, v3, vm0, $0xb8;
	[tilespmem:$0x18200] =	vst v63  }
0x1e8: {  	s28 =	simm.s32 $0x8200  }
0x1e9: {  	[tilespmem:s28], [sflag:$0x3] =	stream.indirect_vreg.gather [hbm4b:s5+s3], $0x80, v3, vm0, $0xb8;
	[tilespmem:$0x18200] =	vst v63  }
0x1ea: {  	s0 =	simm.s32 $0x8A00  }
0x1eb: {  	[tilespmem:s0], [sflag:$0x3] =	stream.indirect_vreg.gather [hbm4b:s6+s3], $0x80, v3, vm0, $0xb8;
	[tilespmem:$0x18200] =	vst v63  }
0x1ec: {  	_ =	swait.ge [sflag:s23], $0x3000  }
0x1ed: {  	[sflag:s23] =	ssyncset.done $0x0  }
0x1ee: {  	s21 =	simm.s32 $0xC200;
	s4 =	rddreg [dreg:$0x10];
	[sflag:s23] =	ssyncadd.s32 $0xFFFFD000  }
0x1ef: {  	[hbm4b:s4+s3] =	stream.linear.scatter [tilespmem:s21], [sflag:$0xD], $0x3000, $0x38;
	[tilespmem:$0x18200] =	vst v63  }
0x1f0: {  	_ =	swait.ge [sflag:s24], $0x3000  }
0x1f1: {  	[sflag:s24] =	ssyncset.done $0x0  }
0x1f2: {  	[sflag:s24] =	ssyncadd.s32 $0xFFFFD000  }
0x1f3: {  	v3 =	vld [tilespmem:$0x130];
	_ =	sdelay $0x4  }
0x1f4: {  	v51 =	vshrl.u32 v3, $0x3  }
0x1f5: {  	v4 =	vmul.u32 $0x30, v51  }
0x1f6: {  	v3 =	vand.u32 $0x7, v3  }
0x1f7: {  	v3 =	vor.u32 v3, v4  }
0x1f8: {  	v4 =	vperm.xlane v3, v0;
	_ =	sdelay $0x1  }
0x1f9: {  	v4 =	vadd.s32 v1, v4;
	_ =	sdelay $0x3  }
0x1fa: {  	v3 =	vperm.xlane v3, v2  }
0x1fb: {  	[tilespmem:s14], [sflag:$0x4] =	stream.indirect_vreg.gather [hbm4b:s2+s3], $0x80, v4, vm0, $0xb8;
	[tilespmem:$0x18200] =	vst v63  }
0x1fc: {  	s15 =	simm.s32 $0x9A00;
	v3 =	vadd.s32 v1, v3  }
0x1fd: {  	[tilespmem:s15], [sflag:$0x4] =	stream.indirect_vreg.gather [hbm4b:s5+s3], $0x80, v4, vm0, $0xb8;
	[tilespmem:$0x18200] =	vst v63  }
0x1fe: {  	s28 =	simm.s32 $0xA200  }
0x1ff: {  	[tilespmem:s28], [sflag:$0x4] =	stream.indirect_vreg.gather [hbm4b:s6+s3], $0x80, v4, vm0, $0xb8;
	[tilespmem:$0x18200] =	vst v63  }
0x200: {  	_ = 	snop  }
0x201: {  	[tilespmem:s22], [sflag:$0x4] =	stream.indirect_vreg.gather [hbm4b:s2+s3], $0x80, v3, vm0, $0xb8;
	[tilespmem:$0x18200] =	vst v63  }
0x202: {  	s4 =	simm.s32 $0xB200  }
0x203: {  	[tilespmem:s4], [sflag:$0x4] =	stream.indirect_vreg.gather [hbm4b:s5+s3], $0x80, v3, vm0, $0xb8;
	[tilespmem:$0x18200] =	vst v63  }
0x204: {  	s14 =	simm.s32 $0xBA00  }
0x205: {  	[tilespmem:s14], [sflag:$0x4] =	stream.indirect_vreg.gather [hbm4b:s6+s3], $0x80, v3, vm0, $0xb8;
	[tilespmem:$0x18200] =	vst v63  }
0x206: {  	_ =	swait.ge [sflag:s25], $0x3000  }
0x207: {  	[sflag:s25] =	ssyncset.done $0x0  }
0x208: {  	s22 =	simm.s32 $0xF200;
	s15 =	rddreg [dreg:$0x11];
	[sflag:s25] =	ssyncadd.s32 $0xFFFFD000  }
0x209: {  	[hbm4b:s15+s3] =	stream.linear.scatter [tilespmem:s22], [sflag:$0xE], $0x3000, $0x38;
	[tilespmem:$0x18200] =	vst v63  }
0x20a: {  	_ =	swait.ge [sflag:s26], $0x3000  }
0x20b: {  	[sflag:s26] =	ssyncset.done $0x0  }
0x20c: {  	[sflag:s26] =	ssyncadd.s32 $0xFFFFD000  }
0x20d: {  	v3 =	vld [tilespmem:$0x140];
	_ =	sdelay $0x4  }
0x20e: {  	v52 =	vshrl.u32 v3, $0x3  }
0x20f: {  	v4 =	vmul.u32 $0x30, v52  }
0x210: {  	v3 =	vand.u32 $0x7, v3  }
0x211: {  	v3 =	vor.u32 v3, v4  }
0x212: {  	v4 =	vperm.xlane v3, v0;
	_ =	sdelay $0x1  }
0x213: {  	v4 =	vadd.s32 v1, v4;
	_ =	sdelay $0x3  }
0x214: {  	v3 =	vperm.xlane v3, v2  }
0x215: {  	[tilespmem:s21], [sflag:$0x5] =	stream.indirect_vreg.gather [hbm4b:s2+s3], $0x80, v4, vm0, $0xb8;
	[tilespmem:$0x18200] =	vst v63  }
0x216: {  	s28 =	simm.s32 $0xCA00;
	v3 =	vadd.s32 v1, v3  }
0x217: {  	[tilespmem:s28], [sflag:$0x5] =	stream.indirect_vreg.gather [hbm4b:s5+s3], $0x80, v4, vm0, $0xb8;
	[tilespmem:$0x18200] =	vst v63  }
0x218: {  	s0 =	simm.s32 $0xD200  }
0x219: {  	[tilespmem:s0], [sflag:$0x5] =	stream.indirect_vreg.gather [hbm4b:s6+s3], $0x80, v4, vm0, $0xb8;
	[tilespmem:$0x18200] =	vst v63  }
0x21a: {  	s10 =	simm.s32 $0xDA00  }
0x21b: {  	[tilespmem:s10], [sflag:$0x5] =	stream.indirect_vreg.gather [hbm4b:s2+s3], $0x80, v3, vm0, $0xb8;
	[tilespmem:$0x18200] =	vst v63  }
0x21c: {  	_ = 	snop  }
0x21d: {  	[tilespmem:s9], [sflag:$0x5] =	stream.indirect_vreg.gather [hbm4b:s5+s3], $0x80, v3, vm0, $0xb8;
	[tilespmem:$0x18200] =	vst v63  }
0x21e: {  	s21 =	simm.s32 $0xEA00  }
0x21f: {  	[tilespmem:s21], [sflag:$0x5] =	stream.indirect_vreg.gather [hbm4b:s6+s3], $0x80, v3, vm0, $0xb8;
	[tilespmem:$0x18200] =	vst v63  }
0x220: {  	_ =	swait.ge [sflag:s29], $0x3000  }
0x221: {  	[sflag:s29] =	ssyncset.done $0x0  }
0x222: {  	s15 =	simm.s32 $0x12200;
	s14 =	rddreg [dreg:$0x12];
	[sflag:s29] =	ssyncadd.s32 $0xFFFFD000  }
0x223: {  	[hbm4b:s14+s3] =	stream.linear.scatter [tilespmem:s15], [sflag:$0xF], $0x3000, $0x38;
	[tilespmem:$0x18200] =	vst v63  }
0x224: {  	_ =	swait.ge [sflag:s12], $0x3000  }
0x225: {  	[sflag:s12] =	ssyncset.done $0x0  }
0x226: {  	[sflag:s12] =	ssyncadd.s32 $0xFFFFD000  }
0x227: {  	v3 =	vld [tilespmem:$0x150];
	_ =	sdelay $0x4  }
0x228: {  	v53 =	vshrl.u32 v3, $0x3  }
0x229: {  	v4 =	vmul.u32 $0x30, v53  }
0x22a: {  	v3 =	vand.u32 $0x7, v3  }
0x22b: {  	v3 =	vor.u32 v3, v4  }
0x22c: {  	v4 =	vperm.xlane v3, v0;
	_ =	sdelay $0x1  }
0x22d: {  	v4 =	vadd.s32 v1, v4;
	_ =	sdelay $0x3  }
0x22e: {  	v3 =	vperm.xlane v3, v2  }
0x22f: {  	[tilespmem:s22], [sflag:$0x6] =	stream.indirect_vreg.gather [hbm4b:s2+s3], $0x80, v4, vm0, $0xb8;
	[tilespmem:$0x18200] =	vst v63  }
0x230: {  	v3 =	vadd.s32 v1, v3  }
0x231: {  	[tilespmem:s11], [sflag:$0x6] =	stream.indirect_vreg.gather [hbm4b:s5+s3], $0x80, v4, vm0, $0xb8;
	[tilespmem:$0x18200] =	vst v63  }
0x232: {  	s28 =	simm.s32 $0x10200  }
0x233: {  	[tilespmem:s28], [sflag:$0x6] =	stream.indirect_vreg.gather [hbm4b:s6+s3], $0x80, v4, vm0, $0xb8;
	[tilespmem:$0x18200] =	vst v63  }
0x234: {  	_ = 	snop  }
0x235: {  	[tilespmem:s30], [sflag:$0x6] =	stream.indirect_vreg.gather [hbm4b:s2+s3], $0x80, v3, vm0, $0xb8;
	[tilespmem:$0x18200] =	vst v63  }
0x236: {  	s0 =	simm.s32 $0x11200  }
0x237: {  	[tilespmem:s0], [sflag:$0x6] =	stream.indirect_vreg.gather [hbm4b:s5+s3], $0x80, v3, vm0, $0xb8;
	[tilespmem:$0x18200] =	vst v63  }
0x238: {  	s9 =	simm.s32 $0x11A00  }
0x239: {  	[tilespmem:s9], [sflag:$0x6] =	stream.indirect_vreg.gather [hbm4b:s6+s3], $0x80, v3, vm0, $0xb8;
	[tilespmem:$0x18200] =	vst v63  }
0x23a: {  	_ =	swait.ge [sflag:s1], $0x3000  }
0x23b: {  	[sflag:s1] =	ssyncset.done $0x0  }
0x23c: {  	s14 =	simm.s32 $0x15200;
	s11 =	rddreg [dreg:$0x13];
	[sflag:s1] =	ssyncadd.s32 $0xFFFFD000  }
0x23d: {  	[hbm4b:s11+s3] =	stream.linear.scatter [tilespmem:s14], [sflag:$0x10], $0x3000, $0x38;
	[tilespmem:$0x18200] =	vst v63  }
0x23e: {  	_ =	swait.ge [sflag:s8], $0x3000  }
0x23f: {  	[sflag:s8] =	ssyncset.done $0x0  }
0x240: {  	[sflag:s8] =	ssyncadd.s32 $0xFFFFD000  }
0x241: {  	v3 =	vld [tilespmem:$0x160];
	_ =	sdelay $0x4  }
0x242: {  	v54 =	vshrl.u32 v3, $0x3  }
0x243: {  	v4 =	vmul.u32 $0x30, v54  }
0x244: {  	v3 =	vand.u32 $0x7, v3  }
0x245: {  	v3 =	vor.u32 v3, v4  }
0x246: {  	v4 =	vperm.xlane v3, v0;
	_ =	sdelay $0x1  }
0x247: {  	v4 =	vadd.s32 v1, v4;
	_ =	sdelay $0x3  }
0x248: {  	v3 =	vperm.xlane v3, v2  }
0x249: {  	[tilespmem:s15], [sflag:$0x7] =	stream.indirect_vreg.gather [hbm4b:s2+s3], $0x80, v4, vm0, $0xb8;
	[tilespmem:$0x18200] =	vst v63  }
0x24a: {  	s22 =	simm.s32 $0x12A00;
	v3 =	vadd.s32 v1, v3  }
0x24b: {  	[tilespmem:s22], [sflag:$0x7] =	stream.indirect_vreg.gather [hbm4b:s5+s3], $0x80, v4, vm0, $0xb8;
	[tilespmem:$0x18200] =	vst v63  }
0x24c: {  	s28 =	simm.s32 $0x13200  }
0x24d: {  	[tilespmem:s28], [sflag:$0x7] =	stream.indirect_vreg.gather [hbm4b:s6+s3], $0x80, v4, vm0, $0xb8;
	[tilespmem:$0x18200] =	vst v63  }
0x24e: {  	s30 =	simm.s32 $0x13A00  }
0x24f: {  	[tilespmem:s30], [sflag:$0x7] =	stream.indirect_vreg.gather [hbm4b:s2+s3], $0x80, v3, vm0, $0xb8;
	[tilespmem:$0x18200] =	vst v63  }
0x250: {  	s0 =	simm.s32 $0x14200  }
0x251: {  	[tilespmem:s0], [sflag:$0x7] =	stream.indirect_vreg.gather [hbm4b:s5+s3], $0x80, v3, vm0, $0xb8;
	[tilespmem:$0x18200] =	vst v63  }
0x252: {  	s4 =	simm.s32 $0x14A00  }
0x253: {  	[tilespmem:s4], [sflag:$0x7] =	stream.indirect_vreg.gather [hbm4b:s6+s3], $0x80, v3, vm0, $0xb8;
	[tilespmem:$0x18200] =	vst v63  }
0x254: {  	_ =	swait.ge [sflag:s13], $0x3000  }
0x255: {  	[sflag:s13] =	ssyncset.done $0x0  }
0x256: {  	s30 =	simm.s32 $0x200;
	s9 =	rddreg [dreg:$0x14];
	[sflag:s13] =	ssyncadd.s32 $0xFFFFD000  }
0x257: {  	[hbm4b:s9+s3] =	stream.linear.scatter [tilespmem:s30], [sflag:$0x9], $0x3000, $0x38;
	[tilespmem:$0x18200] =	vst v63  }
0x258: {  	_ =	swait.ge [sflag:s7], $0x3000  }
0x259: {  	[sflag:s7] =	ssyncset.done $0x0  }
0x25a: {  	[sflag:s7] =	ssyncadd.s32 $0xFFFFD000  }
0x25b: {  	v3 =	vld [tilespmem:$0x170];
	_ =	sdelay $0x4  }
0x25c: {  	v55 =	vshrl.u32 v3, $0x3  }
0x25d: {  	v4 =	vmul.u32 $0x30, v55  }
0x25e: {  	v3 =	vand.u32 $0x7, v3  }
0x25f: {  	v3 =	vor.u32 v3, v4  }
0x260: {  	v4 =	vperm.xlane v3, v0;
	_ =	sdelay $0x1  }
0x261: {  	v4 =	vadd.s32 v1, v4;
	_ =	sdelay $0x3  }
0x262: {  	v3 =	vperm.xlane v3, v2  }
0x263: {  	[tilespmem:s14], [sflag:$0x8] =	stream.indirect_vreg.gather [hbm4b:s2+s3], $0x80, v4, vm0, $0xb8;
	[tilespmem:$0x18200] =	vst v63  }
0x264: {  	s9 =	simm.s32 $0x15A00;
	v3 =	vadd.s32 v1, v3  }
0x265: {  	[tilespmem:s9], [sflag:$0x8] =	stream.indirect_vreg.gather [hbm4b:s5+s3], $0x80, v4, vm0, $0xb8;
	[tilespmem:$0x18200] =	vst v63  }
0x266: {  	s10 =	simm.s32 $0x16200  }
0x267: {  	[tilespmem:s10], [sflag:$0x8] =	stream.indirect_vreg.gather [hbm4b:s6+s3], $0x80, v4, vm0, $0xb8;
	[tilespmem:$0x18200] =	vst v63  }
0x268: {  	s22 =	simm.s32 $0x16A00  }
0x269: {  	[tilespmem:s22], [sflag:$0x8] =	stream.indirect_vreg.gather [hbm4b:s2+s3], $0x80, v3, vm0, $0xb8;
	[tilespmem:$0x18200] =	vst v63  }
0x26a: {  	s11 =	simm.s32 $0x17200  }
0x26b: {  	[tilespmem:s11], [sflag:$0x8] =	stream.indirect_vreg.gather [hbm4b:s5+s3], $0x80, v3, vm0, $0xb8;
	[tilespmem:$0x18200] =	vst v63  }
0x26c: {  	s28 =	simm.s32 $0x17A00  }
0x26d: {  	[tilespmem:s28], [sflag:$0x8] =	stream.indirect_vreg.gather [hbm4b:s6+s3], $0x80, v3, vm0, $0xb8;
	[tilespmem:$0x18200] =	vst v63  }
0x26e: {  	_ =	swait.ge [sflag:s16], $0x3000  }
0x26f: {  	s31 =	simm.s32 $0x9;
	[sflag:s16] =	ssyncset.done $0x0  }
0x270: {  	s28 =	simm.s32 $0x3200;
	s4 =	rddreg [dreg:$0x15];
	[sflag:s16] =	ssyncadd.s32 $0xFFFFD000  }
0x271: {  	[hbm4b:s4+s3] =	stream.linear.scatter [tilespmem:s28], [sflag:$0xA], $0x3000, $0x38;
	[tilespmem:$0x18200] =	vst v63  }
0x272: {  	_ =	swait.ge [sflag:s31], $0x3000  }
0x273: {  	[sflag:s31] =	ssyncset.done $0x0  }
0x274: {  	[sflag:s31] =	ssyncadd.s32 $0xFFFFD000  }
0x275: {  	v3 =	vld [tilespmem:$0x180];
	_ =	sdelay $0x4  }
0x276: {  	v56 =	vshrl.u32 v3, $0x3  }
0x277: {  	v4 =	vmul.u32 $0x30, v56  }
0x278: {  	v3 =	vand.u32 $0x7, v3  }
0x279: {  	v3 =	vor.u32 v3, v4  }
0x27a: {  	v4 =	vperm.xlane v3, v0;
	_ =	sdelay $0x1  }
0x27b: {  	v4 =	vadd.s32 v1, v4;
	_ =	sdelay $0x3  }
0x27c: {  	v3 =	vperm.xlane v3, v2  }
0x27d: {  	[tilespmem:s30], [sflag:$0x1] =	stream.indirect_vreg.gather [hbm4b:s2+s3], $0x80, v4, vm0, $0xb8;
	[tilespmem:$0x18200] =	vst v63  }
0x27e: {  	s10 =	simm.s32 $0xA00;
	v3 =	vadd.s32 v1, v3  }
0x27f: {  	[tilespmem:s10], [sflag:$0x1] =	stream.indirect_vreg.gather [hbm4b:s5+s3], $0x80, v4, vm0, $0xb8;
	[tilespmem:$0x18200] =	vst v63  }
0x280: {  	s11 =	simm.s32 $0x1200  }
0x281: {  	[tilespmem:s11], [sflag:$0x1] =	stream.indirect_vreg.gather [hbm4b:s6+s3], $0x80, v4, vm0, $0xb8;
	[tilespmem:$0x18200] =	vst v63  }
0x282: {  	s4 =	simm.s32 $0x1A00  }
0x283: {  	[tilespmem:s4], [sflag:$0x1] =	stream.indirect_vreg.gather [hbm4b:s2+s3], $0x80, v3, vm0, $0xb8;
	[tilespmem:$0x18200] =	vst v63  }
0x284: {  	s10 =	simm.s32 $0x2200  }
0x285: {  	[tilespmem:s10], [sflag:$0x1] =	stream.indirect_vreg.gather [hbm4b:s5+s3], $0x80, v3, vm0, $0xb8;
	[tilespmem:$0x18200] =	vst v63  }
0x286: {  	s11 =	simm.s32 $0x2A00  }
0x287: {  	[tilespmem:s11], [sflag:$0x1] =	stream.indirect_vreg.gather [hbm4b:s6+s3], $0x80, v3, vm0, $0xb8;
	[tilespmem:$0x18200] =	vst v63  }
0x288: {  	_ =	swait.ge [sflag:s17], $0x3000  }
0x289: {  	[sflag:s17] =	ssyncset.done $0x0  }
0x28a: {  	s0 =	simm.s32 $0x6200;
	s4 =	rddreg [dreg:$0x16];
	[sflag:s17] =	ssyncadd.s32 $0xFFFFD000  }
0x28b: {  	[hbm4b:s4+s3] =	stream.linear.scatter [tilespmem:s0], [sflag:$0xB], $0x3000, $0x38;
	[tilespmem:$0x18200] =	vst v63  }
0x28c: {  	_ =	swait.ge [sflag:s18], $0x3000  }
0x28d: {  	[sflag:s18] =	ssyncset.done $0x0  }
0x28e: {  	[sflag:s18] =	ssyncadd.s32 $0xFFFFD000  }
0x28f: {  	v3 =	vld [tilespmem:$0x190];
	_ =	sdelay $0x4  }
0x290: {  	v57 =	vshrl.u32 v3, $0x3  }
0x291: {  	v4 =	vmul.u32 $0x30, v57  }
0x292: {  	v3 =	vand.u32 $0x7, v3  }
0x293: {  	v3 =	vor.u32 v3, v4  }
0x294: {  	v4 =	vperm.xlane v3, v0;
	_ =	sdelay $0x1  }
0x295: {  	v4 =	vadd.s32 v1, v4;
	_ =	sdelay $0x3  }
0x296: {  	v3 =	vperm.xlane v3, v2  }
0x297: {  	[tilespmem:s28], [sflag:$0x2] =	stream.indirect_vreg.gather [hbm4b:s2+s3], $0x80, v4, vm0, $0xb8;
	[tilespmem:$0x18200] =	vst v63  }
0x298: {  	s11 =	simm.s32 $0x3A00;
	v3 =	vadd.s32 v1, v3  }
0x299: {  	[tilespmem:s11], [sflag:$0x2] =	stream.indirect_vreg.gather [hbm4b:s5+s3], $0x80, v4, vm0, $0xb8;
	[tilespmem:$0x18200] =	vst v63  }
0x29a: {  	s28 =	simm.s32 $0x4200  }
0x29b: {  	[tilespmem:s28], [sflag:$0x2] =	stream.indirect_vreg.gather [hbm4b:s6+s3], $0x80, v4, vm0, $0xb8;
	[tilespmem:$0x18200] =	vst v63  }
0x29c: {  	s10 =	simm.s32 $0x4A00  }
0x29d: {  	[tilespmem:s10], [sflag:$0x2] =	stream.indirect_vreg.gather [hbm4b:s2+s3], $0x80, v3, vm0, $0xb8;
	[tilespmem:$0x18200] =	vst v63  }
0x29e: {  	s11 =	simm.s32 $0x5200  }
0x29f: {  	[tilespmem:s11], [sflag:$0x2] =	stream.indirect_vreg.gather [hbm4b:s5+s3], $0x80, v3, vm0, $0xb8;
	[tilespmem:$0x18200] =	vst v63  }
0x2a0: {  	s28 =	simm.s32 $0x5A00  }
0x2a1: {  	[tilespmem:s28], [sflag:$0x2] =	stream.indirect_vreg.gather [hbm4b:s6+s3], $0x80, v3, vm0, $0xb8;
	[tilespmem:$0x18200] =	vst v63  }
0x2a2: {  	_ =	swait.ge [sflag:s19], $0x3000  }
0x2a3: {  	[sflag:s19] =	ssyncset.done $0x0  }
0x2a4: {  	s11 =	simm.s32 $0x9200;
	s4 =	rddreg [dreg:$0x17];
	[sflag:s19] =	ssyncadd.s32 $0xFFFFD000  }
0x2a5: {  	[hbm4b:s4+s3] =	stream.linear.scatter [tilespmem:s11], [sflag:$0xC], $0x3000, $0x38;
	[tilespmem:$0x18200] =	vst v63  }
0x2a6: {  	_ =	swait.ge [sflag:s20], $0x3000  }
0x2a7: {  	[sflag:s20] =	ssyncset.done $0x0  }
0x2a8: {  	[sflag:s20] =	ssyncadd.s32 $0xFFFFD000  }
0x2a9: {  	v3 =	vld [tilespmem:$0x1A0];
	_ =	sdelay $0x4  }
0x2aa: {  	v58 =	vshrl.u32 v3, $0x3  }
0x2ab: {  	v4 =	vmul.u32 $0x30, v58  }
0x2ac: {  	v3 =	vand.u32 $0x7, v3  }
0x2ad: {  	v3 =	vor.u32 v3, v4  }
0x2ae: {  	v4 =	vperm.xlane v3, v0;
	_ =	sdelay $0x1  }
0x2af: {  	v4 =	vadd.s32 v1, v4;
	_ =	sdelay $0x3  }
0x2b0: {  	v3 =	vperm.xlane v3, v2  }
0x2b1: {  	[tilespmem:s0], [sflag:$0x3] =	stream.indirect_vreg.gather [hbm4b:s2+s3], $0x80, v4, vm0, $0xb8;
	[tilespmem:$0x18200] =	vst v63  }
0x2b2: {  	s10 =	simm.s32 $0x6A00;
	v3 =	vadd.s32 v1, v3  }
0x2b3: {  	[tilespmem:s10], [sflag:$0x3] =	stream.indirect_vreg.gather [hbm4b:s5+s3], $0x80, v4, vm0, $0xb8;
	[tilespmem:$0x18200] =	vst v63  }
0x2b4: {  	s4 =	simm.s32 $0x7200  }
0x2b5: {  	[tilespmem:s4], [sflag:$0x3] =	stream.indirect_vreg.gather [hbm4b:s6+s3], $0x80, v4, vm0, $0xb8;
	[tilespmem:$0x18200] =	vst v63  }
0x2b6: {  	s10 =	simm.s32 $0x7A00  }
0x2b7: {  	[tilespmem:s10], [sflag:$0x3] =	stream.indirect_vreg.gather [hbm4b:s2+s3], $0x80, v3, vm0, $0xb8;
	[tilespmem:$0x18200] =	vst v63  }
0x2b8: {  	s4 =	simm.s32 $0x8200  }
0x2b9: {  	[tilespmem:s4], [sflag:$0x3] =	stream.indirect_vreg.gather [hbm4b:s5+s3], $0x80, v3, vm0, $0xb8;
	[tilespmem:$0x18200] =	vst v63  }
0x2ba: {  	s10 =	simm.s32 $0x8A00  }
0x2bb: {  	[tilespmem:s10], [sflag:$0x3] =	stream.indirect_vreg.gather [hbm4b:s6+s3], $0x80, v3, vm0, $0xb8;
	[tilespmem:$0x18200] =	vst v63  }
0x2bc: {  	_ =	swait.ge [sflag:s23], $0x3000  }
0x2bd: {  	[sflag:s23] =	ssyncset.done $0x0  }
0x2be: {  	s4 =	simm.s32 $0xC200;
	s0 =	rddreg [dreg:$0x18];
	[sflag:s23] =	ssyncadd.s32 $0xFFFFD000  }
0x2bf: {  	[hbm4b:s0+s3] =	stream.linear.scatter [tilespmem:s4], [sflag:$0xD], $0x3000, $0x38;
	[tilespmem:$0x18200] =	vst v63  }
0x2c0: {  	_ =	swait.ge [sflag:s24], $0x3000  }
0x2c1: {  	[sflag:s24] =	ssyncset.done $0x0  }
0x2c2: {  	[sflag:s24] =	ssyncadd.s32 $0xFFFFD000  }
0x2c3: {  	v3 =	vld [tilespmem:$0x1B0];
	_ =	sdelay $0x4  }
0x2c4: {  	v59 =	vshrl.u32 v3, $0x3  }
0x2c5: {  	v4 =	vmul.u32 $0x30, v59  }
0x2c6: {  	v3 =	vand.u32 $0x7, v3  }
0x2c7: {  	v3 =	vor.u32 v3, v4  }
0x2c8: {  	v4 =	vperm.xlane v3, v0;
	_ =	sdelay $0x1  }
0x2c9: {  	v4 =	vadd.s32 v1, v4;
	_ =	sdelay $0x3  }
0x2ca: {  	v3 =	vperm.xlane v3, v2  }
0x2cb: {  	[tilespmem:s11], [sflag:$0x4] =	stream.indirect_vreg.gather [hbm4b:s2+s3], $0x80, v4, vm0, $0xb8;
	[tilespmem:$0x18200] =	vst v63  }
0x2cc: {  	s10 =	simm.s32 $0x9A00;
	v3 =	vadd.s32 v1, v3  }
0x2cd: {  	[tilespmem:s10], [sflag:$0x4] =	stream.indirect_vreg.gather [hbm4b:s5+s3], $0x80, v4, vm0, $0xb8;
	[tilespmem:$0x18200] =	vst v63  }
0x2ce: {  	s10 =	simm.s32 $0xA200  }
0x2cf: {  	[tilespmem:s10], [sflag:$0x4] =	stream.indirect_vreg.gather [hbm4b:s6+s3], $0x80, v4, vm0, $0xb8;
	[tilespmem:$0x18200] =	vst v63  }
0x2d0: {  	s10 =	simm.s32 $0xAA00  }
0x2d1: {  	[tilespmem:s10], [sflag:$0x4] =	stream.indirect_vreg.gather [hbm4b:s2+s3], $0x80, v3, vm0, $0xb8;
	[tilespmem:$0x18200] =	vst v63  }
0x2d2: {  	s10 =	simm.s32 $0xB200  }
0x2d3: {  	[tilespmem:s10], [sflag:$0x4] =	stream.indirect_vreg.gather [hbm4b:s5+s3], $0x80, v3, vm0, $0xb8;
	[tilespmem:$0x18200] =	vst v63  }
0x2d4: {  	s10 =	simm.s32 $0xBA00  }
0x2d5: {  	[tilespmem:s10], [sflag:$0x4] =	stream.indirect_vreg.gather [hbm4b:s6+s3], $0x80, v3, vm0, $0xb8;
	[tilespmem:$0x18200] =	vst v63  }
0x2d6: {  	_ =	swait.ge [sflag:s25], $0x3000  }
0x2d7: {  	[sflag:s25] =	ssyncset.done $0x0  }
0x2d8: {  	s0 =	simm.s32 $0xF200;
	s10 =	rddreg [dreg:$0x19];
	[sflag:s25] =	ssyncadd.s32 $0xFFFFD000  }
0x2d9: {  	[hbm4b:s10+s3] =	stream.linear.scatter [tilespmem:s0], [sflag:$0xE], $0x3000, $0x38;
	[tilespmem:$0x18200] =	vst v63  }
0x2da: {  	_ =	swait.ge [sflag:s26], $0x3000  }
0x2db: {  	[sflag:s26] =	ssyncset.done $0x0  }
0x2dc: {  	[sflag:s26] =	ssyncadd.s32 $0xFFFFD000  }
0x2dd: {  	v3 =	vld [tilespmem:$0x1C0];
	_ =	sdelay $0x4  }
0x2de: {  	v60 =	vshrl.u32 v3, $0x3  }
0x2df: {  	v4 =	vmul.u32 $0x30, v60  }
0x2e0: {  	v3 =	vand.u32 $0x7, v3  }
0x2e1: {  	v3 =	vor.u32 v3, v4  }
0x2e2: {  	v4 =	vperm.xlane v3, v0;
	_ =	sdelay $0x1  }
0x2e3: {  	v4 =	vadd.s32 v1, v4;
	_ =	sdelay $0x3  }
0x2e4: {  	v3 =	vperm.xlane v3, v2  }
0x2e5: {  	[tilespmem:s4], [sflag:$0x5] =	stream.indirect_vreg.gather [hbm4b:s2+s3], $0x80, v4, vm0, $0xb8;
	[tilespmem:$0x18200] =	vst v63  }
0x2e6: {  	s10 =	simm.s32 $0xCA00;
	v3 =	vadd.s32 v1, v3  }
0x2e7: {  	[tilespmem:s10], [sflag:$0x5] =	stream.indirect_vreg.gather [hbm4b:s5+s3], $0x80, v4, vm0, $0xb8;
	[tilespmem:$0x18200] =	vst v63  }
0x2e8: {  	s10 =	simm.s32 $0xD200  }
0x2e9: {  	[tilespmem:s10], [sflag:$0x5] =	stream.indirect_vreg.gather [hbm4b:s6+s3], $0x80, v4, vm0, $0xb8;
	[tilespmem:$0x18200] =	vst v63  }
0x2ea: {  	s10 =	simm.s32 $0xDA00  }
0x2eb: {  	[tilespmem:s10], [sflag:$0x5] =	stream.indirect_vreg.gather [hbm4b:s2+s3], $0x80, v3, vm0, $0xb8;
	[tilespmem:$0x18200] =	vst v63  }
0x2ec: {  	s10 =	simm.s32 $0xE200  }
0x2ed: {  	[tilespmem:s10], [sflag:$0x5] =	stream.indirect_vreg.gather [hbm4b:s5+s3], $0x80, v3, vm0, $0xb8;
	[tilespmem:$0x18200] =	vst v63  }
0x2ee: {  	_ = 	snop  }
0x2ef: {  	[tilespmem:s21], [sflag:$0x5] =	stream.indirect_vreg.gather [hbm4b:s6+s3], $0x80, v3, vm0, $0xb8;
	[tilespmem:$0x18200] =	vst v63  }
0x2f0: {  	_ =	swait.ge [sflag:s29], $0x3000  }
0x2f1: {  	[sflag:s29] =	ssyncset.done $0x0  }
0x2f2: {  	s15 =	simm.s32 $0x12200;
	s21 =	rddreg [dreg:$0x1a];
	[sflag:s29] =	ssyncadd.s32 $0xFFFFD000  }
0x2f3: {  	[hbm4b:s21+s3] =	stream.linear.scatter [tilespmem:s15], [sflag:$0xF], $0x3000, $0x38;
	[tilespmem:$0x18200] =	vst v63  }
0x2f4: {  	_ =	swait.ge [sflag:s12], $0x3000  }
0x2f5: {  	[sflag:s12] =	ssyncset.done $0x0  }
0x2f6: {  	[sflag:s12] =	ssyncadd.s32 $0xFFFFD000  }
0x2f7: {  	v3 =	vld [tilespmem:$0x1D0];
	_ =	sdelay $0x4  }
0x2f8: {  	v61 =	vshrl.u32 v3, $0x3  }
0x2f9: {  	v4 =	vmul.u32 $0x30, v61  }
0x2fa: {  	v3 =	vand.u32 $0x7, v3  }
0x2fb: {  	v3 =	vor.u32 v3, v4  }
0x2fc: {  	v4 =	vperm.xlane v3, v0;
	_ =	sdelay $0x1  }
0x2fd: {  	v4 =	vadd.s32 v1, v4;
	_ =	sdelay $0x3  }
0x2fe: {  	v3 =	vperm.xlane v3, v2  }
0x2ff: {  	[tilespmem:s0], [sflag:$0x6] =	stream.indirect_vreg.gather [hbm4b:s2+s3], $0x80, v4, vm0, $0xb8;
	[tilespmem:$0x18200] =	vst v63  }
0x300: {  	s10 =	simm.s32 $0xFA00;
	v3 =	vadd.s32 v1, v3  }
0x301: {  	[tilespmem:s10], [sflag:$0x6] =	stream.indirect_vreg.gather [hbm4b:s5+s3], $0x80, v4, vm0, $0xb8;
	[tilespmem:$0x18200] =	vst v63  }
0x302: {  	s10 =	simm.s32 $0x10200  }
0x303: {  	[tilespmem:s10], [sflag:$0x6] =	stream.indirect_vreg.gather [hbm4b:s6+s3], $0x80, v4, vm0, $0xb8;
	[tilespmem:$0x18200] =	vst v63  }
0x304: {  	s10 =	simm.s32 $0x10A00  }
0x305: {  	[tilespmem:s10], [sflag:$0x6] =	stream.indirect_vreg.gather [hbm4b:s2+s3], $0x80, v3, vm0, $0xb8;
	[tilespmem:$0x18200] =	vst v63  }
0x306: {  	s10 =	simm.s32 $0x11200  }
0x307: {  	[tilespmem:s10], [sflag:$0x6] =	stream.indirect_vreg.gather [hbm4b:s5+s3], $0x80, v3, vm0, $0xb8;
	[tilespmem:$0x18200] =	vst v63  }
0x308: {  	s10 =	simm.s32 $0x11A00  }
0x309: {  	[tilespmem:s10], [sflag:$0x6] =	stream.indirect_vreg.gather [hbm4b:s6+s3], $0x80, v3, vm0, $0xb8;
	[tilespmem:$0x18200] =	vst v63  }
0x30a: {  	_ =	swait.ge [sflag:s1], $0x3000  }
0x30b: {  	[sflag:s1] =	ssyncset.done $0x0  }
0x30c: {  	s14 =	simm.s32 $0x15200;
	s0 =	rddreg [dreg:$0x1b];
	[sflag:s1] =	ssyncadd.s32 $0xFFFFD000  }
0x30d: {  	[hbm4b:s0+s3] =	stream.linear.scatter [tilespmem:s14], [sflag:$0x10], $0x3000, $0x38;
	[tilespmem:$0x18200] =	vst v63  }
0x30e: {  	_ =	swait.ge [sflag:s8], $0x3000  }
0x30f: {  	[sflag:s8] =	ssyncset.done $0x0  }
0x310: {  	[sflag:s8] =	ssyncadd.s32 $0xFFFFD000  }
0x311: {  	v3 =	vld [tilespmem:$0x1E0];
	_ =	sdelay $0x4  }
0x312: {  	v62 =	vshrl.u32 v3, $0x3  }
0x313: {  	v4 =	vmul.u32 $0x30, v62  }
0x314: {  	v3 =	vand.u32 $0x7, v3  }
0x315: {  	v3 =	vor.u32 v3, v4  }
0x316: {  	v4 =	vperm.xlane v3, v0;
	_ =	sdelay $0x1  }
0x317: {  	v4 =	vadd.s32 v1, v4;
	_ =	sdelay $0x3  }
0x318: {  	v3 =	vperm.xlane v3, v2  }
0x319: {  	[tilespmem:s15], [sflag:$0x7] =	stream.indirect_vreg.gather [hbm4b:s2+s3], $0x80, v4, vm0, $0xb8;
	[tilespmem:$0x18200] =	vst v63  }
0x31a: {  	s10 =	simm.s32 $0x12A00;
	v3 =	vadd.s32 v1, v3  }
0x31b: {  	[tilespmem:s10], [sflag:$0x7] =	stream.indirect_vreg.gather [hbm4b:s5+s3], $0x80, v4, vm0, $0xb8;
	[tilespmem:$0x18200] =	vst v63  }
0x31c: {  	s10 =	simm.s32 $0x13200  }
0x31d: {  	[tilespmem:s10], [sflag:$0x7] =	stream.indirect_vreg.gather [hbm4b:s6+s3], $0x80, v4, vm0, $0xb8;
	[tilespmem:$0x18200] =	vst v63  }
0x31e: {  	s10 =	simm.s32 $0x13A00  }
0x31f: {  	[tilespmem:s10], [sflag:$0x7] =	stream.indirect_vreg.gather [hbm4b:s2+s3], $0x80, v3, vm0, $0xb8;
	[tilespmem:$0x18200] =	vst v63  }
0x320: {  	s10 =	simm.s32 $0x14200  }
0x321: {  	[tilespmem:s10], [sflag:$0x7] =	stream.indirect_vreg.gather [hbm4b:s5+s3], $0x80, v3, vm0, $0xb8;
	[tilespmem:$0x18200] =	vst v63  }
0x322: {  	s10 =	simm.s32 $0x14A00  }
0x323: {  	[tilespmem:s10], [sflag:$0x7] =	stream.indirect_vreg.gather [hbm4b:s6+s3], $0x80, v3, vm0, $0xb8;
	[tilespmem:$0x18200] =	vst v63  }
0x324: {  	_ =	swait.ge [sflag:s13], $0x3000  }
0x325: {  	[sflag:s13] =	ssyncset.done $0x0  }
0x326: {  	s30 =	simm.s32 $0x200;
	s0 =	rddreg [dreg:$0x1c];
	[sflag:s13] =	ssyncadd.s32 $0xFFFFD000  }
0x327: {  	[hbm4b:s0+s3] =	stream.linear.scatter [tilespmem:s30], [sflag:$0x9], $0x3000, $0x38;
	[tilespmem:$0x18200] =	vst v63  }
0x328: {  	_ =	swait.ge [sflag:s7], $0x3000  }
0x329: {  	[sflag:s7] =	ssyncset.done $0x0  }
0x32a: {  	[sflag:s7] =	ssyncadd.s32 $0xFFFFD000  }
0x32b: {  	v3 =	vld [tilespmem:$0x1F0];
	_ =	sdelay $0x4  }
0x32c: {  	v63 =	vshrl.u32 v3, $0x3  }
0x32d: {  	v4 =	vmul.u32 $0x30, v63  }
0x32e: {  	v3 =	vand.u32 $0x7, v3  }
0x32f: {  	v3 =	vor.u32 v3, v4  }
0x330: {  	v4 =	vperm.xlane v3, v0;
	_ =	sdelay $0x1  }
0x331: {  	v4 =	vadd.s32 v1, v4;
	_ =	sdelay $0x3  }
0x332: {  	v3 =	vperm.xlane v3, v2  }
0x333: {  	[tilespmem:s14], [sflag:$0x8] =	stream.indirect_vreg.gather [hbm4b:s2+s3], $0x80, v4, vm0, $0xb8;
	[tilespmem:$0x18200] =	vst v63  }
0x334: {  	v3 =	vadd.s32 v1, v3  }
0x335: {  	[tilespmem:s9], [sflag:$0x8] =	stream.indirect_vreg.gather [hbm4b:s5+s3], $0x80, v4, vm0, $0xb8;
	[tilespmem:$0x18200] =	vst v63  }
0x336: {  	s30 =	simm.s32 $0x16200  }
0x337: {  	[tilespmem:s30], [sflag:$0x8] =	stream.indirect_vreg.gather [hbm4b:s6+s3], $0x80, v4, vm0, $0xb8;
	[tilespmem:$0x18200] =	vst v63  }
0x338: {  	_ = 	snop  }
0x339: {  	[tilespmem:s22], [sflag:$0x8] =	stream.indirect_vreg.gather [hbm4b:s2+s3], $0x80, v3, vm0, $0xb8;
	[tilespmem:$0x18200] =	vst v63  }
0x33a: {  	s0 =	simm.s32 $0x17200  }
0x33b: {  	[tilespmem:s0], [sflag:$0x8] =	stream.indirect_vreg.gather [hbm4b:s5+s3], $0x80, v3, vm0, $0xb8;
	[tilespmem:$0x18200] =	vst v63  }
0x33c: {  	s10 =	simm.s32 $0x17A00  }
0x33d: {  	[tilespmem:s10], [sflag:$0x8] =	stream.indirect_vreg.gather [hbm4b:s6+s3], $0x80, v3, vm0, $0xb8;
	[tilespmem:$0x18200] =	vst v63  }
0x33e: {  	_ =	swait.ge [sflag:s16], $0x3000  }
0x33f: {  	[sflag:s16] =	ssyncset.done $0x0  }
0x340: {  	s30 =	simm.s32 $0x3200;
	s22 =	rddreg [dreg:$0x1d];
	[sflag:s16] =	ssyncadd.s32 $0xFFFFD000  }
0x341: {  	[hbm4b:s22+s3] =	stream.linear.scatter [tilespmem:s30], [sflag:$0xA], $0x3000, $0x38;
	[tilespmem:$0x18200] =	vst v63  }
0x342: {  	_ =	swait.ge [sflag:s17], $0x3000  }
0x343: {  	[sflag:s17] =	ssyncset.done $0x0  }
0x344: {  	s28 =	simm.s32 $0x6200;
	s0 =	rddreg [dreg:$0x1e];
	[sflag:s17] =	ssyncadd.s32 $0xFFFFD000  }
0x345: {  	[hbm4b:s0+s3] =	stream.linear.scatter [tilespmem:s28], [sflag:$0xB], $0x3000, $0x38;
	[tilespmem:$0x18200] =	vst v63  }
0x346: {  	_ =	swait.ge [sflag:s19], $0x3000  }
0x347: {  	[sflag:s19] =	ssyncset.done $0x0  }
0x348: {  	s11 =	simm.s32 $0x9200;
	s9 =	rddreg [dreg:$0x1f];
	[sflag:s19] =	ssyncadd.s32 $0xFFFFD000  }
0x349: {  	[hbm4b:s9+s3] =	stream.linear.scatter [tilespmem:s11], [sflag:$0xC], $0x3000, $0x38;
	[tilespmem:$0x18200] =	vst v63  }
0x34a: {  	_ =	swait.ge [sflag:s23], $0x3000  }
0x34b: {  	s22 =	sld [smem:$0x7FA]  }
0x34c: {  	[sflag:s23] =	ssyncset.done $0x0  }
0x34d: {  	s4 =	simm.s32 $0xC200;
	[sflag:s23] =	ssyncadd.s32 $0xFFFFD000  }
0x34e: {  	[hbm4b:s22+s3] =	stream.linear.scatter [tilespmem:s4], [sflag:$0xD], $0x3000, $0x38;
	[tilespmem:$0x18200] =	vst v63  }
0x34f: {  	_ =	swait.ge [sflag:s25], $0x3000  }
0x350: {  	s23 =	sld [smem:$0x7FB]  }
0x351: {  	[sflag:s25] =	ssyncset.done $0x0  }
0x352: {  	s21 =	simm.s32 $0xF200;
	[sflag:s25] =	ssyncadd.s32 $0xFFFFD000  }
0x353: {  	[hbm4b:s23+s3] =	stream.linear.scatter [tilespmem:s21], [sflag:$0xE], $0x3000, $0x38;
	[tilespmem:$0x18200] =	vst v63  }
0x354: {  	_ =	swait.ge [sflag:s29], $0x3000  }
0x355: {  	s28 =	sld [smem:$0x7FC]  }
0x356: {  	[sflag:s29] =	ssyncset.done $0x0  }
0x357: {  	[sflag:s29] =	ssyncadd.s32 $0xFFFFD000  }
0x358: {  	[hbm4b:s28+s3] =	stream.linear.scatter [tilespmem:s15], [sflag:$0xF], $0x3000, $0x38;
	[tilespmem:$0x18200] =	vst v63  }
0x359: {  	_ =	swait.ge [sflag:s1], $0x3000  }
0x35a: {  	s30 =	sld [smem:$0x7FD]  }
0x35b: {  	[sflag:s1] =	ssyncset.done $0x0  }
0x35c: {  	[sflag:s1] =	ssyncadd.s32 $0xFFFFD000  }
0x35d: {  	[hbm4b:s30+s3] =	stream.linear.scatter [tilespmem:s14], [sflag:$0x10], $0x3000, $0x38;
	[tilespmem:$0x18200] =	vst v63  }
0x35e: {  	_ =	swait.ge [sflag:s31], $0x3000  }
0x35f: {  	[sflag:s31] =	ssyncset.done $0x0  }
0x360: {  	[sflag:s31] =	ssyncadd.s32 $0xFFFFD000  }
0x361: {  	_ =	swait.ge [sflag:s18], $0x3000  }
0x362: {  	[sflag:s18] =	ssyncset.done $0x0  }
0x363: {  	[sflag:s18] =	ssyncadd.s32 $0xFFFFD000  }
0x364: {  	_ =	swait.ge [sflag:s20], $0x3000  }
0x365: {  	[sflag:s20] =	ssyncset.done $0x0  }
0x366: {  	[sflag:s20] =	ssyncadd.s32 $0xFFFFD000  }
0x367: {  	_ =	swait.ge [sflag:s24], $0x3000  }
0x368: {  	[sflag:s24] =	ssyncset.done $0x0  }
0x369: {  	[sflag:s24] =	ssyncadd.s32 $0xFFFFD000  }
0x36a: {  	_ =	swait.ge [sflag:s26], $0x3000  }
0x36b: {  	[sflag:s26] =	ssyncset.done $0x0  }
0x36c: {  	[sflag:s26] =	ssyncadd.s32 $0xFFFFD000  }
0x36d: {  	_ =	swait.ge [sflag:s12], $0x3000  }
0x36e: {  	s31 =	sld [smem:$0x7F8]  }
0x36f: {  	[sflag:s12] =	ssyncset.done $0x0  }
0x370: {  	[sflag:s12] =	ssyncadd.s32 $0xFFFFD000  }
0x371: {  	_ =	swait.ge [sflag:s8], $0x3000;
	p0 =	sne.s32 s31, $0x1  }
.Ltmp0:
0x372: {  	[sflag:s8] =	ssyncset.done $0x0;
	(pc) =	sbr.rel @p0 .LBB2_1-.Ltmp0, $4  }
0x373: {  	[sflag:s8] =	ssyncadd.s32 $0xFFFFD000  }
0x374: {  	_ =	swait.ge [sflag:s7], $0x3000  }
0x375: {  	[sflag:s7] =	ssyncset.done $0x0  }
0x376: {  	s0 =	sadd.s32 $0xFFFFFFFF, s31;
	[sflag:s7] =	ssyncadd.s32 $0xFFFFD000  }
0x377: {  	_ =	sfence.sel $0x180000  }
0x378: {  	[bflag:$0x0] =	sbarrier.arrive $0xFFFF  }
0x379: {  	_ =	strace $0x90000047  }
0x37a: {  	s0 =	stileid.u32;
	[bflag:$0x2] =	sbarrier.arrive $0xFFFF  }
0x37b: {  	p0 =	sne.s32 s0, $0x0;
	s0 =	rddreg [dreg:$0x3]  }
0x37c: {  	s0 =	sadd.s32 @!p0 $0x100000, s0  }
0x37d: {  	[sflag:s0] =	ssyncadd.tile.s32 @!p0 $0x1;
	_ =	shalt  }
.Lfunc_end2:
_tile_overlayer_lowered:
.L_overlay_start_2:
0x37e: {  	(tag) =	ssettag $0x2  }
0x37f: {  	s0 =	rddreg [dreg:$0x0];
	s2 =	stileid.u32  }
0x380: {  	s1 =	rddreg [dreg:$0x1];
	p0 =	sne.s32 s2, $0x0  }
0x381: {  	s3 =	rddreg [dreg:$0x2];
	[bflag:$0x3] =	sbarrier.arrive $0xFFFF;
	s2 =	simm.s32 @!p0 $0x1C11  }
0x382: {  	[timem:s3], [sflag:s2] =	dma.local @!p0 [hbm:s0], s1  }
0x383: {  	s0 =	simm.s32 @!p0 $0x11  }
0x384: {  	_ =	swait.ge @!p0 [sflag:s0], s1  }
0x385: {  	s1 =	ssub.s32 @!p0 $0x0, s1;
	[sflag:s0] =	ssyncset.done @!p0 $0x0  }
0x386: {  	[sflag:s0] =	ssyncadd.s32 @!p0 s1  }
0x387: {  	[bflag:$0x3] =	sbarrier.arrive $0xFFFF  }
0x388: {  	_ =	shalt  }

</sc_bundles>
